<compile_context>
chip_gen: v7x
topology: tpu7x:2x2x1
jax: 0.10.2.dev20260603
libtpu: 0.0.44.dev20260713+nightly
codegen_flags: <defaults>
</compile_context>

<pallas_src>
import functools

import jax
import jax.numpy as jnp
from jax import lax
from jax.experimental import pallas as pl
from jax.experimental.pallas import tpu as pltpu
from jax.experimental.pallas import tpu_sc as plsc

N = 10000
E = 160000
D = 256
DH = 128
NC = 2
NS = 16
ROWS_PER_TILE = N // NS
EDGES_PER_TILE = E // NS
K = 80
NCHUNK = EDGES_PER_TILE // K
CNT_EPT = E // (NC * NS)

_mesh = plsc.VectorSubcoreMesh(core_axis_name="c", subcore_axis_name="s")


HCR = 80
MT = 5
_CNT_FULL = CNT_EPT // 16 * 16
_CNT_TAIL = CNT_EPT - _CNT_FULL


@functools.partial(
    pl.kernel,
    out_type=jax.ShapeDtypeStruct((NC, HCR, 128), jnp.int32),
    mesh=_mesh,
    scratch_types=[
        pltpu.VMEM((HCR, 128), jnp.int32),
        pltpu.VMEM((CNT_EPT + 16,), jnp.int32),
        pltpu.VMEM((16, 16), jnp.int32),
        pltpu.VMEM((16, 128), jnp.int32),
        pltpu.VMEM((16, 128), jnp.int32),
        pltpu.VMEM_SHARED((NS, HCR, 128), jnp.int32),
    ],
)
def _sc_count(dst_hbm, out_hbm, hist, dbuf, eye, macc, mtmp, shared):
    c = lax.axis_index("c")
    s = lax.axis_index("s")
    zero16 = jnp.zeros((16,), jnp.int32)
    iota16 = lax.iota(jnp.int32, 16)

    @pl.loop(0, HCR)
    def _(i):
        @pl.loop(0, 8)
        def _(j):
            hist[i, pl.ds(j * 16, 16)] = zero16

    for i in range(16):
        eye[i, :] = jnp.maximum(1 - jnp.abs(iota16 - i), 0)

    base = (c * NS + s) * CNT_EPT
    pltpu.sync_copy(dst_hbm.at[pl.ds(base, CNT_EPT)],
                    dbuf.at[pl.ds(0, CNT_EPT)])

    def bump(d):
        row = lax.shift_right_logical(d, 7)
        col = lax.bitwise_and(lax.shift_right_logical(d, 4), 7) * 16
        lane = lax.bitwise_and(d, 15)
        sl = pl.ds(col, 16)
        hist[row, sl] = hist[row, sl] + eye[lane, :]

    @pl.loop(0, _CNT_FULL // 16)
    def _(k):
        dv = dbuf[pl.ds(k * 16, 16)]
        for j in range(16):
            bump(dv[j])

    dv_tail = dbuf[pl.ds(_CNT_FULL, 16)]
    for j in range(_CNT_TAIL):
        bump(dv_tail[j])

    pltpu.sync_copy(hist, shared.at[s])
    plsc.subcore_barrier()

    @pl.when(s < MT)
    def _():
        rows = pl.ds(s * 16, 16)

        @pl.loop(0, 16)
        def _(r):
            @pl.loop(0, 8)
            def _(j):
                macc[r, pl.ds(j * 16, 16)] = zero16

        @pl.loop(0, NS)
        def _(t):
            pltpu.sync_copy(shared.at[t, rows], mtmp)

            @pl.loop(0, 16)
            def _(r):
                @pl.loop(0, 8)
                def _(j):
                    sl = pl.ds(j * 16, 16)
                    macc[r, sl] = macc[r, sl] + mtmp[r, sl]

        pltpu.sync_copy(macc, out_hbm.at[c, rows])


@functools.partial(
    pl.kernel,
    out_type=(
        jax.ShapeDtypeStruct((N, DH), jnp.float32),
        jax.ShapeDtypeStruct((N, DH), jnp.float32),
    ),
    mesh=_mesh,
    scratch_types=[
        pltpu.VMEM((K, DH), jnp.float32),
        pltpu.VMEM((K, DH), jnp.float32),
        pltpu.VMEM((K,), jnp.int32),
        pltpu.VMEM((K,), jnp.int32),
        pltpu.VMEM((K,), jnp.int32),
        pltpu.VMEM((K,), jnp.int32),
        pltpu.VMEM((80, DH), jnp.float32),
        pltpu.VMEM_SHARED((N, DH), jnp.float32),
        pltpu.SemaphoreType.DMA,
        pltpu.SemaphoreType.DMA,
    ],
)
def _sc_segsum(hA, hB, src_hbm, dst_hbm, aggA, aggB,
               gbuf0, gbuf1, sidx0, sidx1, didx0, didx1, zbuf, acc,
               gsem0, gsem1):
    c = lax.axis_index("c")
    s = lax.axis_index("s")
    zero16 = jnp.zeros((16,), jnp.float32)

    @pl.loop(0, 80)
    def _(i):
        @pl.loop(0, DH // 16)
        def _(j):
            zbuf[i, pl.ds(j * 16, 16)] = zero16

    @pl.loop(0, 8)
    def _(i):
        r0 = s * 640 + i * 80

        @pl.when(r0 < N)
        def _():
            pltpu.sync_copy(zbuf, acc.at[pl.ds(r0, 80)])

    plsc.subcore_barrier()

    def run(h_hbm, agg_hbm):
        ebase = s * EDGES_PER_TILE

        def load_idx(i, sidx, didx):
            off = ebase + i * K
            pltpu.sync_copy(src_hbm.at[pl.ds(off, K)], sidx)
            pltpu.sync_copy(dst_hbm.at[pl.ds(off, K)], didx)

        load_idx(0, sidx0, didx0)
        pltpu.async_copy(h_hbm.at[sidx0], gbuf0, gsem0)

        @pl.loop(0, (NCHUNK - 1) // 2)
        def _(ih):
            i = ih * 2
            load_idx(i + 1, sidx1, didx1)
            pltpu.async_copy(h_hbm.at[sidx1], gbuf1, gsem1)
            pltpu.make_async_copy(h_hbm.at[sidx0], gbuf0, gsem0).wait()
            pltpu.sync_copy(gbuf0, acc.at[didx0], add=True)
            load_idx(i + 2, sidx0, didx0)
            pltpu.async_copy(h_hbm.at[sidx0], gbuf0, gsem0)
            pltpu.make_async_copy(h_hbm.at[sidx1], gbuf1, gsem1).wait()
            pltpu.sync_copy(gbuf1, acc.at[didx1], add=True)

        pltpu.make_async_copy(h_hbm.at[sidx0], gbuf0, gsem0).wait()
        pltpu.sync_copy(gbuf0, acc.at[didx0], add=True)

        plsc.subcore_barrier()

        @pl.when(s < 2)
        def _():
            rows = pl.ds(s * (N // 2), N // 2)
            pltpu.sync_copy(acc.at[rows], agg_hbm.at[rows])

    @pl.when(c == 0)
    def _():
        run(hA, aggA)

    @pl.when(c == 1)
    def _():
        run(hB, aggB)


BM = 1000


def _tc_sage_body(cnt0_ref, cnt1_ref, aggA_ref, aggB_ref, hA_ref, hB_ref,
                  Wl_ref, Wr_ref, bl_ref, hn_ref, st_ref):
    i = pl.program_id(0)
    cnt = (cnt0_ref[...] + cnt1_ref[...]).astype(jnp.float32)
    inv = 1.0 / jnp.maximum(cnt, 1.0)
    agg = jnp.concatenate([aggA_ref[...], aggB_ref[...]], axis=1) * inv
    h = jnp.concatenate([hA_ref[...], hB_ref[...]], axis=1)
    out = jnp.dot(agg, Wl_ref[...], preferred_element_type=jnp.float32)
    out = out + jnp.dot(h, Wr_ref[...], preferred_element_type=jnp.float32)
    out = out + bl_ref[...]
    nrm = jnp.maximum(jnp.sqrt(jnp.sum(out * out, axis=1, keepdims=True)),
                      1e-12)
    y = out / nrm
    hn_ref[...] = y

    @pl.when(i == 0)
    def _():
        st_ref[...] = jnp.zeros_like(st_ref)

    s1 = jnp.sum(y, axis=0)[None, :]
    s2 = jnp.sum(y * y, axis=0)[None, :]
    st_ref[...] += jnp.concatenate(
        [s1, s2, jnp.zeros((6, D), jnp.float32)], axis=0)


_tc_sage = pl.pallas_call(
    _tc_sage_body,
    grid=(N // BM,),
    in_specs=[
        pl.BlockSpec((BM, 1), lambda i: (i, 0)),
        pl.BlockSpec((BM, 1), lambda i: (i, 0)),
        pl.BlockSpec((BM, DH), lambda i: (i, 0)),
        pl.BlockSpec((BM, DH), lambda i: (i, 0)),
        pl.BlockSpec((BM, DH), lambda i: (i, 0)),
        pl.BlockSpec((BM, DH), lambda i: (i, 0)),
        pl.BlockSpec((D, D), lambda i: (0, 0)),
        pl.BlockSpec((D, D), lambda i: (0, 0)),
        pl.BlockSpec((1, D), lambda i: (0, 0)),
    ],
    out_specs=[
        pl.BlockSpec((BM, D), lambda i: (i, 0)),
        pl.BlockSpec((8, D), lambda i: (0, 0)),
    ],
    out_shape=[
        jax.ShapeDtypeStruct((N, D), jnp.float32),
        jax.ShapeDtypeStruct((8, D), jnp.float32),
    ],
)


def _tc_bn_body(hn_ref, st_ref, g_ref, b_ref, yA_ref, yB_ref):
    st = st_ref[...]
    m = st[0:1, :] * (1.0 / N)
    ex2 = st[1:2, :] * (1.0 / N)
    v = ex2 - m * m
    scale = g_ref[...] * jax.lax.rsqrt(v + 1e-5)
    y = (hn_ref[...] - m) * scale + b_ref[...]
    y = jnp.maximum(y, 0.0)
    yA_ref[...] = y[:, :DH]
    yB_ref[...] = y[:, DH:]


_tc_bn = pl.pallas_call(
    _tc_bn_body,
    grid=(N // BM,),
    in_specs=[
        pl.BlockSpec((BM, D), lambda i: (i, 0)),
        pl.BlockSpec((8, D), lambda i: (0, 0)),
        pl.BlockSpec((1, D), lambda i: (0, 0)),
        pl.BlockSpec((1, D), lambda i: (0, 0)),
    ],
    out_specs=[
        pl.BlockSpec((BM, DH), lambda i: (i, 0)),
        pl.BlockSpec((BM, DH), lambda i: (i, 0)),
    ],
    out_shape=[
        jax.ShapeDtypeStruct((N, DH), jnp.float32),
        jax.ShapeDtypeStruct((N, DH), jnp.float32),
    ],
)


def kernel(x, edge_index, Wl0, bl0, Wr0, Wl1, bl1, Wr1, Wl2, bl2, Wr2,
           g0, b0, g1, b1):
    src = edge_index[0]
    dst = edge_index[1]

    cnt2 = _sc_count(dst)
    cnt0 = cnt2[0].reshape(HCR * 128)[:N].reshape(N, 1)
    cnt1 = cnt2[1].reshape(HCR * 128)[:N].reshape(N, 1)

    hA = x[:, :DH]
    hB = x[:, DH:]
    layers = (
        (Wl0, bl0, Wr0, g0, b0),
        (Wl1, bl1, Wr1, g1, b1),
        (Wl2, bl2, Wr2, None, None),
    )
    hn = None
    for Wl, bl, Wr, g, b in layers:
        aggA, aggB = _sc_segsum(hA, hB, src, dst)
        hn, st = _tc_sage(cnt0, cnt1, aggA, aggB, hA, hB, Wl, Wr,
                          bl.reshape(1, D))
        if g is not None:
            hA, hB = _tc_bn(hn, st, g.reshape(1, D), b.reshape(1, D))
    return hn

# --- scband reference (transcript-rebuilt; emitter-appended) ---
"""Pipeline reference for scband-sbm-graph-sage-encoder-88845693485056 (READ-ONLY COPY).

The authoritative reference and input builder live on the scoring server;
editing this copy changes nothing except your own understanding.
"""

import jax, jax.numpy as jnp
import numpy as np

N_NODES = 10000
N_EDGES = 160000
D = 256


def _sage_conv(x, src, dst, Wl, bl, Wr):
    # PyG SAGEConv with mean aggregation and normalize=True:
    # out = lin_l(mean_{j in N(i)} x_j) + lin_r(x_i); out = l2_normalize(out)
    n = x.shape[0]
    msg = x[src]
    agg = jax.ops.segment_sum(msg, dst, num_segments=n)
    cnt = jax.ops.segment_sum(jnp.ones((src.shape[0],), dtype=x.dtype), dst, num_segments=n)
    agg = agg / jnp.maximum(cnt, 1.0)[:, None]
    out = agg @ Wl + bl + x @ Wr
    nrm = jnp.maximum(jnp.linalg.norm(out, axis=-1, keepdims=True), 1e-12)
    return out / nrm


def _bn(x, g, b, eps=1e-5):
    # BatchNorm1d over node dimension, training-mode batch statistics
    m = jnp.mean(x, axis=0)
    v = jnp.var(x, axis=0)
    return (x - m) / jnp.sqrt(v + eps) * g + b


def setup_inputs(seed: int = 0) -> dict:
    key = jax.random.key(seed)
    ks = jax.random.split(key, 18)
    scale = 1.0 / np.sqrt(D)
    inp = {}
    inp['x'] = jax.random.normal(ks[0], (N_NODES, D), dtype=jnp.float32)
    inp['edge_index'] = jax.random.randint(ks[1], (2, N_EDGES), 0, N_NODES, dtype=jnp.int32)
    for i in range(3):
        inp[f'Wl{i}'] = jax.random.normal(ks[2 + 3 * i], (D, D), dtype=jnp.float32) * scale
        inp[f'bl{i}'] = jnp.zeros((D,), dtype=jnp.float32)
        inp[f'Wr{i}'] = jax.random.normal(ks[3 + 3 * i], (D, D), dtype=jnp.float32) * scale
    for i in range(2):
        inp[f'g{i}'] = jnp.ones((D,), dtype=jnp.float32)
        inp[f'b{i}'] = jnp.zeros((D,), dtype=jnp.float32)
    return inp


def reference(x, edge_index, Wl0, bl0, Wr0, Wl1, bl1, Wr1, Wl2, bl2, Wr2, g0, b0, g1, b1):
    src = edge_index[0]
    dst = edge_index[1]
    h = _sage_conv(x, src, dst, Wl0, bl0, Wr0)
    h = jax.nn.relu(_bn(h, g0, b0))
    h = _sage_conv(h, src, dst, Wl1, bl1, Wr1)
    h = jax.nn.relu(_bn(h, g1, b1))
    h = _sage_conv(h, src, dst, Wl2, bl2, Wr2)
    return h

if __name__ == "__main__":
    import jax
    _d = setup_inputs()
    print(jax.jit(kernel)(*tuple(_d.values())))

</pallas_src>

<mosaic_0001>
#map = affine_map<(d0, d1) -> (0)>
#map1 = affine_map<(d0, d1) -> (0, 0, 0)>
module attributes {stable_mosaic.version = 14 : i64} {
  func.func @_sc_count(%arg0: i32, %arg1: i32, %arg2: memref<160000xi32, #tpu.memory_space<hbm>>, %arg3: memref<2x80x128xi32, #tpu.memory_space<hbm>>, %arg4: memref<80x128xi32, #tpu.memory_space<vmem>>, %arg5: memref<5016xi32, #tpu.memory_space<vmem>>, %arg6: memref<16x16xi32, #tpu.memory_space<vmem>>, %arg7: memref<16x128xi32, #tpu.memory_space<vmem>>, %arg8: memref<16x128xi32, #tpu.memory_space<vmem>>, %arg9: memref<16x80x128xi32, #tpu.memory_space<vmem_shared>>) attributes {dimension_semantics = [#tpu.dimension_semantics<core_parallel>, #tpu.dimension_semantics<subcore_parallel>], iteration_bounds = array<i64: 2, 16>, scalar_prefetch = 0 : i64, scratch_operands = 6 : i64, tpu.core_type = #tpu.core_type<sc_vector_subcore>, window_params = [{transform_indices = #map}, {transform_indices = #map1}]} {
    %broadcast_in_dim3A = arith.constant 0 : i32
    %broadcast_in_dim3A_0 = vector.broadcast %broadcast_in_dim3A : i32 to vector<16xi32>
    %iota3A = tpu.iota {dimensions = array<i32: 0>} : vector<16xi32>
    %scan3A = arith.constant 0 : i32
    %scan3A_1 = arith.constant 80 : i32
    %scan3A_2 = arith.addi %scan3A, %scan3A_1 : i32
    %scan3A_3 = arith.constant 1 : i32
    scf.for %scan3A_473 = %scan3A to %scan3A_2 step %scan3A_3  : i32 {
      %mul3A_474 = arith.constant 1 : i32
      %mul3A_475 = arith.muli %scan3A_473, %mul3A_474 : i32
      %add3A_476 = arith.constant 0 : i32
      %add3A_477 = arith.addi %add3A_476, %mul3A_475 : i32
      %scan3A_478 = arith.constant 0 : i32
      %scan3A_479 = arith.constant 8 : i32
      %scan3A_480 = arith.addi %scan3A_478, %scan3A_479 : i32
      %scan3A_481 = arith.constant 1 : i32
      scf.for %scan3A_483 = %scan3A_478 to %scan3A_480 step %scan3A_481  : i32 {
        %mul3A_484 = arith.constant 1 : i32
        %mul3A_485 = arith.muli %scan3A_483, %mul3A_484 : i32
        %add3A_486 = arith.constant 0 : i32
        %add3A_487 = arith.addi %add3A_486, %mul3A_485 : i32
        %mul3A_488 = arith.constant 16 : i32
        %mul3A_489 = arith.muli %add3A_487, %mul3A_488 : i32
        %swap3A_490 = arith.index_cast %add3A_477 : i32 to index
        %swap3A_491 = arith.index_cast %mul3A_489 : i32 to index
        %swap3A_492 = tpu.vector_load %arg4[%swap3A_490, %swap3A_491] {strides = array<i32>} : memref<80x128xi32, #tpu.memory_space<vmem>>, vector<1x16xi32>,
        %swap3A_493 = vector.shape_cast %swap3A_492 : vector<1x16xi32> to vector<16xi32>
        %swap3A_494 = vector.shape_cast %broadcast_in_dim3A_0 : vector<16xi32> to vector<1x16xi32>
        tpu.vector_store %arg4[%swap3A_490, %swap3A_491], %swap3A_494 {strides = array<i32>} : memref<80x128xi32, #tpu.memory_space<vmem>>, vector<1x16xi32>,
      }
      %scan3A_482 = arith.constant 8 : i32
    }
    %scan3A_4 = arith.constant 80 : i32
    %sub3A = arith.constant 0 : i32
    %sub3A_5 = vector.broadcast %sub3A : i32 to vector<16xi32>
    %sub3A_6 = arith.subi %iota3A, %sub3A_5 : vector<16xi32>
    %abs3A = math.absi %sub3A_6 : vector<16xi32>
    %sub3A_7 = arith.constant 1 : i32
    %sub3A_8 = vector.broadcast %sub3A_7 : i32 to vector<16xi32>
    %sub3A_9 = arith.subi %sub3A_8, %abs3A : vector<16xi32>
    %max3A = arith.constant 0 : i32
    %max3A_10 = vector.broadcast %max3A : i32 to vector<16xi32>
    %max3A_11 = arith.maxsi %sub3A_9, %max3A_10 : vector<16xi32>
    %swap3A = arith.constant 0 : i32
    %swap3A_12 = arith.index_cast %swap3A : i32 to index
    %swap3A_13 = arith.constant 0 : index
    %swap3A_14 = tpu.vector_load %arg6[%swap3A_12, %swap3A_13] {strides = array<i32>} : memref<16x16xi32, #tpu.memory_space<vmem>>, vector<1x16xi32>,
    %swap3A_15 = vector.shape_cast %swap3A_14 : vector<1x16xi32> to vector<16xi32>
    %swap3A_16 = vector.shape_cast %max3A_11 : vector<16xi32> to vector<1x16xi32>
    tpu.vector_store %arg6[%swap3A_12, %swap3A_13], %swap3A_16 {strides = array<i32>} : memref<16x16xi32, #tpu.memory_space<vmem>>, vector<1x16xi32>,
    %sub3A_17 = arith.constant 1 : i32
    %sub3A_18 = vector.broadcast %sub3A_17 : i32 to vector<16xi32>
    %sub3A_19 = arith.subi %iota3A, %sub3A_18 : vector<16xi32>
    %abs3A_20 = math.absi %sub3A_19 : vector<16xi32>
    %sub3A_21 = arith.constant 1 : i32
    %sub3A_22 = vector.broadcast %sub3A_21 : i32 to vector<16xi32>
    %sub3A_23 = arith.subi %sub3A_22, %abs3A_20 : vector<16xi32>
    %max3A_24 = arith.constant 0 : i32
    %max3A_25 = vector.broadcast %max3A_24 : i32 to vector<16xi32>
    %max3A_26 = arith.maxsi %sub3A_23, %max3A_25 : vector<16xi32>
    %swap3A_27 = arith.constant 1 : i32
    %swap3A_28 = arith.index_cast %swap3A_27 : i32 to index
    %swap3A_29 = arith.constant 0 : index
    %swap3A_30 = tpu.vector_load %arg6[%swap3A_28, %swap3A_29] {strides = array<i32>} : memref<16x16xi32, #tpu.memory_space<vmem>>, vector<1x16xi32>,
    %swap3A_31 = vector.shape_cast %swap3A_30 : vector<1x16xi32> to vector<16xi32>
    %swap3A_32 = vector.shape_cast %max3A_26 : vector<16xi32> to vector<1x16xi32>
    tpu.vector_store %arg6[%swap3A_28, %swap3A_29], %swap3A_32 {strides = array<i32>} : memref<16x16xi32, #tpu.memory_space<vmem>>, vector<1x16xi32>,
    %sub3A_33 = arith.constant 2 : i32
    %sub3A_34 = vector.broadcast %sub3A_33 : i32 to vector<16xi32>
    %sub3A_35 = arith.subi %iota3A, %sub3A_34 : vector<16xi32>
    %abs3A_36 = math.absi %sub3A_35 : vector<16xi32>
    %sub3A_37 = arith.constant 1 : i32
    %sub3A_38 = vector.broadcast %sub3A_37 : i32 to vector<16xi32>
    %sub3A_39 = arith.subi %sub3A_38, %abs3A_36 : vector<16xi32>
    %max3A_40 = arith.constant 0 : i32
    %max3A_41 = vector.broadcast %max3A_40 : i32 to vector<16xi32>
    %max3A_42 = arith.maxsi %sub3A_39, %max3A_41 : vector<16xi32>
    %swap3A_43 = arith.constant 2 : i32
    %swap3A_44 = arith.index_cast %swap3A_43 : i32 to index
    %swap3A_45 = arith.constant 0 : index
    %swap3A_46 = tpu.vector_load %arg6[%swap3A_44, %swap3A_45] {strides = array<i32>} : memref<16x16xi32, #tpu.memory_space<vmem>>, vector<1x16xi32>,
    %swap3A_47 = vector.shape_cast %swap3A_46 : vector<1x16xi32> to vector<16xi32>
    %swap3A_48 = vector.shape_cast %max3A_42 : vector<16xi32> to vector<1x16xi32>
    tpu.vector_store %arg6[%swap3A_44, %swap3A_45], %swap3A_48 {strides = array<i32>} : memref<16x16xi32, #tpu.memory_space<vmem>>, vector<1x16xi32>,
    %sub3A_49 = arith.constant 3 : i32
    %sub3A_50 = vector.broadcast %sub3A_49 : i32 to vector<16xi32>
    %sub3A_51 = arith.subi %iota3A, %sub3A_50 : vector<16xi32>
    %abs3A_52 = math.absi %sub3A_51 : vector<16xi32>
    %sub3A_53 = arith.constant 1 : i32
    %sub3A_54 = vector.broadcast %sub3A_53 : i32 to vector<16xi32>
    %sub3A_55 = arith.subi %sub3A_54, %abs3A_52 : vector<16xi32>
    %max3A_56 = arith.constant 0 : i32
    %max3A_57 = vector.broadcast %max3A_56 : i32 to vector<16xi32>
    %max3A_58 = arith.maxsi %sub3A_55, %max3A_57 : vector<16xi32>
    %swap3A_59 = arith.constant 3 : i32
    %swap3A_60 = arith.index_cast %swap3A_59 : i32 to index
    %swap3A_61 = arith.constant 0 : index
    %swap3A_62 = tpu.vector_load %arg6[%swap3A_60, %swap3A_61] {strides = array<i32>} : memref<16x16xi32, #tpu.memory_space<vmem>>, vector<1x16xi32>,
    %swap3A_63 = vector.shape_cast %swap3A_62 : vector<1x16xi32> to vector<16xi32>
    %swap3A_64 = vector.shape_cast %max3A_58 : vector<16xi32> to vector<1x16xi32>
    tpu.vector_store %arg6[%swap3A_60, %swap3A_61], %swap3A_64 {strides = array<i32>} : memref<16x16xi32, #tpu.memory_space<vmem>>, vector<1x16xi32>,
    %sub3A_65 = arith.constant 4 : i32
    %sub3A_66 = vector.broadcast %sub3A_65 : i32 to vector<16xi32>
    %sub3A_67 = arith.subi %iota3A, %sub3A_66 : vector<16xi32>
    %abs3A_68 = math.absi %sub3A_67 : vector<16xi32>
    %sub3A_69 = arith.constant 1 : i32
    %sub3A_70 = vector.broadcast %sub3A_69 : i32 to vector<16xi32>
    %sub3A_71 = arith.subi %sub3A_70, %abs3A_68 : vector<16xi32>
    %max3A_72 = arith.constant 0 : i32
    %max3A_73 = vector.broadcast %max3A_72 : i32 to vector<16xi32>
    %max3A_74 = arith.maxsi %sub3A_71, %max3A_73 : vector<16xi32>
    %swap3A_75 = arith.constant 4 : i32
    %swap3A_76 = arith.index_cast %swap3A_75 : i32 to index
    %swap3A_77 = arith.constant 0 : index
    %swap3A_78 = tpu.vector_load %arg6[%swap3A_76, %swap3A_77] {strides = array<i32>} : memref<16x16xi32, #tpu.memory_space<vmem>>, vector<1x16xi32>,
    %swap3A_79 = vector.shape_cast %swap3A_78 : vector<1x16xi32> to vector<16xi32>
    %swap3A_80 = vector.shape_cast %max3A_74 : vector<16xi32> to vector<1x16xi32>
    tpu.vector_store %arg6[%swap3A_76, %swap3A_77], %swap3A_80 {strides = array<i32>} : memref<16x16xi32, #tpu.memory_space<vmem>>, vector<1x16xi32>,
    %sub3A_81 = arith.constant 5 : i32
    %sub3A_82 = vector.broadcast %sub3A_81 : i32 to vector<16xi32>
    %sub3A_83 = arith.subi %iota3A, %sub3A_82 : vector<16xi32>
    %abs3A_84 = math.absi %sub3A_83 : vector<16xi32>
    %sub3A_85 = arith.constant 1 : i32
    %sub3A_86 = vector.broadcast %sub3A_85 : i32 to vector<16xi32>
    %sub3A_87 = arith.subi %sub3A_86, %abs3A_84 : vector<16xi32>
    %max3A_88 = arith.constant 0 : i32
    %max3A_89 = vector.broadcast %max3A_88 : i32 to vector<16xi32>
    %max3A_90 = arith.maxsi %sub3A_87, %max3A_89 : vector<16xi32>
    %swap3A_91 = arith.constant 5 : i32
    %swap3A_92 = arith.index_cast %swap3A_91 : i32 to index
    %swap3A_93 = arith.constant 0 : index
    %swap3A_94 = tpu.vector_load %arg6[%swap3A_92, %swap3A_93] {strides = array<i32>} : memref<16x16xi32, #tpu.memory_space<vmem>>, vector<1x16xi32>,
    %swap3A_95 = vector.shape_cast %swap3A_94 : vector<1x16xi32> to vector<16xi32>
    %swap3A_96 = vector.shape_cast %max3A_90 : vector<16xi32> to vector<1x16xi32>
    tpu.vector_store %arg6[%swap3A_92, %swap3A_93], %swap3A_96 {strides = array<i32>} : memref<16x16xi32, #tpu.memory_space<vmem>>, vector<1x16xi32>,
    %sub3A_97 = arith.constant 6 : i32
    %sub3A_98 = vector.broadcast %sub3A_97 : i32 to vector<16xi32>
    %sub3A_99 = arith.subi %iota3A, %sub3A_98 : vector<16xi32>
    %abs3A_100 = math.absi %sub3A_99 : vector<16xi32>
    %sub3A_101 = arith.constant 1 : i32
    %sub3A_102 = vector.broadcast %sub3A_101 : i32 to vector<16xi32>
    %sub3A_103 = arith.subi %sub3A_102, %abs3A_100 : vector<16xi32>
    %max3A_104 = arith.constant 0 : i32
    %max3A_105 = vector.broadcast %max3A_104 : i32 to vector<16xi32>
    %max3A_106 = arith.maxsi %sub3A_103, %max3A_105 : vector<16xi32>
    %swap3A_107 = arith.constant 6 : i32
    %swap3A_108 = arith.index_cast %swap3A_107 : i32 to index
    %swap3A_109 = arith.constant 0 : index
    %swap3A_110 = tpu.vector_load %arg6[%swap3A_108, %swap3A_109] {strides = array<i32>} : memref<16x16xi32, #tpu.memory_space<vmem>>, vector<1x16xi32>,
    %swap3A_111 = vector.shape_cast %swap3A_110 : vector<1x16xi32> to vector<16xi32>
    %swap3A_112 = vector.shape_cast %max3A_106 : vector<16xi32> to vector<1x16xi32>
    tpu.vector_store %arg6[%swap3A_108, %swap3A_109], %swap3A_112 {strides = array<i32>} : memref<16x16xi32, #tpu.memory_space<vmem>>, vector<1x16xi32>,
    %sub3A_113 = arith.constant 7 : i32
    %sub3A_114 = vector.broadcast %sub3A_113 : i32 to vector<16xi32>
    %sub3A_115 = arith.subi %iota3A, %sub3A_114 : vector<16xi32>
    %abs3A_116 = math.absi %sub3A_115 : vector<16xi32>
    %sub3A_117 = arith.constant 1 : i32
    %sub3A_118 = vector.broadcast %sub3A_117 : i32 to vector<16xi32>
    %sub3A_119 = arith.subi %sub3A_118, %abs3A_116 : vector<16xi32>
    %max3A_120 = arith.constant 0 : i32
    %max3A_121 = vector.broadcast %max3A_120 : i32 to vector<16xi32>
    %max3A_122 = arith.maxsi %sub3A_119, %max3A_121 : vector<16xi32>
    %swap3A_123 = arith.constant 7 : i32
    %swap3A_124 = arith.index_cast %swap3A_123 : i32 to index
    %swap3A_125 = arith.constant 0 : index
    %swap3A_126 = tpu.vector_load %arg6[%swap3A_124, %swap3A_125] {strides = array<i32>} : memref<16x16xi32, #tpu.memory_space<vmem>>, vector<1x16xi32>,
    %swap3A_127 = vector.shape_cast %swap3A_126 : vector<1x16xi32> to vector<16xi32>
    %swap3A_128 = vector.shape_cast %max3A_122 : vector<16xi32> to vector<1x16xi32>
    tpu.vector_store %arg6[%swap3A_124, %swap3A_125], %swap3A_128 {strides = array<i32>} : memref<16x16xi32, #tpu.memory_space<vmem>>, vector<1x16xi32>,
    %sub3A_129 = arith.constant 8 : i32
    %sub3A_130 = vector.broadcast %sub3A_129 : i32 to vector<16xi32>
    %sub3A_131 = arith.subi %iota3A, %sub3A_130 : vector<16xi32>
    %abs3A_132 = math.absi %sub3A_131 : vector<16xi32>
    %sub3A_133 = arith.constant 1 : i32
    %sub3A_134 = vector.broadcast %sub3A_133 : i32 to vector<16xi32>
    %sub3A_135 = arith.subi %sub3A_134, %abs3A_132 : vector<16xi32>
    %max3A_136 = arith.constant 0 : i32
    %max3A_137 = vector.broadcast %max3A_136 : i32 to vector<16xi32>
    %max3A_138 = arith.maxsi %sub3A_135, %max3A_137 : vector<16xi32>
    %swap3A_139 = arith.constant 8 : i32
    %swap3A_140 = arith.index_cast %swap3A_139 : i32 to index
    %swap3A_141 = arith.constant 0 : index
    %swap3A_142 = tpu.vector_load %arg6[%swap3A_140, %swap3A_141] {strides = array<i32>} : memref<16x16xi32, #tpu.memory_space<vmem>>, vector<1x16xi32>,
    %swap3A_143 = vector.shape_cast %swap3A_142 : vector<1x16xi32> to vector<16xi32>
    %swap3A_144 = vector.shape_cast %max3A_138 : vector<16xi32> to vector<1x16xi32>
    tpu.vector_store %arg6[%swap3A_140, %swap3A_141], %swap3A_144 {strides = array<i32>} : memref<16x16xi32, #tpu.memory_space<vmem>>, vector<1x16xi32>,
    %sub3A_145 = arith.constant 9 : i32
    %sub3A_146 = vector.broadcast %sub3A_145 : i32 to vector<16xi32>
    %sub3A_147 = arith.subi %iota3A, %sub3A_146 : vector<16xi32>
    %abs3A_148 = math.absi %sub3A_147 : vector<16xi32>
    %sub3A_149 = arith.constant 1 : i32
    %sub3A_150 = vector.broadcast %sub3A_149 : i32 to vector<16xi32>
    %sub3A_151 = arith.subi %sub3A_150, %abs3A_148 : vector<16xi32>
    %max3A_152 = arith.constant 0 : i32
    %max3A_153 = vector.broadcast %max3A_152 : i32 to vector<16xi32>
    %max3A_154 = arith.maxsi %sub3A_151, %max3A_153 : vector<16xi32>
    %swap3A_155 = arith.constant 9 : i32
    %swap3A_156 = arith.index_cast %swap3A_155 : i32 to index
    %swap3A_157 = arith.constant 0 : index
    %swap3A_158 = tpu.vector_load %arg6[%swap3A_156, %swap3A_157] {strides = array<i32>} : memref<16x16xi32, #tpu.memory_space<vmem>>, vector<1x16xi32>,
    %swap3A_159 = vector.shape_cast %swap3A_158 : vector<1x16xi32> to vector<16xi32>
    %swap3A_160 = vector.shape_cast %max3A_154 : vector<16xi32> to vector<1x16xi32>
    tpu.vector_store %arg6[%swap3A_156, %swap3A_157], %swap3A_160 {strides = array<i32>} : memref<16x16xi32, #tpu.memory_space<vmem>>, vector<1x16xi32>,
    %sub3A_161 = arith.constant 10 : i32
    %sub3A_162 = vector.broadcast %sub3A_161 : i32 to vector<16xi32>
    %sub3A_163 = arith.subi %iota3A, %sub3A_162 : vector<16xi32>
    %abs3A_164 = math.absi %sub3A_163 : vector<16xi32>
    %sub3A_165 = arith.constant 1 : i32
    %sub3A_166 = vector.broadcast %sub3A_165 : i32 to vector<16xi32>
    %sub3A_167 = arith.subi %sub3A_166, %abs3A_164 : vector<16xi32>
    %max3A_168 = arith.constant 0 : i32
    %max3A_169 = vector.broadcast %max3A_168 : i32 to vector<16xi32>
    %max3A_170 = arith.maxsi %sub3A_167, %max3A_169 : vector<16xi32>
    %swap3A_171 = arith.constant 10 : i32
    %swap3A_172 = arith.index_cast %swap3A_171 : i32 to index
    %swap3A_173 = arith.constant 0 : index
    %swap3A_174 = tpu.vector_load %arg6[%swap3A_172, %swap3A_173] {strides = array<i32>} : memref<16x16xi32, #tpu.memory_space<vmem>>, vector<1x16xi32>,
    %swap3A_175 = vector.shape_cast %swap3A_174 : vector<1x16xi32> to vector<16xi32>
    %swap3A_176 = vector.shape_cast %max3A_170 : vector<16xi32> to vector<1x16xi32>
    tpu.vector_store %arg6[%swap3A_172, %swap3A_173], %swap3A_176 {strides = array<i32>} : memref<16x16xi32, #tpu.memory_space<vmem>>, vector<1x16xi32>,
    %sub3A_177 = arith.constant 11 : i32
    %sub3A_178 = vector.broadcast %sub3A_177 : i32 to vector<16xi32>
    %sub3A_179 = arith.subi %iota3A, %sub3A_178 : vector<16xi32>
    %abs3A_180 = math.absi %sub3A_179 : vector<16xi32>
    %sub3A_181 = arith.constant 1 : i32
    %sub3A_182 = vector.broadcast %sub3A_181 : i32 to vector<16xi32>
    %sub3A_183 = arith.subi %sub3A_182, %abs3A_180 : vector<16xi32>
    %max3A_184 = arith.constant 0 : i32
    %max3A_185 = vector.broadcast %max3A_184 : i32 to vector<16xi32>
    %max3A_186 = arith.maxsi %sub3A_183, %max3A_185 : vector<16xi32>
    %swap3A_187 = arith.constant 11 : i32
    %swap3A_188 = arith.index_cast %swap3A_187 : i32 to index
    %swap3A_189 = arith.constant 0 : index
    %swap3A_190 = tpu.vector_load %arg6[%swap3A_188, %swap3A_189] {strides = array<i32>} : memref<16x16xi32, #tpu.memory_space<vmem>>, vector<1x16xi32>,
    %swap3A_191 = vector.shape_cast %swap3A_190 : vector<1x16xi32> to vector<16xi32>
    %swap3A_192 = vector.shape_cast %max3A_186 : vector<16xi32> to vector<1x16xi32>
    tpu.vector_store %arg6[%swap3A_188, %swap3A_189], %swap3A_192 {strides = array<i32>} : memref<16x16xi32, #tpu.memory_space<vmem>>, vector<1x16xi32>,
    %sub3A_193 = arith.constant 12 : i32
    %sub3A_194 = vector.broadcast %sub3A_193 : i32 to vector<16xi32>
    %sub3A_195 = arith.subi %iota3A, %sub3A_194 : vector<16xi32>
    %abs3A_196 = math.absi %sub3A_195 : vector<16xi32>
    %sub3A_197 = arith.constant 1 : i32
    %sub3A_198 = vector.broadcast %sub3A_197 : i32 to vector<16xi32>
    %sub3A_199 = arith.subi %sub3A_198, %abs3A_196 : vector<16xi32>
    %max3A_200 = arith.constant 0 : i32
    %max3A_201 = vector.broadcast %max3A_200 : i32 to vector<16xi32>
    %max3A_202 = arith.maxsi %sub3A_199, %max3A_201 : vector<16xi32>
    %swap3A_203 = arith.constant 12 : i32
    %swap3A_204 = arith.index_cast %swap3A_203 : i32 to index
    %swap3A_205 = arith.constant 0 : index
    %swap3A_206 = tpu.vector_load %arg6[%swap3A_204, %swap3A_205] {strides = array<i32>} : memref<16x16xi32, #tpu.memory_space<vmem>>, vector<1x16xi32>,
    %swap3A_207 = vector.shape_cast %swap3A_206 : vector<1x16xi32> to vector<16xi32>
    %swap3A_208 = vector.shape_cast %max3A_202 : vector<16xi32> to vector<1x16xi32>
    tpu.vector_store %arg6[%swap3A_204, %swap3A_205], %swap3A_208 {strides = array<i32>} : memref<16x16xi32, #tpu.memory_space<vmem>>, vector<1x16xi32>,
    %sub3A_209 = arith.constant 13 : i32
    %sub3A_210 = vector.broadcast %sub3A_209 : i32 to vector<16xi32>
    %sub3A_211 = arith.subi %iota3A, %sub3A_210 : vector<16xi32>
    %abs3A_212 = math.absi %sub3A_211 : vector<16xi32>
    %sub3A_213 = arith.constant 1 : i32
    %sub3A_214 = vector.broadcast %sub3A_213 : i32 to vector<16xi32>
    %sub3A_215 = arith.subi %sub3A_214, %abs3A_212 : vector<16xi32>
    %max3A_216 = arith.constant 0 : i32
    %max3A_217 = vector.broadcast %max3A_216 : i32 to vector<16xi32>
    %max3A_218 = arith.maxsi %sub3A_215, %max3A_217 : vector<16xi32>
    %swap3A_219 = arith.constant 13 : i32
    %swap3A_220 = arith.index_cast %swap3A_219 : i32 to index
    %swap3A_221 = arith.constant 0 : index
    %swap3A_222 = tpu.vector_load %arg6[%swap3A_220, %swap3A_221] {strides = array<i32>} : memref<16x16xi32, #tpu.memory_space<vmem>>, vector<1x16xi32>,
    %swap3A_223 = vector.shape_cast %swap3A_222 : vector<1x16xi32> to vector<16xi32>
    %swap3A_224 = vector.shape_cast %max3A_218 : vector<16xi32> to vector<1x16xi32>
    tpu.vector_store %arg6[%swap3A_220, %swap3A_221], %swap3A_224 {strides = array<i32>} : memref<16x16xi32, #tpu.memory_space<vmem>>, vector<1x16xi32>,
    %sub3A_225 = arith.constant 14 : i32
    %sub3A_226 = vector.broadcast %sub3A_225 : i32 to vector<16xi32>
    %sub3A_227 = arith.subi %iota3A, %sub3A_226 : vector<16xi32>
    %abs3A_228 = math.absi %sub3A_227 : vector<16xi32>
    %sub3A_229 = arith.constant 1 : i32
    %sub3A_230 = vector.broadcast %sub3A_229 : i32 to vector<16xi32>
    %sub3A_231 = arith.subi %sub3A_230, %abs3A_228 : vector<16xi32>
    %max3A_232 = arith.constant 0 : i32
    %max3A_233 = vector.broadcast %max3A_232 : i32 to vector<16xi32>
    %max3A_234 = arith.maxsi %sub3A_231, %max3A_233 : vector<16xi32>
    %swap3A_235 = arith.constant 14 : i32
    %swap3A_236 = arith.index_cast %swap3A_235 : i32 to index
    %swap3A_237 = arith.constant 0 : index
    %swap3A_238 = tpu.vector_load %arg6[%swap3A_236, %swap3A_237] {strides = array<i32>} : memref<16x16xi32, #tpu.memory_space<vmem>>, vector<1x16xi32>,
    %swap3A_239 = vector.shape_cast %swap3A_238 : vector<1x16xi32> to vector<16xi32>
    %swap3A_240 = vector.shape_cast %max3A_234 : vector<16xi32> to vector<1x16xi32>
    tpu.vector_store %arg6[%swap3A_236, %swap3A_237], %swap3A_240 {strides = array<i32>} : memref<16x16xi32, #tpu.memory_space<vmem>>, vector<1x16xi32>,
    %sub3A_241 = arith.constant 15 : i32
    %sub3A_242 = vector.broadcast %sub3A_241 : i32 to vector<16xi32>
    %sub3A_243 = arith.subi %iota3A, %sub3A_242 : vector<16xi32>
    %abs3A_244 = math.absi %sub3A_243 : vector<16xi32>
    %sub3A_245 = arith.constant 1 : i32
    %sub3A_246 = vector.broadcast %sub3A_245 : i32 to vector<16xi32>
    %sub3A_247 = arith.subi %sub3A_246, %abs3A_244 : vector<16xi32>
    %max3A_248 = arith.constant 0 : i32
    %max3A_249 = vector.broadcast %max3A_248 : i32 to vector<16xi32>
    %max3A_250 = arith.maxsi %sub3A_247, %max3A_249 : vector<16xi32>
    %swap3A_251 = arith.constant 15 : i32
    %swap3A_252 = arith.index_cast %swap3A_251 : i32 to index
    %swap3A_253 = arith.constant 0 : index
    %swap3A_254 = tpu.vector_load %arg6[%swap3A_252, %swap3A_253] {strides = array<i32>} : memref<16x16xi32, #tpu.memory_space<vmem>>, vector<1x16xi32>,
    %swap3A_255 = vector.shape_cast %swap3A_254 : vector<1x16xi32> to vector<16xi32>
    %swap3A_256 = vector.shape_cast %max3A_250 : vector<16xi32> to vector<1x16xi32>
    tpu.vector_store %arg6[%swap3A_252, %swap3A_253], %swap3A_256 {strides = array<i32>} : memref<16x16xi32, #tpu.memory_space<vmem>>, vector<1x16xi32>,
    %mul3A = arith.constant 16 : i32
    %mul3A_257 = arith.muli %arg0, %mul3A : i32
    %add3A = arith.addi %mul3A_257, %arg1 : i32
    %mul3A_258 = arith.constant 5000 : i32
    %mul3A_259 = arith.muli %add3A, %mul3A_258 : i32
    "tpu.region"() ({
      %run_scoped3A = tpu.sem_alloc : memref<!tpu.dma_semaphore, #tpu.memory_space<semaphore_mem>>
      %dma_start3A = arith.constant 0 : i32
      %dma_start3A_473 = tpu.memref_slice %arg5[%dma_start3A] : memref<5016xi32, #tpu.memory_space<vmem>> -> memref<5000xi32, #tpu.memory_space<vmem>>
      %dma_start3A_474 = tpu.memref_slice %arg2[%mul3A_259] : memref<160000xi32, #tpu.memory_space<hbm>> -> memref<5000xi32, #tpu.memory_space<hbm>>
      %dma_start3A_475 = arith.constant 0 : i32
      %dma_start3A_476 = tpu.memref_slice %arg5[%dma_start3A_475] : memref<5016xi32, #tpu.memory_space<vmem>> -> memref<5000xi32, #tpu.memory_space<vmem>>
      %dma_start3A_477 = tpu.memref_slice %arg2[%mul3A_259] : memref<160000xi32, #tpu.memory_space<hbm>> -> memref<5000xi32, #tpu.memory_space<hbm>>
      tpu.enqueue_dma source(%dma_start3A_477 : memref<5000xi32, #tpu.memory_space<hbm>>) target(%dma_start3A_476 : memref<5000xi32, #tpu.memory_space<vmem>>) target_semaphore(%run_scoped3A : memref<!tpu.dma_semaphore, #tpu.memory_space<semaphore_mem>>)
      %dma_wait3A = arith.constant 0 : i32
      %dma_wait3A_478 = tpu.memref_slice %arg5[%dma_wait3A] : memref<5016xi32, #tpu.memory_space<vmem>> -> memref<5000xi32, #tpu.memory_space<vmem>>
      %dma_wait3A_479 = tpu.memref_slice %arg2[%mul3A_259] : memref<160000xi32, #tpu.memory_space<hbm>> -> memref<5000xi32, #tpu.memory_space<hbm>>
      %dma_wait3A_480 = arith.constant 0 : i32
      %dma_wait3A_481 = tpu.memref_slice %arg5[%dma_wait3A_480] : memref<5016xi32, #tpu.memory_space<vmem>> -> memref<5000xi32, #tpu.memory_space<vmem>>
      %dma_wait3A_482 = tpu.memref_slice %arg2[%mul3A_259] : memref<160000xi32, #tpu.memory_space<hbm>> -> memref<5000xi32, #tpu.memory_space<hbm>>
      tpu.wait_dma2 semaphore(%run_scoped3A : memref<!tpu.dma_semaphore, #tpu.memory_space<semaphore_mem>>) src(%dma_wait3A_482 : memref<5000xi32, #tpu.memory_space<hbm>>) dst(%dma_wait3A_481 : memref<5000xi32, #tpu.memory_space<vmem>>)
      tpu.yield
    }) : () -> ()
    %scan3A_260 = arith.constant 0 : i32
    %scan3A_261 = arith.constant 312 : i32
    %scan3A_262 = arith.addi %scan3A_260, %scan3A_261 : i32
    %scan3A_263 = arith.constant 1 : i32
    scf.for %scan3A_473 = %scan3A_260 to %scan3A_262 step %scan3A_263  : i32 {
      %mul3A_474 = arith.constant 1 : i32
      %mul3A_475 = arith.muli %scan3A_473, %mul3A_474 : i32
      %add3A_476 = arith.constant 0 : i32
      %add3A_477 = arith.addi %add3A_476, %mul3A_475 : i32
      %mul3A_478 = arith.constant 16 : i32
      %mul3A_479 = arith.muli %add3A_477, %mul3A_478 : i32
      %get3A_480 = arith.index_cast %mul3A_479 : i32 to index
      %get3A_481 = tpu.vector_load %arg5[%get3A_480] {strides = array<i32>} : memref<5016xi32, #tpu.memory_space<vmem>>, vector<16xi32>,
      %get3A_482 = vector.shape_cast %get3A_481 : vector<16xi32> to vector<16xi32>
      %slice3A_483 = vector.extract_strided_slice %get3A_482 {offsets = [0], sizes = [1], strides = [1]} : vector<16xi32> to vector<1xi32>
      %squeeze3A_484 = vector.extract %slice3A_483[0] : i32 from vector<1xi32>
      %shift_right_logical3A_485 = arith.constant 7 : i32
      %shift_right_logical3A_486 = arith.shrui %squeeze3A_484, %shift_right_logical3A_485 : i32
      %shift_right_logical3A_487 = arith.constant 4 : i32
      %shift_right_logical3A_488 = arith.shrui %squeeze3A_484, %shift_right_logical3A_487 : i32
      %and3A_489 = arith.constant 7 : i32
      %and3A_490 = arith.andi %shift_right_logical3A_488, %and3A_489 : i32
      %mul3A_491 = arith.constant 16 : i32
      %mul3A_492 = arith.muli %and3A_490, %mul3A_491 : i32
      %and3A_493 = arith.constant 15 : i32
      %and3A_494 = arith.andi %squeeze3A_484, %and3A_493 : i32
      %get3A_495 = arith.index_cast %shift_right_logical3A_486 : i32 to index
      %get3A_496 = arith.index_cast %mul3A_492 : i32 to index
      %get3A_497 = tpu.vector_load %arg4[%get3A_495, %get3A_496] {strides = array<i32>} : memref<80x128xi32, #tpu.memory_space<vmem>>, vector<1x16xi32>,
      %get3A_498 = vector.shape_cast %get3A_497 : vector<1x16xi32> to vector<16xi32>
      %get3A_499 = arith.index_cast %and3A_494 : i32 to index
      %get3A_500 = arith.constant 0 : index
      %get3A_501 = tpu.vector_load %arg6[%get3A_499, %get3A_500] {strides = array<i32>} : memref<16x16xi32, #tpu.memory_space<vmem>>, vector<1x16xi32>,
      %get3A_502 = vector.shape_cast %get3A_501 : vector<1x16xi32> to vector<16xi32>
      %add3A_503 = arith.addi %get3A_498, %get3A_502 : vector<16xi32>
      %swap3A_504 = arith.index_cast %shift_right_logical3A_486 : i32 to index
      %swap3A_505 = arith.index_cast %mul3A_492 : i32 to index
      %swap3A_506 = tpu.vector_load %arg4[%swap3A_504, %swap3A_505] {strides = array<i32>} : memref<80x128xi32, #tpu.memory_space<vmem>>, vector<1x16xi32>,
      %swap3A_507 = vector.shape_cast %swap3A_506 : vector<1x16xi32> to vector<16xi32>
      %swap3A_508 = vector.shape_cast %add3A_503 : vector<16xi32> to vector<1x16xi32>
      tpu.vector_store %arg4[%swap3A_504, %swap3A_505], %swap3A_508 {strides = array<i32>} : memref<80x128xi32, #tpu.memory_space<vmem>>, vector<1x16xi32>,
      %slice3A_509 = vector.extract_strided_slice %get3A_482 {offsets = [1], sizes = [1], strides = [1]} : vector<16xi32> to vector<1xi32>
      %squeeze3A_510 = vector.extract %slice3A_509[0] : i32 from vector<1xi32>
      %shift_right_logical3A_511 = arith.constant 7 : i32
      %shift_right_logical3A_512 = arith.shrui %squeeze3A_510, %shift_right_logical3A_511 : i32
      %shift_right_logical3A_513 = arith.constant 4 : i32
      %shift_right_logical3A_514 = arith.shrui %squeeze3A_510, %shift_right_logical3A_513 : i32
      %and3A_515 = arith.constant 7 : i32
      %and3A_516 = arith.andi %shift_right_logical3A_514, %and3A_515 : i32
      %mul3A_517 = arith.constant 16 : i32
      %mul3A_518 = arith.muli %and3A_516, %mul3A_517 : i32
      %and3A_519 = arith.constant 15 : i32
      %and3A_520 = arith.andi %squeeze3A_510, %and3A_519 : i32
      %get3A_521 = arith.index_cast %shift_right_logical3A_512 : i32 to index
      %get3A_522 = arith.index_cast %mul3A_518 : i32 to index
      %get3A_523 = tpu.vector_load %arg4[%get3A_521, %get3A_522] {strides = array<i32>} : memref<80x128xi32, #tpu.memory_space<vmem>>, vector<1x16xi32>,
      %get3A_524 = vector.shape_cast %get3A_523 : vector<1x16xi32> to vector<16xi32>
      %get3A_525 = arith.index_cast %and3A_520 : i32 to index
      %get3A_526 = arith.constant 0 : index
      %get3A_527 = tpu.vector_load %arg6[%get3A_525, %get3A_526] {strides = array<i32>} : memref<16x16xi32, #tpu.memory_space<vmem>>, vector<1x16xi32>,
      %get3A_528 = vector.shape_cast %get3A_527 : vector<1x16xi32> to vector<16xi32>
      %add3A_529 = arith.addi %get3A_524, %get3A_528 : vector<16xi32>
      %swap3A_530 = arith.index_cast %shift_right_logical3A_512 : i32 to index
      %swap3A_531 = arith.index_cast %mul3A_518 : i32 to index
      %swap3A_532 = tpu.vector_load %arg4[%swap3A_530, %swap3A_531] {strides = array<i32>} : memref<80x128xi32, #tpu.memory_space<vmem>>, vector<1x16xi32>,
      %swap3A_533 = vector.shape_cast %swap3A_532 : vector<1x16xi32> to vector<16xi32>
      %swap3A_534 = vector.shape_cast %add3A_529 : vector<16xi32> to vector<1x16xi32>
      tpu.vector_store %arg4[%swap3A_530, %swap3A_531], %swap3A_534 {strides = array<i32>} : memref<80x128xi32, #tpu.memory_space<vmem>>, vector<1x16xi32>,
      %slice3A_535 = vector.extract_strided_slice %get3A_482 {offsets = [2], sizes = [1], strides = [1]} : vector<16xi32> to vector<1xi32>
      %squeeze3A_536 = vector.extract %slice3A_535[0] : i32 from vector<1xi32>
      %shift_right_logical3A_537 = arith.constant 7 : i32
      %shift_right_logical3A_538 = arith.shrui %squeeze3A_536, %shift_right_logical3A_537 : i32
      %shift_right_logical3A_539 = arith.constant 4 : i32
      %shift_right_logical3A_540 = arith.shrui %squeeze3A_536, %shift_right_logical3A_539 : i32
      %and3A_541 = arith.constant 7 : i32
      %and3A_542 = arith.andi %shift_right_logical3A_540, %and3A_541 : i32
      %mul3A_543 = arith.constant 16 : i32
      %mul3A_544 = arith.muli %and3A_542, %mul3A_543 : i32
      %and3A_545 = arith.constant 15 : i32
      %and3A_546 = arith.andi %squeeze3A_536, %and3A_545 : i32
      %get3A_547 = arith.index_cast %shift_right_logical3A_538 : i32 to index
      %get3A_548 = arith.index_cast %mul3A_544 : i32 to index
      %get3A_549 = tpu.vector_load %arg4[%get3A_547, %get3A_548] {strides = array<i32>} : memref<80x128xi32, #tpu.memory_space<vmem>>, vector<1x16xi32>,
      %get3A_550 = vector.shape_cast %get3A_549 : vector<1x16xi32> to vector<16xi32>
      %get3A_551 = arith.index_cast %and3A_546 : i32 to index
      %get3A_552 = arith.constant 0 : index
      %get3A_553 = tpu.vector_load %arg6[%get3A_551, %get3A_552] {strides = array<i32>} : memref<16x16xi32, #tpu.memory_space<vmem>>, vector<1x16xi32>,
      %get3A_554 = vector.shape_cast %get3A_553 : vector<1x16xi32> to vector<16xi32>
      %add3A_555 = arith.addi %get3A_550, %get3A_554 : vector<16xi32>
      %swap3A_556 = arith.index_cast %shift_right_logical3A_538 : i32 to index
      %swap3A_557 = arith.index_cast %mul3A_544 : i32 to index
      %swap3A_558 = tpu.vector_load %arg4[%swap3A_556, %swap3A_557] {strides = array<i32>} : memref<80x128xi32, #tpu.memory_space<vmem>>, vector<1x16xi32>,
      %swap3A_559 = vector.shape_cast %swap3A_558 : vector<1x16xi32> to vector<16xi32>
      %swap3A_560 = vector.shape_cast %add3A_555 : vector<16xi32> to vector<1x16xi32>
      tpu.vector_store %arg4[%swap3A_556, %swap3A_557], %swap3A_560 {strides = array<i32>} : memref<80x128xi32, #tpu.memory_space<vmem>>, vector<1x16xi32>,
      %slice3A_561 = vector.extract_strided_slice %get3A_482 {offsets = [3], sizes = [1], strides = [1]} : vector<16xi32> to vector<1xi32>
      %squeeze3A_562 = vector.extract %slice3A_561[0] : i32 from vector<1xi32>
      %shift_right_logical3A_563 = arith.constant 7 : i32
      %shift_right_logical3A_564 = arith.shrui %squeeze3A_562, %shift_right_logical3A_563 : i32
      %shift_right_logical3A_565 = arith.constant 4 : i32
      %shift_right_logical3A_566 = arith.shrui %squeeze3A_562, %shift_right_logical3A_565 : i32
      %and3A_567 = arith.constant 7 : i32
      %and3A_568 = arith.andi %shift_right_logical3A_566, %and3A_567 : i32
      %mul3A_569 = arith.constant 16 : i32
      %mul3A_570 = arith.muli %and3A_568, %mul3A_569 : i32
      %and3A_571 = arith.constant 15 : i32
      %and3A_572 = arith.andi %squeeze3A_562, %and3A_571 : i32
      %get3A_573 = arith.index_cast %shift_right_logical3A_564 : i32 to index
      %get3A_574 = arith.index_cast %mul3A_570 : i32 to index
      %get3A_575 = tpu.vector_load %arg4[%get3A_573, %get3A_574] {strides = array<i32>} : memref<80x128xi32, #tpu.memory_space<vmem>>, vector<1x16xi32>,
      %get3A_576 = vector.shape_cast %get3A_575 : vector<1x16xi32> to vector<16xi32>
      %get3A_577 = arith.index_cast %and3A_572 : i32 to index
      %get3A_578 = arith.constant 0 : index
      %get3A_579 = tpu.vector_load %arg6[%get3A_577, %get3A_578] {strides = array<i32>} : memref<16x16xi32, #tpu.memory_space<vmem>>, vector<1x16xi32>,
      %get3A_580 = vector.shape_cast %get3A_579 : vector<1x16xi32> to vector<16xi32>
      %add3A_581 = arith.addi %get3A_576, %get3A_580 : vector<16xi32>
      %swap3A_582 = arith.index_cast %shift_right_logical3A_564 : i32 to index
      %swap3A_583 = arith.index_cast %mul3A_570 : i32 to index
      %swap3A_584 = tpu.vector_load %arg4[%swap3A_582, %swap3A_583] {strides = array<i32>} : memref<80x128xi32, #tpu.memory_space<vmem>>, vector<1x16xi32>,
      %swap3A_585 = vector.shape_cast %swap3A_584 : vector<1x16xi32> to vector<16xi32>
      %swap3A_586 = vector.shape_cast %add3A_581 : vector<16xi32> to vector<1x16xi32>
      tpu.vector_store %arg4[%swap3A_582, %swap3A_583], %swap3A_586 {strides = array<i32>} : memref<80x128xi32, #tpu.memory_space<vmem>>, vector<1x16xi32>,
      %slice3A_587 = vector.extract_strided_slice %get3A_482 {offsets = [4], sizes = [1], strides = [1]} : vector<16xi32> to vector<1xi32>
      %squeeze3A_588 = vector.extract %slice3A_587[0] : i32 from vector<1xi32>
      %shift_right_logical3A_589 = arith.constant 7 : i32
      %shift_right_logical3A_590 = arith.shrui %squeeze3A_588, %shift_right_logical3A_589 : i32
      %shift_right_logical3A_591 = arith.constant 4 : i32
      %shift_right_logical3A_592 = arith.shrui %squeeze3A_588, %shift_right_logical3A_591 : i32
      %and3A_593 = arith.constant 7 : i32
      %and3A_594 = arith.andi %shift_right_logical3A_592, %and3A_593 : i32
      %mul3A_595 = arith.constant 16 : i32
      %mul3A_596 = arith.muli %and3A_594, %mul3A_595 : i32
      %and3A_597 = arith.constant 15 : i32
      %and3A_598 = arith.andi %squeeze3A_588, %and3A_597 : i32
      %get3A_599 = arith.index_cast %shift_right_logical3A_590 : i32 to index
      %get3A_600 = arith.index_cast %mul3A_596 : i32 to index
      %get3A_601 = tpu.vector_load %arg4[%get3A_599, %get3A_600] {strides = array<i32>} : memref<80x128xi32, #tpu.memory_space<vmem>>, vector<1x16xi32>,
      %get3A_602 = vector.shape_cast %get3A_601 : vector<1x16xi32> to vector<16xi32>
      %get3A_603 = arith.index_cast %and3A_598 : i32 to index
      %get3A_604 = arith.constant 0 : index
      %get3A_605 = tpu.vector_load %arg6[%get3A_603, %get3A_604] {strides = array<i32>} : memref<16x16xi32, #tpu.memory_space<vmem>>, vector<1x16xi32>,
      %get3A_606 = vector.shape_cast %get3A_605 : vector<1x16xi32> to vector<16xi32>
      %add3A_607 = arith.addi %get3A_602, %get3A_606 : vector<16xi32>
      %swap3A_608 = arith.index_cast %shift_right_logical3A_590 : i32 to index
      %swap3A_609 = arith.index_cast %mul3A_596 : i32 to index
      %swap3A_610 = tpu.vector_load %arg4[%swap3A_608, %swap3A_609] {strides = array<i32>} : memref<80x128xi32, #tpu.memory_space<vmem>>, vector<1x16xi32>,
      %swap3A_611 = vector.shape_cast %swap3A_610 : vector<1x16xi32> to vector<16xi32>
      %swap3A_612 = vector.shape_cast %add3A_607 : vector<16xi32> to vector<1x16xi32>
      tpu.vector_store %arg4[%swap3A_608, %swap3A_609], %swap3A_612 {strides = array<i32>} : memref<80x128xi32, #tpu.memory_space<vmem>>, vector<1x16xi32>,
      %slice3A_613 = vector.extract_strided_slice %get3A_482 {offsets = [5], sizes = [1], strides = [1]} : vector<16xi32> to vector<1xi32>
      %squeeze3A_614 = vector.extract %slice3A_613[0] : i32 from vector<1xi32>
      %shift_right_logical3A_615 = arith.constant 7 : i32
      %shift_right_logical3A_616 = arith.shrui %squeeze3A_614, %shift_right_logical3A_615 : i32
      %shift_right_logical3A_617 = arith.constant 4 : i32
      %shift_right_logical3A_618 = arith.shrui %squeeze3A_614, %shift_right_logical3A_617 : i32
      %and3A_619 = arith.constant 7 : i32
      %and3A_620 = arith.andi %shift_right_logical3A_618, %and3A_619 : i32
      %mul3A_621 = arith.constant 16 : i32
      %mul3A_622 = arith.muli %and3A_620, %mul3A_621 : i32
      %and3A_623 = arith.constant 15 : i32
      %and3A_624 = arith.andi %squeeze3A_614, %and3A_623 : i32
      %get3A_625 = arith.index_cast %shift_right_logical3A_616 : i32 to index
      %get3A_626 = arith.index_cast %mul3A_622 : i32 to index
      %get3A_627 = tpu.vector_load %arg4[%get3A_625, %get3A_626] {strides = array<i32>} : memref<80x128xi32, #tpu.memory_space<vmem>>, vector<1x16xi32>,
      %get3A_628 = vector.shape_cast %get3A_627 : vector<1x16xi32> to vector<16xi32>
      %get3A_629 = arith.index_cast %and3A_624 : i32 to index
      %get3A_630 = arith.constant 0 : index
      %get3A_631 = tpu.vector_load %arg6[%get3A_629, %get3A_630] {strides = array<i32>} : memref<16x16xi32, #tpu.memory_space<vmem>>, vector<1x16xi32>,
      %get3A_632 = vector.shape_cast %get3A_631 : vector<1x16xi32> to vector<16xi32>
      %add3A_633 = arith.addi %get3A_628, %get3A_632 : vector<16xi32>
      %swap3A_634 = arith.index_cast %shift_right_logical3A_616 : i32 to index
      %swap3A_635 = arith.index_cast %mul3A_622 : i32 to index
      %swap3A_636 = tpu.vector_load %arg4[%swap3A_634, %swap3A_635] {strides = array<i32>} : memref<80x128xi32, #tpu.memory_space<vmem>>, vector<1x16xi32>,
      %swap3A_637 = vector.shape_cast %swap3A_636 : vector<1x16xi32> to vector<16xi32>
      %swap3A_638 = vector.shape_cast %add3A_633 : vector<16xi32> to vector<1x16xi32>
      tpu.vector_store %arg4[%swap3A_634, %swap3A_635], %swap3A_638 {strides = array<i32>} : memref<80x128xi32, #tpu.memory_space<vmem>>, vector<1x16xi32>,
      %slice3A_639 = vector.extract_strided_slice %get3A_482 {offsets = [6], sizes = [1], strides = [1]} : vector<16xi32> to vector<1xi32>
      %squeeze3A_640 = vector.extract %slice3A_639[0] : i32 from vector<1xi32>
      %shift_right_logical3A_641 = arith.constant 7 : i32
      %shift_right_logical3A_642 = arith.shrui %squeeze3A_640, %shift_right_logical3A_641 : i32
      %shift_right_logical3A_643 = arith.constant 4 : i32
      %shift_right_logical3A_644 = arith.shrui %squeeze3A_640, %shift_right_logical3A_643 : i32
      %and3A_645 = arith.constant 7 : i32
      %and3A_646 = arith.andi %shift_right_logical3A_644, %and3A_645 : i32
      %mul3A_647 = arith.constant 16 : i32
      %mul3A_648 = arith.muli %and3A_646, %mul3A_647 : i32
      %and3A_649 = arith.constant 15 : i32
      %and3A_650 = arith.andi %squeeze3A_640, %and3A_649 : i32
      %get3A_651 = arith.index_cast %shift_right_logical3A_642 : i32 to index
      %get3A_652 = arith.index_cast %mul3A_648 : i32 to index
      %get3A_653 = tpu.vector_load %arg4[%get3A_651, %get3A_652] {strides = array<i32>} : memref<80x128xi32, #tpu.memory_space<vmem>>, vector<1x16xi32>,
      %get3A_654 = vector.shape_cast %get3A_653 : vector<1x16xi32> to vector<16xi32>
      %get3A_655 = arith.index_cast %and3A_650 : i32 to index
      %get3A_656 = arith.constant 0 : index
      %get3A_657 = tpu.vector_load %arg6[%get3A_655, %get3A_656] {strides = array<i32>} : memref<16x16xi32, #tpu.memory_space<vmem>>, vector<1x16xi32>,
      %get3A_658 = vector.shape_cast %get3A_657 : vector<1x16xi32> to vector<16xi32>
      %add3A_659 = arith.addi %get3A_654, %get3A_658 : vector<16xi32>
      %swap3A_660 = arith.index_cast %shift_right_logical3A_642 : i32 to index
      %swap3A_661 = arith.index_cast %mul3A_648 : i32 to index
      %swap3A_662 = tpu.vector_load %arg4[%swap3A_660, %swap3A_661] {strides = array<i32>} : memref<80x128xi32, #tpu.memory_space<vmem>>, vector<1x16xi32>,
      %swap3A_663 = vector.shape_cast %swap3A_662 : vector<1x16xi32> to vector<16xi32>
      %swap3A_664 = vector.shape_cast %add3A_659 : vector<16xi32> to vector<1x16xi32>
      tpu.vector_store %arg4[%swap3A_660, %swap3A_661], %swap3A_664 {strides = array<i32>} : memref<80x128xi32, #tpu.memory_space<vmem>>, vector<1x16xi32>,
      %slice3A_665 = vector.extract_strided_slice %get3A_482 {offsets = [7], sizes = [1], strides = [1]} : vector<16xi32> to vector<1xi32>
      %squeeze3A_666 = vector.extract %slice3A_665[0] : i32 from vector<1xi32>
      %shift_right_logical3A_667 = arith.constant 7 : i32
      %shift_right_logical3A_668 = arith.shrui %squeeze3A_666, %shift_right_logical3A_667 : i32
      %shift_right_logical3A_669 = arith.constant 4 : i32
      %shift_right_logical3A_670 = arith.shrui %squeeze3A_666, %shift_right_logical3A_669 : i32
      %and3A_671 = arith.constant 7 : i32
      %and3A_672 = arith.andi %shift_right_logical3A_670, %and3A_671 : i32
      %mul3A_673 = arith.constant 16 : i32
      %mul3A_674 = arith.muli %and3A_672, %mul3A_673 : i32
      %and3A_675 = arith.constant 15 : i32
      %and3A_676 = arith.andi %squeeze3A_666, %and3A_675 : i32
      %get3A_677 = arith.index_cast %shift_right_logical3A_668 : i32 to index
      %get3A_678 = arith.index_cast %mul3A_674 : i32 to index
      %get3A_679 = tpu.vector_load %arg4[%get3A_677, %get3A_678] {strides = array<i32>} : memref<80x128xi32, #tpu.memory_space<vmem>>, vector<1x16xi32>,
      %get3A_680 = vector.shape_cast %get3A_679 : vector<1x16xi32> to vector<16xi32>
      %get3A_681 = arith.index_cast %and3A_676 : i32 to index
      %get3A_682 = arith.constant 0 : index
      %get3A_683 = tpu.vector_load %arg6[%get3A_681, %get3A_682] {strides = array<i32>} : memref<16x16xi32, #tpu.memory_space<vmem>>, vector<1x16xi32>,
      %get3A_684 = vector.shape_cast %get3A_683 : vector<1x16xi32> to vector<16xi32>
      %add3A_685 = arith.addi %get3A_680, %get3A_684 : vector<16xi32>
      %swap3A_686 = arith.index_cast %shift_right_logical3A_668 : i32 to index
      %swap3A_687 = arith.index_cast %mul3A_674 : i32 to index
      %swap3A_688 = tpu.vector_load %arg4[%swap3A_686, %swap3A_687] {strides = array<i32>} : memref<80x128xi32, #tpu.memory_space<vmem>>, vector<1x16xi32>,
      %swap3A_689 = vector.shape_cast %swap3A_688 : vector<1x16xi32> to vector<16xi32>
      %swap3A_690 = vector.shape_cast %add3A_685 : vector<16xi32> to vector<1x16xi32>
      tpu.vector_store %arg4[%swap3A_686, %swap3A_687], %swap3A_690 {strides = array<i32>} : memref<80x128xi32, #tpu.memory_space<vmem>>, vector<1x16xi32>,
      %slice3A_691 = vector.extract_strided_slice %get3A_482 {offsets = [8], sizes = [1], strides = [1]} : vector<16xi32> to vector<1xi32>
      %squeeze3A_692 = vector.extract %slice3A_691[0] : i32 from vector<1xi32>
      %shift_right_logical3A_693 = arith.constant 7 : i32
      %shift_right_logical3A_694 = arith.shrui %squeeze3A_692, %shift_right_logical3A_693 : i32
      %shift_right_logical3A_695 = arith.constant 4 : i32
      %shift_right_logical3A_696 = arith.shrui %squeeze3A_692, %shift_right_logical3A_695 : i32
      %and3A_697 = arith.constant 7 : i32
      %and3A_698 = arith.andi %shift_right_logical3A_696, %and3A_697 : i32
      %mul3A_699 = arith.constant 16 : i32
      %mul3A_700 = arith.muli %and3A_698, %mul3A_699 : i32
      %and3A_701 = arith.constant 15 : i32
      %and3A_702 = arith.andi %squeeze3A_692, %and3A_701 : i32
      %get3A_703 = arith.index_cast %shift_right_logical3A_694 : i32 to index
      %get3A_704 = arith.index_cast %mul3A_700 : i32 to index
      %get3A_705 = tpu.vector_load %arg4[%get3A_703, %get3A_704] {strides = array<i32>} : memref<80x128xi32, #tpu.memory_space<vmem>>, vector<1x16xi32>,
      %get3A_706 = vector.shape_cast %get3A_705 : vector<1x16xi32> to vector<16xi32>
      %get3A_707 = arith.index_cast %and3A_702 : i32 to index
      %get3A_708 = arith.constant 0 : index
      %get3A_709 = tpu.vector_load %arg6[%get3A_707, %get3A_708] {strides = array<i32>} : memref<16x16xi32, #tpu.memory_space<vmem>>, vector<1x16xi32>,
      %get3A_710 = vector.shape_cast %get3A_709 : vector<1x16xi32> to vector<16xi32>
      %add3A_711 = arith.addi %get3A_706, %get3A_710 : vector<16xi32>
      %swap3A_712 = arith.index_cast %shift_right_logical3A_694 : i32 to index
      %swap3A_713 = arith.index_cast %mul3A_700 : i32 to index
      %swap3A_714 = tpu.vector_load %arg4[%swap3A_712, %swap3A_713] {strides = array<i32>} : memref<80x128xi32, #tpu.memory_space<vmem>>, vector<1x16xi32>,
      %swap3A_715 = vector.shape_cast %swap3A_714 : vector<1x16xi32> to vector<16xi32>
      %swap3A_716 = vector.shape_cast %add3A_711 : vector<16xi32> to vector<1x16xi32>
      tpu.vector_store %arg4[%swap3A_712, %swap3A_713], %swap3A_716 {strides = array<i32>} : memref<80x128xi32, #tpu.memory_space<vmem>>, vector<1x16xi32>,
      %slice3A_717 = vector.extract_strided_slice %get3A_482 {offsets = [9], sizes = [1], strides = [1]} : vector<16xi32> to vector<1xi32>
      %squeeze3A_718 = vector.extract %slice3A_717[0] : i32 from vector<1xi32>
      %shift_right_logical3A_719 = arith.constant 7 : i32
      %shift_right_logical3A_720 = arith.shrui %squeeze3A_718, %shift_right_logical3A_719 : i32
      %shift_right_logical3A_721 = arith.constant 4 : i32
      %shift_right_logical3A_722 = arith.shrui %squeeze3A_718, %shift_right_logical3A_721 : i32
      %and3A_723 = arith.constant 7 : i32
      %and3A_724 = arith.andi %shift_right_logical3A_722, %and3A_723 : i32
      %mul3A_725 = arith.constant 16 : i32
      %mul3A_726 = arith.muli %and3A_724, %mul3A_725 : i32
      %and3A_727 = arith.constant 15 : i32
      %and3A_728 = arith.andi %squeeze3A_718, %and3A_727 : i32
      %get3A_729 = arith.index_cast %shift_right_logical3A_720 : i32 to index
      %get3A_730 = arith.index_cast %mul3A_726 : i32 to index
      %get3A_731 = tpu.vector_load %arg4[%get3A_729, %get3A_730] {strides = array<i32>} : memref<80x128xi32, #tpu.memory_space<vmem>>, vector<1x16xi32>,
      %get3A_732 = vector.shape_cast %get3A_731 : vector<1x16xi32> to vector<16xi32>
      %get3A_733 = arith.index_cast %and3A_728 : i32 to index
      %get3A_734 = arith.constant 0 : index
      %get3A_735 = tpu.vector_load %arg6[%get3A_733, %get3A_734] {strides = array<i32>} : memref<16x16xi32, #tpu.memory_space<vmem>>, vector<1x16xi32>,
      %get3A_736 = vector.shape_cast %get3A_735 : vector<1x16xi32> to vector<16xi32>
      %add3A_737 = arith.addi %get3A_732, %get3A_736 : vector<16xi32>
      %swap3A_738 = arith.index_cast %shift_right_logical3A_720 : i32 to index
      %swap3A_739 = arith.index_cast %mul3A_726 : i32 to index
      %swap3A_740 = tpu.vector_load %arg4[%swap3A_738, %swap3A_739] {strides = array<i32>} : memref<80x128xi32, #tpu.memory_space<vmem>>, vector<1x16xi32>,
      %swap3A_741 = vector.shape_cast %swap3A_740 : vector<1x16xi32> to vector<16xi32>
      %swap3A_742 = vector.shape_cast %add3A_737 : vector<16xi32> to vector<1x16xi32>
      tpu.vector_store %arg4[%swap3A_738, %swap3A_739], %swap3A_742 {strides = array<i32>} : memref<80x128xi32, #tpu.memory_space<vmem>>, vector<1x16xi32>,
      %slice3A_743 = vector.extract_strided_slice %get3A_482 {offsets = [10], sizes = [1], strides = [1]} : vector<16xi32> to vector<1xi32>
      %squeeze3A_744 = vector.extract %slice3A_743[0] : i32 from vector<1xi32>
      %shift_right_logical3A_745 = arith.constant 7 : i32
      %shift_right_logical3A_746 = arith.shrui %squeeze3A_744, %shift_right_logical3A_745 : i32
      %shift_right_logical3A_747 = arith.constant 4 : i32
      %shift_right_logical3A_748 = arith.shrui %squeeze3A_744, %shift_right_logical3A_747 : i32
      %and3A_749 = arith.constant 7 : i32
      %and3A_750 = arith.andi %shift_right_logical3A_748, %and3A_749 : i32
      %mul3A_751 = arith.constant 16 : i32
      %mul3A_752 = arith.muli %and3A_750, %mul3A_751 : i32
      %and3A_753 = arith.constant 15 : i32
      %and3A_754 = arith.andi %squeeze3A_744, %and3A_753 : i32
      %get3A_755 = arith.index_cast %shift_right_logical3A_746 : i32 to index
      %get3A_756 = arith.index_cast %mul3A_752 : i32 to index
      %get3A_757 = tpu.vector_load %arg4[%get3A_755, %get3A_756] {strides = array<i32>} : memref<80x128xi32, #tpu.memory_space<vmem>>, vector<1x16xi32>,
      %get3A_758 = vector.shape_cast %get3A_757 : vector<1x16xi32> to vector<16xi32>
      %get3A_759 = arith.index_cast %and3A_754 : i32 to index
      %get3A_760 = arith.constant 0 : index
      %get3A_761 = tpu.vector_load %arg6[%get3A_759, %get3A_760] {strides = array<i32>} : memref<16x16xi32, #tpu.memory_space<vmem>>, vector<1x16xi32>,
      %get3A_762 = vector.shape_cast %get3A_761 : vector<1x16xi32> to vector<16xi32>
      %add3A_763 = arith.addi %get3A_758, %get3A_762 : vector<16xi32>
      %swap3A_764 = arith.index_cast %shift_right_logical3A_746 : i32 to index
      %swap3A_765 = arith.index_cast %mul3A_752 : i32 to index
      %swap3A_766 = tpu.vector_load %arg4[%swap3A_764, %swap3A_765] {strides = array<i32>} : memref<80x128xi32, #tpu.memory_space<vmem>>, vector<1x16xi32>,
      %swap3A_767 = vector.shape_cast %swap3A_766 : vector<1x16xi32> to vector<16xi32>
      %swap3A_768 = vector.shape_cast %add3A_763 : vector<16xi32> to vector<1x16xi32>
      tpu.vector_store %arg4[%swap3A_764, %swap3A_765], %swap3A_768 {strides = array<i32>} : memref<80x128xi32, #tpu.memory_space<vmem>>, vector<1x16xi32>,
      %slice3A_769 = vector.extract_strided_slice %get3A_482 {offsets = [11], sizes = [1], strides = [1]} : vector<16xi32> to vector<1xi32>
      %squeeze3A_770 = vector.extract %slice3A_769[0] : i32 from vector<1xi32>
      %shift_right_logical3A_771 = arith.constant 7 : i32
      %shift_right_logical3A_772 = arith.shrui %squeeze3A_770, %shift_right_logical3A_771 : i32
      %shift_right_logical3A_773 = arith.constant 4 : i32
      %shift_right_logical3A_774 = arith.shrui %squeeze3A_770, %shift_right_logical3A_773 : i32
      %and3A_775 = arith.constant 7 : i32
      %and3A_776 = arith.andi %shift_right_logical3A_774, %and3A_775 : i32
      %mul3A_777 = arith.constant 16 : i32
      %mul3A_778 = arith.muli %and3A_776, %mul3A_777 : i32
      %and3A_779 = arith.constant 15 : i32
      %and3A_780 = arith.andi %squeeze3A_770, %and3A_779 : i32
      %get3A_781 = arith.index_cast %shift_right_logical3A_772 : i32 to index
      %get3A_782 = arith.index_cast %mul3A_778 : i32 to index
      %get3A_783 = tpu.vector_load %arg4[%get3A_781, %get3A_782] {strides = array<i32>} : memref<80x128xi32, #tpu.memory_space<vmem>>, vector<1x16xi32>,
      %get3A_784 = vector.shape_cast %get3A_783 : vector<1x16xi32> to vector<16xi32>
      %get3A_785 = arith.index_cast %and3A_780 : i32 to index
      %get3A_786 = arith.constant 0 : index
      %get3A_787 = tpu.vector_load %arg6[%get3A_785, %get3A_786] {strides = array<i32>} : memref<16x16xi32, #tpu.memory_space<vmem>>, vector<1x16xi32>,
      %get3A_788 = vector.shape_cast %get3A_787 : vector<1x16xi32> to vector<16xi32>
      %add3A_789 = arith.addi %get3A_784, %get3A_788 : vector<16xi32>
      %swap3A_790 = arith.index_cast %shift_right_logical3A_772 : i32 to index
      %swap3A_791 = arith.index_cast %mul3A_778 : i32 to index
      %swap3A_792 = tpu.vector_load %arg4[%swap3A_790, %swap3A_791] {strides = array<i32>} : memref<80x128xi32, #tpu.memory_space<vmem>>, vector<1x16xi32>,
      %swap3A_793 = vector.shape_cast %swap3A_792 : vector<1x16xi32> to vector<16xi32>
      %swap3A_794 = vector.shape_cast %add3A_789 : vector<16xi32> to vector<1x16xi32>
      tpu.vector_store %arg4[%swap3A_790, %swap3A_791], %swap3A_794 {strides = array<i32>} : memref<80x128xi32, #tpu.memory_space<vmem>>, vector<1x16xi32>,
      %slice3A_795 = vector.extract_strided_slice %get3A_482 {offsets = [12], sizes = [1], strides = [1]} : vector<16xi32> to vector<1xi32>
      %squeeze3A_796 = vector.extract %slice3A_795[0] : i32 from vector<1xi32>
      %shift_right_logical3A_797 = arith.constant 7 : i32
      %shift_right_logical3A_798 = arith.shrui %squeeze3A_796, %shift_right_logical3A_797 : i32
      %shift_right_logical3A_799 = arith.constant 4 : i32
      %shift_right_logical3A_800 = arith.shrui %squeeze3A_796, %shift_right_logical3A_799 : i32
      %and3A_801 = arith.constant 7 : i32
      %and3A_802 = arith.andi %shift_right_logical3A_800, %and3A_801 : i32
      %mul3A_803 = arith.constant 16 : i32
      %mul3A_804 = arith.muli %and3A_802, %mul3A_803 : i32
      %and3A_805 = arith.constant 15 : i32
      %and3A_806 = arith.andi %squeeze3A_796, %and3A_805 : i32
      %get3A_807 = arith.index_cast %shift_right_logical3A_798 : i32 to index
      %get3A_808 = arith.index_cast %mul3A_804 : i32 to index
      %get3A_809 = tpu.vector_load %arg4[%get3A_807, %get3A_808] {strides = array<i32>} : memref<80x128xi32, #tpu.memory_space<vmem>>, vector<1x16xi32>,
      %get3A_810 = vector.shape_cast %get3A_809 : vector<1x16xi32> to vector<16xi32>
      %get3A_811 = arith.index_cast %and3A_806 : i32 to index
      %get3A_812 = arith.constant 0 : index
      %get3A_813 = tpu.vector_load %arg6[%get3A_811, %get3A_812] {strides = array<i32>} : memref<16x16xi32, #tpu.memory_space<vmem>>, vector<1x16xi32>,
      %get3A_814 = vector.shape_cast %get3A_813 : vector<1x16xi32> to vector<16xi32>
      %add3A_815 = arith.addi %get3A_810, %get3A_814 : vector<16xi32>
      %swap3A_816 = arith.index_cast %shift_right_logical3A_798 : i32 to index
      %swap3A_817 = arith.index_cast %mul3A_804 : i32 to index
      %swap3A_818 = tpu.vector_load %arg4[%swap3A_816, %swap3A_817] {strides = array<i32>} : memref<80x128xi32, #tpu.memory_space<vmem>>, vector<1x16xi32>,
      %swap3A_819 = vector.shape_cast %swap3A_818 : vector<1x16xi32> to vector<16xi32>
      %swap3A_820 = vector.shape_cast %add3A_815 : vector<16xi32> to vector<1x16xi32>
      tpu.vector_store %arg4[%swap3A_816, %swap3A_817], %swap3A_820 {strides = array<i32>} : memref<80x128xi32, #tpu.memory_space<vmem>>, vector<1x16xi32>,
      %slice3A_821 = vector.extract_strided_slice %get3A_482 {offsets = [13], sizes = [1], strides = [1]} : vector<16xi32> to vector<1xi32>
      %squeeze3A_822 = vector.extract %slice3A_821[0] : i32 from vector<1xi32>
      %shift_right_logical3A_823 = arith.constant 7 : i32
      %shift_right_logical3A_824 = arith.shrui %squeeze3A_822, %shift_right_logical3A_823 : i32
      %shift_right_logical3A_825 = arith.constant 4 : i32
      %shift_right_logical3A_826 = arith.shrui %squeeze3A_822, %shift_right_logical3A_825 : i32
      %and3A_827 = arith.constant 7 : i32
      %and3A_828 = arith.andi %shift_right_logical3A_826, %and3A_827 : i32
      %mul3A_829 = arith.constant 16 : i32
      %mul3A_830 = arith.muli %and3A_828, %mul3A_829 : i32
      %and3A_831 = arith.constant 15 : i32
      %and3A_832 = arith.andi %squeeze3A_822, %and3A_831 : i32
      %get3A_833 = arith.index_cast %shift_right_logical3A_824 : i32 to index
      %get3A_834 = arith.index_cast %mul3A_830 : i32 to index
      %get3A_835 = tpu.vector_load %arg4[%get3A_833, %get3A_834] {strides = array<i32>} : memref<80x128xi32, #tpu.memory_space<vmem>>, vector<1x16xi32>,
      %get3A_836 = vector.shape_cast %get3A_835 : vector<1x16xi32> to vector<16xi32>
      %get3A_837 = arith.index_cast %and3A_832 : i32 to index
      %get3A_838 = arith.constant 0 : index
      %get3A_839 = tpu.vector_load %arg6[%get3A_837, %get3A_838] {strides = array<i32>} : memref<16x16xi32, #tpu.memory_space<vmem>>, vector<1x16xi32>,
      %get3A_840 = vector.shape_cast %get3A_839 : vector<1x16xi32> to vector<16xi32>
      %add3A_841 = arith.addi %get3A_836, %get3A_840 : vector<16xi32>
      %swap3A_842 = arith.index_cast %shift_right_logical3A_824 : i32 to index
      %swap3A_843 = arith.index_cast %mul3A_830 : i32 to index
      %swap3A_844 = tpu.vector_load %arg4[%swap3A_842, %swap3A_843] {strides = array<i32>} : memref<80x128xi32, #tpu.memory_space<vmem>>, vector<1x16xi32>,
      %swap3A_845 = vector.shape_cast %swap3A_844 : vector<1x16xi32> to vector<16xi32>
      %swap3A_846 = vector.shape_cast %add3A_841 : vector<16xi32> to vector<1x16xi32>
      tpu.vector_store %arg4[%swap3A_842, %swap3A_843], %swap3A_846 {strides = array<i32>} : memref<80x128xi32, #tpu.memory_space<vmem>>, vector<1x16xi32>,
      %slice3A_847 = vector.extract_strided_slice %get3A_482 {offsets = [14], sizes = [1], strides = [1]} : vector<16xi32> to vector<1xi32>
      %squeeze3A_848 = vector.extract %slice3A_847[0] : i32 from vector<1xi32>
      %shift_right_logical3A_849 = arith.constant 7 : i32
      %shift_right_logical3A_850 = arith.shrui %squeeze3A_848, %shift_right_logical3A_849 : i32
      %shift_right_logical3A_851 = arith.constant 4 : i32
      %shift_right_logical3A_852 = arith.shrui %squeeze3A_848, %shift_right_logical3A_851 : i32
      %and3A_853 = arith.constant 7 : i32
      %and3A_854 = arith.andi %shift_right_logical3A_852, %and3A_853 : i32
      %mul3A_855 = arith.constant 16 : i32
      %mul3A_856 = arith.muli %and3A_854, %mul3A_855 : i32
      %and3A_857 = arith.constant 15 : i32
      %and3A_858 = arith.andi %squeeze3A_848, %and3A_857 : i32
      %get3A_859 = arith.index_cast %shift_right_logical3A_850 : i32 to index
      %get3A_860 = arith.index_cast %mul3A_856 : i32 to index
      %get3A_861 = tpu.vector_load %arg4[%get3A_859, %get3A_860] {strides = array<i32>} : memref<80x128xi32, #tpu.memory_space<vmem>>, vector<1x16xi32>,
      %get3A_862 = vector.shape_cast %get3A_861 : vector<1x16xi32> to vector<16xi32>
      %get3A_863 = arith.index_cast %and3A_858 : i32 to index
      %get3A_864 = arith.constant 0 : index
      %get3A_865 = tpu.vector_load %arg6[%get3A_863, %get3A_864] {strides = array<i32>} : memref<16x16xi32, #tpu.memory_space<vmem>>, vector<1x16xi32>,
      %get3A_866 = vector.shape_cast %get3A_865 : vector<1x16xi32> to vector<16xi32>
      %add3A_867 = arith.addi %get3A_862, %get3A_866 : vector<16xi32>
      %swap3A_868 = arith.index_cast %shift_right_logical3A_850 : i32 to index
      %swap3A_869 = arith.index_cast %mul3A_856 : i32 to index
      %swap3A_870 = tpu.vector_load %arg4[%swap3A_868, %swap3A_869] {strides = array<i32>} : memref<80x128xi32, #tpu.memory_space<vmem>>, vector<1x16xi32>,
      %swap3A_871 = vector.shape_cast %swap3A_870 : vector<1x16xi32> to vector<16xi32>
      %swap3A_872 = vector.shape_cast %add3A_867 : vector<16xi32> to vector<1x16xi32>
      tpu.vector_store %arg4[%swap3A_868, %swap3A_869], %swap3A_872 {strides = array<i32>} : memref<80x128xi32, #tpu.memory_space<vmem>>, vector<1x16xi32>,
      %slice3A_873 = vector.extract_strided_slice %get3A_482 {offsets = [15], sizes = [1], strides = [1]} : vector<16xi32> to vector<1xi32>
      %squeeze3A_874 = vector.extract %slice3A_873[0] : i32 from vector<1xi32>
      %shift_right_logical3A_875 = arith.constant 7 : i32
      %shift_right_logical3A_876 = arith.shrui %squeeze3A_874, %shift_right_logical3A_875 : i32
      %shift_right_logical3A_877 = arith.constant 4 : i32
      %shift_right_logical3A_878 = arith.shrui %squeeze3A_874, %shift_right_logical3A_877 : i32
      %and3A_879 = arith.constant 7 : i32
      %and3A_880 = arith.andi %shift_right_logical3A_878, %and3A_879 : i32
      %mul3A_881 = arith.constant 16 : i32
      %mul3A_882 = arith.muli %and3A_880, %mul3A_881 : i32
      %and3A_883 = arith.constant 15 : i32
      %and3A_884 = arith.andi %squeeze3A_874, %and3A_883 : i32
      %get3A_885 = arith.index_cast %shift_right_logical3A_876 : i32 to index
      %get3A_886 = arith.index_cast %mul3A_882 : i32 to index
      %get3A_887 = tpu.vector_load %arg4[%get3A_885, %get3A_886] {strides = array<i32>} : memref<80x128xi32, #tpu.memory_space<vmem>>, vector<1x16xi32>,
      %get3A_888 = vector.shape_cast %get3A_887 : vector<1x16xi32> to vector<16xi32>
      %get3A_889 = arith.index_cast %and3A_884 : i32 to index
      %get3A_890 = arith.constant 0 : index
      %get3A_891 = tpu.vector_load %arg6[%get3A_889, %get3A_890] {strides = array<i32>} : memref<16x16xi32, #tpu.memory_space<vmem>>, vector<1x16xi32>,
      %get3A_892 = vector.shape_cast %get3A_891 : vector<1x16xi32> to vector<16xi32>
      %add3A_893 = arith.addi %get3A_888, %get3A_892 : vector<16xi32>
      %swap3A_894 = arith.index_cast %shift_right_logical3A_876 : i32 to index
      %swap3A_895 = arith.index_cast %mul3A_882 : i32 to index
      %swap3A_896 = tpu.vector_load %arg4[%swap3A_894, %swap3A_895] {strides = array<i32>} : memref<80x128xi32, #tpu.memory_space<vmem>>, vector<1x16xi32>,
      %swap3A_897 = vector.shape_cast %swap3A_896 : vector<1x16xi32> to vector<16xi32>
      %swap3A_898 = vector.shape_cast %add3A_893 : vector<16xi32> to vector<1x16xi32>
      tpu.vector_store %arg4[%swap3A_894, %swap3A_895], %swap3A_898 {strides = array<i32>} : memref<80x128xi32, #tpu.memory_space<vmem>>, vector<1x16xi32>,
    }
    %scan3A_264 = arith.constant 312 : i32
    %get3A = arith.constant 4992 : index
    %get3A_265 = tpu.vector_load %arg5[%get3A] {strides = array<i32>} : memref<5016xi32, #tpu.memory_space<vmem>>, vector<16xi32>,
    %get3A_266 = vector.shape_cast %get3A_265 : vector<16xi32> to vector<16xi32>
    %slice3A = vector.extract_strided_slice %get3A_266 {offsets = [0], sizes = [1], strides = [1]} : vector<16xi32> to vector<1xi32>
    %squeeze3A = vector.extract %slice3A[0] : i32 from vector<1xi32>
    %shift_right_logical3A = arith.constant 7 : i32
    %shift_right_logical3A_267 = arith.shrui %squeeze3A, %shift_right_logical3A : i32
    %shift_right_logical3A_268 = arith.constant 4 : i32
    %shift_right_logical3A_269 = arith.shrui %squeeze3A, %shift_right_logical3A_268 : i32
    %and3A = arith.constant 7 : i32
    %and3A_270 = arith.andi %shift_right_logical3A_269, %and3A : i32
    %mul3A_271 = arith.constant 16 : i32
    %mul3A_272 = arith.muli %and3A_270, %mul3A_271 : i32
    %and3A_273 = arith.constant 15 : i32
    %and3A_274 = arith.andi %squeeze3A, %and3A_273 : i32
    %get3A_275 = arith.index_cast %shift_right_logical3A_267 : i32 to index
    %get3A_276 = arith.index_cast %mul3A_272 : i32 to index
    %get3A_277 = tpu.vector_load %arg4[%get3A_275, %get3A_276] {strides = array<i32>} : memref<80x128xi32, #tpu.memory_space<vmem>>, vector<1x16xi32>,
    %get3A_278 = vector.shape_cast %get3A_277 : vector<1x16xi32> to vector<16xi32>
    %get3A_279 = arith.index_cast %and3A_274 : i32 to index
    %get3A_280 = arith.constant 0 : index
    %get3A_281 = tpu.vector_load %arg6[%get3A_279, %get3A_280] {strides = array<i32>} : memref<16x16xi32, #tpu.memory_space<vmem>>, vector<1x16xi32>,
    %get3A_282 = vector.shape_cast %get3A_281 : vector<1x16xi32> to vector<16xi32>
    %add3A_283 = arith.addi %get3A_278, %get3A_282 : vector<16xi32>
    %swap3A_284 = arith.index_cast %shift_right_logical3A_267 : i32 to index
    %swap3A_285 = arith.index_cast %mul3A_272 : i32 to index
    %swap3A_286 = tpu.vector_load %arg4[%swap3A_284, %swap3A_285] {strides = array<i32>} : memref<80x128xi32, #tpu.memory_space<vmem>>, vector<1x16xi32>,
    %swap3A_287 = vector.shape_cast %swap3A_286 : vector<1x16xi32> to vector<16xi32>
    %swap3A_288 = vector.shape_cast %add3A_283 : vector<16xi32> to vector<1x16xi32>
    tpu.vector_store %arg4[%swap3A_284, %swap3A_285], %swap3A_288 {strides = array<i32>} : memref<80x128xi32, #tpu.memory_space<vmem>>, vector<1x16xi32>,
    %slice3A_289 = vector.extract_strided_slice %get3A_266 {offsets = [1], sizes = [1], strides = [1]} : vector<16xi32> to vector<1xi32>
    %squeeze3A_290 = vector.extract %slice3A_289[0] : i32 from vector<1xi32>
    %shift_right_logical3A_291 = arith.constant 7 : i32
    %shift_right_logical3A_292 = arith.shrui %squeeze3A_290, %shift_right_logical3A_291 : i32
    %shift_right_logical3A_293 = arith.constant 4 : i32
    %shift_right_logical3A_294 = arith.shrui %squeeze3A_290, %shift_right_logical3A_293 : i32
    %and3A_295 = arith.constant 7 : i32
    %and3A_296 = arith.andi %shift_right_logical3A_294, %and3A_295 : i32
    %mul3A_297 = arith.constant 16 : i32
    %mul3A_298 = arith.muli %and3A_296, %mul3A_297 : i32
    %and3A_299 = arith.constant 15 : i32
    %and3A_300 = arith.andi %squeeze3A_290, %and3A_299 : i32
    %get3A_301 = arith.index_cast %shift_right_logical3A_292 : i32 to index
    %get3A_302 = arith.index_cast %mul3A_298 : i32 to index
    %get3A_303 = tpu.vector_load %arg4[%get3A_301, %get3A_302] {strides = array<i32>} : memref<80x128xi32, #tpu.memory_space<vmem>>, vector<1x16xi32>,
    %get3A_304 = vector.shape_cast %get3A_303 : vector<1x16xi32> to vector<16xi32>
    %get3A_305 = arith.index_cast %and3A_300 : i32 to index
    %get3A_306 = arith.constant 0 : index
    %get3A_307 = tpu.vector_load %arg6[%get3A_305, %get3A_306] {strides = array<i32>} : memref<16x16xi32, #tpu.memory_space<vmem>>, vector<1x16xi32>,
    %get3A_308 = vector.shape_cast %get3A_307 : vector<1x16xi32> to vector<16xi32>
    %add3A_309 = arith.addi %get3A_304, %get3A_308 : vector<16xi32>
    %swap3A_310 = arith.index_cast %shift_right_logical3A_292 : i32 to index
    %swap3A_311 = arith.index_cast %mul3A_298 : i32 to index
    %swap3A_312 = tpu.vector_load %arg4[%swap3A_310, %swap3A_311] {strides = array<i32>} : memref<80x128xi32, #tpu.memory_space<vmem>>, vector<1x16xi32>,
    %swap3A_313 = vector.shape_cast %swap3A_312 : vector<1x16xi32> to vector<16xi32>
    %swap3A_314 = vector.shape_cast %add3A_309 : vector<16xi32> to vector<1x16xi32>
    tpu.vector_store %arg4[%swap3A_310, %swap3A_311], %swap3A_314 {strides = array<i32>} : memref<80x128xi32, #tpu.memory_space<vmem>>, vector<1x16xi32>,
    %slice3A_315 = vector.extract_strided_slice %get3A_266 {offsets = [2], sizes = [1], strides = [1]} : vector<16xi32> to vector<1xi32>
    %squeeze3A_316 = vector.extract %slice3A_315[0] : i32 from vector<1xi32>
    %shift_right_logical3A_317 = arith.constant 7 : i32
    %shift_right_logical3A_318 = arith.shrui %squeeze3A_316, %shift_right_logical3A_317 : i32
    %shift_right_logical3A_319 = arith.constant 4 : i32
    %shift_right_logical3A_320 = arith.shrui %squeeze3A_316, %shift_right_logical3A_319 : i32
    %and3A_321 = arith.constant 7 : i32
    %and3A_322 = arith.andi %shift_right_logical3A_320, %and3A_321 : i32
    %mul3A_323 = arith.constant 16 : i32
    %mul3A_324 = arith.muli %and3A_322, %mul3A_323 : i32
    %and3A_325 = arith.constant 15 : i32
    %and3A_326 = arith.andi %squeeze3A_316, %and3A_325 : i32
    %get3A_327 = arith.index_cast %shift_right_logical3A_318 : i32 to index
    %get3A_328 = arith.index_cast %mul3A_324 : i32 to index
    %get3A_329 = tpu.vector_load %arg4[%get3A_327, %get3A_328] {strides = array<i32>} : memref<80x128xi32, #tpu.memory_space<vmem>>, vector<1x16xi32>,
    %get3A_330 = vector.shape_cast %get3A_329 : vector<1x16xi32> to vector<16xi32>
    %get3A_331 = arith.index_cast %and3A_326 : i32 to index
    %get3A_332 = arith.constant 0 : index
    %get3A_333 = tpu.vector_load %arg6[%get3A_331, %get3A_332] {strides = array<i32>} : memref<16x16xi32, #tpu.memory_space<vmem>>, vector<1x16xi32>,
    %get3A_334 = vector.shape_cast %get3A_333 : vector<1x16xi32> to vector<16xi32>
    %add3A_335 = arith.addi %get3A_330, %get3A_334 : vector<16xi32>
    %swap3A_336 = arith.index_cast %shift_right_logical3A_318 : i32 to index
    %swap3A_337 = arith.index_cast %mul3A_324 : i32 to index
    %swap3A_338 = tpu.vector_load %arg4[%swap3A_336, %swap3A_337] {strides = array<i32>} : memref<80x128xi32, #tpu.memory_space<vmem>>, vector<1x16xi32>,
    %swap3A_339 = vector.shape_cast %swap3A_338 : vector<1x16xi32> to vector<16xi32>
    %swap3A_340 = vector.shape_cast %add3A_335 : vector<16xi32> to vector<1x16xi32>
    tpu.vector_store %arg4[%swap3A_336, %swap3A_337], %swap3A_340 {strides = array<i32>} : memref<80x128xi32, #tpu.memory_space<vmem>>, vector<1x16xi32>,
    %slice3A_341 = vector.extract_strided_slice %get3A_266 {offsets = [3], sizes = [1], strides = [1]} : vector<16xi32> to vector<1xi32>
    %squeeze3A_342 = vector.extract %slice3A_341[0] : i32 from vector<1xi32>
    %shift_right_logical3A_343 = arith.constant 7 : i32
    %shift_right_logical3A_344 = arith.shrui %squeeze3A_342, %shift_right_logical3A_343 : i32
    %shift_right_logical3A_345 = arith.constant 4 : i32
    %shift_right_logical3A_346 = arith.shrui %squeeze3A_342, %shift_right_logical3A_345 : i32
    %and3A_347 = arith.constant 7 : i32
    %and3A_348 = arith.andi %shift_right_logical3A_346, %and3A_347 : i32
    %mul3A_349 = arith.constant 16 : i32
    %mul3A_350 = arith.muli %and3A_348, %mul3A_349 : i32
    %and3A_351 = arith.constant 15 : i32
    %and3A_352 = arith.andi %squeeze3A_342, %and3A_351 : i32
    %get3A_353 = arith.index_cast %shift_right_logical3A_344 : i32 to index
    %get3A_354 = arith.index_cast %mul3A_350 : i32 to index
    %get3A_355 = tpu.vector_load %arg4[%get3A_353, %get3A_354] {strides = array<i32>} : memref<80x128xi32, #tpu.memory_space<vmem>>, vector<1x16xi32>,
    %get3A_356 = vector.shape_cast %get3A_355 : vector<1x16xi32> to vector<16xi32>
    %get3A_357 = arith.index_cast %and3A_352 : i32 to index
    %get3A_358 = arith.constant 0 : index
    %get3A_359 = tpu.vector_load %arg6[%get3A_357, %get3A_358] {strides = array<i32>} : memref<16x16xi32, #tpu.memory_space<vmem>>, vector<1x16xi32>,
    %get3A_360 = vector.shape_cast %get3A_359 : vector<1x16xi32> to vector<16xi32>
    %add3A_361 = arith.addi %get3A_356, %get3A_360 : vector<16xi32>
    %swap3A_362 = arith.index_cast %shift_right_logical3A_344 : i32 to index
    %swap3A_363 = arith.index_cast %mul3A_350 : i32 to index
    %swap3A_364 = tpu.vector_load %arg4[%swap3A_362, %swap3A_363] {strides = array<i32>} : memref<80x128xi32, #tpu.memory_space<vmem>>, vector<1x16xi32>,
    %swap3A_365 = vector.shape_cast %swap3A_364 : vector<1x16xi32> to vector<16xi32>
    %swap3A_366 = vector.shape_cast %add3A_361 : vector<16xi32> to vector<1x16xi32>
    tpu.vector_store %arg4[%swap3A_362, %swap3A_363], %swap3A_366 {strides = array<i32>} : memref<80x128xi32, #tpu.memory_space<vmem>>, vector<1x16xi32>,
    %slice3A_367 = vector.extract_strided_slice %get3A_266 {offsets = [4], sizes = [1], strides = [1]} : vector<16xi32> to vector<1xi32>
    %squeeze3A_368 = vector.extract %slice3A_367[0] : i32 from vector<1xi32>
    %shift_right_logical3A_369 = arith.constant 7 : i32
    %shift_right_logical3A_370 = arith.shrui %squeeze3A_368, %shift_right_logical3A_369 : i32
    %shift_right_logical3A_371 = arith.constant 4 : i32
    %shift_right_logical3A_372 = arith.shrui %squeeze3A_368, %shift_right_logical3A_371 : i32
    %and3A_373 = arith.constant 7 : i32
    %and3A_374 = arith.andi %shift_right_logical3A_372, %and3A_373 : i32
    %mul3A_375 = arith.constant 16 : i32
    %mul3A_376 = arith.muli %and3A_374, %mul3A_375 : i32
    %and3A_377 = arith.constant 15 : i32
    %and3A_378 = arith.andi %squeeze3A_368, %and3A_377 : i32
    %get3A_379 = arith.index_cast %shift_right_logical3A_370 : i32 to index
    %get3A_380 = arith.index_cast %mul3A_376 : i32 to index
    %get3A_381 = tpu.vector_load %arg4[%get3A_379, %get3A_380] {strides = array<i32>} : memref<80x128xi32, #tpu.memory_space<vmem>>, vector<1x16xi32>,
    %get3A_382 = vector.shape_cast %get3A_381 : vector<1x16xi32> to vector<16xi32>
    %get3A_383 = arith.index_cast %and3A_378 : i32 to index
    %get3A_384 = arith.constant 0 : index
    %get3A_385 = tpu.vector_load %arg6[%get3A_383, %get3A_384] {strides = array<i32>} : memref<16x16xi32, #tpu.memory_space<vmem>>, vector<1x16xi32>,
    %get3A_386 = vector.shape_cast %get3A_385 : vector<1x16xi32> to vector<16xi32>
    %add3A_387 = arith.addi %get3A_382, %get3A_386 : vector<16xi32>
    %swap3A_388 = arith.index_cast %shift_right_logical3A_370 : i32 to index
    %swap3A_389 = arith.index_cast %mul3A_376 : i32 to index
    %swap3A_390 = tpu.vector_load %arg4[%swap3A_388, %swap3A_389] {strides = array<i32>} : memref<80x128xi32, #tpu.memory_space<vmem>>, vector<1x16xi32>,
    %swap3A_391 = vector.shape_cast %swap3A_390 : vector<1x16xi32> to vector<16xi32>
    %swap3A_392 = vector.shape_cast %add3A_387 : vector<16xi32> to vector<1x16xi32>
    tpu.vector_store %arg4[%swap3A_388, %swap3A_389], %swap3A_392 {strides = array<i32>} : memref<80x128xi32, #tpu.memory_space<vmem>>, vector<1x16xi32>,
    %slice3A_393 = vector.extract_strided_slice %get3A_266 {offsets = [5], sizes = [1], strides = [1]} : vector<16xi32> to vector<1xi32>
    %squeeze3A_394 = vector.extract %slice3A_393[0] : i32 from vector<1xi32>
    %shift_right_logical3A_395 = arith.constant 7 : i32
    %shift_right_logical3A_396 = arith.shrui %squeeze3A_394, %shift_right_logical3A_395 : i32
    %shift_right_logical3A_397 = arith.constant 4 : i32
    %shift_right_logical3A_398 = arith.shrui %squeeze3A_394, %shift_right_logical3A_397 : i32
    %and3A_399 = arith.constant 7 : i32
    %and3A_400 = arith.andi %shift_right_logical3A_398, %and3A_399 : i32
    %mul3A_401 = arith.constant 16 : i32
    %mul3A_402 = arith.muli %and3A_400, %mul3A_401 : i32
    %and3A_403 = arith.constant 15 : i32
    %and3A_404 = arith.andi %squeeze3A_394, %and3A_403 : i32
    %get3A_405 = arith.index_cast %shift_right_logical3A_396 : i32 to index
    %get3A_406 = arith.index_cast %mul3A_402 : i32 to index
    %get3A_407 = tpu.vector_load %arg4[%get3A_405, %get3A_406] {strides = array<i32>} : memref<80x128xi32, #tpu.memory_space<vmem>>, vector<1x16xi32>,
    %get3A_408 = vector.shape_cast %get3A_407 : vector<1x16xi32> to vector<16xi32>
    %get3A_409 = arith.index_cast %and3A_404 : i32 to index
    %get3A_410 = arith.constant 0 : index
    %get3A_411 = tpu.vector_load %arg6[%get3A_409, %get3A_410] {strides = array<i32>} : memref<16x16xi32, #tpu.memory_space<vmem>>, vector<1x16xi32>,
    %get3A_412 = vector.shape_cast %get3A_411 : vector<1x16xi32> to vector<16xi32>
    %add3A_413 = arith.addi %get3A_408, %get3A_412 : vector<16xi32>
    %swap3A_414 = arith.index_cast %shift_right_logical3A_396 : i32 to index
    %swap3A_415 = arith.index_cast %mul3A_402 : i32 to index
    %swap3A_416 = tpu.vector_load %arg4[%swap3A_414, %swap3A_415] {strides = array<i32>} : memref<80x128xi32, #tpu.memory_space<vmem>>, vector<1x16xi32>,
    %swap3A_417 = vector.shape_cast %swap3A_416 : vector<1x16xi32> to vector<16xi32>
    %swap3A_418 = vector.shape_cast %add3A_413 : vector<16xi32> to vector<1x16xi32>
    tpu.vector_store %arg4[%swap3A_414, %swap3A_415], %swap3A_418 {strides = array<i32>} : memref<80x128xi32, #tpu.memory_space<vmem>>, vector<1x16xi32>,
    %slice3A_419 = vector.extract_strided_slice %get3A_266 {offsets = [6], sizes = [1], strides = [1]} : vector<16xi32> to vector<1xi32>
    %squeeze3A_420 = vector.extract %slice3A_419[0] : i32 from vector<1xi32>
    %shift_right_logical3A_421 = arith.constant 7 : i32
    %shift_right_logical3A_422 = arith.shrui %squeeze3A_420, %shift_right_logical3A_421 : i32
    %shift_right_logical3A_423 = arith.constant 4 : i32
    %shift_right_logical3A_424 = arith.shrui %squeeze3A_420, %shift_right_logical3A_423 : i32
    %and3A_425 = arith.constant 7 : i32
    %and3A_426 = arith.andi %shift_right_logical3A_424, %and3A_425 : i32
    %mul3A_427 = arith.constant 16 : i32
    %mul3A_428 = arith.muli %and3A_426, %mul3A_427 : i32
    %and3A_429 = arith.constant 15 : i32
    %and3A_430 = arith.andi %squeeze3A_420, %and3A_429 : i32
    %get3A_431 = arith.index_cast %shift_right_logical3A_422 : i32 to index
    %get3A_432 = arith.index_cast %mul3A_428 : i32 to index
    %get3A_433 = tpu.vector_load %arg4[%get3A_431, %get3A_432] {strides = array<i32>} : memref<80x128xi32, #tpu.memory_space<vmem>>, vector<1x16xi32>,
    %get3A_434 = vector.shape_cast %get3A_433 : vector<1x16xi32> to vector<16xi32>
    %get3A_435 = arith.index_cast %and3A_430 : i32 to index
    %get3A_436 = arith.constant 0 : index
    %get3A_437 = tpu.vector_load %arg6[%get3A_435, %get3A_436] {strides = array<i32>} : memref<16x16xi32, #tpu.memory_space<vmem>>, vector<1x16xi32>,
    %get3A_438 = vector.shape_cast %get3A_437 : vector<1x16xi32> to vector<16xi32>
    %add3A_439 = arith.addi %get3A_434, %get3A_438 : vector<16xi32>
    %swap3A_440 = arith.index_cast %shift_right_logical3A_422 : i32 to index
    %swap3A_441 = arith.index_cast %mul3A_428 : i32 to index
    %swap3A_442 = tpu.vector_load %arg4[%swap3A_440, %swap3A_441] {strides = array<i32>} : memref<80x128xi32, #tpu.memory_space<vmem>>, vector<1x16xi32>,
    %swap3A_443 = vector.shape_cast %swap3A_442 : vector<1x16xi32> to vector<16xi32>
    %swap3A_444 = vector.shape_cast %add3A_439 : vector<16xi32> to vector<1x16xi32>
    tpu.vector_store %arg4[%swap3A_440, %swap3A_441], %swap3A_444 {strides = array<i32>} : memref<80x128xi32, #tpu.memory_space<vmem>>, vector<1x16xi32>,
    %slice3A_445 = vector.extract_strided_slice %get3A_266 {offsets = [7], sizes = [1], strides = [1]} : vector<16xi32> to vector<1xi32>
    %squeeze3A_446 = vector.extract %slice3A_445[0] : i32 from vector<1xi32>
    %shift_right_logical3A_447 = arith.constant 7 : i32
    %shift_right_logical3A_448 = arith.shrui %squeeze3A_446, %shift_right_logical3A_447 : i32
    %shift_right_logical3A_449 = arith.constant 4 : i32
    %shift_right_logical3A_450 = arith.shrui %squeeze3A_446, %shift_right_logical3A_449 : i32
    %and3A_451 = arith.constant 7 : i32
    %and3A_452 = arith.andi %shift_right_logical3A_450, %and3A_451 : i32
    %mul3A_453 = arith.constant 16 : i32
    %mul3A_454 = arith.muli %and3A_452, %mul3A_453 : i32
    %and3A_455 = arith.constant 15 : i32
    %and3A_456 = arith.andi %squeeze3A_446, %and3A_455 : i32
    %get3A_457 = arith.index_cast %shift_right_logical3A_448 : i32 to index
    %get3A_458 = arith.index_cast %mul3A_454 : i32 to index
    %get3A_459 = tpu.vector_load %arg4[%get3A_457, %get3A_458] {strides = array<i32>} : memref<80x128xi32, #tpu.memory_space<vmem>>, vector<1x16xi32>,
    %get3A_460 = vector.shape_cast %get3A_459 : vector<1x16xi32> to vector<16xi32>
    %get3A_461 = arith.index_cast %and3A_456 : i32 to index
    %get3A_462 = arith.constant 0 : index
    %get3A_463 = tpu.vector_load %arg6[%get3A_461, %get3A_462] {strides = array<i32>} : memref<16x16xi32, #tpu.memory_space<vmem>>, vector<1x16xi32>,
    %get3A_464 = vector.shape_cast %get3A_463 : vector<1x16xi32> to vector<16xi32>
    %add3A_465 = arith.addi %get3A_460, %get3A_464 : vector<16xi32>
    %swap3A_466 = arith.index_cast %shift_right_logical3A_448 : i32 to index
    %swap3A_467 = arith.index_cast %mul3A_454 : i32 to index
    %swap3A_468 = tpu.vector_load %arg4[%swap3A_466, %swap3A_467] {strides = array<i32>} : memref<80x128xi32, #tpu.memory_space<vmem>>, vector<1x16xi32>,
    %swap3A_469 = vector.shape_cast %swap3A_468 : vector<1x16xi32> to vector<16xi32>
    %swap3A_470 = vector.shape_cast %add3A_465 : vector<16xi32> to vector<1x16xi32>
    tpu.vector_store %arg4[%swap3A_466, %swap3A_467], %swap3A_470 {strides = array<i32>} : memref<80x128xi32, #tpu.memory_space<vmem>>, vector<1x16xi32>,
    "tpu.region"() ({
      %run_scoped3A = tpu.sem_alloc : memref<!tpu.dma_semaphore, #tpu.memory_space<semaphore_mem>>
      %dma_start3A = arith.constant 0 : i32
      %dma_start3A_473 = arith.constant 0 : i32
      %dma_start3A_474 = tpu.memref_slice %arg9[%arg1, %dma_start3A, %dma_start3A_473] : memref<16x80x128xi32, #tpu.memory_space<vmem_shared>> -> memref<1x80x128xi32, #tpu.memory_space<vmem_shared>>
      %dma_start3A_475 = tpu.memref_squeeze %dma_start3A_474 : memref<1x80x128xi32, #tpu.memory_space<vmem_shared>> -> memref<80x128xi32, #tpu.memory_space<vmem_shared>>
      %dma_start3A_476 = arith.constant 0 : i32
      %dma_start3A_477 = arith.constant 0 : i32
      %dma_start3A_478 = tpu.memref_slice %arg9[%arg1, %dma_start3A_476, %dma_start3A_477] : memref<16x80x128xi32, #tpu.memory_space<vmem_shared>> -> memref<1x80x128xi32, #tpu.memory_space<vmem_shared>>
      %dma_start3A_479 = tpu.memref_squeeze %dma_start3A_478 : memref<1x80x128xi32, #tpu.memory_space<vmem_shared>> -> memref<80x128xi32, #tpu.memory_space<vmem_shared>>
      tpu.enqueue_dma source(%arg4 : memref<80x128xi32, #tpu.memory_space<vmem>>) target(%dma_start3A_479 : memref<80x128xi32, #tpu.memory_space<vmem_shared>>) target_semaphore(%run_scoped3A : memref<!tpu.dma_semaphore, #tpu.memory_space<semaphore_mem>>)
      %dma_wait3A = arith.constant 0 : i32
      %dma_wait3A_480 = arith.constant 0 : i32
      %dma_wait3A_481 = tpu.memref_slice %arg9[%arg1, %dma_wait3A, %dma_wait3A_480] : memref<16x80x128xi32, #tpu.memory_space<vmem_shared>> -> memref<1x80x128xi32, #tpu.memory_space<vmem_shared>>
      %dma_wait3A_482 = tpu.memref_squeeze %dma_wait3A_481 : memref<1x80x128xi32, #tpu.memory_space<vmem_shared>> -> memref<80x128xi32, #tpu.memory_space<vmem_shared>>
      %dma_wait3A_483 = arith.constant 0 : i32
      %dma_wait3A_484 = arith.constant 0 : i32
      %dma_wait3A_485 = tpu.memref_slice %arg9[%arg1, %dma_wait3A_483, %dma_wait3A_484] : memref<16x80x128xi32, #tpu.memory_space<vmem_shared>> -> memref<1x80x128xi32, #tpu.memory_space<vmem_shared>>
      %dma_wait3A_486 = tpu.memref_squeeze %dma_wait3A_485 : memref<1x80x128xi32, #tpu.memory_space<vmem_shared>> -> memref<80x128xi32, #tpu.memory_space<vmem_shared>>
      tpu.wait_dma2 semaphore(%run_scoped3A : memref<!tpu.dma_semaphore, #tpu.memory_space<semaphore_mem>>) src(%arg4 : memref<80x128xi32, #tpu.memory_space<vmem>>) dst(%dma_wait3A_486 : memref<80x128xi32, #tpu.memory_space<vmem_shared>>)
      tpu.yield
    }) : () -> ()
    %barrier3A = arith.constant 0 : index
    tpu.barrier barrier_id(%barrier3A)
    %lt3A = arith.constant 5 : i32
    %lt3A_471 = arith.cmpi slt, %arg1, %lt3A : i32
    %convert_element_type3A = arith.extui %lt3A_471 : i1 to i32
    %cond3A = arith.constant 0 : i32
    %cond3A_472 = arith.cmpi ne, %convert_element_type3A, %cond3A : i32
    scf.if %cond3A_472 {
      %mul3A_473 = arith.constant 16 : i32
      %mul3A_474 = arith.muli %arg1, %mul3A_473 : i32
      %scan3A_475 = arith.constant 0 : i32
      %scan3A_476 = arith.constant 16 : i32
      %scan3A_477 = arith.addi %scan3A_475, %scan3A_476 : i32
      %scan3A_478 = arith.constant 1 : i32
      scf.for %scan3A_485 = %scan3A_475 to %scan3A_477 step %scan3A_478  : i32 {
        %mul3A_486 = arith.constant 1 : i32
        %mul3A_487 = arith.muli %scan3A_485, %mul3A_486 : i32
        %add3A_488 = arith.constant 0 : i32
        %add3A_489 = arith.addi %add3A_488, %mul3A_487 : i32
        %scan3A_490 = arith.constant 0 : i32
        %scan3A_491 = arith.constant 8 : i32
        %scan3A_492 = arith.addi %scan3A_490, %scan3A_491 : i32
        %scan3A_493 = arith.constant 1 : i32
        scf.for %scan3A_495 = %scan3A_490 to %scan3A_492 step %scan3A_493  : i32 {
          %mul3A_496 = arith.constant 1 : i32
          %mul3A_497 = arith.muli %scan3A_495, %mul3A_496 : i32
          %add3A_498 = arith.constant 0 : i32
          %add3A_499 = arith.addi %add3A_498, %mul3A_497 : i32
          %mul3A_500 = arith.constant 16 : i32
          %mul3A_501 = arith.muli %add3A_499, %mul3A_500 : i32
          %swap3A_502 = arith.index_cast %add3A_489 : i32 to index
          %swap3A_503 = arith.index_cast %mul3A_501 : i32 to index
          %swap3A_504 = tpu.vector_load %arg7[%swap3A_502, %swap3A_503] {strides = array<i32>} : memref<16x128xi32, #tpu.memory_space<vmem>>, vector<1x16xi32>,
          %swap3A_505 = vector.shape_cast %swap3A_504 : vector<1x16xi32> to vector<16xi32>
          %swap3A_506 = vector.shape_cast %broadcast_in_dim3A_0 : vector<16xi32> to vector<1x16xi32>
          tpu.vector_store %arg7[%swap3A_502, %swap3A_503], %swap3A_506 {strides = array<i32>} : memref<16x128xi32, #tpu.memory_space<vmem>>, vector<1x16xi32>,
        }
        %scan3A_494 = arith.constant 8 : i32
      }
      %scan3A_479 = arith.constant 16 : i32
      %scan3A_480 = arith.constant 0 : i32
      %scan3A_481 = arith.constant 16 : i32
      %scan3A_482 = arith.addi %scan3A_480, %scan3A_481 : i32
      %scan3A_483 = arith.constant 1 : i32
      scf.for %scan3A_485 = %scan3A_480 to %scan3A_482 step %scan3A_483  : i32 {
        %mul3A_486 = arith.constant 1 : i32
        %mul3A_487 = arith.muli %scan3A_485, %mul3A_486 : i32
        %add3A_488 = arith.constant 0 : i32
        %add3A_489 = arith.addi %add3A_488, %mul3A_487 : i32
        "tpu.region"() ({
          %run_scoped3A = tpu.sem_alloc : memref<!tpu.dma_semaphore, #tpu.memory_space<semaphore_mem>>
          %dma_start3A = arith.constant 0 : i32
          %dma_start3A_495 = tpu.memref_slice %arg9[%add3A_489, %mul3A_474, %dma_start3A] : memref<16x80x128xi32, #tpu.memory_space<vmem_shared>> -> memref<1x16x128xi32, #tpu.memory_space<vmem_shared>>
          %dma_start3A_496 = tpu.memref_squeeze %dma_start3A_495 : memref<1x16x128xi32, #tpu.memory_space<vmem_shared>> -> memref<16x128xi32, #tpu.memory_space<vmem_shared>>
          %dma_start3A_497 = arith.constant 0 : i32
          %dma_start3A_498 = tpu.memref_slice %arg9[%add3A_489, %mul3A_474, %dma_start3A_497] : memref<16x80x128xi32, #tpu.memory_space<vmem_shared>> -> memref<1x16x128xi32, #tpu.memory_space<vmem_shared>>
          %dma_start3A_499 = tpu.memref_squeeze %dma_start3A_498 : memref<1x16x128xi32, #tpu.memory_space<vmem_shared>> -> memref<16x128xi32, #tpu.memory_space<vmem_shared>>
          tpu.enqueue_dma source(%dma_start3A_499 : memref<16x128xi32, #tpu.memory_space<vmem_shared>>) target(%arg8 : memref<16x128xi32, #tpu.memory_space<vmem>>) target_semaphore(%run_scoped3A : memref<!tpu.dma_semaphore, #tpu.memory_space<semaphore_mem>>)
          %dma_wait3A = arith.constant 0 : i32
          %dma_wait3A_500 = tpu.memref_slice %arg9[%add3A_489, %mul3A_474, %dma_wait3A] : memref<16x80x128xi32, #tpu.memory_space<vmem_shared>> -> memref<1x16x128xi32, #tpu.memory_space<vmem_shared>>
          %dma_wait3A_501 = tpu.memref_squeeze %dma_wait3A_500 : memref<1x16x128xi32, #tpu.memory_space<vmem_shared>> -> memref<16x128xi32, #tpu.memory_space<vmem_shared>>
          %dma_wait3A_502 = arith.constant 0 : i32
          %dma_wait3A_503 = tpu.memref_slice %arg9[%add3A_489, %mul3A_474, %dma_wait3A_502] : memref<16x80x128xi32, #tpu.memory_space<vmem_shared>> -> memref<1x16x128xi32, #tpu.memory_space<vmem_shared>>
          %dma_wait3A_504 = tpu.memref_squeeze %dma_wait3A_503 : memref<1x16x128xi32, #tpu.memory_space<vmem_shared>> -> memref<16x128xi32, #tpu.memory_space<vmem_shared>>
          tpu.wait_dma2 semaphore(%run_scoped3A : memref<!tpu.dma_semaphore, #tpu.memory_space<semaphore_mem>>) src(%dma_wait3A_504 : memref<16x128xi32, #tpu.memory_space<vmem_shared>>) dst(%arg8 : memref<16x128xi32, #tpu.memory_space<vmem>>)
          tpu.yield
        }) : () -> ()
        %scan3A_490 = arith.constant 0 : i32
        %scan3A_491 = arith.constant 16 : i32
        %scan3A_492 = arith.addi %scan3A_490, %scan3A_491 : i32
        %scan3A_493 = arith.constant 1 : i32
        scf.for %scan3A_495 = %scan3A_490 to %scan3A_492 step %scan3A_493  : i32 {
          %mul3A_496 = arith.constant 1 : i32
          %mul3A_497 = arith.muli %scan3A_495, %mul3A_496 : i32
          %add3A_498 = arith.constant 0 : i32
          %add3A_499 = arith.addi %add3A_498, %mul3A_497 : i32
          %scan3A_500 = arith.constant 0 : i32
          %scan3A_501 = arith.constant 8 : i32
          %scan3A_502 = arith.addi %scan3A_500, %scan3A_501 : i32
          %scan3A_503 = arith.constant 1 : i32
          scf.for %scan3A_505 = %scan3A_500 to %scan3A_502 step %scan3A_503  : i32 {
            %mul3A_506 = arith.constant 1 : i32
            %mul3A_507 = arith.muli %scan3A_505, %mul3A_506 : i32
            %add3A_508 = arith.constant 0 : i32
            %add3A_509 = arith.addi %add3A_508, %mul3A_507 : i32
            %mul3A_510 = arith.constant 16 : i32
            %mul3A_511 = arith.muli %add3A_509, %mul3A_510 : i32
            %get3A_512 = arith.index_cast %add3A_499 : i32 to index
            %get3A_513 = arith.index_cast %mul3A_511 : i32 to index
            %get3A_514 = tpu.vector_load %arg7[%get3A_512, %get3A_513] {strides = array<i32>} : memref<16x128xi32, #tpu.memory_space<vmem>>, vector<1x16xi32>,
            %get3A_515 = vector.shape_cast %get3A_514 : vector<1x16xi32> to vector<16xi32>
            %get3A_516 = arith.index_cast %add3A_499 : i32 to index
            %get3A_517 = arith.index_cast %mul3A_511 : i32 to index
            %get3A_518 = tpu.vector_load %arg8[%get3A_516, %get3A_517] {strides = array<i32>} : memref<16x128xi32, #tpu.memory_space<vmem>>, vector<1x16xi32>,
            %get3A_519 = vector.shape_cast %get3A_518 : vector<1x16xi32> to vector<16xi32>
            %add3A_520 = arith.addi %get3A_515, %get3A_519 : vector<16xi32>
            %swap3A_521 = arith.index_cast %add3A_499 : i32 to index
            %swap3A_522 = arith.index_cast %mul3A_511 : i32 to index
            %swap3A_523 = tpu.vector_load %arg7[%swap3A_521, %swap3A_522] {strides = array<i32>} : memref<16x128xi32, #tpu.memory_space<vmem>>, vector<1x16xi32>,
            %swap3A_524 = vector.shape_cast %swap3A_523 : vector<1x16xi32> to vector<16xi32>
            %swap3A_525 = vector.shape_cast %add3A_520 : vector<16xi32> to vector<1x16xi32>
            tpu.vector_store %arg7[%swap3A_521, %swap3A_522], %swap3A_525 {strides = array<i32>} : memref<16x128xi32, #tpu.memory_space<vmem>>, vector<1x16xi32>,
          }
          %scan3A_504 = arith.constant 8 : i32
        }
        %scan3A_494 = arith.constant 16 : i32
      }
      %scan3A_484 = arith.constant 16 : i32
      "tpu.region"() ({
        %run_scoped3A = tpu.sem_alloc : memref<!tpu.dma_semaphore, #tpu.memory_space<semaphore_mem>>
        %dma_start3A = arith.constant 0 : i32
        %dma_start3A_485 = tpu.memref_slice %arg3[%arg0, %mul3A_474, %dma_start3A] : memref<2x80x128xi32, #tpu.memory_space<hbm>> -> memref<1x16x128xi32, #tpu.memory_space<hbm>>
        %dma_start3A_486 = tpu.memref_squeeze %dma_start3A_485 : memref<1x16x128xi32, #tpu.memory_space<hbm>> -> memref<16x128xi32, #tpu.memory_space<hbm>>
        %dma_start3A_487 = arith.constant 0 : i32
        %dma_start3A_488 = tpu.memref_slice %arg3[%arg0, %mul3A_474, %dma_start3A_487] : memref<2x80x128xi32, #tpu.memory_space<hbm>> -> memref<1x16x128xi32, #tpu.memory_space<hbm>>
        %dma_start3A_489 = tpu.memref_squeeze %dma_start3A_488 : memref<1x16x128xi32, #tpu.memory_space<hbm>> -> memref<16x128xi32, #tpu.memory_space<hbm>>
        tpu.enqueue_dma source(%arg7 : memref<16x128xi32, #tpu.memory_space<vmem>>) target(%dma_start3A_489 : memref<16x128xi32, #tpu.memory_space<hbm>>) target_semaphore(%run_scoped3A : memref<!tpu.dma_semaphore, #tpu.memory_space<semaphore_mem>>)
        %dma_wait3A = arith.constant 0 : i32
        %dma_wait3A_490 = tpu.memref_slice %arg3[%arg0, %mul3A_474, %dma_wait3A] : memref<2x80x128xi32, #tpu.memory_space<hbm>> -> memref<1x16x128xi32, #tpu.memory_space<hbm>>
        %dma_wait3A_491 = tpu.memref_squeeze %dma_wait3A_490 : memref<1x16x128xi32, #tpu.memory_space<hbm>> -> memref<16x128xi32, #tpu.memory_space<hbm>>
        %dma_wait3A_492 = arith.constant 0 : i32
        %dma_wait3A_493 = tpu.memref_slice %arg3[%arg0, %mul3A_474, %dma_wait3A_492] : memref<2x80x128xi32, #tpu.memory_space<hbm>> -> memref<1x16x128xi32, #tpu.memory_space<hbm>>
        %dma_wait3A_494 = tpu.memref_squeeze %dma_wait3A_493 : memref<1x16x128xi32, #tpu.memory_space<hbm>> -> memref<16x128xi32, #tpu.memory_space<hbm>>
        tpu.wait_dma2 semaphore(%run_scoped3A : memref<!tpu.dma_semaphore, #tpu.memory_space<semaphore_mem>>) src(%arg7 : memref<16x128xi32, #tpu.memory_space<vmem>>) dst(%dma_wait3A_494 : memref<16x128xi32, #tpu.memory_space<hbm>>)
        tpu.yield
      }) : () -> ()
    } else {
    }
    return
  }
}

#map = affine_map<(d0, d1) -> (0, 0)>
#map1 = affine_map<(d0, d1) -> (0)>
module attributes {stable_mosaic.version = 14 : i64} {
  func.func @_sc_segsum(%arg0: i32, %arg1: i32, %arg2: memref<10000x128xf32, #tpu.memory_space<hbm>>, %arg3: memref<10000x128xf32, #tpu.memory_space<hbm>>, %arg4: memref<160000xi32, #tpu.memory_space<hbm>>, %arg5: memref<160000xi32, #tpu.memory_space<hbm>>, %arg6: memref<10000x128xf32, #tpu.memory_space<hbm>>, %arg7: memref<10000x128xf32, #tpu.memory_space<hbm>>, %arg8: memref<80x128xf32, #tpu.memory_space<vmem>>, %arg9: memref<80x128xf32, #tpu.memory_space<vmem>>, %arg10: memref<80xi32, #tpu.memory_space<vmem>>, %arg11: memref<80xi32, #tpu.memory_space<vmem>>, %arg12: memref<80xi32, #tpu.memory_space<vmem>>, %arg13: memref<80xi32, #tpu.memory_space<vmem>>, %arg14: memref<80x128xf32, #tpu.memory_space<vmem>>, %arg15: memref<10000x128xf32, #tpu.memory_space<vmem_shared>>, %arg16: memref<!tpu.dma_semaphore, #tpu.memory_space<semaphore_mem>>, %arg17: memref<!tpu.dma_semaphore, #tpu.memory_space<semaphore_mem>>) attributes {dimension_semantics = [#tpu.dimension_semantics<core_parallel>, #tpu.dimension_semantics<subcore_parallel>], iteration_bounds = array<i64: 2, 16>, scalar_prefetch = 0 : i64, scratch_operands = 10 : i64, tpu.core_type = #tpu.core_type<sc_vector_subcore>, window_params = [{transform_indices = #map}, {transform_indices = #map}, {transform_indices = #map1}, {transform_indices = #map1}, {transform_indices = #map}, {transform_indices = #map}]} {
    %broadcast_in_dim3A = arith.constant 0.000000e+00 : f32
    %broadcast_in_dim3A_0 = vector.broadcast %broadcast_in_dim3A : f32 to vector<16xf32>
    %scan3A = arith.constant 0 : i32
    %scan3A_1 = arith.constant 80 : i32
    %scan3A_2 = arith.addi %scan3A, %scan3A_1 : i32
    %scan3A_3 = arith.constant 1 : i32
    scf.for %scan3A_17 = %scan3A to %scan3A_2 step %scan3A_3  : i32 {
      %mul3A = arith.constant 1 : i32
      %mul3A_18 = arith.muli %scan3A_17, %mul3A : i32
      %add3A = arith.constant 0 : i32
      %add3A_19 = arith.addi %add3A, %mul3A_18 : i32
      %scan3A_20 = arith.constant 0 : i32
      %scan3A_21 = arith.constant 8 : i32
      %scan3A_22 = arith.addi %scan3A_20, %scan3A_21 : i32
      %scan3A_23 = arith.constant 1 : i32
      scf.for %scan3A_25 = %scan3A_20 to %scan3A_22 step %scan3A_23  : i32 {
        %mul3A_26 = arith.constant 1 : i32
        %mul3A_27 = arith.muli %scan3A_25, %mul3A_26 : i32
        %add3A_28 = arith.constant 0 : i32
        %add3A_29 = arith.addi %add3A_28, %mul3A_27 : i32
        %mul3A_30 = arith.constant 16 : i32
        %mul3A_31 = arith.muli %add3A_29, %mul3A_30 : i32
        %swap3A = arith.index_cast %add3A_19 : i32 to index
        %swap3A_32 = arith.index_cast %mul3A_31 : i32 to index
        %swap3A_33 = tpu.vector_load %arg14[%swap3A, %swap3A_32] {strides = array<i32>} : memref<80x128xf32, #tpu.memory_space<vmem>>, vector<1x16xf32>,
        %swap3A_34 = vector.shape_cast %swap3A_33 : vector<1x16xf32> to vector<16xf32>
        %swap3A_35 = vector.shape_cast %broadcast_in_dim3A_0 : vector<16xf32> to vector<1x16xf32>
        tpu.vector_store %arg14[%swap3A, %swap3A_32], %swap3A_35 {strides = array<i32>} : memref<80x128xf32, #tpu.memory_space<vmem>>, vector<1x16xf32>,
      }
      %scan3A_24 = arith.constant 8 : i32
    }
    %scan3A_4 = arith.constant 80 : i32
    %scan3A_5 = arith.constant 0 : i32
    %scan3A_6 = arith.constant 8 : i32
    %scan3A_7 = arith.addi %scan3A_5, %scan3A_6 : i32
    %scan3A_8 = arith.constant 1 : i32
    scf.for %scan3A_17 = %scan3A_5 to %scan3A_7 step %scan3A_8  : i32 {
      %mul3A = arith.constant 1 : i32
      %mul3A_18 = arith.muli %scan3A_17, %mul3A : i32
      %add3A = arith.constant 0 : i32
      %add3A_19 = arith.addi %add3A, %mul3A_18 : i32
      %mul3A_20 = arith.constant 640 : i32
      %mul3A_21 = arith.muli %arg1, %mul3A_20 : i32
      %mul3A_22 = arith.constant 80 : i32
      %mul3A_23 = arith.muli %add3A_19, %mul3A_22 : i32
      %add3A_24 = arith.addi %mul3A_21, %mul3A_23 : i32
      %lt3A = arith.constant 10000 : i32
      %lt3A_25 = arith.cmpi slt, %add3A_24, %lt3A : i32
      %convert_element_type3A_26 = arith.extui %lt3A_25 : i1 to i32
      %cond3A_27 = arith.constant 0 : i32
      %cond3A_28 = arith.cmpi ne, %convert_element_type3A_26, %cond3A_27 : i32
      scf.if %cond3A_28 {
        "tpu.region"() ({
          %run_scoped3A = tpu.sem_alloc : memref<!tpu.dma_semaphore, #tpu.memory_space<semaphore_mem>>
          %dma_start3A = arith.constant 0 : i32
          %dma_start3A_29 = tpu.memref_slice %arg15[%add3A_24, %dma_start3A] : memref<10000x128xf32, #tpu.memory_space<vmem_shared>> -> memref<80x128xf32, #tpu.memory_space<vmem_shared>>
          %dma_start3A_30 = arith.constant 0 : i32
          %dma_start3A_31 = tpu.memref_slice %arg15[%add3A_24, %dma_start3A_30] : memref<10000x128xf32, #tpu.memory_space<vmem_shared>> -> memref<80x128xf32, #tpu.memory_space<vmem_shared>>
          tpu.enqueue_dma source(%arg14 : memref<80x128xf32, #tpu.memory_space<vmem>>) target(%dma_start3A_31 : memref<80x128xf32, #tpu.memory_space<vmem_shared>>) target_semaphore(%run_scoped3A : memref<!tpu.dma_semaphore, #tpu.memory_space<semaphore_mem>>)
          %dma_wait3A = arith.constant 0 : i32
          %dma_wait3A_32 = tpu.memref_slice %arg15[%add3A_24, %dma_wait3A] : memref<10000x128xf32, #tpu.memory_space<vmem_shared>> -> memref<80x128xf32, #tpu.memory_space<vmem_shared>>
          %dma_wait3A_33 = arith.constant 0 : i32
          %dma_wait3A_34 = tpu.memref_slice %arg15[%add3A_24, %dma_wait3A_33] : memref<10000x128xf32, #tpu.memory_space<vmem_shared>> -> memref<80x128xf32, #tpu.memory_space<vmem_shared>>
          tpu.wait_dma2 semaphore(%run_scoped3A : memref<!tpu.dma_semaphore, #tpu.memory_space<semaphore_mem>>) src(%arg14 : memref<80x128xf32, #tpu.memory_space<vmem>>) dst(%dma_wait3A_34 : memref<80x128xf32, #tpu.memory_space<vmem_shared>>)
          tpu.yield
        }) : () -> ()
      } else {
      }
    }
    %scan3A_9 = arith.constant 8 : i32
    %barrier3A = arith.constant 0 : index
    tpu.barrier barrier_id(%barrier3A)
    %eq3A = arith.constant 0 : i32
    %eq3A_10 = arith.cmpi eq, %arg0, %eq3A : i32
    %convert_element_type3A = arith.extui %eq3A_10 : i1 to i32
    %cond3A = arith.constant 0 : i32
    %cond3A_11 = arith.cmpi ne, %convert_element_type3A, %cond3A : i32
    scf.if %cond3A_11 {
      %mul3A = arith.constant 10000 : i32
      %mul3A_17 = arith.muli %arg1, %mul3A : i32
      %add3A = arith.constant 0 : i32
      %add3A_18 = arith.addi %mul3A_17, %add3A : i32
      "tpu.region"() ({
        %run_scoped3A = tpu.sem_alloc : memref<!tpu.dma_semaphore, #tpu.memory_space<semaphore_mem>>
        %dma_start3A_33 = tpu.memref_slice %arg4[%add3A_18] : memref<160000xi32, #tpu.memory_space<hbm>> -> memref<80xi32, #tpu.memory_space<hbm>>
        %dma_start3A_34 = tpu.memref_slice %arg4[%add3A_18] : memref<160000xi32, #tpu.memory_space<hbm>> -> memref<80xi32, #tpu.memory_space<hbm>>
        tpu.enqueue_dma source(%dma_start3A_34 : memref<80xi32, #tpu.memory_space<hbm>>) target(%arg10 : memref<80xi32, #tpu.memory_space<vmem>>) target_semaphore(%run_scoped3A : memref<!tpu.dma_semaphore, #tpu.memory_space<semaphore_mem>>)
        %dma_wait3A_35 = tpu.memref_slice %arg4[%add3A_18] : memref<160000xi32, #tpu.memory_space<hbm>> -> memref<80xi32, #tpu.memory_space<hbm>>
        %dma_wait3A_36 = tpu.memref_slice %arg4[%add3A_18] : memref<160000xi32, #tpu.memory_space<hbm>> -> memref<80xi32, #tpu.memory_space<hbm>>
        tpu.wait_dma2 semaphore(%run_scoped3A : memref<!tpu.dma_semaphore, #tpu.memory_space<semaphore_mem>>) src(%dma_wait3A_36 : memref<80xi32, #tpu.memory_space<hbm>>) dst(%arg10 : memref<80xi32, #tpu.memory_space<vmem>>)
        tpu.yield
      }) : () -> ()
      "tpu.region"() ({
        %run_scoped3A = tpu.sem_alloc : memref<!tpu.dma_semaphore, #tpu.memory_space<semaphore_mem>>
        %dma_start3A_33 = tpu.memref_slice %arg5[%add3A_18] : memref<160000xi32, #tpu.memory_space<hbm>> -> memref<80xi32, #tpu.memory_space<hbm>>
        %dma_start3A_34 = tpu.memref_slice %arg5[%add3A_18] : memref<160000xi32, #tpu.memory_space<hbm>> -> memref<80xi32, #tpu.memory_space<hbm>>
        tpu.enqueue_dma source(%dma_start3A_34 : memref<80xi32, #tpu.memory_space<hbm>>) target(%arg12 : memref<80xi32, #tpu.memory_space<vmem>>) target_semaphore(%run_scoped3A : memref<!tpu.dma_semaphore, #tpu.memory_space<semaphore_mem>>)
        %dma_wait3A_35 = tpu.memref_slice %arg5[%add3A_18] : memref<160000xi32, #tpu.memory_space<hbm>> -> memref<80xi32, #tpu.memory_space<hbm>>
        %dma_wait3A_36 = tpu.memref_slice %arg5[%add3A_18] : memref<160000xi32, #tpu.memory_space<hbm>> -> memref<80xi32, #tpu.memory_space<hbm>>
        tpu.wait_dma2 semaphore(%run_scoped3A : memref<!tpu.dma_semaphore, #tpu.memory_space<semaphore_mem>>) src(%dma_wait3A_36 : memref<80xi32, #tpu.memory_space<hbm>>) dst(%arg12 : memref<80xi32, #tpu.memory_space<vmem>>)
        tpu.yield
      }) : () -> ()
      %dma_start3A = arith.constant 0 : i32
      %dma_start3A_19 = arith.constant 0 : i32
      %dma_start3A_20 = tpu.memref_slice %arg2[%dma_start3A, %dma_start3A_19] : memref<10000x128xf32, #tpu.memory_space<hbm>> -> memref<10000x128xf32, #tpu.memory_space<hbm>>
      tpu.enqueue_indirect_dma source(%dma_start3A_20 : memref<10000x128xf32, #tpu.memory_space<hbm>>) target(%arg8 : memref<80x128xf32, #tpu.memory_space<vmem>>) offsets(%arg10 : memref<80xi32, #tpu.memory_space<vmem>>) semaphore(%arg16 : memref<!tpu.dma_semaphore, #tpu.memory_space<semaphore_mem>>)
      %scan3A_21 = arith.constant 0 : i32
      %scan3A_22 = arith.constant 62 : i32
      %scan3A_23 = arith.addi %scan3A_21, %scan3A_22 : i32
      %scan3A_24 = arith.constant 1 : i32
      scf.for %scan3A_33 = %scan3A_21 to %scan3A_23 step %scan3A_24  : i32 {
        %mul3A_34 = arith.constant 1 : i32
        %mul3A_35 = arith.muli %scan3A_33, %mul3A_34 : i32
        %add3A_36 = arith.constant 0 : i32
        %add3A_37 = arith.addi %add3A_36, %mul3A_35 : i32
        %mul3A_38 = arith.constant 2 : i32
        %mul3A_39 = arith.muli %add3A_37, %mul3A_38 : i32
        %add3A_40 = arith.constant 1 : i32
        %add3A_41 = arith.addi %mul3A_39, %add3A_40 : i32
        %mul3A_42 = arith.constant 80 : i32
        %mul3A_43 = arith.muli %add3A_41, %mul3A_42 : i32
        %add3A_44 = arith.addi %mul3A_17, %mul3A_43 : i32
        "tpu.region"() ({
          %run_scoped3A = tpu.sem_alloc : memref<!tpu.dma_semaphore, #tpu.memory_space<semaphore_mem>>
          %dma_start3A_62 = tpu.memref_slice %arg4[%add3A_44] : memref<160000xi32, #tpu.memory_space<hbm>> -> memref<80xi32, #tpu.memory_space<hbm>>
          %dma_start3A_63 = tpu.memref_slice %arg4[%add3A_44] : memref<160000xi32, #tpu.memory_space<hbm>> -> memref<80xi32, #tpu.memory_space<hbm>>
          tpu.enqueue_dma source(%dma_start3A_63 : memref<80xi32, #tpu.memory_space<hbm>>) target(%arg11 : memref<80xi32, #tpu.memory_space<vmem>>) target_semaphore(%run_scoped3A : memref<!tpu.dma_semaphore, #tpu.memory_space<semaphore_mem>>)
          %dma_wait3A_64 = tpu.memref_slice %arg4[%add3A_44] : memref<160000xi32, #tpu.memory_space<hbm>> -> memref<80xi32, #tpu.memory_space<hbm>>
          %dma_wait3A_65 = tpu.memref_slice %arg4[%add3A_44] : memref<160000xi32, #tpu.memory_space<hbm>> -> memref<80xi32, #tpu.memory_space<hbm>>
          tpu.wait_dma2 semaphore(%run_scoped3A : memref<!tpu.dma_semaphore, #tpu.memory_space<semaphore_mem>>) src(%dma_wait3A_65 : memref<80xi32, #tpu.memory_space<hbm>>) dst(%arg11 : memref<80xi32, #tpu.memory_space<vmem>>)
          tpu.yield
        }) : () -> ()
        "tpu.region"() ({
          %run_scoped3A = tpu.sem_alloc : memref<!tpu.dma_semaphore, #tpu.memory_space<semaphore_mem>>
          %dma_start3A_62 = tpu.memref_slice %arg5[%add3A_44] : memref<160000xi32, #tpu.memory_space<hbm>> -> memref<80xi32, #tpu.memory_space<hbm>>
          %dma_start3A_63 = tpu.memref_slice %arg5[%add3A_44] : memref<160000xi32, #tpu.memory_space<hbm>> -> memref<80xi32, #tpu.memory_space<hbm>>
          tpu.enqueue_dma source(%dma_start3A_63 : memref<80xi32, #tpu.memory_space<hbm>>) target(%arg13 : memref<80xi32, #tpu.memory_space<vmem>>) target_semaphore(%run_scoped3A : memref<!tpu.dma_semaphore, #tpu.memory_space<semaphore_mem>>)
          %dma_wait3A_64 = tpu.memref_slice %arg5[%add3A_44] : memref<160000xi32, #tpu.memory_space<hbm>> -> memref<80xi32, #tpu.memory_space<hbm>>
          %dma_wait3A_65 = tpu.memref_slice %arg5[%add3A_44] : memref<160000xi32, #tpu.memory_space<hbm>> -> memref<80xi32, #tpu.memory_space<hbm>>
          tpu.wait_dma2 semaphore(%run_scoped3A : memref<!tpu.dma_semaphore, #tpu.memory_space<semaphore_mem>>) src(%dma_wait3A_65 : memref<80xi32, #tpu.memory_space<hbm>>) dst(%arg13 : memref<80xi32, #tpu.memory_space<vmem>>)
          tpu.yield
        }) : () -> ()
        %dma_start3A_45 = arith.constant 0 : i32
        %dma_start3A_46 = arith.constant 0 : i32
        %dma_start3A_47 = tpu.memref_slice %arg2[%dma_start3A_45, %dma_start3A_46] : memref<10000x128xf32, #tpu.memory_space<hbm>> -> memref<10000x128xf32, #tpu.memory_space<hbm>>
        tpu.enqueue_indirect_dma source(%dma_start3A_47 : memref<10000x128xf32, #tpu.memory_space<hbm>>) target(%arg9 : memref<80x128xf32, #tpu.memory_space<vmem>>) offsets(%arg11 : memref<80xi32, #tpu.memory_space<vmem>>) semaphore(%arg17 : memref<!tpu.dma_semaphore, #tpu.memory_space<semaphore_mem>>)
        %dma_wait3A_48 = arith.constant 0 : i32
        %dma_wait3A_49 = arith.constant 0 : i32
        %dma_wait3A_50 = tpu.memref_slice %arg2[%dma_wait3A_48, %dma_wait3A_49] : memref<10000x128xf32, #tpu.memory_space<hbm>> -> memref<10000x128xf32, #tpu.memory_space<hbm>>
        tpu.wait_indirect_dma semaphore(%arg16 : memref<!tpu.dma_semaphore, #tpu.memory_space<semaphore_mem>>) src(%dma_wait3A_50 : memref<10000x128xf32, #tpu.memory_space<hbm>>) dst(%arg8 : memref<80x128xf32, #tpu.memory_space<vmem>>)
        "tpu.region"() ({
          %run_scoped3A = tpu.sem_alloc : memref<!tpu.dma_semaphore, #tpu.memory_space<semaphore_mem>>
          %dma_start3A_62 = arith.constant 0 : i32
          %dma_start3A_63 = arith.constant 0 : i32
          %dma_start3A_64 = tpu.memref_slice %arg15[%dma_start3A_62, %dma_start3A_63] : memref<10000x128xf32, #tpu.memory_space<vmem_shared>> -> memref<10000x128xf32, #tpu.memory_space<vmem_shared>>
          tpu.enqueue_indirect_dma source(%arg8 : memref<80x128xf32, #tpu.memory_space<vmem>>) target(%dma_start3A_64 : memref<10000x128xf32, #tpu.memory_space<vmem_shared>>) offsets(%arg12 : memref<80xi32, #tpu.memory_space<vmem>>) semaphore(%run_scoped3A : memref<!tpu.dma_semaphore, #tpu.memory_space<semaphore_mem>>) {add = true}
          %dma_wait3A_65 = arith.constant 0 : i32
          %dma_wait3A_66 = arith.constant 0 : i32
          %dma_wait3A_67 = tpu.memref_slice %arg15[%dma_wait3A_65, %dma_wait3A_66] : memref<10000x128xf32, #tpu.memory_space<vmem_shared>> -> memref<10000x128xf32, #tpu.memory_space<vmem_shared>>
          tpu.wait_indirect_dma semaphore(%run_scoped3A : memref<!tpu.dma_semaphore, #tpu.memory_space<semaphore_mem>>) src(%arg8 : memref<80x128xf32, #tpu.memory_space<vmem>>) dst(%dma_wait3A_67 : memref<10000x128xf32, #tpu.memory_space<vmem_shared>>)
          tpu.yield
        }) : () -> ()
        %add3A_51 = arith.constant 2 : i32
        %add3A_52 = arith.addi %mul3A_39, %add3A_51 : i32
        %mul3A_53 = arith.constant 80 : i32
        %mul3A_54 = arith.muli %add3A_52, %mul3A_53 : i32
        %add3A_55 = arith.addi %mul3A_17, %mul3A_54 : i32
        "tpu.region"() ({
          %run_scoped3A = tpu.sem_alloc : memref<!tpu.dma_semaphore, #tpu.memory_space<semaphore_mem>>
          %dma_start3A_62 = tpu.memref_slice %arg4[%add3A_55] : memref<160000xi32, #tpu.memory_space<hbm>> -> memref<80xi32, #tpu.memory_space<hbm>>
          %dma_start3A_63 = tpu.memref_slice %arg4[%add3A_55] : memref<160000xi32, #tpu.memory_space<hbm>> -> memref<80xi32, #tpu.memory_space<hbm>>
          tpu.enqueue_dma source(%dma_start3A_63 : memref<80xi32, #tpu.memory_space<hbm>>) target(%arg10 : memref<80xi32, #tpu.memory_space<vmem>>) target_semaphore(%run_scoped3A : memref<!tpu.dma_semaphore, #tpu.memory_space<semaphore_mem>>)
          %dma_wait3A_64 = tpu.memref_slice %arg4[%add3A_55] : memref<160000xi32, #tpu.memory_space<hbm>> -> memref<80xi32, #tpu.memory_space<hbm>>
          %dma_wait3A_65 = tpu.memref_slice %arg4[%add3A_55] : memref<160000xi32, #tpu.memory_space<hbm>> -> memref<80xi32, #tpu.memory_space<hbm>>
          tpu.wait_dma2 semaphore(%run_scoped3A : memref<!tpu.dma_semaphore, #tpu.memory_space<semaphore_mem>>) src(%dma_wait3A_65 : memref<80xi32, #tpu.memory_space<hbm>>) dst(%arg10 : memref<80xi32, #tpu.memory_space<vmem>>)
          tpu.yield
        }) : () -> ()
        "tpu.region"() ({
          %run_scoped3A = tpu.sem_alloc : memref<!tpu.dma_semaphore, #tpu.memory_space<semaphore_mem>>
          %dma_start3A_62 = tpu.memref_slice %arg5[%add3A_55] : memref<160000xi32, #tpu.memory_space<hbm>> -> memref<80xi32, #tpu.memory_space<hbm>>
          %dma_start3A_63 = tpu.memref_slice %arg5[%add3A_55] : memref<160000xi32, #tpu.memory_space<hbm>> -> memref<80xi32, #tpu.memory_space<hbm>>
          tpu.enqueue_dma source(%dma_start3A_63 : memref<80xi32, #tpu.memory_space<hbm>>) target(%arg12 : memref<80xi32, #tpu.memory_space<vmem>>) target_semaphore(%run_scoped3A : memref<!tpu.dma_semaphore, #tpu.memory_space<semaphore_mem>>)
          %dma_wait3A_64 = tpu.memref_slice %arg5[%add3A_55] : memref<160000xi32, #tpu.memory_space<hbm>> -> memref<80xi32, #tpu.memory_space<hbm>>
          %dma_wait3A_65 = tpu.memref_slice %arg5[%add3A_55] : memref<160000xi32, #tpu.memory_space<hbm>> -> memref<80xi32, #tpu.memory_space<hbm>>
          tpu.wait_dma2 semaphore(%run_scoped3A : memref<!tpu.dma_semaphore, #tpu.memory_space<semaphore_mem>>) src(%dma_wait3A_65 : memref<80xi32, #tpu.memory_space<hbm>>) dst(%arg12 : memref<80xi32, #tpu.memory_space<vmem>>)
          tpu.yield
        }) : () -> ()
        %dma_start3A_56 = arith.constant 0 : i32
        %dma_start3A_57 = arith.constant 0 : i32
        %dma_start3A_58 = tpu.memref_slice %arg2[%dma_start3A_56, %dma_start3A_57] : memref<10000x128xf32, #tpu.memory_space<hbm>> -> memref<10000x128xf32, #tpu.memory_space<hbm>>
        tpu.enqueue_indirect_dma source(%dma_start3A_58 : memref<10000x128xf32, #tpu.memory_space<hbm>>) target(%arg8 : memref<80x128xf32, #tpu.memory_space<vmem>>) offsets(%arg10 : memref<80xi32, #tpu.memory_space<vmem>>) semaphore(%arg16 : memref<!tpu.dma_semaphore, #tpu.memory_space<semaphore_mem>>)
        %dma_wait3A_59 = arith.constant 0 : i32
        %dma_wait3A_60 = arith.constant 0 : i32
        %dma_wait3A_61 = tpu.memref_slice %arg2[%dma_wait3A_59, %dma_wait3A_60] : memref<10000x128xf32, #tpu.memory_space<hbm>> -> memref<10000x128xf32, #tpu.memory_space<hbm>>
        tpu.wait_indirect_dma semaphore(%arg17 : memref<!tpu.dma_semaphore, #tpu.memory_space<semaphore_mem>>) src(%dma_wait3A_61 : memref<10000x128xf32, #tpu.memory_space<hbm>>) dst(%arg9 : memref<80x128xf32, #tpu.memory_space<vmem>>)
        "tpu.region"() ({
          %run_scoped3A = tpu.sem_alloc : memref<!tpu.dma_semaphore, #tpu.memory_space<semaphore_mem>>
          %dma_start3A_62 = arith.constant 0 : i32
          %dma_start3A_63 = arith.constant 0 : i32
          %dma_start3A_64 = tpu.memref_slice %arg15[%dma_start3A_62, %dma_start3A_63] : memref<10000x128xf32, #tpu.memory_space<vmem_shared>> -> memref<10000x128xf32, #tpu.memory_space<vmem_shared>>
          tpu.enqueue_indirect_dma source(%arg9 : memref<80x128xf32, #tpu.memory_space<vmem>>) target(%dma_start3A_64 : memref<10000x128xf32, #tpu.memory_space<vmem_shared>>) offsets(%arg13 : memref<80xi32, #tpu.memory_space<vmem>>) semaphore(%run_scoped3A : memref<!tpu.dma_semaphore, #tpu.memory_space<semaphore_mem>>) {add = true}
          %dma_wait3A_65 = arith.constant 0 : i32
          %dma_wait3A_66 = arith.constant 0 : i32
          %dma_wait3A_67 = tpu.memref_slice %arg15[%dma_wait3A_65, %dma_wait3A_66] : memref<10000x128xf32, #tpu.memory_space<vmem_shared>> -> memref<10000x128xf32, #tpu.memory_space<vmem_shared>>
          tpu.wait_indirect_dma semaphore(%run_scoped3A : memref<!tpu.dma_semaphore, #tpu.memory_space<semaphore_mem>>) src(%arg9 : memref<80x128xf32, #tpu.memory_space<vmem>>) dst(%dma_wait3A_67 : memref<10000x128xf32, #tpu.memory_space<vmem_shared>>)
          tpu.yield
        }) : () -> ()
      }
      %scan3A_25 = arith.constant 62 : i32
      %dma_wait3A = arith.constant 0 : i32
      %dma_wait3A_26 = arith.constant 0 : i32
      %dma_wait3A_27 = tpu.memref_slice %arg2[%dma_wait3A, %dma_wait3A_26] : memref<10000x128xf32, #tpu.memory_space<hbm>> -> memref<10000x128xf32, #tpu.memory_space<hbm>>
      tpu.wait_indirect_dma semaphore(%arg16 : memref<!tpu.dma_semaphore, #tpu.memory_space<semaphore_mem>>) src(%dma_wait3A_27 : memref<10000x128xf32, #tpu.memory_space<hbm>>) dst(%arg8 : memref<80x128xf32, #tpu.memory_space<vmem>>)
      "tpu.region"() ({
        %run_scoped3A = tpu.sem_alloc : memref<!tpu.dma_semaphore, #tpu.memory_space<semaphore_mem>>
        %dma_start3A_33 = arith.constant 0 : i32
        %dma_start3A_34 = arith.constant 0 : i32
        %dma_start3A_35 = tpu.memref_slice %arg15[%dma_start3A_33, %dma_start3A_34] : memref<10000x128xf32, #tpu.memory_space<vmem_shared>> -> memref<10000x128xf32, #tpu.memory_space<vmem_shared>>
        tpu.enqueue_indirect_dma source(%arg8 : memref<80x128xf32, #tpu.memory_space<vmem>>) target(%dma_start3A_35 : memref<10000x128xf32, #tpu.memory_space<vmem_shared>>) offsets(%arg12 : memref<80xi32, #tpu.memory_space<vmem>>) semaphore(%run_scoped3A : memref<!tpu.dma_semaphore, #tpu.memory_space<semaphore_mem>>) {add = true}
        %dma_wait3A_36 = arith.constant 0 : i32
        %dma_wait3A_37 = arith.constant 0 : i32
        %dma_wait3A_38 = tpu.memref_slice %arg15[%dma_wait3A_36, %dma_wait3A_37] : memref<10000x128xf32, #tpu.memory_space<vmem_shared>> -> memref<10000x128xf32, #tpu.memory_space<vmem_shared>>
        tpu.wait_indirect_dma semaphore(%run_scoped3A : memref<!tpu.dma_semaphore, #tpu.memory_space<semaphore_mem>>) src(%arg8 : memref<80x128xf32, #tpu.memory_space<vmem>>) dst(%dma_wait3A_38 : memref<10000x128xf32, #tpu.memory_space<vmem_shared>>)
        tpu.yield
      }) : () -> ()
      %barrier3A_28 = arith.constant 0 : index
      tpu.barrier barrier_id(%barrier3A_28)
      %lt3A = arith.constant 2 : i32
      %lt3A_29 = arith.cmpi slt, %arg1, %lt3A : i32
      %convert_element_type3A_30 = arith.extui %lt3A_29 : i1 to i32
      %cond3A_31 = arith.constant 0 : i32
      %cond3A_32 = arith.cmpi ne, %convert_element_type3A_30, %cond3A_31 : i32
      scf.if %cond3A_32 {
        %mul3A_33 = arith.constant 5000 : i32
        %mul3A_34 = arith.muli %arg1, %mul3A_33 : i32
        "tpu.region"() ({
          %run_scoped3A = tpu.sem_alloc : memref<!tpu.dma_semaphore, #tpu.memory_space<semaphore_mem>>
          %dma_start3A_35 = arith.constant 0 : i32
          %dma_start3A_36 = tpu.memref_slice %arg6[%mul3A_34, %dma_start3A_35] : memref<10000x128xf32, #tpu.memory_space<hbm>> -> memref<5000x128xf32, #tpu.memory_space<hbm>>
          %dma_start3A_37 = arith.constant 0 : i32
          %dma_start3A_38 = tpu.memref_slice %arg15[%mul3A_34, %dma_start3A_37] : memref<10000x128xf32, #tpu.memory_space<vmem_shared>> -> memref<5000x128xf32, #tpu.memory_space<vmem_shared>>
          tpu.enqueue_dma source(%dma_start3A_38 : memref<5000x128xf32, #tpu.memory_space<vmem_shared>>) target(%dma_start3A_36 : memref<5000x128xf32, #tpu.memory_space<hbm>>) target_semaphore(%run_scoped3A : memref<!tpu.dma_semaphore, #tpu.memory_space<semaphore_mem>>)
          %dma_wait3A_39 = arith.constant 0 : i32
          %dma_wait3A_40 = tpu.memref_slice %arg6[%mul3A_34, %dma_wait3A_39] : memref<10000x128xf32, #tpu.memory_space<hbm>> -> memref<5000x128xf32, #tpu.memory_space<hbm>>
          %dma_wait3A_41 = arith.constant 0 : i32
          %dma_wait3A_42 = tpu.memref_slice %arg15[%mul3A_34, %dma_wait3A_41] : memref<10000x128xf32, #tpu.memory_space<vmem_shared>> -> memref<5000x128xf32, #tpu.memory_space<vmem_shared>>
          tpu.wait_dma2 semaphore(%run_scoped3A : memref<!tpu.dma_semaphore, #tpu.memory_space<semaphore_mem>>) src(%dma_wait3A_42 : memref<5000x128xf32, #tpu.memory_space<vmem_shared>>) dst(%dma_wait3A_40 : memref<5000x128xf32, #tpu.memory_space<hbm>>)
          tpu.yield
        }) : () -> ()
      } else {
      }
    } else {
    }
    %eq3A_12 = arith.constant 1 : i32
    %eq3A_13 = arith.cmpi eq, %arg0, %eq3A_12 : i32
    %convert_element_type3A_14 = arith.extui %eq3A_13 : i1 to i32
    %cond3A_15 = arith.constant 0 : i32
    %cond3A_16 = arith.cmpi ne, %convert_element_type3A_14, %cond3A_15 : i32
    scf.if %cond3A_16 {
      %mul3A = arith.constant 10000 : i32
      %mul3A_17 = arith.muli %arg1, %mul3A : i32
      %add3A = arith.constant 0 : i32
      %add3A_18 = arith.addi %mul3A_17, %add3A : i32
      "tpu.region"() ({
        %run_scoped3A = tpu.sem_alloc : memref<!tpu.dma_semaphore, #tpu.memory_space<semaphore_mem>>
        %dma_start3A_33 = tpu.memref_slice %arg4[%add3A_18] : memref<160000xi32, #tpu.memory_space<hbm>> -> memref<80xi32, #tpu.memory_space<hbm>>
        %dma_start3A_34 = tpu.memref_slice %arg4[%add3A_18] : memref<160000xi32, #tpu.memory_space<hbm>> -> memref<80xi32, #tpu.memory_space<hbm>>
        tpu.enqueue_dma source(%dma_start3A_34 : memref<80xi32, #tpu.memory_space<hbm>>) target(%arg10 : memref<80xi32, #tpu.memory_space<vmem>>) target_semaphore(%run_scoped3A : memref<!tpu.dma_semaphore, #tpu.memory_space<semaphore_mem>>)
        %dma_wait3A_35 = tpu.memref_slice %arg4[%add3A_18] : memref<160000xi32, #tpu.memory_space<hbm>> -> memref<80xi32, #tpu.memory_space<hbm>>
        %dma_wait3A_36 = tpu.memref_slice %arg4[%add3A_18] : memref<160000xi32, #tpu.memory_space<hbm>> -> memref<80xi32, #tpu.memory_space<hbm>>
        tpu.wait_dma2 semaphore(%run_scoped3A : memref<!tpu.dma_semaphore, #tpu.memory_space<semaphore_mem>>) src(%dma_wait3A_36 : memref<80xi32, #tpu.memory_space<hbm>>) dst(%arg10 : memref<80xi32, #tpu.memory_space<vmem>>)
        tpu.yield
      }) : () -> ()
      "tpu.region"() ({
        %run_scoped3A = tpu.sem_alloc : memref<!tpu.dma_semaphore, #tpu.memory_space<semaphore_mem>>
        %dma_start3A_33 = tpu.memref_slice %arg5[%add3A_18] : memref<160000xi32, #tpu.memory_space<hbm>> -> memref<80xi32, #tpu.memory_space<hbm>>
        %dma_start3A_34 = tpu.memref_slice %arg5[%add3A_18] : memref<160000xi32, #tpu.memory_space<hbm>> -> memref<80xi32, #tpu.memory_space<hbm>>
        tpu.enqueue_dma source(%dma_start3A_34 : memref<80xi32, #tpu.memory_space<hbm>>) target(%arg12 : memref<80xi32, #tpu.memory_space<vmem>>) target_semaphore(%run_scoped3A : memref<!tpu.dma_semaphore, #tpu.memory_space<semaphore_mem>>)
        %dma_wait3A_35 = tpu.memref_slice %arg5[%add3A_18] : memref<160000xi32, #tpu.memory_space<hbm>> -> memref<80xi32, #tpu.memory_space<hbm>>
        %dma_wait3A_36 = tpu.memref_slice %arg5[%add3A_18] : memref<160000xi32, #tpu.memory_space<hbm>> -> memref<80xi32, #tpu.memory_space<hbm>>
        tpu.wait_dma2 semaphore(%run_scoped3A : memref<!tpu.dma_semaphore, #tpu.memory_space<semaphore_mem>>) src(%dma_wait3A_36 : memref<80xi32, #tpu.memory_space<hbm>>) dst(%arg12 : memref<80xi32, #tpu.memory_space<vmem>>)
        tpu.yield
      }) : () -> ()
      %dma_start3A = arith.constant 0 : i32
      %dma_start3A_19 = arith.constant 0 : i32
      %dma_start3A_20 = tpu.memref_slice %arg3[%dma_start3A, %dma_start3A_19] : memref<10000x128xf32, #tpu.memory_space<hbm>> -> memref<10000x128xf32, #tpu.memory_space<hbm>>
      tpu.enqueue_indirect_dma source(%dma_start3A_20 : memref<10000x128xf32, #tpu.memory_space<hbm>>) target(%arg8 : memref<80x128xf32, #tpu.memory_space<vmem>>) offsets(%arg10 : memref<80xi32, #tpu.memory_space<vmem>>) semaphore(%arg16 : memref<!tpu.dma_semaphore, #tpu.memory_space<semaphore_mem>>)
      %scan3A_21 = arith.constant 0 : i32
      %scan3A_22 = arith.constant 62 : i32
      %scan3A_23 = arith.addi %scan3A_21, %scan3A_22 : i32
      %scan3A_24 = arith.constant 1 : i32
      scf.for %scan3A_33 = %scan3A_21 to %scan3A_23 step %scan3A_24  : i32 {
        %mul3A_34 = arith.constant 1 : i32
        %mul3A_35 = arith.muli %scan3A_33, %mul3A_34 : i32
        %add3A_36 = arith.constant 0 : i32
        %add3A_37 = arith.addi %add3A_36, %mul3A_35 : i32
        %mul3A_38 = arith.constant 2 : i32
        %mul3A_39 = arith.muli %add3A_37, %mul3A_38 : i32
        %add3A_40 = arith.constant 1 : i32
        %add3A_41 = arith.addi %mul3A_39, %add3A_40 : i32
        %mul3A_42 = arith.constant 80 : i32
        %mul3A_43 = arith.muli %add3A_41, %mul3A_42 : i32
        %add3A_44 = arith.addi %mul3A_17, %mul3A_43 : i32
        "tpu.region"() ({
          %run_scoped3A = tpu.sem_alloc : memref<!tpu.dma_semaphore, #tpu.memory_space<semaphore_mem>>
          %dma_start3A_62 = tpu.memref_slice %arg4[%add3A_44] : memref<160000xi32, #tpu.memory_space<hbm>> -> memref<80xi32, #tpu.memory_space<hbm>>
          %dma_start3A_63 = tpu.memref_slice %arg4[%add3A_44] : memref<160000xi32, #tpu.memory_space<hbm>> -> memref<80xi32, #tpu.memory_space<hbm>>
          tpu.enqueue_dma source(%dma_start3A_63 : memref<80xi32, #tpu.memory_space<hbm>>) target(%arg11 : memref<80xi32, #tpu.memory_space<vmem>>) target_semaphore(%run_scoped3A : memref<!tpu.dma_semaphore, #tpu.memory_space<semaphore_mem>>)
          %dma_wait3A_64 = tpu.memref_slice %arg4[%add3A_44] : memref<160000xi32, #tpu.memory_space<hbm>> -> memref<80xi32, #tpu.memory_space<hbm>>
          %dma_wait3A_65 = tpu.memref_slice %arg4[%add3A_44] : memref<160000xi32, #tpu.memory_space<hbm>> -> memref<80xi32, #tpu.memory_space<hbm>>
          tpu.wait_dma2 semaphore(%run_scoped3A : memref<!tpu.dma_semaphore, #tpu.memory_space<semaphore_mem>>) src(%dma_wait3A_65 : memref<80xi32, #tpu.memory_space<hbm>>) dst(%arg11 : memref<80xi32, #tpu.memory_space<vmem>>)
          tpu.yield
        }) : () -> ()
        "tpu.region"() ({
          %run_scoped3A = tpu.sem_alloc : memref<!tpu.dma_semaphore, #tpu.memory_space<semaphore_mem>>
          %dma_start3A_62 = tpu.memref_slice %arg5[%add3A_44] : memref<160000xi32, #tpu.memory_space<hbm>> -> memref<80xi32, #tpu.memory_space<hbm>>
          %dma_start3A_63 = tpu.memref_slice %arg5[%add3A_44] : memref<160000xi32, #tpu.memory_space<hbm>> -> memref<80xi32, #tpu.memory_space<hbm>>
          tpu.enqueue_dma source(%dma_start3A_63 : memref<80xi32, #tpu.memory_space<hbm>>) target(%arg13 : memref<80xi32, #tpu.memory_space<vmem>>) target_semaphore(%run_scoped3A : memref<!tpu.dma_semaphore, #tpu.memory_space<semaphore_mem>>)
          %dma_wait3A_64 = tpu.memref_slice %arg5[%add3A_44] : memref<160000xi32, #tpu.memory_space<hbm>> -> memref<80xi32, #tpu.memory_space<hbm>>
          %dma_wait3A_65 = tpu.memref_slice %arg5[%add3A_44] : memref<160000xi32, #tpu.memory_space<hbm>> -> memref<80xi32, #tpu.memory_space<hbm>>
          tpu.wait_dma2 semaphore(%run_scoped3A : memref<!tpu.dma_semaphore, #tpu.memory_space<semaphore_mem>>) src(%dma_wait3A_65 : memref<80xi32, #tpu.memory_space<hbm>>) dst(%arg13 : memref<80xi32, #tpu.memory_space<vmem>>)
          tpu.yield
        }) : () -> ()
        %dma_start3A_45 = arith.constant 0 : i32
        %dma_start3A_46 = arith.constant 0 : i32
        %dma_start3A_47 = tpu.memref_slice %arg3[%dma_start3A_45, %dma_start3A_46] : memref<10000x128xf32, #tpu.memory_space<hbm>> -> memref<10000x128xf32, #tpu.memory_space<hbm>>
        tpu.enqueue_indirect_dma source(%dma_start3A_47 : memref<10000x128xf32, #tpu.memory_space<hbm>>) target(%arg9 : memref<80x128xf32, #tpu.memory_space<vmem>>) offsets(%arg11 : memref<80xi32, #tpu.memory_space<vmem>>) semaphore(%arg17 : memref<!tpu.dma_semaphore, #tpu.memory_space<semaphore_mem>>)
        %dma_wait3A_48 = arith.constant 0 : i32
        %dma_wait3A_49 = arith.constant 0 : i32
        %dma_wait3A_50 = tpu.memref_slice %arg3[%dma_wait3A_48, %dma_wait3A_49] : memref<10000x128xf32, #tpu.memory_space<hbm>> -> memref<10000x128xf32, #tpu.memory_space<hbm>>
        tpu.wait_indirect_dma semaphore(%arg16 : memref<!tpu.dma_semaphore, #tpu.memory_space<semaphore_mem>>) src(%dma_wait3A_50 : memref<10000x128xf32, #tpu.memory_space<hbm>>) dst(%arg8 : memref<80x128xf32, #tpu.memory_space<vmem>>)
        "tpu.region"() ({
          %run_scoped3A = tpu.sem_alloc : memref<!tpu.dma_semaphore, #tpu.memory_space<semaphore_mem>>
          %dma_start3A_62 = arith.constant 0 : i32
          %dma_start3A_63 = arith.constant 0 : i32
          %dma_start3A_64 = tpu.memref_slice %arg15[%dma_start3A_62, %dma_start3A_63] : memref<10000x128xf32, #tpu.memory_space<vmem_shared>> -> memref<10000x128xf32, #tpu.memory_space<vmem_shared>>
          tpu.enqueue_indirect_dma source(%arg8 : memref<80x128xf32, #tpu.memory_space<vmem>>) target(%dma_start3A_64 : memref<10000x128xf32, #tpu.memory_space<vmem_shared>>) offsets(%arg12 : memref<80xi32, #tpu.memory_space<vmem>>) semaphore(%run_scoped3A : memref<!tpu.dma_semaphore, #tpu.memory_space<semaphore_mem>>) {add = true}
          %dma_wait3A_65 = arith.constant 0 : i32
          %dma_wait3A_66 = arith.constant 0 : i32
          %dma_wait3A_67 = tpu.memref_slice %arg15[%dma_wait3A_65, %dma_wait3A_66] : memref<10000x128xf32, #tpu.memory_space<vmem_shared>> -> memref<10000x128xf32, #tpu.memory_space<vmem_shared>>
          tpu.wait_indirect_dma semaphore(%run_scoped3A : memref<!tpu.dma_semaphore, #tpu.memory_space<semaphore_mem>>) src(%arg8 : memref<80x128xf32, #tpu.memory_space<vmem>>) dst(%dma_wait3A_67 : memref<10000x128xf32, #tpu.memory_space<vmem_shared>>)
          tpu.yield
        }) : () -> ()
        %add3A_51 = arith.constant 2 : i32
        %add3A_52 = arith.addi %mul3A_39, %add3A_51 : i32
        %mul3A_53 = arith.constant 80 : i32
        %mul3A_54 = arith.muli %add3A_52, %mul3A_53 : i32
        %add3A_55 = arith.addi %mul3A_17, %mul3A_54 : i32
        "tpu.region"() ({
          %run_scoped3A = tpu.sem_alloc : memref<!tpu.dma_semaphore, #tpu.memory_space<semaphore_mem>>
          %dma_start3A_62 = tpu.memref_slice %arg4[%add3A_55] : memref<160000xi32, #tpu.memory_space<hbm>> -> memref<80xi32, #tpu.memory_space<hbm>>
          %dma_start3A_63 = tpu.memref_slice %arg4[%add3A_55] : memref<160000xi32, #tpu.memory_space<hbm>> -> memref<80xi32, #tpu.memory_space<hbm>>
          tpu.enqueue_dma source(%dma_start3A_63 : memref<80xi32, #tpu.memory_space<hbm>>) target(%arg10 : memref<80xi32, #tpu.memory_space<vmem>>) target_semaphore(%run_scoped3A : memref<!tpu.dma_semaphore, #tpu.memory_space<semaphore_mem>>)
          %dma_wait3A_64 = tpu.memref_slice %arg4[%add3A_55] : memref<160000xi32, #tpu.memory_space<hbm>> -> memref<80xi32, #tpu.memory_space<hbm>>
          %dma_wait3A_65 = tpu.memref_slice %arg4[%add3A_55] : memref<160000xi32, #tpu.memory_space<hbm>> -> memref<80xi32, #tpu.memory_space<hbm>>
          tpu.wait_dma2 semaphore(%run_scoped3A : memref<!tpu.dma_semaphore, #tpu.memory_space<semaphore_mem>>) src(%dma_wait3A_65 : memref<80xi32, #tpu.memory_space<hbm>>) dst(%arg10 : memref<80xi32, #tpu.memory_space<vmem>>)
          tpu.yield
        }) : () -> ()
        "tpu.region"() ({
          %run_scoped3A = tpu.sem_alloc : memref<!tpu.dma_semaphore, #tpu.memory_space<semaphore_mem>>
          %dma_start3A_62 = tpu.memref_slice %arg5[%add3A_55] : memref<160000xi32, #tpu.memory_space<hbm>> -> memref<80xi32, #tpu.memory_space<hbm>>
          %dma_start3A_63 = tpu.memref_slice %arg5[%add3A_55] : memref<160000xi32, #tpu.memory_space<hbm>> -> memref<80xi32, #tpu.memory_space<hbm>>
          tpu.enqueue_dma source(%dma_start3A_63 : memref<80xi32, #tpu.memory_space<hbm>>) target(%arg12 : memref<80xi32, #tpu.memory_space<vmem>>) target_semaphore(%run_scoped3A : memref<!tpu.dma_semaphore, #tpu.memory_space<semaphore_mem>>)
          %dma_wait3A_64 = tpu.memref_slice %arg5[%add3A_55] : memref<160000xi32, #tpu.memory_space<hbm>> -> memref<80xi32, #tpu.memory_space<hbm>>
          %dma_wait3A_65 = tpu.memref_slice %arg5[%add3A_55] : memref<160000xi32, #tpu.memory_space<hbm>> -> memref<80xi32, #tpu.memory_space<hbm>>
          tpu.wait_dma2 semaphore(%run_scoped3A : memref<!tpu.dma_semaphore, #tpu.memory_space<semaphore_mem>>) src(%dma_wait3A_65 : memref<80xi32, #tpu.memory_space<hbm>>) dst(%arg12 : memref<80xi32, #tpu.memory_space<vmem>>)
          tpu.yield
        }) : () -> ()
        %dma_start3A_56 = arith.constant 0 : i32
        %dma_start3A_57 = arith.constant 0 : i32
        %dma_start3A_58 = tpu.memref_slice %arg3[%dma_start3A_56, %dma_start3A_57] : memref<10000x128xf32, #tpu.memory_space<hbm>> -> memref<10000x128xf32, #tpu.memory_space<hbm>>
        tpu.enqueue_indirect_dma source(%dma_start3A_58 : memref<10000x128xf32, #tpu.memory_space<hbm>>) target(%arg8 : memref<80x128xf32, #tpu.memory_space<vmem>>) offsets(%arg10 : memref<80xi32, #tpu.memory_space<vmem>>) semaphore(%arg16 : memref<!tpu.dma_semaphore, #tpu.memory_space<semaphore_mem>>)
        %dma_wait3A_59 = arith.constant 0 : i32
        %dma_wait3A_60 = arith.constant 0 : i32
        %dma_wait3A_61 = tpu.memref_slice %arg3[%dma_wait3A_59, %dma_wait3A_60] : memref<10000x128xf32, #tpu.memory_space<hbm>> -> memref<10000x128xf32, #tpu.memory_space<hbm>>
        tpu.wait_indirect_dma semaphore(%arg17 : memref<!tpu.dma_semaphore, #tpu.memory_space<semaphore_mem>>) src(%dma_wait3A_61 : memref<10000x128xf32, #tpu.memory_space<hbm>>) dst(%arg9 : memref<80x128xf32, #tpu.memory_space<vmem>>)
        "tpu.region"() ({
          %run_scoped3A = tpu.sem_alloc : memref<!tpu.dma_semaphore, #tpu.memory_space<semaphore_mem>>
          %dma_start3A_62 = arith.constant 0 : i32
          %dma_start3A_63 = arith.constant 0 : i32
          %dma_start3A_64 = tpu.memref_slice %arg15[%dma_start3A_62, %dma_start3A_63] : memref<10000x128xf32, #tpu.memory_space<vmem_shared>> -> memref<10000x128xf32, #tpu.memory_space<vmem_shared>>
          tpu.enqueue_indirect_dma source(%arg9 : memref<80x128xf32, #tpu.memory_space<vmem>>) target(%dma_start3A_64 : memref<10000x128xf32, #tpu.memory_space<vmem_shared>>) offsets(%arg13 : memref<80xi32, #tpu.memory_space<vmem>>) semaphore(%run_scoped3A : memref<!tpu.dma_semaphore, #tpu.memory_space<semaphore_mem>>) {add = true}
          %dma_wait3A_65 = arith.constant 0 : i32
          %dma_wait3A_66 = arith.constant 0 : i32
          %dma_wait3A_67 = tpu.memref_slice %arg15[%dma_wait3A_65, %dma_wait3A_66] : memref<10000x128xf32, #tpu.memory_space<vmem_shared>> -> memref<10000x128xf32, #tpu.memory_space<vmem_shared>>
          tpu.wait_indirect_dma semaphore(%run_scoped3A : memref<!tpu.dma_semaphore, #tpu.memory_space<semaphore_mem>>) src(%arg9 : memref<80x128xf32, #tpu.memory_space<vmem>>) dst(%dma_wait3A_67 : memref<10000x128xf32, #tpu.memory_space<vmem_shared>>)
          tpu.yield
        }) : () -> ()
      }
      %scan3A_25 = arith.constant 62 : i32
      %dma_wait3A = arith.constant 0 : i32
      %dma_wait3A_26 = arith.constant 0 : i32
      %dma_wait3A_27 = tpu.memref_slice %arg3[%dma_wait3A, %dma_wait3A_26] : memref<10000x128xf32, #tpu.memory_space<hbm>> -> memref<10000x128xf32, #tpu.memory_space<hbm>>
      tpu.wait_indirect_dma semaphore(%arg16 : memref<!tpu.dma_semaphore, #tpu.memory_space<semaphore_mem>>) src(%dma_wait3A_27 : memref<10000x128xf32, #tpu.memory_space<hbm>>) dst(%arg8 : memref<80x128xf32, #tpu.memory_space<vmem>>)
      "tpu.region"() ({
        %run_scoped3A = tpu.sem_alloc : memref<!tpu.dma_semaphore, #tpu.memory_space<semaphore_mem>>
        %dma_start3A_33 = arith.constant 0 : i32
        %dma_start3A_34 = arith.constant 0 : i32
        %dma_start3A_35 = tpu.memref_slice %arg15[%dma_start3A_33, %dma_start3A_34] : memref<10000x128xf32, #tpu.memory_space<vmem_shared>> -> memref<10000x128xf32, #tpu.memory_space<vmem_shared>>
        tpu.enqueue_indirect_dma source(%arg8 : memref<80x128xf32, #tpu.memory_space<vmem>>) target(%dma_start3A_35 : memref<10000x128xf32, #tpu.memory_space<vmem_shared>>) offsets(%arg12 : memref<80xi32, #tpu.memory_space<vmem>>) semaphore(%run_scoped3A : memref<!tpu.dma_semaphore, #tpu.memory_space<semaphore_mem>>) {add = true}
        %dma_wait3A_36 = arith.constant 0 : i32
        %dma_wait3A_37 = arith.constant 0 : i32
        %dma_wait3A_38 = tpu.memref_slice %arg15[%dma_wait3A_36, %dma_wait3A_37] : memref<10000x128xf32, #tpu.memory_space<vmem_shared>> -> memref<10000x128xf32, #tpu.memory_space<vmem_shared>>
        tpu.wait_indirect_dma semaphore(%run_scoped3A : memref<!tpu.dma_semaphore, #tpu.memory_space<semaphore_mem>>) src(%arg8 : memref<80x128xf32, #tpu.memory_space<vmem>>) dst(%dma_wait3A_38 : memref<10000x128xf32, #tpu.memory_space<vmem_shared>>)
        tpu.yield
      }) : () -> ()
      %barrier3A_28 = arith.constant 0 : index
      tpu.barrier barrier_id(%barrier3A_28)
      %lt3A = arith.constant 2 : i32
      %lt3A_29 = arith.cmpi slt, %arg1, %lt3A : i32
      %convert_element_type3A_30 = arith.extui %lt3A_29 : i1 to i32
      %cond3A_31 = arith.constant 0 : i32
      %cond3A_32 = arith.cmpi ne, %convert_element_type3A_30, %cond3A_31 : i32
      scf.if %cond3A_32 {
        %mul3A_33 = arith.constant 5000 : i32
        %mul3A_34 = arith.muli %arg1, %mul3A_33 : i32
        "tpu.region"() ({
          %run_scoped3A = tpu.sem_alloc : memref<!tpu.dma_semaphore, #tpu.memory_space<semaphore_mem>>
          %dma_start3A_35 = arith.constant 0 : i32
          %dma_start3A_36 = tpu.memref_slice %arg7[%mul3A_34, %dma_start3A_35] : memref<10000x128xf32, #tpu.memory_space<hbm>> -> memref<5000x128xf32, #tpu.memory_space<hbm>>
          %dma_start3A_37 = arith.constant 0 : i32
          %dma_start3A_38 = tpu.memref_slice %arg15[%mul3A_34, %dma_start3A_37] : memref<10000x128xf32, #tpu.memory_space<vmem_shared>> -> memref<5000x128xf32, #tpu.memory_space<vmem_shared>>
          tpu.enqueue_dma source(%dma_start3A_38 : memref<5000x128xf32, #tpu.memory_space<vmem_shared>>) target(%dma_start3A_36 : memref<5000x128xf32, #tpu.memory_space<hbm>>) target_semaphore(%run_scoped3A : memref<!tpu.dma_semaphore, #tpu.memory_space<semaphore_mem>>)
          %dma_wait3A_39 = arith.constant 0 : i32
          %dma_wait3A_40 = tpu.memref_slice %arg7[%mul3A_34, %dma_wait3A_39] : memref<10000x128xf32, #tpu.memory_space<hbm>> -> memref<5000x128xf32, #tpu.memory_space<hbm>>
          %dma_wait3A_41 = arith.constant 0 : i32
          %dma_wait3A_42 = tpu.memref_slice %arg15[%mul3A_34, %dma_wait3A_41] : memref<10000x128xf32, #tpu.memory_space<vmem_shared>> -> memref<5000x128xf32, #tpu.memory_space<vmem_shared>>
          tpu.wait_dma2 semaphore(%run_scoped3A : memref<!tpu.dma_semaphore, #tpu.memory_space<semaphore_mem>>) src(%dma_wait3A_42 : memref<5000x128xf32, #tpu.memory_space<vmem_shared>>) dst(%dma_wait3A_40 : memref<5000x128xf32, #tpu.memory_space<hbm>>)
          tpu.yield
        }) : () -> ()
      } else {
      }
    } else {
    }
    return
  }
}

#map = affine_map<(d0, d1) -> (0, 0)>
#map1 = affine_map<(d0, d1) -> (0)>
module attributes {stable_mosaic.version = 14 : i64} {
  func.func @_sc_segsum(%arg0: i32, %arg1: i32, %arg2: memref<10000x128xf32, #tpu.memory_space<hbm>>, %arg3: memref<10000x128xf32, #tpu.memory_space<hbm>>, %arg4: memref<160000xi32, #tpu.memory_space<hbm>>, %arg5: memref<160000xi32, #tpu.memory_space<hbm>>, %arg6: memref<10000x128xf32, #tpu.memory_space<hbm>>, %arg7: memref<10000x128xf32, #tpu.memory_space<hbm>>, %arg8: memref<80x128xf32, #tpu.memory_space<vmem>>, %arg9: memref<80x128xf32, #tpu.memory_space<vmem>>, %arg10: memref<80xi32, #tpu.memory_space<vmem>>, %arg11: memref<80xi32, #tpu.memory_space<vmem>>, %arg12: memref<80xi32, #tpu.memory_space<vmem>>, %arg13: memref<80xi32, #tpu.memory_space<vmem>>, %arg14: memref<80x128xf32, #tpu.memory_space<vmem>>, %arg15: memref<10000x128xf32, #tpu.memory_space<vmem_shared>>, %arg16: memref<!tpu.dma_semaphore, #tpu.memory_space<semaphore_mem>>, %arg17: memref<!tpu.dma_semaphore, #tpu.memory_space<semaphore_mem>>) attributes {dimension_semantics = [#tpu.dimension_semantics<core_parallel>, #tpu.dimension_semantics<subcore_parallel>], iteration_bounds = array<i64: 2, 16>, scalar_prefetch = 0 : i64, scratch_operands = 10 : i64, tpu.core_type = #tpu.core_type<sc_vector_subcore>, window_params = [{transform_indices = #map}, {transform_indices = #map}, {transform_indices = #map1}, {transform_indices = #map1}, {transform_indices = #map}, {transform_indices = #map}]} {
    %broadcast_in_dim3A = arith.constant 0.000000e+00 : f32
    %broadcast_in_dim3A_0 = vector.broadcast %broadcast_in_dim3A : f32 to vector<16xf32>
    %scan3A = arith.constant 0 : i32
    %scan3A_1 = arith.constant 80 : i32
    %scan3A_2 = arith.addi %scan3A, %scan3A_1 : i32
    %scan3A_3 = arith.constant 1 : i32
    scf.for %scan3A_17 = %scan3A to %scan3A_2 step %scan3A_3  : i32 {
      %mul3A = arith.constant 1 : i32
      %mul3A_18 = arith.muli %scan3A_17, %mul3A : i32
      %add3A = arith.constant 0 : i32
      %add3A_19 = arith.addi %add3A, %mul3A_18 : i32
      %scan3A_20 = arith.constant 0 : i32
      %scan3A_21 = arith.constant 8 : i32
      %scan3A_22 = arith.addi %scan3A_20, %scan3A_21 : i32
      %scan3A_23 = arith.constant 1 : i32
      scf.for %scan3A_25 = %scan3A_20 to %scan3A_22 step %scan3A_23  : i32 {
        %mul3A_26 = arith.constant 1 : i32
        %mul3A_27 = arith.muli %scan3A_25, %mul3A_26 : i32
        %add3A_28 = arith.constant 0 : i32
        %add3A_29 = arith.addi %add3A_28, %mul3A_27 : i32
        %mul3A_30 = arith.constant 16 : i32
        %mul3A_31 = arith.muli %add3A_29, %mul3A_30 : i32
        %swap3A = arith.index_cast %add3A_19 : i32 to index
        %swap3A_32 = arith.index_cast %mul3A_31 : i32 to index
        %swap3A_33 = tpu.vector_load %arg14[%swap3A, %swap3A_32] {strides = array<i32>} : memref<80x128xf32, #tpu.memory_space<vmem>>, vector<1x16xf32>,
        %swap3A_34 = vector.shape_cast %swap3A_33 : vector<1x16xf32> to vector<16xf32>
        %swap3A_35 = vector.shape_cast %broadcast_in_dim3A_0 : vector<16xf32> to vector<1x16xf32>
        tpu.vector_store %arg14[%swap3A, %swap3A_32], %swap3A_35 {strides = array<i32>} : memref<80x128xf32, #tpu.memory_space<vmem>>, vector<1x16xf32>,
      }
      %scan3A_24 = arith.constant 8 : i32
    }
    %scan3A_4 = arith.constant 80 : i32
    %scan3A_5 = arith.constant 0 : i32
    %scan3A_6 = arith.constant 8 : i32
    %scan3A_7 = arith.addi %scan3A_5, %scan3A_6 : i32
    %scan3A_8 = arith.constant 1 : i32
    scf.for %scan3A_17 = %scan3A_5 to %scan3A_7 step %scan3A_8  : i32 {
      %mul3A = arith.constant 1 : i32
      %mul3A_18 = arith.muli %scan3A_17, %mul3A : i32
      %add3A = arith.constant 0 : i32
      %add3A_19 = arith.addi %add3A, %mul3A_18 : i32
      %mul3A_20 = arith.constant 640 : i32
      %mul3A_21 = arith.muli %arg1, %mul3A_20 : i32
      %mul3A_22 = arith.constant 80 : i32
      %mul3A_23 = arith.muli %add3A_19, %mul3A_22 : i32
      %add3A_24 = arith.addi %mul3A_21, %mul3A_23 : i32
      %lt3A = arith.constant 10000 : i32
      %lt3A_25 = arith.cmpi slt, %add3A_24, %lt3A : i32
      %convert_element_type3A_26 = arith.extui %lt3A_25 : i1 to i32
      %cond3A_27 = arith.constant 0 : i32
      %cond3A_28 = arith.cmpi ne, %convert_element_type3A_26, %cond3A_27 : i32
      scf.if %cond3A_28 {
        "tpu.region"() ({
          %run_scoped3A = tpu.sem_alloc : memref<!tpu.dma_semaphore, #tpu.memory_space<semaphore_mem>>
          %dma_start3A = arith.constant 0 : i32
          %dma_start3A_29 = tpu.memref_slice %arg15[%add3A_24, %dma_start3A] : memref<10000x128xf32, #tpu.memory_space<vmem_shared>> -> memref<80x128xf32, #tpu.memory_space<vmem_shared>>
          %dma_start3A_30 = arith.constant 0 : i32
          %dma_start3A_31 = tpu.memref_slice %arg15[%add3A_24, %dma_start3A_30] : memref<10000x128xf32, #tpu.memory_space<vmem_shared>> -> memref<80x128xf32, #tpu.memory_space<vmem_shared>>
          tpu.enqueue_dma source(%arg14 : memref<80x128xf32, #tpu.memory_space<vmem>>) target(%dma_start3A_31 : memref<80x128xf32, #tpu.memory_space<vmem_shared>>) target_semaphore(%run_scoped3A : memref<!tpu.dma_semaphore, #tpu.memory_space<semaphore_mem>>)
          %dma_wait3A = arith.constant 0 : i32
          %dma_wait3A_32 = tpu.memref_slice %arg15[%add3A_24, %dma_wait3A] : memref<10000x128xf32, #tpu.memory_space<vmem_shared>> -> memref<80x128xf32, #tpu.memory_space<vmem_shared>>
          %dma_wait3A_33 = arith.constant 0 : i32
          %dma_wait3A_34 = tpu.memref_slice %arg15[%add3A_24, %dma_wait3A_33] : memref<10000x128xf32, #tpu.memory_space<vmem_shared>> -> memref<80x128xf32, #tpu.memory_space<vmem_shared>>
          tpu.wait_dma2 semaphore(%run_scoped3A : memref<!tpu.dma_semaphore, #tpu.memory_space<semaphore_mem>>) src(%arg14 : memref<80x128xf32, #tpu.memory_space<vmem>>) dst(%dma_wait3A_34 : memref<80x128xf32, #tpu.memory_space<vmem_shared>>)
          tpu.yield
        }) : () -> ()
      } else {
      }
    }
    %scan3A_9 = arith.constant 8 : i32
    %barrier3A = arith.constant 0 : index
    tpu.barrier barrier_id(%barrier3A)
    %eq3A = arith.constant 0 : i32
    %eq3A_10 = arith.cmpi eq, %arg0, %eq3A : i32
    %convert_element_type3A = arith.extui %eq3A_10 : i1 to i32
    %cond3A = arith.constant 0 : i32
    %cond3A_11 = arith.cmpi ne, %convert_element_type3A, %cond3A : i32
    scf.if %cond3A_11 {
      %mul3A = arith.constant 10000 : i32
      %mul3A_17 = arith.muli %arg1, %mul3A : i32
      %add3A = arith.constant 0 : i32
      %add3A_18 = arith.addi %mul3A_17, %add3A : i32
      "tpu.region"() ({
        %run_scoped3A = tpu.sem_alloc : memref<!tpu.dma_semaphore, #tpu.memory_space<semaphore_mem>>
        %dma_start3A_33 = tpu.memref_slice %arg4[%add3A_18] : memref<160000xi32, #tpu.memory_space<hbm>> -> memref<80xi32, #tpu.memory_space<hbm>>
        %dma_start3A_34 = tpu.memref_slice %arg4[%add3A_18] : memref<160000xi32, #tpu.memory_space<hbm>> -> memref<80xi32, #tpu.memory_space<hbm>>
        tpu.enqueue_dma source(%dma_start3A_34 : memref<80xi32, #tpu.memory_space<hbm>>) target(%arg10 : memref<80xi32, #tpu.memory_space<vmem>>) target_semaphore(%run_scoped3A : memref<!tpu.dma_semaphore, #tpu.memory_space<semaphore_mem>>)
        %dma_wait3A_35 = tpu.memref_slice %arg4[%add3A_18] : memref<160000xi32, #tpu.memory_space<hbm>> -> memref<80xi32, #tpu.memory_space<hbm>>
        %dma_wait3A_36 = tpu.memref_slice %arg4[%add3A_18] : memref<160000xi32, #tpu.memory_space<hbm>> -> memref<80xi32, #tpu.memory_space<hbm>>
        tpu.wait_dma2 semaphore(%run_scoped3A : memref<!tpu.dma_semaphore, #tpu.memory_space<semaphore_mem>>) src(%dma_wait3A_36 : memref<80xi32, #tpu.memory_space<hbm>>) dst(%arg10 : memref<80xi32, #tpu.memory_space<vmem>>)
        tpu.yield
      }) : () -> ()
      "tpu.region"() ({
        %run_scoped3A = tpu.sem_alloc : memref<!tpu.dma_semaphore, #tpu.memory_space<semaphore_mem>>
        %dma_start3A_33 = tpu.memref_slice %arg5[%add3A_18] : memref<160000xi32, #tpu.memory_space<hbm>> -> memref<80xi32, #tpu.memory_space<hbm>>
        %dma_start3A_34 = tpu.memref_slice %arg5[%add3A_18] : memref<160000xi32, #tpu.memory_space<hbm>> -> memref<80xi32, #tpu.memory_space<hbm>>
        tpu.enqueue_dma source(%dma_start3A_34 : memref<80xi32, #tpu.memory_space<hbm>>) target(%arg12 : memref<80xi32, #tpu.memory_space<vmem>>) target_semaphore(%run_scoped3A : memref<!tpu.dma_semaphore, #tpu.memory_space<semaphore_mem>>)
        %dma_wait3A_35 = tpu.memref_slice %arg5[%add3A_18] : memref<160000xi32, #tpu.memory_space<hbm>> -> memref<80xi32, #tpu.memory_space<hbm>>
        %dma_wait3A_36 = tpu.memref_slice %arg5[%add3A_18] : memref<160000xi32, #tpu.memory_space<hbm>> -> memref<80xi32, #tpu.memory_space<hbm>>
        tpu.wait_dma2 semaphore(%run_scoped3A : memref<!tpu.dma_semaphore, #tpu.memory_space<semaphore_mem>>) src(%dma_wait3A_36 : memref<80xi32, #tpu.memory_space<hbm>>) dst(%arg12 : memref<80xi32, #tpu.memory_space<vmem>>)
        tpu.yield
      }) : () -> ()
      %dma_start3A = arith.constant 0 : i32
      %dma_start3A_19 = arith.constant 0 : i32
      %dma_start3A_20 = tpu.memref_slice %arg2[%dma_start3A, %dma_start3A_19] : memref<10000x128xf32, #tpu.memory_space<hbm>> -> memref<10000x128xf32, #tpu.memory_space<hbm>>
      tpu.enqueue_indirect_dma source(%dma_start3A_20 : memref<10000x128xf32, #tpu.memory_space<hbm>>) target(%arg8 : memref<80x128xf32, #tpu.memory_space<vmem>>) offsets(%arg10 : memref<80xi32, #tpu.memory_space<vmem>>) semaphore(%arg16 : memref<!tpu.dma_semaphore, #tpu.memory_space<semaphore_mem>>)
      %scan3A_21 = arith.constant 0 : i32
      %scan3A_22 = arith.constant 62 : i32
      %scan3A_23 = arith.addi %scan3A_21, %scan3A_22 : i32
      %scan3A_24 = arith.constant 1 : i32
      scf.for %scan3A_33 = %scan3A_21 to %scan3A_23 step %scan3A_24  : i32 {
        %mul3A_34 = arith.constant 1 : i32
        %mul3A_35 = arith.muli %scan3A_33, %mul3A_34 : i32
        %add3A_36 = arith.constant 0 : i32
        %add3A_37 = arith.addi %add3A_36, %mul3A_35 : i32
        %mul3A_38 = arith.constant 2 : i32
        %mul3A_39 = arith.muli %add3A_37, %mul3A_38 : i32
        %add3A_40 = arith.constant 1 : i32
        %add3A_41 = arith.addi %mul3A_39, %add3A_40 : i32
        %mul3A_42 = arith.constant 80 : i32
        %mul3A_43 = arith.muli %add3A_41, %mul3A_42 : i32
        %add3A_44 = arith.addi %mul3A_17, %mul3A_43 : i32
        "tpu.region"() ({
          %run_scoped3A = tpu.sem_alloc : memref<!tpu.dma_semaphore, #tpu.memory_space<semaphore_mem>>
          %dma_start3A_62 = tpu.memref_slice %arg4[%add3A_44] : memref<160000xi32, #tpu.memory_space<hbm>> -> memref<80xi32, #tpu.memory_space<hbm>>
          %dma_start3A_63 = tpu.memref_slice %arg4[%add3A_44] : memref<160000xi32, #tpu.memory_space<hbm>> -> memref<80xi32, #tpu.memory_space<hbm>>
          tpu.enqueue_dma source(%dma_start3A_63 : memref<80xi32, #tpu.memory_space<hbm>>) target(%arg11 : memref<80xi32, #tpu.memory_space<vmem>>) target_semaphore(%run_scoped3A : memref<!tpu.dma_semaphore, #tpu.memory_space<semaphore_mem>>)
          %dma_wait3A_64 = tpu.memref_slice %arg4[%add3A_44] : memref<160000xi32, #tpu.memory_space<hbm>> -> memref<80xi32, #tpu.memory_space<hbm>>
          %dma_wait3A_65 = tpu.memref_slice %arg4[%add3A_44] : memref<160000xi32, #tpu.memory_space<hbm>> -> memref<80xi32, #tpu.memory_space<hbm>>
          tpu.wait_dma2 semaphore(%run_scoped3A : memref<!tpu.dma_semaphore, #tpu.memory_space<semaphore_mem>>) src(%dma_wait3A_65 : memref<80xi32, #tpu.memory_space<hbm>>) dst(%arg11 : memref<80xi32, #tpu.memory_space<vmem>>)
          tpu.yield
        }) : () -> ()
        "tpu.region"() ({
          %run_scoped3A = tpu.sem_alloc : memref<!tpu.dma_semaphore, #tpu.memory_space<semaphore_mem>>
          %dma_start3A_62 = tpu.memref_slice %arg5[%add3A_44] : memref<160000xi32, #tpu.memory_space<hbm>> -> memref<80xi32, #tpu.memory_space<hbm>>
          %dma_start3A_63 = tpu.memref_slice %arg5[%add3A_44] : memref<160000xi32, #tpu.memory_space<hbm>> -> memref<80xi32, #tpu.memory_space<hbm>>
          tpu.enqueue_dma source(%dma_start3A_63 : memref<80xi32, #tpu.memory_space<hbm>>) target(%arg13 : memref<80xi32, #tpu.memory_space<vmem>>) target_semaphore(%run_scoped3A : memref<!tpu.dma_semaphore, #tpu.memory_space<semaphore_mem>>)
          %dma_wait3A_64 = tpu.memref_slice %arg5[%add3A_44] : memref<160000xi32, #tpu.memory_space<hbm>> -> memref<80xi32, #tpu.memory_space<hbm>>
          %dma_wait3A_65 = tpu.memref_slice %arg5[%add3A_44] : memref<160000xi32, #tpu.memory_space<hbm>> -> memref<80xi32, #tpu.memory_space<hbm>>
          tpu.wait_dma2 semaphore(%run_scoped3A : memref<!tpu.dma_semaphore, #tpu.memory_space<semaphore_mem>>) src(%dma_wait3A_65 : memref<80xi32, #tpu.memory_space<hbm>>) dst(%arg13 : memref<80xi32, #tpu.memory_space<vmem>>)
          tpu.yield
        }) : () -> ()
        %dma_start3A_45 = arith.constant 0 : i32
        %dma_start3A_46 = arith.constant 0 : i32
        %dma_start3A_47 = tpu.memref_slice %arg2[%dma_start3A_45, %dma_start3A_46] : memref<10000x128xf32, #tpu.memory_space<hbm>> -> memref<10000x128xf32, #tpu.memory_space<hbm>>
        tpu.enqueue_indirect_dma source(%dma_start3A_47 : memref<10000x128xf32, #tpu.memory_space<hbm>>) target(%arg9 : memref<80x128xf32, #tpu.memory_space<vmem>>) offsets(%arg11 : memref<80xi32, #tpu.memory_space<vmem>>) semaphore(%arg17 : memref<!tpu.dma_semaphore, #tpu.memory_space<semaphore_mem>>)
        %dma_wait3A_48 = arith.constant 0 : i32
        %dma_wait3A_49 = arith.constant 0 : i32
        %dma_wait3A_50 = tpu.memref_slice %arg2[%dma_wait3A_48, %dma_wait3A_49] : memref<10000x128xf32, #tpu.memory_space<hbm>> -> memref<10000x128xf32, #tpu.memory_space<hbm>>
        tpu.wait_indirect_dma semaphore(%arg16 : memref<!tpu.dma_semaphore, #tpu.memory_space<semaphore_mem>>) src(%dma_wait3A_50 : memref<10000x128xf32, #tpu.memory_space<hbm>>) dst(%arg8 : memref<80x128xf32, #tpu.memory_space<vmem>>)
        "tpu.region"() ({
          %run_scoped3A = tpu.sem_alloc : memref<!tpu.dma_semaphore, #tpu.memory_space<semaphore_mem>>
          %dma_start3A_62 = arith.constant 0 : i32
          %dma_start3A_63 = arith.constant 0 : i32
          %dma_start3A_64 = tpu.memref_slice %arg15[%dma_start3A_62, %dma_start3A_63] : memref<10000x128xf32, #tpu.memory_space<vmem_shared>> -> memref<10000x128xf32, #tpu.memory_space<vmem_shared>>
          tpu.enqueue_indirect_dma source(%arg8 : memref<80x128xf32, #tpu.memory_space<vmem>>) target(%dma_start3A_64 : memref<10000x128xf32, #tpu.memory_space<vmem_shared>>) offsets(%arg12 : memref<80xi32, #tpu.memory_space<vmem>>) semaphore(%run_scoped3A : memref<!tpu.dma_semaphore, #tpu.memory_space<semaphore_mem>>) {add = true}
          %dma_wait3A_65 = arith.constant 0 : i32
          %dma_wait3A_66 = arith.constant 0 : i32
          %dma_wait3A_67 = tpu.memref_slice %arg15[%dma_wait3A_65, %dma_wait3A_66] : memref<10000x128xf32, #tpu.memory_space<vmem_shared>> -> memref<10000x128xf32, #tpu.memory_space<vmem_shared>>
          tpu.wait_indirect_dma semaphore(%run_scoped3A : memref<!tpu.dma_semaphore, #tpu.memory_space<semaphore_mem>>) src(%arg8 : memref<80x128xf32, #tpu.memory_space<vmem>>) dst(%dma_wait3A_67 : memref<10000x128xf32, #tpu.memory_space<vmem_shared>>)
          tpu.yield
        }) : () -> ()
        %add3A_51 = arith.constant 2 : i32
        %add3A_52 = arith.addi %mul3A_39, %add3A_51 : i32
        %mul3A_53 = arith.constant 80 : i32
        %mul3A_54 = arith.muli %add3A_52, %mul3A_53 : i32
        %add3A_55 = arith.addi %mul3A_17, %mul3A_54 : i32
        "tpu.region"() ({
          %run_scoped3A = tpu.sem_alloc : memref<!tpu.dma_semaphore, #tpu.memory_space<semaphore_mem>>
          %dma_start3A_62 = tpu.memref_slice %arg4[%add3A_55] : memref<160000xi32, #tpu.memory_space<hbm>> -> memref<80xi32, #tpu.memory_space<hbm>>
          %dma_start3A_63 = tpu.memref_slice %arg4[%add3A_55] : memref<160000xi32, #tpu.memory_space<hbm>> -> memref<80xi32, #tpu.memory_space<hbm>>
          tpu.enqueue_dma source(%dma_start3A_63 : memref<80xi32, #tpu.memory_space<hbm>>) target(%arg10 : memref<80xi32, #tpu.memory_space<vmem>>) target_semaphore(%run_scoped3A : memref<!tpu.dma_semaphore, #tpu.memory_space<semaphore_mem>>)
          %dma_wait3A_64 = tpu.memref_slice %arg4[%add3A_55] : memref<160000xi32, #tpu.memory_space<hbm>> -> memref<80xi32, #tpu.memory_space<hbm>>
          %dma_wait3A_65 = tpu.memref_slice %arg4[%add3A_55] : memref<160000xi32, #tpu.memory_space<hbm>> -> memref<80xi32, #tpu.memory_space<hbm>>
          tpu.wait_dma2 semaphore(%run_scoped3A : memref<!tpu.dma_semaphore, #tpu.memory_space<semaphore_mem>>) src(%dma_wait3A_65 : memref<80xi32, #tpu.memory_space<hbm>>) dst(%arg10 : memref<80xi32, #tpu.memory_space<vmem>>)
          tpu.yield
        }) : () -> ()
        "tpu.region"() ({
          %run_scoped3A = tpu.sem_alloc : memref<!tpu.dma_semaphore, #tpu.memory_space<semaphore_mem>>
          %dma_start3A_62 = tpu.memref_slice %arg5[%add3A_55] : memref<160000xi32, #tpu.memory_space<hbm>> -> memref<80xi32, #tpu.memory_space<hbm>>
          %dma_start3A_63 = tpu.memref_slice %arg5[%add3A_55] : memref<160000xi32, #tpu.memory_space<hbm>> -> memref<80xi32, #tpu.memory_space<hbm>>
          tpu.enqueue_dma source(%dma_start3A_63 : memref<80xi32, #tpu.memory_space<hbm>>) target(%arg12 : memref<80xi32, #tpu.memory_space<vmem>>) target_semaphore(%run_scoped3A : memref<!tpu.dma_semaphore, #tpu.memory_space<semaphore_mem>>)
          %dma_wait3A_64 = tpu.memref_slice %arg5[%add3A_55] : memref<160000xi32, #tpu.memory_space<hbm>> -> memref<80xi32, #tpu.memory_space<hbm>>
          %dma_wait3A_65 = tpu.memref_slice %arg5[%add3A_55] : memref<160000xi32, #tpu.memory_space<hbm>> -> memref<80xi32, #tpu.memory_space<hbm>>
          tpu.wait_dma2 semaphore(%run_scoped3A : memref<!tpu.dma_semaphore, #tpu.memory_space<semaphore_mem>>) src(%dma_wait3A_65 : memref<80xi32, #tpu.memory_space<hbm>>) dst(%arg12 : memref<80xi32, #tpu.memory_space<vmem>>)
          tpu.yield
        }) : () -> ()
        %dma_start3A_56 = arith.constant 0 : i32
        %dma_start3A_57 = arith.constant 0 : i32
        %dma_start3A_58 = tpu.memref_slice %arg2[%dma_start3A_56, %dma_start3A_57] : memref<10000x128xf32, #tpu.memory_space<hbm>> -> memref<10000x128xf32, #tpu.memory_space<hbm>>
        tpu.enqueue_indirect_dma source(%dma_start3A_58 : memref<10000x128xf32, #tpu.memory_space<hbm>>) target(%arg8 : memref<80x128xf32, #tpu.memory_space<vmem>>) offsets(%arg10 : memref<80xi32, #tpu.memory_space<vmem>>) semaphore(%arg16 : memref<!tpu.dma_semaphore, #tpu.memory_space<semaphore_mem>>)
        %dma_wait3A_59 = arith.constant 0 : i32
        %dma_wait3A_60 = arith.constant 0 : i32
        %dma_wait3A_61 = tpu.memref_slice %arg2[%dma_wait3A_59, %dma_wait3A_60] : memref<10000x128xf32, #tpu.memory_space<hbm>> -> memref<10000x128xf32, #tpu.memory_space<hbm>>
        tpu.wait_indirect_dma semaphore(%arg17 : memref<!tpu.dma_semaphore, #tpu.memory_space<semaphore_mem>>) src(%dma_wait3A_61 : memref<10000x128xf32, #tpu.memory_space<hbm>>) dst(%arg9 : memref<80x128xf32, #tpu.memory_space<vmem>>)
        "tpu.region"() ({
          %run_scoped3A = tpu.sem_alloc : memref<!tpu.dma_semaphore, #tpu.memory_space<semaphore_mem>>
          %dma_start3A_62 = arith.constant 0 : i32
          %dma_start3A_63 = arith.constant 0 : i32
          %dma_start3A_64 = tpu.memref_slice %arg15[%dma_start3A_62, %dma_start3A_63] : memref<10000x128xf32, #tpu.memory_space<vmem_shared>> -> memref<10000x128xf32, #tpu.memory_space<vmem_shared>>
          tpu.enqueue_indirect_dma source(%arg9 : memref<80x128xf32, #tpu.memory_space<vmem>>) target(%dma_start3A_64 : memref<10000x128xf32, #tpu.memory_space<vmem_shared>>) offsets(%arg13 : memref<80xi32, #tpu.memory_space<vmem>>) semaphore(%run_scoped3A : memref<!tpu.dma_semaphore, #tpu.memory_space<semaphore_mem>>) {add = true}
          %dma_wait3A_65 = arith.constant 0 : i32
          %dma_wait3A_66 = arith.constant 0 : i32
          %dma_wait3A_67 = tpu.memref_slice %arg15[%dma_wait3A_65, %dma_wait3A_66] : memref<10000x128xf32, #tpu.memory_space<vmem_shared>> -> memref<10000x128xf32, #tpu.memory_space<vmem_shared>>
          tpu.wait_indirect_dma semaphore(%run_scoped3A : memref<!tpu.dma_semaphore, #tpu.memory_space<semaphore_mem>>) src(%arg9 : memref<80x128xf32, #tpu.memory_space<vmem>>) dst(%dma_wait3A_67 : memref<10000x128xf32, #tpu.memory_space<vmem_shared>>)
          tpu.yield
        }) : () -> ()
      }
      %scan3A_25 = arith.constant 62 : i32
      %dma_wait3A = arith.constant 0 : i32
      %dma_wait3A_26 = arith.constant 0 : i32
      %dma_wait3A_27 = tpu.memref_slice %arg2[%dma_wait3A, %dma_wait3A_26] : memref<10000x128xf32, #tpu.memory_space<hbm>> -> memref<10000x128xf32, #tpu.memory_space<hbm>>
      tpu.wait_indirect_dma semaphore(%arg16 : memref<!tpu.dma_semaphore, #tpu.memory_space<semaphore_mem>>) src(%dma_wait3A_27 : memref<10000x128xf32, #tpu.memory_space<hbm>>) dst(%arg8 : memref<80x128xf32, #tpu.memory_space<vmem>>)
      "tpu.region"() ({
        %run_scoped3A = tpu.sem_alloc : memref<!tpu.dma_semaphore, #tpu.memory_space<semaphore_mem>>
        %dma_start3A_33 = arith.constant 0 : i32
        %dma_start3A_34 = arith.constant 0 : i32
        %dma_start3A_35 = tpu.memref_slice %arg15[%dma_start3A_33, %dma_start3A_34] : memref<10000x128xf32, #tpu.memory_space<vmem_shared>> -> memref<10000x128xf32, #tpu.memory_space<vmem_shared>>
        tpu.enqueue_indirect_dma source(%arg8 : memref<80x128xf32, #tpu.memory_space<vmem>>) target(%dma_start3A_35 : memref<10000x128xf32, #tpu.memory_space<vmem_shared>>) offsets(%arg12 : memref<80xi32, #tpu.memory_space<vmem>>) semaphore(%run_scoped3A : memref<!tpu.dma_semaphore, #tpu.memory_space<semaphore_mem>>) {add = true}
        %dma_wait3A_36 = arith.constant 0 : i32
        %dma_wait3A_37 = arith.constant 0 : i32
        %dma_wait3A_38 = tpu.memref_slice %arg15[%dma_wait3A_36, %dma_wait3A_37] : memref<10000x128xf32, #tpu.memory_space<vmem_shared>> -> memref<10000x128xf32, #tpu.memory_space<vmem_shared>>
        tpu.wait_indirect_dma semaphore(%run_scoped3A : memref<!tpu.dma_semaphore, #tpu.memory_space<semaphore_mem>>) src(%arg8 : memref<80x128xf32, #tpu.memory_space<vmem>>) dst(%dma_wait3A_38 : memref<10000x128xf32, #tpu.memory_space<vmem_shared>>)
        tpu.yield
      }) : () -> ()
      %barrier3A_28 = arith.constant 0 : index
      tpu.barrier barrier_id(%barrier3A_28)
      %lt3A = arith.constant 2 : i32
      %lt3A_29 = arith.cmpi slt, %arg1, %lt3A : i32
      %convert_element_type3A_30 = arith.extui %lt3A_29 : i1 to i32
      %cond3A_31 = arith.constant 0 : i32
      %cond3A_32 = arith.cmpi ne, %convert_element_type3A_30, %cond3A_31 : i32
      scf.if %cond3A_32 {
        %mul3A_33 = arith.constant 5000 : i32
        %mul3A_34 = arith.muli %arg1, %mul3A_33 : i32
        "tpu.region"() ({
          %run_scoped3A = tpu.sem_alloc : memref<!tpu.dma_semaphore, #tpu.memory_space<semaphore_mem>>
          %dma_start3A_35 = arith.constant 0 : i32
          %dma_start3A_36 = tpu.memref_slice %arg6[%mul3A_34, %dma_start3A_35] : memref<10000x128xf32, #tpu.memory_space<hbm>> -> memref<5000x128xf32, #tpu.memory_space<hbm>>
          %dma_start3A_37 = arith.constant 0 : i32
          %dma_start3A_38 = tpu.memref_slice %arg15[%mul3A_34, %dma_start3A_37] : memref<10000x128xf32, #tpu.memory_space<vmem_shared>> -> memref<5000x128xf32, #tpu.memory_space<vmem_shared>>
          tpu.enqueue_dma source(%dma_start3A_38 : memref<5000x128xf32, #tpu.memory_space<vmem_shared>>) target(%dma_start3A_36 : memref<5000x128xf32, #tpu.memory_space<hbm>>) target_semaphore(%run_scoped3A : memref<!tpu.dma_semaphore, #tpu.memory_space<semaphore_mem>>)
          %dma_wait3A_39 = arith.constant 0 : i32
          %dma_wait3A_40 = tpu.memref_slice %arg6[%mul3A_34, %dma_wait3A_39] : memref<10000x128xf32, #tpu.memory_space<hbm>> -> memref<5000x128xf32, #tpu.memory_space<hbm>>
          %dma_wait3A_41 = arith.constant 0 : i32
          %dma_wait3A_42 = tpu.memref_slice %arg15[%mul3A_34, %dma_wait3A_41] : memref<10000x128xf32, #tpu.memory_space<vmem_shared>> -> memref<5000x128xf32, #tpu.memory_space<vmem_shared>>
          tpu.wait_dma2 semaphore(%run_scoped3A : memref<!tpu.dma_semaphore, #tpu.memory_space<semaphore_mem>>) src(%dma_wait3A_42 : memref<5000x128xf32, #tpu.memory_space<vmem_shared>>) dst(%dma_wait3A_40 : memref<5000x128xf32, #tpu.memory_space<hbm>>)
          tpu.yield
        }) : () -> ()
      } else {
      }
    } else {
    }
    %eq3A_12 = arith.constant 1 : i32
    %eq3A_13 = arith.cmpi eq, %arg0, %eq3A_12 : i32
    %convert_element_type3A_14 = arith.extui %eq3A_13 : i1 to i32
    %cond3A_15 = arith.constant 0 : i32
    %cond3A_16 = arith.cmpi ne, %convert_element_type3A_14, %cond3A_15 : i32
    scf.if %cond3A_16 {
      %mul3A = arith.constant 10000 : i32
      %mul3A_17 = arith.muli %arg1, %mul3A : i32
      %add3A = arith.constant 0 : i32
      %add3A_18 = arith.addi %mul3A_17, %add3A : i32
      "tpu.region"() ({
        %run_scoped3A = tpu.sem_alloc : memref<!tpu.dma_semaphore, #tpu.memory_space<semaphore_mem>>
        %dma_start3A_33 = tpu.memref_slice %arg4[%add3A_18] : memref<160000xi32, #tpu.memory_space<hbm>> -> memref<80xi32, #tpu.memory_space<hbm>>
        %dma_start3A_34 = tpu.memref_slice %arg4[%add3A_18] : memref<160000xi32, #tpu.memory_space<hbm>> -> memref<80xi32, #tpu.memory_space<hbm>>
        tpu.enqueue_dma source(%dma_start3A_34 : memref<80xi32, #tpu.memory_space<hbm>>) target(%arg10 : memref<80xi32, #tpu.memory_space<vmem>>) target_semaphore(%run_scoped3A : memref<!tpu.dma_semaphore, #tpu.memory_space<semaphore_mem>>)
        %dma_wait3A_35 = tpu.memref_slice %arg4[%add3A_18] : memref<160000xi32, #tpu.memory_space<hbm>> -> memref<80xi32, #tpu.memory_space<hbm>>
        %dma_wait3A_36 = tpu.memref_slice %arg4[%add3A_18] : memref<160000xi32, #tpu.memory_space<hbm>> -> memref<80xi32, #tpu.memory_space<hbm>>
        tpu.wait_dma2 semaphore(%run_scoped3A : memref<!tpu.dma_semaphore, #tpu.memory_space<semaphore_mem>>) src(%dma_wait3A_36 : memref<80xi32, #tpu.memory_space<hbm>>) dst(%arg10 : memref<80xi32, #tpu.memory_space<vmem>>)
        tpu.yield
      }) : () -> ()
      "tpu.region"() ({
        %run_scoped3A = tpu.sem_alloc : memref<!tpu.dma_semaphore, #tpu.memory_space<semaphore_mem>>
        %dma_start3A_33 = tpu.memref_slice %arg5[%add3A_18] : memref<160000xi32, #tpu.memory_space<hbm>> -> memref<80xi32, #tpu.memory_space<hbm>>
        %dma_start3A_34 = tpu.memref_slice %arg5[%add3A_18] : memref<160000xi32, #tpu.memory_space<hbm>> -> memref<80xi32, #tpu.memory_space<hbm>>
        tpu.enqueue_dma source(%dma_start3A_34 : memref<80xi32, #tpu.memory_space<hbm>>) target(%arg12 : memref<80xi32, #tpu.memory_space<vmem>>) target_semaphore(%run_scoped3A : memref<!tpu.dma_semaphore, #tpu.memory_space<semaphore_mem>>)
        %dma_wait3A_35 = tpu.memref_slice %arg5[%add3A_18] : memref<160000xi32, #tpu.memory_space<hbm>> -> memref<80xi32, #tpu.memory_space<hbm>>
        %dma_wait3A_36 = tpu.memref_slice %arg5[%add3A_18] : memref<160000xi32, #tpu.memory_space<hbm>> -> memref<80xi32, #tpu.memory_space<hbm>>
        tpu.wait_dma2 semaphore(%run_scoped3A : memref<!tpu.dma_semaphore, #tpu.memory_space<semaphore_mem>>) src(%dma_wait3A_36 : memref<80xi32, #tpu.memory_space<hbm>>) dst(%arg12 : memref<80xi32, #tpu.memory_space<vmem>>)
        tpu.yield
      }) : () -> ()
      %dma_start3A = arith.constant 0 : i32
      %dma_start3A_19 = arith.constant 0 : i32
      %dma_start3A_20 = tpu.memref_slice %arg3[%dma_start3A, %dma_start3A_19] : memref<10000x128xf32, #tpu.memory_space<hbm>> -> memref<10000x128xf32, #tpu.memory_space<hbm>>
      tpu.enqueue_indirect_dma source(%dma_start3A_20 : memref<10000x128xf32, #tpu.memory_space<hbm>>) target(%arg8 : memref<80x128xf32, #tpu.memory_space<vmem>>) offsets(%arg10 : memref<80xi32, #tpu.memory_space<vmem>>) semaphore(%arg16 : memref<!tpu.dma_semaphore, #tpu.memory_space<semaphore_mem>>)
      %scan3A_21 = arith.constant 0 : i32
      %scan3A_22 = arith.constant 62 : i32
      %scan3A_23 = arith.addi %scan3A_21, %scan3A_22 : i32
      %scan3A_24 = arith.constant 1 : i32
      scf.for %scan3A_33 = %scan3A_21 to %scan3A_23 step %scan3A_24  : i32 {
        %mul3A_34 = arith.constant 1 : i32
        %mul3A_35 = arith.muli %scan3A_33, %mul3A_34 : i32
        %add3A_36 = arith.constant 0 : i32
        %add3A_37 = arith.addi %add3A_36, %mul3A_35 : i32
        %mul3A_38 = arith.constant 2 : i32
        %mul3A_39 = arith.muli %add3A_37, %mul3A_38 : i32
        %add3A_40 = arith.constant 1 : i32
        %add3A_41 = arith.addi %mul3A_39, %add3A_40 : i32
        %mul3A_42 = arith.constant 80 : i32
        %mul3A_43 = arith.muli %add3A_41, %mul3A_42 : i32
        %add3A_44 = arith.addi %mul3A_17, %mul3A_43 : i32
        "tpu.region"() ({
          %run_scoped3A = tpu.sem_alloc : memref<!tpu.dma_semaphore, #tpu.memory_space<semaphore_mem>>
          %dma_start3A_62 = tpu.memref_slice %arg4[%add3A_44] : memref<160000xi32, #tpu.memory_space<hbm>> -> memref<80xi32, #tpu.memory_space<hbm>>
          %dma_start3A_63 = tpu.memref_slice %arg4[%add3A_44] : memref<160000xi32, #tpu.memory_space<hbm>> -> memref<80xi32, #tpu.memory_space<hbm>>
          tpu.enqueue_dma source(%dma_start3A_63 : memref<80xi32, #tpu.memory_space<hbm>>) target(%arg11 : memref<80xi32, #tpu.memory_space<vmem>>) target_semaphore(%run_scoped3A : memref<!tpu.dma_semaphore, #tpu.memory_space<semaphore_mem>>)
          %dma_wait3A_64 = tpu.memref_slice %arg4[%add3A_44] : memref<160000xi32, #tpu.memory_space<hbm>> -> memref<80xi32, #tpu.memory_space<hbm>>
          %dma_wait3A_65 = tpu.memref_slice %arg4[%add3A_44] : memref<160000xi32, #tpu.memory_space<hbm>> -> memref<80xi32, #tpu.memory_space<hbm>>
          tpu.wait_dma2 semaphore(%run_scoped3A : memref<!tpu.dma_semaphore, #tpu.memory_space<semaphore_mem>>) src(%dma_wait3A_65 : memref<80xi32, #tpu.memory_space<hbm>>) dst(%arg11 : memref<80xi32, #tpu.memory_space<vmem>>)
          tpu.yield
        }) : () -> ()
        "tpu.region"() ({
          %run_scoped3A = tpu.sem_alloc : memref<!tpu.dma_semaphore, #tpu.memory_space<semaphore_mem>>
          %dma_start3A_62 = tpu.memref_slice %arg5[%add3A_44] : memref<160000xi32, #tpu.memory_space<hbm>> -> memref<80xi32, #tpu.memory_space<hbm>>
          %dma_start3A_63 = tpu.memref_slice %arg5[%add3A_44] : memref<160000xi32, #tpu.memory_space<hbm>> -> memref<80xi32, #tpu.memory_space<hbm>>
          tpu.enqueue_dma source(%dma_start3A_63 : memref<80xi32, #tpu.memory_space<hbm>>) target(%arg13 : memref<80xi32, #tpu.memory_space<vmem>>) target_semaphore(%run_scoped3A : memref<!tpu.dma_semaphore, #tpu.memory_space<semaphore_mem>>)
          %dma_wait3A_64 = tpu.memref_slice %arg5[%add3A_44] : memref<160000xi32, #tpu.memory_space<hbm>> -> memref<80xi32, #tpu.memory_space<hbm>>
          %dma_wait3A_65 = tpu.memref_slice %arg5[%add3A_44] : memref<160000xi32, #tpu.memory_space<hbm>> -> memref<80xi32, #tpu.memory_space<hbm>>
          tpu.wait_dma2 semaphore(%run_scoped3A : memref<!tpu.dma_semaphore, #tpu.memory_space<semaphore_mem>>) src(%dma_wait3A_65 : memref<80xi32, #tpu.memory_space<hbm>>) dst(%arg13 : memref<80xi32, #tpu.memory_space<vmem>>)
          tpu.yield
        }) : () -> ()
        %dma_start3A_45 = arith.constant 0 : i32
        %dma_start3A_46 = arith.constant 0 : i32
        %dma_start3A_47 = tpu.memref_slice %arg3[%dma_start3A_45, %dma_start3A_46] : memref<10000x128xf32, #tpu.memory_space<hbm>> -> memref<10000x128xf32, #tpu.memory_space<hbm>>
        tpu.enqueue_indirect_dma source(%dma_start3A_47 : memref<10000x128xf32, #tpu.memory_space<hbm>>) target(%arg9 : memref<80x128xf32, #tpu.memory_space<vmem>>) offsets(%arg11 : memref<80xi32, #tpu.memory_space<vmem>>) semaphore(%arg17 : memref<!tpu.dma_semaphore, #tpu.memory_space<semaphore_mem>>)
        %dma_wait3A_48 = arith.constant 0 : i32
        %dma_wait3A_49 = arith.constant 0 : i32
        %dma_wait3A_50 = tpu.memref_slice %arg3[%dma_wait3A_48, %dma_wait3A_49] : memref<10000x128xf32, #tpu.memory_space<hbm>> -> memref<10000x128xf32, #tpu.memory_space<hbm>>
        tpu.wait_indirect_dma semaphore(%arg16 : memref<!tpu.dma_semaphore, #tpu.memory_space<semaphore_mem>>) src(%dma_wait3A_50 : memref<10000x128xf32, #tpu.memory_space<hbm>>) dst(%arg8 : memref<80x128xf32, #tpu.memory_space<vmem>>)
        "tpu.region"() ({
          %run_scoped3A = tpu.sem_alloc : memref<!tpu.dma_semaphore, #tpu.memory_space<semaphore_mem>>
          %dma_start3A_62 = arith.constant 0 : i32
          %dma_start3A_63 = arith.constant 0 : i32
          %dma_start3A_64 = tpu.memref_slice %arg15[%dma_start3A_62, %dma_start3A_63] : memref<10000x128xf32, #tpu.memory_space<vmem_shared>> -> memref<10000x128xf32, #tpu.memory_space<vmem_shared>>
          tpu.enqueue_indirect_dma source(%arg8 : memref<80x128xf32, #tpu.memory_space<vmem>>) target(%dma_start3A_64 : memref<10000x128xf32, #tpu.memory_space<vmem_shared>>) offsets(%arg12 : memref<80xi32, #tpu.memory_space<vmem>>) semaphore(%run_scoped3A : memref<!tpu.dma_semaphore, #tpu.memory_space<semaphore_mem>>) {add = true}
          %dma_wait3A_65 = arith.constant 0 : i32
          %dma_wait3A_66 = arith.constant 0 : i32
          %dma_wait3A_67 = tpu.memref_slice %arg15[%dma_wait3A_65, %dma_wait3A_66] : memref<10000x128xf32, #tpu.memory_space<vmem_shared>> -> memref<10000x128xf32, #tpu.memory_space<vmem_shared>>
          tpu.wait_indirect_dma semaphore(%run_scoped3A : memref<!tpu.dma_semaphore, #tpu.memory_space<semaphore_mem>>) src(%arg8 : memref<80x128xf32, #tpu.memory_space<vmem>>) dst(%dma_wait3A_67 : memref<10000x128xf32, #tpu.memory_space<vmem_shared>>)
          tpu.yield
        }) : () -> ()
        %add3A_51 = arith.constant 2 : i32
        %add3A_52 = arith.addi %mul3A_39, %add3A_51 : i32
        %mul3A_53 = arith.constant 80 : i32
        %mul3A_54 = arith.muli %add3A_52, %mul3A_53 : i32
        %add3A_55 = arith.addi %mul3A_17, %mul3A_54 : i32
        "tpu.region"() ({
          %run_scoped3A = tpu.sem_alloc : memref<!tpu.dma_semaphore, #tpu.memory_space<semaphore_mem>>
          %dma_start3A_62 = tpu.memref_slice %arg4[%add3A_55] : memref<160000xi32, #tpu.memory_space<hbm>> -> memref<80xi32, #tpu.memory_space<hbm>>
          %dma_start3A_63 = tpu.memref_slice %arg4[%add3A_55] : memref<160000xi32, #tpu.memory_space<hbm>> -> memref<80xi32, #tpu.memory_space<hbm>>
          tpu.enqueue_dma source(%dma_start3A_63 : memref<80xi32, #tpu.memory_space<hbm>>) target(%arg10 : memref<80xi32, #tpu.memory_space<vmem>>) target_semaphore(%run_scoped3A : memref<!tpu.dma_semaphore, #tpu.memory_space<semaphore_mem>>)
          %dma_wait3A_64 = tpu.memref_slice %arg4[%add3A_55] : memref<160000xi32, #tpu.memory_space<hbm>> -> memref<80xi32, #tpu.memory_space<hbm>>
          %dma_wait3A_65 = tpu.memref_slice %arg4[%add3A_55] : memref<160000xi32, #tpu.memory_space<hbm>> -> memref<80xi32, #tpu.memory_space<hbm>>
          tpu.wait_dma2 semaphore(%run_scoped3A : memref<!tpu.dma_semaphore, #tpu.memory_space<semaphore_mem>>) src(%dma_wait3A_65 : memref<80xi32, #tpu.memory_space<hbm>>) dst(%arg10 : memref<80xi32, #tpu.memory_space<vmem>>)
          tpu.yield
        }) : () -> ()
        "tpu.region"() ({
          %run_scoped3A = tpu.sem_alloc : memref<!tpu.dma_semaphore, #tpu.memory_space<semaphore_mem>>
          %dma_start3A_62 = tpu.memref_slice %arg5[%add3A_55] : memref<160000xi32, #tpu.memory_space<hbm>> -> memref<80xi32, #tpu.memory_space<hbm>>
          %dma_start3A_63 = tpu.memref_slice %arg5[%add3A_55] : memref<160000xi32, #tpu.memory_space<hbm>> -> memref<80xi32, #tpu.memory_space<hbm>>
          tpu.enqueue_dma source(%dma_start3A_63 : memref<80xi32, #tpu.memory_space<hbm>>) target(%arg12 : memref<80xi32, #tpu.memory_space<vmem>>) target_semaphore(%run_scoped3A : memref<!tpu.dma_semaphore, #tpu.memory_space<semaphore_mem>>)
          %dma_wait3A_64 = tpu.memref_slice %arg5[%add3A_55] : memref<160000xi32, #tpu.memory_space<hbm>> -> memref<80xi32, #tpu.memory_space<hbm>>
          %dma_wait3A_65 = tpu.memref_slice %arg5[%add3A_55] : memref<160000xi32, #tpu.memory_space<hbm>> -> memref<80xi32, #tpu.memory_space<hbm>>
          tpu.wait_dma2 semaphore(%run_scoped3A : memref<!tpu.dma_semaphore, #tpu.memory_space<semaphore_mem>>) src(%dma_wait3A_65 : memref<80xi32, #tpu.memory_space<hbm>>) dst(%arg12 : memref<80xi32, #tpu.memory_space<vmem>>)
          tpu.yield
        }) : () -> ()
        %dma_start3A_56 = arith.constant 0 : i32
        %dma_start3A_57 = arith.constant 0 : i32
        %dma_start3A_58 = tpu.memref_slice %arg3[%dma_start3A_56, %dma_start3A_57] : memref<10000x128xf32, #tpu.memory_space<hbm>> -> memref<10000x128xf32, #tpu.memory_space<hbm>>
        tpu.enqueue_indirect_dma source(%dma_start3A_58 : memref<10000x128xf32, #tpu.memory_space<hbm>>) target(%arg8 : memref<80x128xf32, #tpu.memory_space<vmem>>) offsets(%arg10 : memref<80xi32, #tpu.memory_space<vmem>>) semaphore(%arg16 : memref<!tpu.dma_semaphore, #tpu.memory_space<semaphore_mem>>)
        %dma_wait3A_59 = arith.constant 0 : i32
        %dma_wait3A_60 = arith.constant 0 : i32
        %dma_wait3A_61 = tpu.memref_slice %arg3[%dma_wait3A_59, %dma_wait3A_60] : memref<10000x128xf32, #tpu.memory_space<hbm>> -> memref<10000x128xf32, #tpu.memory_space<hbm>>
        tpu.wait_indirect_dma semaphore(%arg17 : memref<!tpu.dma_semaphore, #tpu.memory_space<semaphore_mem>>) src(%dma_wait3A_61 : memref<10000x128xf32, #tpu.memory_space<hbm>>) dst(%arg9 : memref<80x128xf32, #tpu.memory_space<vmem>>)
        "tpu.region"() ({
          %run_scoped3A = tpu.sem_alloc : memref<!tpu.dma_semaphore, #tpu.memory_space<semaphore_mem>>
          %dma_start3A_62 = arith.constant 0 : i32
          %dma_start3A_63 = arith.constant 0 : i32
          %dma_start3A_64 = tpu.memref_slice %arg15[%dma_start3A_62, %dma_start3A_63] : memref<10000x128xf32, #tpu.memory_space<vmem_shared>> -> memref<10000x128xf32, #tpu.memory_space<vmem_shared>>
          tpu.enqueue_indirect_dma source(%arg9 : memref<80x128xf32, #tpu.memory_space<vmem>>) target(%dma_start3A_64 : memref<10000x128xf32, #tpu.memory_space<vmem_shared>>) offsets(%arg13 : memref<80xi32, #tpu.memory_space<vmem>>) semaphore(%run_scoped3A : memref<!tpu.dma_semaphore, #tpu.memory_space<semaphore_mem>>) {add = true}
          %dma_wait3A_65 = arith.constant 0 : i32
          %dma_wait3A_66 = arith.constant 0 : i32
          %dma_wait3A_67 = tpu.memref_slice %arg15[%dma_wait3A_65, %dma_wait3A_66] : memref<10000x128xf32, #tpu.memory_space<vmem_shared>> -> memref<10000x128xf32, #tpu.memory_space<vmem_shared>>
          tpu.wait_indirect_dma semaphore(%run_scoped3A : memref<!tpu.dma_semaphore, #tpu.memory_space<semaphore_mem>>) src(%arg9 : memref<80x128xf32, #tpu.memory_space<vmem>>) dst(%dma_wait3A_67 : memref<10000x128xf32, #tpu.memory_space<vmem_shared>>)
          tpu.yield
        }) : () -> ()
      }
      %scan3A_25 = arith.constant 62 : i32
      %dma_wait3A = arith.constant 0 : i32
      %dma_wait3A_26 = arith.constant 0 : i32
      %dma_wait3A_27 = tpu.memref_slice %arg3[%dma_wait3A, %dma_wait3A_26] : memref<10000x128xf32, #tpu.memory_space<hbm>> -> memref<10000x128xf32, #tpu.memory_space<hbm>>
      tpu.wait_indirect_dma semaphore(%arg16 : memref<!tpu.dma_semaphore, #tpu.memory_space<semaphore_mem>>) src(%dma_wait3A_27 : memref<10000x128xf32, #tpu.memory_space<hbm>>) dst(%arg8 : memref<80x128xf32, #tpu.memory_space<vmem>>)
      "tpu.region"() ({
        %run_scoped3A = tpu.sem_alloc : memref<!tpu.dma_semaphore, #tpu.memory_space<semaphore_mem>>
        %dma_start3A_33 = arith.constant 0 : i32
        %dma_start3A_34 = arith.constant 0 : i32
        %dma_start3A_35 = tpu.memref_slice %arg15[%dma_start3A_33, %dma_start3A_34] : memref<10000x128xf32, #tpu.memory_space<vmem_shared>> -> memref<10000x128xf32, #tpu.memory_space<vmem_shared>>
        tpu.enqueue_indirect_dma source(%arg8 : memref<80x128xf32, #tpu.memory_space<vmem>>) target(%dma_start3A_35 : memref<10000x128xf32, #tpu.memory_space<vmem_shared>>) offsets(%arg12 : memref<80xi32, #tpu.memory_space<vmem>>) semaphore(%run_scoped3A : memref<!tpu.dma_semaphore, #tpu.memory_space<semaphore_mem>>) {add = true}
        %dma_wait3A_36 = arith.constant 0 : i32
        %dma_wait3A_37 = arith.constant 0 : i32
        %dma_wait3A_38 = tpu.memref_slice %arg15[%dma_wait3A_36, %dma_wait3A_37] : memref<10000x128xf32, #tpu.memory_space<vmem_shared>> -> memref<10000x128xf32, #tpu.memory_space<vmem_shared>>
        tpu.wait_indirect_dma semaphore(%run_scoped3A : memref<!tpu.dma_semaphore, #tpu.memory_space<semaphore_mem>>) src(%arg8 : memref<80x128xf32, #tpu.memory_space<vmem>>) dst(%dma_wait3A_38 : memref<10000x128xf32, #tpu.memory_space<vmem_shared>>)
        tpu.yield
      }) : () -> ()
      %barrier3A_28 = arith.constant 0 : index
      tpu.barrier barrier_id(%barrier3A_28)
      %lt3A = arith.constant 2 : i32
      %lt3A_29 = arith.cmpi slt, %arg1, %lt3A : i32
      %convert_element_type3A_30 = arith.extui %lt3A_29 : i1 to i32
      %cond3A_31 = arith.constant 0 : i32
      %cond3A_32 = arith.cmpi ne, %convert_element_type3A_30, %cond3A_31 : i32
      scf.if %cond3A_32 {
        %mul3A_33 = arith.constant 5000 : i32
        %mul3A_34 = arith.muli %arg1, %mul3A_33 : i32
        "tpu.region"() ({
          %run_scoped3A = tpu.sem_alloc : memref<!tpu.dma_semaphore, #tpu.memory_space<semaphore_mem>>
          %dma_start3A_35 = arith.constant 0 : i32
          %dma_start3A_36 = tpu.memref_slice %arg7[%mul3A_34, %dma_start3A_35] : memref<10000x128xf32, #tpu.memory_space<hbm>> -> memref<5000x128xf32, #tpu.memory_space<hbm>>
          %dma_start3A_37 = arith.constant 0 : i32
          %dma_start3A_38 = tpu.memref_slice %arg15[%mul3A_34, %dma_start3A_37] : memref<10000x128xf32, #tpu.memory_space<vmem_shared>> -> memref<5000x128xf32, #tpu.memory_space<vmem_shared>>
          tpu.enqueue_dma source(%dma_start3A_38 : memref<5000x128xf32, #tpu.memory_space<vmem_shared>>) target(%dma_start3A_36 : memref<5000x128xf32, #tpu.memory_space<hbm>>) target_semaphore(%run_scoped3A : memref<!tpu.dma_semaphore, #tpu.memory_space<semaphore_mem>>)
          %dma_wait3A_39 = arith.constant 0 : i32
          %dma_wait3A_40 = tpu.memref_slice %arg7[%mul3A_34, %dma_wait3A_39] : memref<10000x128xf32, #tpu.memory_space<hbm>> -> memref<5000x128xf32, #tpu.memory_space<hbm>>
          %dma_wait3A_41 = arith.constant 0 : i32
          %dma_wait3A_42 = tpu.memref_slice %arg15[%mul3A_34, %dma_wait3A_41] : memref<10000x128xf32, #tpu.memory_space<vmem_shared>> -> memref<5000x128xf32, #tpu.memory_space<vmem_shared>>
          tpu.wait_dma2 semaphore(%run_scoped3A : memref<!tpu.dma_semaphore, #tpu.memory_space<semaphore_mem>>) src(%dma_wait3A_42 : memref<5000x128xf32, #tpu.memory_space<vmem_shared>>) dst(%dma_wait3A_40 : memref<5000x128xf32, #tpu.memory_space<hbm>>)
          tpu.yield
        }) : () -> ()
      } else {
      }
    } else {
    }
    return
  }
}

#map = affine_map<(d0, d1) -> (0, 0)>
#map1 = affine_map<(d0, d1) -> (0)>
module attributes {stable_mosaic.version = 14 : i64} {
  func.func @_sc_segsum(%arg0: i32, %arg1: i32, %arg2: memref<10000x128xf32, #tpu.memory_space<hbm>>, %arg3: memref<10000x128xf32, #tpu.memory_space<hbm>>, %arg4: memref<160000xi32, #tpu.memory_space<hbm>>, %arg5: memref<160000xi32, #tpu.memory_space<hbm>>, %arg6: memref<10000x128xf32, #tpu.memory_space<hbm>>, %arg7: memref<10000x128xf32, #tpu.memory_space<hbm>>, %arg8: memref<80x128xf32, #tpu.memory_space<vmem>>, %arg9: memref<80x128xf32, #tpu.memory_space<vmem>>, %arg10: memref<80xi32, #tpu.memory_space<vmem>>, %arg11: memref<80xi32, #tpu.memory_space<vmem>>, %arg12: memref<80xi32, #tpu.memory_space<vmem>>, %arg13: memref<80xi32, #tpu.memory_space<vmem>>, %arg14: memref<80x128xf32, #tpu.memory_space<vmem>>, %arg15: memref<10000x128xf32, #tpu.memory_space<vmem_shared>>, %arg16: memref<!tpu.dma_semaphore, #tpu.memory_space<semaphore_mem>>, %arg17: memref<!tpu.dma_semaphore, #tpu.memory_space<semaphore_mem>>) attributes {dimension_semantics = [#tpu.dimension_semantics<core_parallel>, #tpu.dimension_semantics<subcore_parallel>], iteration_bounds = array<i64: 2, 16>, scalar_prefetch = 0 : i64, scratch_operands = 10 : i64, tpu.core_type = #tpu.core_type<sc_vector_subcore>, window_params = [{transform_indices = #map}, {transform_indices = #map}, {transform_indices = #map1}, {transform_indices = #map1}, {transform_indices = #map}, {transform_indices = #map}]} {
    %broadcast_in_dim3A = arith.constant 0.000000e+00 : f32
    %broadcast_in_dim3A_0 = vector.broadcast %broadcast_in_dim3A : f32 to vector<16xf32>
    %scan3A = arith.constant 0 : i32
    %scan3A_1 = arith.constant 80 : i32
    %scan3A_2 = arith.addi %scan3A, %scan3A_1 : i32
    %scan3A_3 = arith.constant 1 : i32
    scf.for %scan3A_17 = %scan3A to %scan3A_2 step %scan3A_3  : i32 {
      %mul3A = arith.constant 1 : i32
      %mul3A_18 = arith.muli %scan3A_17, %mul3A : i32
      %add3A = arith.constant 0 : i32
      %add3A_19 = arith.addi %add3A, %mul3A_18 : i32
      %scan3A_20 = arith.constant 0 : i32
      %scan3A_21 = arith.constant 8 : i32
      %scan3A_22 = arith.addi %scan3A_20, %scan3A_21 : i32
      %scan3A_23 = arith.constant 1 : i32
      scf.for %scan3A_25 = %scan3A_20 to %scan3A_22 step %scan3A_23  : i32 {
        %mul3A_26 = arith.constant 1 : i32
        %mul3A_27 = arith.muli %scan3A_25, %mul3A_26 : i32
        %add3A_28 = arith.constant 0 : i32
        %add3A_29 = arith.addi %add3A_28, %mul3A_27 : i32
        %mul3A_30 = arith.constant 16 : i32
        %mul3A_31 = arith.muli %add3A_29, %mul3A_30 : i32
        %swap3A = arith.index_cast %add3A_19 : i32 to index
        %swap3A_32 = arith.index_cast %mul3A_31 : i32 to index
        %swap3A_33 = tpu.vector_load %arg14[%swap3A, %swap3A_32] {strides = array<i32>} : memref<80x128xf32, #tpu.memory_space<vmem>>, vector<1x16xf32>,
        %swap3A_34 = vector.shape_cast %swap3A_33 : vector<1x16xf32> to vector<16xf32>
        %swap3A_35 = vector.shape_cast %broadcast_in_dim3A_0 : vector<16xf32> to vector<1x16xf32>
        tpu.vector_store %arg14[%swap3A, %swap3A_32], %swap3A_35 {strides = array<i32>} : memref<80x128xf32, #tpu.memory_space<vmem>>, vector<1x16xf32>,
      }
      %scan3A_24 = arith.constant 8 : i32
    }
    %scan3A_4 = arith.constant 80 : i32
    %scan3A_5 = arith.constant 0 : i32
    %scan3A_6 = arith.constant 8 : i32
    %scan3A_7 = arith.addi %scan3A_5, %scan3A_6 : i32
    %scan3A_8 = arith.constant 1 : i32
    scf.for %scan3A_17 = %scan3A_5 to %scan3A_7 step %scan3A_8  : i32 {
      %mul3A = arith.constant 1 : i32
      %mul3A_18 = arith.muli %scan3A_17, %mul3A : i32
      %add3A = arith.constant 0 : i32
      %add3A_19 = arith.addi %add3A, %mul3A_18 : i32
      %mul3A_20 = arith.constant 640 : i32
      %mul3A_21 = arith.muli %arg1, %mul3A_20 : i32
      %mul3A_22 = arith.constant 80 : i32
      %mul3A_23 = arith.muli %add3A_19, %mul3A_22 : i32
      %add3A_24 = arith.addi %mul3A_21, %mul3A_23 : i32
      %lt3A = arith.constant 10000 : i32
      %lt3A_25 = arith.cmpi slt, %add3A_24, %lt3A : i32
      %convert_element_type3A_26 = arith.extui %lt3A_25 : i1 to i32
      %cond3A_27 = arith.constant 0 : i32
      %cond3A_28 = arith.cmpi ne, %convert_element_type3A_26, %cond3A_27 : i32
      scf.if %cond3A_28 {
        "tpu.region"() ({
          %run_scoped3A = tpu.sem_alloc : memref<!tpu.dma_semaphore, #tpu.memory_space<semaphore_mem>>
          %dma_start3A = arith.constant 0 : i32
          %dma_start3A_29 = tpu.memref_slice %arg15[%add3A_24, %dma_start3A] : memref<10000x128xf32, #tpu.memory_space<vmem_shared>> -> memref<80x128xf32, #tpu.memory_space<vmem_shared>>
          %dma_start3A_30 = arith.constant 0 : i32
          %dma_start3A_31 = tpu.memref_slice %arg15[%add3A_24, %dma_start3A_30] : memref<10000x128xf32, #tpu.memory_space<vmem_shared>> -> memref<80x128xf32, #tpu.memory_space<vmem_shared>>
          tpu.enqueue_dma source(%arg14 : memref<80x128xf32, #tpu.memory_space<vmem>>) target(%dma_start3A_31 : memref<80x128xf32, #tpu.memory_space<vmem_shared>>) target_semaphore(%run_scoped3A : memref<!tpu.dma_semaphore, #tpu.memory_space<semaphore_mem>>)
          %dma_wait3A = arith.constant 0 : i32
          %dma_wait3A_32 = tpu.memref_slice %arg15[%add3A_24, %dma_wait3A] : memref<10000x128xf32, #tpu.memory_space<vmem_shared>> -> memref<80x128xf32, #tpu.memory_space<vmem_shared>>
          %dma_wait3A_33 = arith.constant 0 : i32
          %dma_wait3A_34 = tpu.memref_slice %arg15[%add3A_24, %dma_wait3A_33] : memref<10000x128xf32, #tpu.memory_space<vmem_shared>> -> memref<80x128xf32, #tpu.memory_space<vmem_shared>>
          tpu.wait_dma2 semaphore(%run_scoped3A : memref<!tpu.dma_semaphore, #tpu.memory_space<semaphore_mem>>) src(%arg14 : memref<80x128xf32, #tpu.memory_space<vmem>>) dst(%dma_wait3A_34 : memref<80x128xf32, #tpu.memory_space<vmem_shared>>)
          tpu.yield
        }) : () -> ()
      } else {
      }
    }
    %scan3A_9 = arith.constant 8 : i32
    %barrier3A = arith.constant 0 : index
    tpu.barrier barrier_id(%barrier3A)
    %eq3A = arith.constant 0 : i32
    %eq3A_10 = arith.cmpi eq, %arg0, %eq3A : i32
    %convert_element_type3A = arith.extui %eq3A_10 : i1 to i32
    %cond3A = arith.constant 0 : i32
    %cond3A_11 = arith.cmpi ne, %convert_element_type3A, %cond3A : i32
    scf.if %cond3A_11 {
      %mul3A = arith.constant 10000 : i32
      %mul3A_17 = arith.muli %arg1, %mul3A : i32
      %add3A = arith.constant 0 : i32
      %add3A_18 = arith.addi %mul3A_17, %add3A : i32
      "tpu.region"() ({
        %run_scoped3A = tpu.sem_alloc : memref<!tpu.dma_semaphore, #tpu.memory_space<semaphore_mem>>
        %dma_start3A_33 = tpu.memref_slice %arg4[%add3A_18] : memref<160000xi32, #tpu.memory_space<hbm>> -> memref<80xi32, #tpu.memory_space<hbm>>
        %dma_start3A_34 = tpu.memref_slice %arg4[%add3A_18] : memref<160000xi32, #tpu.memory_space<hbm>> -> memref<80xi32, #tpu.memory_space<hbm>>
        tpu.enqueue_dma source(%dma_start3A_34 : memref<80xi32, #tpu.memory_space<hbm>>) target(%arg10 : memref<80xi32, #tpu.memory_space<vmem>>) target_semaphore(%run_scoped3A : memref<!tpu.dma_semaphore, #tpu.memory_space<semaphore_mem>>)
        %dma_wait3A_35 = tpu.memref_slice %arg4[%add3A_18] : memref<160000xi32, #tpu.memory_space<hbm>> -> memref<80xi32, #tpu.memory_space<hbm>>
        %dma_wait3A_36 = tpu.memref_slice %arg4[%add3A_18] : memref<160000xi32, #tpu.memory_space<hbm>> -> memref<80xi32, #tpu.memory_space<hbm>>
        tpu.wait_dma2 semaphore(%run_scoped3A : memref<!tpu.dma_semaphore, #tpu.memory_space<semaphore_mem>>) src(%dma_wait3A_36 : memref<80xi32, #tpu.memory_space<hbm>>) dst(%arg10 : memref<80xi32, #tpu.memory_space<vmem>>)
        tpu.yield
      }) : () -> ()
      "tpu.region"() ({
        %run_scoped3A = tpu.sem_alloc : memref<!tpu.dma_semaphore, #tpu.memory_space<semaphore_mem>>
        %dma_start3A_33 = tpu.memref_slice %arg5[%add3A_18] : memref<160000xi32, #tpu.memory_space<hbm>> -> memref<80xi32, #tpu.memory_space<hbm>>
        %dma_start3A_34 = tpu.memref_slice %arg5[%add3A_18] : memref<160000xi32, #tpu.memory_space<hbm>> -> memref<80xi32, #tpu.memory_space<hbm>>
        tpu.enqueue_dma source(%dma_start3A_34 : memref<80xi32, #tpu.memory_space<hbm>>) target(%arg12 : memref<80xi32, #tpu.memory_space<vmem>>) target_semaphore(%run_scoped3A : memref<!tpu.dma_semaphore, #tpu.memory_space<semaphore_mem>>)
        %dma_wait3A_35 = tpu.memref_slice %arg5[%add3A_18] : memref<160000xi32, #tpu.memory_space<hbm>> -> memref<80xi32, #tpu.memory_space<hbm>>
        %dma_wait3A_36 = tpu.memref_slice %arg5[%add3A_18] : memref<160000xi32, #tpu.memory_space<hbm>> -> memref<80xi32, #tpu.memory_space<hbm>>
        tpu.wait_dma2 semaphore(%run_scoped3A : memref<!tpu.dma_semaphore, #tpu.memory_space<semaphore_mem>>) src(%dma_wait3A_36 : memref<80xi32, #tpu.memory_space<hbm>>) dst(%arg12 : memref<80xi32, #tpu.memory_space<vmem>>)
        tpu.yield
      }) : () -> ()
      %dma_start3A = arith.constant 0 : i32
      %dma_start3A_19 = arith.constant 0 : i32
      %dma_start3A_20 = tpu.memref_slice %arg2[%dma_start3A, %dma_start3A_19] : memref<10000x128xf32, #tpu.memory_space<hbm>> -> memref<10000x128xf32, #tpu.memory_space<hbm>>
      tpu.enqueue_indirect_dma source(%dma_start3A_20 : memref<10000x128xf32, #tpu.memory_space<hbm>>) target(%arg8 : memref<80x128xf32, #tpu.memory_space<vmem>>) offsets(%arg10 : memref<80xi32, #tpu.memory_space<vmem>>) semaphore(%arg16 : memref<!tpu.dma_semaphore, #tpu.memory_space<semaphore_mem>>)
      %scan3A_21 = arith.constant 0 : i32
      %scan3A_22 = arith.constant 62 : i32
      %scan3A_23 = arith.addi %scan3A_21, %scan3A_22 : i32
      %scan3A_24 = arith.constant 1 : i32
      scf.for %scan3A_33 = %scan3A_21 to %scan3A_23 step %scan3A_24  : i32 {
        %mul3A_34 = arith.constant 1 : i32
        %mul3A_35 = arith.muli %scan3A_33, %mul3A_34 : i32
        %add3A_36 = arith.constant 0 : i32
        %add3A_37 = arith.addi %add3A_36, %mul3A_35 : i32
        %mul3A_38 = arith.constant 2 : i32
        %mul3A_39 = arith.muli %add3A_37, %mul3A_38 : i32
        %add3A_40 = arith.constant 1 : i32
        %add3A_41 = arith.addi %mul3A_39, %add3A_40 : i32
        %mul3A_42 = arith.constant 80 : i32
        %mul3A_43 = arith.muli %add3A_41, %mul3A_42 : i32
        %add3A_44 = arith.addi %mul3A_17, %mul3A_43 : i32
        "tpu.region"() ({
          %run_scoped3A = tpu.sem_alloc : memref<!tpu.dma_semaphore, #tpu.memory_space<semaphore_mem>>
          %dma_start3A_62 = tpu.memref_slice %arg4[%add3A_44] : memref<160000xi32, #tpu.memory_space<hbm>> -> memref<80xi32, #tpu.memory_space<hbm>>
          %dma_start3A_63 = tpu.memref_slice %arg4[%add3A_44] : memref<160000xi32, #tpu.memory_space<hbm>> -> memref<80xi32, #tpu.memory_space<hbm>>
          tpu.enqueue_dma source(%dma_start3A_63 : memref<80xi32, #tpu.memory_space<hbm>>) target(%arg11 : memref<80xi32, #tpu.memory_space<vmem>>) target_semaphore(%run_scoped3A : memref<!tpu.dma_semaphore, #tpu.memory_space<semaphore_mem>>)
          %dma_wait3A_64 = tpu.memref_slice %arg4[%add3A_44] : memref<160000xi32, #tpu.memory_space<hbm>> -> memref<80xi32, #tpu.memory_space<hbm>>
          %dma_wait3A_65 = tpu.memref_slice %arg4[%add3A_44] : memref<160000xi32, #tpu.memory_space<hbm>> -> memref<80xi32, #tpu.memory_space<hbm>>
          tpu.wait_dma2 semaphore(%run_scoped3A : memref<!tpu.dma_semaphore, #tpu.memory_space<semaphore_mem>>) src(%dma_wait3A_65 : memref<80xi32, #tpu.memory_space<hbm>>) dst(%arg11 : memref<80xi32, #tpu.memory_space<vmem>>)
          tpu.yield
        }) : () -> ()
        "tpu.region"() ({
          %run_scoped3A = tpu.sem_alloc : memref<!tpu.dma_semaphore, #tpu.memory_space<semaphore_mem>>
          %dma_start3A_62 = tpu.memref_slice %arg5[%add3A_44] : memref<160000xi32, #tpu.memory_space<hbm>> -> memref<80xi32, #tpu.memory_space<hbm>>
          %dma_start3A_63 = tpu.memref_slice %arg5[%add3A_44] : memref<160000xi32, #tpu.memory_space<hbm>> -> memref<80xi32, #tpu.memory_space<hbm>>
          tpu.enqueue_dma source(%dma_start3A_63 : memref<80xi32, #tpu.memory_space<hbm>>) target(%arg13 : memref<80xi32, #tpu.memory_space<vmem>>) target_semaphore(%run_scoped3A : memref<!tpu.dma_semaphore, #tpu.memory_space<semaphore_mem>>)
          %dma_wait3A_64 = tpu.memref_slice %arg5[%add3A_44] : memref<160000xi32, #tpu.memory_space<hbm>> -> memref<80xi32, #tpu.memory_space<hbm>>
          %dma_wait3A_65 = tpu.memref_slice %arg5[%add3A_44] : memref<160000xi32, #tpu.memory_space<hbm>> -> memref<80xi32, #tpu.memory_space<hbm>>
          tpu.wait_dma2 semaphore(%run_scoped3A : memref<!tpu.dma_semaphore, #tpu.memory_space<semaphore_mem>>) src(%dma_wait3A_65 : memref<80xi32, #tpu.memory_space<hbm>>) dst(%arg13 : memref<80xi32, #tpu.memory_space<vmem>>)
          tpu.yield
        }) : () -> ()
        %dma_start3A_45 = arith.constant 0 : i32
        %dma_start3A_46 = arith.constant 0 : i32
        %dma_start3A_47 = tpu.memref_slice %arg2[%dma_start3A_45, %dma_start3A_46] : memref<10000x128xf32, #tpu.memory_space<hbm>> -> memref<10000x128xf32, #tpu.memory_space<hbm>>
        tpu.enqueue_indirect_dma source(%dma_start3A_47 : memref<10000x128xf32, #tpu.memory_space<hbm>>) target(%arg9 : memref<80x128xf32, #tpu.memory_space<vmem>>) offsets(%arg11 : memref<80xi32, #tpu.memory_space<vmem>>) semaphore(%arg17 : memref<!tpu.dma_semaphore, #tpu.memory_space<semaphore_mem>>)
        %dma_wait3A_48 = arith.constant 0 : i32
        %dma_wait3A_49 = arith.constant 0 : i32
        %dma_wait3A_50 = tpu.memref_slice %arg2[%dma_wait3A_48, %dma_wait3A_49] : memref<10000x128xf32, #tpu.memory_space<hbm>> -> memref<10000x128xf32, #tpu.memory_space<hbm>>
        tpu.wait_indirect_dma semaphore(%arg16 : memref<!tpu.dma_semaphore, #tpu.memory_space<semaphore_mem>>) src(%dma_wait3A_50 : memref<10000x128xf32, #tpu.memory_space<hbm>>) dst(%arg8 : memref<80x128xf32, #tpu.memory_space<vmem>>)
        "tpu.region"() ({
          %run_scoped3A = tpu.sem_alloc : memref<!tpu.dma_semaphore, #tpu.memory_space<semaphore_mem>>
          %dma_start3A_62 = arith.constant 0 : i32
          %dma_start3A_63 = arith.constant 0 : i32
          %dma_start3A_64 = tpu.memref_slice %arg15[%dma_start3A_62, %dma_start3A_63] : memref<10000x128xf32, #tpu.memory_space<vmem_shared>> -> memref<10000x128xf32, #tpu.memory_space<vmem_shared>>
          tpu.enqueue_indirect_dma source(%arg8 : memref<80x128xf32, #tpu.memory_space<vmem>>) target(%dma_start3A_64 : memref<10000x128xf32, #tpu.memory_space<vmem_shared>>) offsets(%arg12 : memref<80xi32, #tpu.memory_space<vmem>>) semaphore(%run_scoped3A : memref<!tpu.dma_semaphore, #tpu.memory_space<semaphore_mem>>) {add = true}
          %dma_wait3A_65 = arith.constant 0 : i32
          %dma_wait3A_66 = arith.constant 0 : i32
          %dma_wait3A_67 = tpu.memref_slice %arg15[%dma_wait3A_65, %dma_wait3A_66] : memref<10000x128xf32, #tpu.memory_space<vmem_shared>> -> memref<10000x128xf32, #tpu.memory_space<vmem_shared>>
          tpu.wait_indirect_dma semaphore(%run_scoped3A : memref<!tpu.dma_semaphore, #tpu.memory_space<semaphore_mem>>) src(%arg8 : memref<80x128xf32, #tpu.memory_space<vmem>>) dst(%dma_wait3A_67 : memref<10000x128xf32, #tpu.memory_space<vmem_shared>>)
          tpu.yield
        }) : () -> ()
        %add3A_51 = arith.constant 2 : i32
        %add3A_52 = arith.addi %mul3A_39, %add3A_51 : i32
        %mul3A_53 = arith.constant 80 : i32
        %mul3A_54 = arith.muli %add3A_52, %mul3A_53 : i32
        %add3A_55 = arith.addi %mul3A_17, %mul3A_54 : i32
        "tpu.region"() ({
          %run_scoped3A = tpu.sem_alloc : memref<!tpu.dma_semaphore, #tpu.memory_space<semaphore_mem>>
          %dma_start3A_62 = tpu.memref_slice %arg4[%add3A_55] : memref<160000xi32, #tpu.memory_space<hbm>> -> memref<80xi32, #tpu.memory_space<hbm>>
          %dma_start3A_63 = tpu.memref_slice %arg4[%add3A_55] : memref<160000xi32, #tpu.memory_space<hbm>> -> memref<80xi32, #tpu.memory_space<hbm>>
          tpu.enqueue_dma source(%dma_start3A_63 : memref<80xi32, #tpu.memory_space<hbm>>) target(%arg10 : memref<80xi32, #tpu.memory_space<vmem>>) target_semaphore(%run_scoped3A : memref<!tpu.dma_semaphore, #tpu.memory_space<semaphore_mem>>)
          %dma_wait3A_64 = tpu.memref_slice %arg4[%add3A_55] : memref<160000xi32, #tpu.memory_space<hbm>> -> memref<80xi32, #tpu.memory_space<hbm>>
          %dma_wait3A_65 = tpu.memref_slice %arg4[%add3A_55] : memref<160000xi32, #tpu.memory_space<hbm>> -> memref<80xi32, #tpu.memory_space<hbm>>
          tpu.wait_dma2 semaphore(%run_scoped3A : memref<!tpu.dma_semaphore, #tpu.memory_space<semaphore_mem>>) src(%dma_wait3A_65 : memref<80xi32, #tpu.memory_space<hbm>>) dst(%arg10 : memref<80xi32, #tpu.memory_space<vmem>>)
          tpu.yield
        }) : () -> ()
        "tpu.region"() ({
          %run_scoped3A = tpu.sem_alloc : memref<!tpu.dma_semaphore, #tpu.memory_space<semaphore_mem>>
          %dma_start3A_62 = tpu.memref_slice %arg5[%add3A_55] : memref<160000xi32, #tpu.memory_space<hbm>> -> memref<80xi32, #tpu.memory_space<hbm>>
          %dma_start3A_63 = tpu.memref_slice %arg5[%add3A_55] : memref<160000xi32, #tpu.memory_space<hbm>> -> memref<80xi32, #tpu.memory_space<hbm>>
          tpu.enqueue_dma source(%dma_start3A_63 : memref<80xi32, #tpu.memory_space<hbm>>) target(%arg12 : memref<80xi32, #tpu.memory_space<vmem>>) target_semaphore(%run_scoped3A : memref<!tpu.dma_semaphore, #tpu.memory_space<semaphore_mem>>)
          %dma_wait3A_64 = tpu.memref_slice %arg5[%add3A_55] : memref<160000xi32, #tpu.memory_space<hbm>> -> memref<80xi32, #tpu.memory_space<hbm>>
          %dma_wait3A_65 = tpu.memref_slice %arg5[%add3A_55] : memref<160000xi32, #tpu.memory_space<hbm>> -> memref<80xi32, #tpu.memory_space<hbm>>
          tpu.wait_dma2 semaphore(%run_scoped3A : memref<!tpu.dma_semaphore, #tpu.memory_space<semaphore_mem>>) src(%dma_wait3A_65 : memref<80xi32, #tpu.memory_space<hbm>>) dst(%arg12 : memref<80xi32, #tpu.memory_space<vmem>>)
          tpu.yield
        }) : () -> ()
        %dma_start3A_56 = arith.constant 0 : i32
        %dma_start3A_57 = arith.constant 0 : i32
        %dma_start3A_58 = tpu.memref_slice %arg2[%dma_start3A_56, %dma_start3A_57] : memref<10000x128xf32, #tpu.memory_space<hbm>> -> memref<10000x128xf32, #tpu.memory_space<hbm>>
        tpu.enqueue_indirect_dma source(%dma_start3A_58 : memref<10000x128xf32, #tpu.memory_space<hbm>>) target(%arg8 : memref<80x128xf32, #tpu.memory_space<vmem>>) offsets(%arg10 : memref<80xi32, #tpu.memory_space<vmem>>) semaphore(%arg16 : memref<!tpu.dma_semaphore, #tpu.memory_space<semaphore_mem>>)
        %dma_wait3A_59 = arith.constant 0 : i32
        %dma_wait3A_60 = arith.constant 0 : i32
        %dma_wait3A_61 = tpu.memref_slice %arg2[%dma_wait3A_59, %dma_wait3A_60] : memref<10000x128xf32, #tpu.memory_space<hbm>> -> memref<10000x128xf32, #tpu.memory_space<hbm>>
        tpu.wait_indirect_dma semaphore(%arg17 : memref<!tpu.dma_semaphore, #tpu.memory_space<semaphore_mem>>) src(%dma_wait3A_61 : memref<10000x128xf32, #tpu.memory_space<hbm>>) dst(%arg9 : memref<80x128xf32, #tpu.memory_space<vmem>>)
        "tpu.region"() ({
          %run_scoped3A = tpu.sem_alloc : memref<!tpu.dma_semaphore, #tpu.memory_space<semaphore_mem>>
          %dma_start3A_62 = arith.constant 0 : i32
          %dma_start3A_63 = arith.constant 0 : i32
          %dma_start3A_64 = tpu.memref_slice %arg15[%dma_start3A_62, %dma_start3A_63] : memref<10000x128xf32, #tpu.memory_space<vmem_shared>> -> memref<10000x128xf32, #tpu.memory_space<vmem_shared>>
          tpu.enqueue_indirect_dma source(%arg9 : memref<80x128xf32, #tpu.memory_space<vmem>>) target(%dma_start3A_64 : memref<10000x128xf32, #tpu.memory_space<vmem_shared>>) offsets(%arg13 : memref<80xi32, #tpu.memory_space<vmem>>) semaphore(%run_scoped3A : memref<!tpu.dma_semaphore, #tpu.memory_space<semaphore_mem>>) {add = true}
          %dma_wait3A_65 = arith.constant 0 : i32
          %dma_wait3A_66 = arith.constant 0 : i32
          %dma_wait3A_67 = tpu.memref_slice %arg15[%dma_wait3A_65, %dma_wait3A_66] : memref<10000x128xf32, #tpu.memory_space<vmem_shared>> -> memref<10000x128xf32, #tpu.memory_space<vmem_shared>>
          tpu.wait_indirect_dma semaphore(%run_scoped3A : memref<!tpu.dma_semaphore, #tpu.memory_space<semaphore_mem>>) src(%arg9 : memref<80x128xf32, #tpu.memory_space<vmem>>) dst(%dma_wait3A_67 : memref<10000x128xf32, #tpu.memory_space<vmem_shared>>)
          tpu.yield
        }) : () -> ()
      }
      %scan3A_25 = arith.constant 62 : i32
      %dma_wait3A = arith.constant 0 : i32
      %dma_wait3A_26 = arith.constant 0 : i32
      %dma_wait3A_27 = tpu.memref_slice %arg2[%dma_wait3A, %dma_wait3A_26] : memref<10000x128xf32, #tpu.memory_space<hbm>> -> memref<10000x128xf32, #tpu.memory_space<hbm>>
      tpu.wait_indirect_dma semaphore(%arg16 : memref<!tpu.dma_semaphore, #tpu.memory_space<semaphore_mem>>) src(%dma_wait3A_27 : memref<10000x128xf32, #tpu.memory_space<hbm>>) dst(%arg8 : memref<80x128xf32, #tpu.memory_space<vmem>>)
      "tpu.region"() ({
        %run_scoped3A = tpu.sem_alloc : memref<!tpu.dma_semaphore, #tpu.memory_space<semaphore_mem>>
        %dma_start3A_33 = arith.constant 0 : i32
        %dma_start3A_34 = arith.constant 0 : i32
        %dma_start3A_35 = tpu.memref_slice %arg15[%dma_start3A_33, %dma_start3A_34] : memref<10000x128xf32, #tpu.memory_space<vmem_shared>> -> memref<10000x128xf32, #tpu.memory_space<vmem_shared>>
        tpu.enqueue_indirect_dma source(%arg8 : memref<80x128xf32, #tpu.memory_space<vmem>>) target(%dma_start3A_35 : memref<10000x128xf32, #tpu.memory_space<vmem_shared>>) offsets(%arg12 : memref<80xi32, #tpu.memory_space<vmem>>) semaphore(%run_scoped3A : memref<!tpu.dma_semaphore, #tpu.memory_space<semaphore_mem>>) {add = true}
        %dma_wait3A_36 = arith.constant 0 : i32
        %dma_wait3A_37 = arith.constant 0 : i32
        %dma_wait3A_38 = tpu.memref_slice %arg15[%dma_wait3A_36, %dma_wait3A_37] : memref<10000x128xf32, #tpu.memory_space<vmem_shared>> -> memref<10000x128xf32, #tpu.memory_space<vmem_shared>>
        tpu.wait_indirect_dma semaphore(%run_scoped3A : memref<!tpu.dma_semaphore, #tpu.memory_space<semaphore_mem>>) src(%arg8 : memref<80x128xf32, #tpu.memory_space<vmem>>) dst(%dma_wait3A_38 : memref<10000x128xf32, #tpu.memory_space<vmem_shared>>)
        tpu.yield
      }) : () -> ()
      %barrier3A_28 = arith.constant 0 : index
      tpu.barrier barrier_id(%barrier3A_28)
      %lt3A = arith.constant 2 : i32
      %lt3A_29 = arith.cmpi slt, %arg1, %lt3A : i32
      %convert_element_type3A_30 = arith.extui %lt3A_29 : i1 to i32
      %cond3A_31 = arith.constant 0 : i32
      %cond3A_32 = arith.cmpi ne, %convert_element_type3A_30, %cond3A_31 : i32
      scf.if %cond3A_32 {
        %mul3A_33 = arith.constant 5000 : i32
        %mul3A_34 = arith.muli %arg1, %mul3A_33 : i32
        "tpu.region"() ({
          %run_scoped3A = tpu.sem_alloc : memref<!tpu.dma_semaphore, #tpu.memory_space<semaphore_mem>>
          %dma_start3A_35 = arith.constant 0 : i32
          %dma_start3A_36 = tpu.memref_slice %arg6[%mul3A_34, %dma_start3A_35] : memref<10000x128xf32, #tpu.memory_space<hbm>> -> memref<5000x128xf32, #tpu.memory_space<hbm>>
          %dma_start3A_37 = arith.constant 0 : i32
          %dma_start3A_38 = tpu.memref_slice %arg15[%mul3A_34, %dma_start3A_37] : memref<10000x128xf32, #tpu.memory_space<vmem_shared>> -> memref<5000x128xf32, #tpu.memory_space<vmem_shared>>
          tpu.enqueue_dma source(%dma_start3A_38 : memref<5000x128xf32, #tpu.memory_space<vmem_shared>>) target(%dma_start3A_36 : memref<5000x128xf32, #tpu.memory_space<hbm>>) target_semaphore(%run_scoped3A : memref<!tpu.dma_semaphore, #tpu.memory_space<semaphore_mem>>)
          %dma_wait3A_39 = arith.constant 0 : i32
          %dma_wait3A_40 = tpu.memref_slice %arg6[%mul3A_34, %dma_wait3A_39] : memref<10000x128xf32, #tpu.memory_space<hbm>> -> memref<5000x128xf32, #tpu.memory_space<hbm>>
          %dma_wait3A_41 = arith.constant 0 : i32
          %dma_wait3A_42 = tpu.memref_slice %arg15[%mul3A_34, %dma_wait3A_41] : memref<10000x128xf32, #tpu.memory_space<vmem_shared>> -> memref<5000x128xf32, #tpu.memory_space<vmem_shared>>
          tpu.wait_dma2 semaphore(%run_scoped3A : memref<!tpu.dma_semaphore, #tpu.memory_space<semaphore_mem>>) src(%dma_wait3A_42 : memref<5000x128xf32, #tpu.memory_space<vmem_shared>>) dst(%dma_wait3A_40 : memref<5000x128xf32, #tpu.memory_space<hbm>>)
          tpu.yield
        }) : () -> ()
      } else {
      }
    } else {
    }
    %eq3A_12 = arith.constant 1 : i32
    %eq3A_13 = arith.cmpi eq, %arg0, %eq3A_12 : i32
    %convert_element_type3A_14 = arith.extui %eq3A_13 : i1 to i32
    %cond3A_15 = arith.constant 0 : i32
    %cond3A_16 = arith.cmpi ne, %convert_element_type3A_14, %cond3A_15 : i32
    scf.if %cond3A_16 {
      %mul3A = arith.constant 10000 : i32
      %mul3A_17 = arith.muli %arg1, %mul3A : i32
      %add3A = arith.constant 0 : i32
      %add3A_18 = arith.addi %mul3A_17, %add3A : i32
      "tpu.region"() ({
        %run_scoped3A = tpu.sem_alloc : memref<!tpu.dma_semaphore, #tpu.memory_space<semaphore_mem>>
        %dma_start3A_33 = tpu.memref_slice %arg4[%add3A_18] : memref<160000xi32, #tpu.memory_space<hbm>> -> memref<80xi32, #tpu.memory_space<hbm>>
        %dma_start3A_34 = tpu.memref_slice %arg4[%add3A_18] : memref<160000xi32, #tpu.memory_space<hbm>> -> memref<80xi32, #tpu.memory_space<hbm>>
        tpu.enqueue_dma source(%dma_start3A_34 : memref<80xi32, #tpu.memory_space<hbm>>) target(%arg10 : memref<80xi32, #tpu.memory_space<vmem>>) target_semaphore(%run_scoped3A : memref<!tpu.dma_semaphore, #tpu.memory_space<semaphore_mem>>)
        %dma_wait3A_35 = tpu.memref_slice %arg4[%add3A_18] : memref<160000xi32, #tpu.memory_space<hbm>> -> memref<80xi32, #tpu.memory_space<hbm>>
        %dma_wait3A_36 = tpu.memref_slice %arg4[%add3A_18] : memref<160000xi32, #tpu.memory_space<hbm>> -> memref<80xi32, #tpu.memory_space<hbm>>
        tpu.wait_dma2 semaphore(%run_scoped3A : memref<!tpu.dma_semaphore, #tpu.memory_space<semaphore_mem>>) src(%dma_wait3A_36 : memref<80xi32, #tpu.memory_space<hbm>>) dst(%arg10 : memref<80xi32, #tpu.memory_space<vmem>>)
        tpu.yield
      }) : () -> ()
      "tpu.region"() ({
        %run_scoped3A = tpu.sem_alloc : memref<!tpu.dma_semaphore, #tpu.memory_space<semaphore_mem>>
        %dma_start3A_33 = tpu.memref_slice %arg5[%add3A_18] : memref<160000xi32, #tpu.memory_space<hbm>> -> memref<80xi32, #tpu.memory_space<hbm>>
        %dma_start3A_34 = tpu.memref_slice %arg5[%add3A_18] : memref<160000xi32, #tpu.memory_space<hbm>> -> memref<80xi32, #tpu.memory_space<hbm>>
        tpu.enqueue_dma source(%dma_start3A_34 : memref<80xi32, #tpu.memory_space<hbm>>) target(%arg12 : memref<80xi32, #tpu.memory_space<vmem>>) target_semaphore(%run_scoped3A : memref<!tpu.dma_semaphore, #tpu.memory_space<semaphore_mem>>)
        %dma_wait3A_35 = tpu.memref_slice %arg5[%add3A_18] : memref<160000xi32, #tpu.memory_space<hbm>> -> memref<80xi32, #tpu.memory_space<hbm>>
        %dma_wait3A_36 = tpu.memref_slice %arg5[%add3A_18] : memref<160000xi32, #tpu.memory_space<hbm>> -> memref<80xi32, #tpu.memory_space<hbm>>
        tpu.wait_dma2 semaphore(%run_scoped3A : memref<!tpu.dma_semaphore, #tpu.memory_space<semaphore_mem>>) src(%dma_wait3A_36 : memref<80xi32, #tpu.memory_space<hbm>>) dst(%arg12 : memref<80xi32, #tpu.memory_space<vmem>>)
        tpu.yield
      }) : () -> ()
      %dma_start3A = arith.constant 0 : i32
      %dma_start3A_19 = arith.constant 0 : i32
      %dma_start3A_20 = tpu.memref_slice %arg3[%dma_start3A, %dma_start3A_19] : memref<10000x128xf32, #tpu.memory_space<hbm>> -> memref<10000x128xf32, #tpu.memory_space<hbm>>
      tpu.enqueue_indirect_dma source(%dma_start3A_20 : memref<10000x128xf32, #tpu.memory_space<hbm>>) target(%arg8 : memref<80x128xf32, #tpu.memory_space<vmem>>) offsets(%arg10 : memref<80xi32, #tpu.memory_space<vmem>>) semaphore(%arg16 : memref<!tpu.dma_semaphore, #tpu.memory_space<semaphore_mem>>)
      %scan3A_21 = arith.constant 0 : i32
      %scan3A_22 = arith.constant 62 : i32
      %scan3A_23 = arith.addi %scan3A_21, %scan3A_22 : i32
      %scan3A_24 = arith.constant 1 : i32
      scf.for %scan3A_33 = %scan3A_21 to %scan3A_23 step %scan3A_24  : i32 {
        %mul3A_34 = arith.constant 1 : i32
        %mul3A_35 = arith.muli %scan3A_33, %mul3A_34 : i32
        %add3A_36 = arith.constant 0 : i32
        %add3A_37 = arith.addi %add3A_36, %mul3A_35 : i32
        %mul3A_38 = arith.constant 2 : i32
        %mul3A_39 = arith.muli %add3A_37, %mul3A_38 : i32
        %add3A_40 = arith.constant 1 : i32
        %add3A_41 = arith.addi %mul3A_39, %add3A_40 : i32
        %mul3A_42 = arith.constant 80 : i32
        %mul3A_43 = arith.muli %add3A_41, %mul3A_42 : i32
        %add3A_44 = arith.addi %mul3A_17, %mul3A_43 : i32
        "tpu.region"() ({
          %run_scoped3A = tpu.sem_alloc : memref<!tpu.dma_semaphore, #tpu.memory_space<semaphore_mem>>
          %dma_start3A_62 = tpu.memref_slice %arg4[%add3A_44] : memref<160000xi32, #tpu.memory_space<hbm>> -> memref<80xi32, #tpu.memory_space<hbm>>
          %dma_start3A_63 = tpu.memref_slice %arg4[%add3A_44] : memref<160000xi32, #tpu.memory_space<hbm>> -> memref<80xi32, #tpu.memory_space<hbm>>
          tpu.enqueue_dma source(%dma_start3A_63 : memref<80xi32, #tpu.memory_space<hbm>>) target(%arg11 : memref<80xi32, #tpu.memory_space<vmem>>) target_semaphore(%run_scoped3A : memref<!tpu.dma_semaphore, #tpu.memory_space<semaphore_mem>>)
          %dma_wait3A_64 = tpu.memref_slice %arg4[%add3A_44] : memref<160000xi32, #tpu.memory_space<hbm>> -> memref<80xi32, #tpu.memory_space<hbm>>
          %dma_wait3A_65 = tpu.memref_slice %arg4[%add3A_44] : memref<160000xi32, #tpu.memory_space<hbm>> -> memref<80xi32, #tpu.memory_space<hbm>>
          tpu.wait_dma2 semaphore(%run_scoped3A : memref<!tpu.dma_semaphore, #tpu.memory_space<semaphore_mem>>) src(%dma_wait3A_65 : memref<80xi32, #tpu.memory_space<hbm>>) dst(%arg11 : memref<80xi32, #tpu.memory_space<vmem>>)
          tpu.yield
        }) : () -> ()
        "tpu.region"() ({
          %run_scoped3A = tpu.sem_alloc : memref<!tpu.dma_semaphore, #tpu.memory_space<semaphore_mem>>
          %dma_start3A_62 = tpu.memref_slice %arg5[%add3A_44] : memref<160000xi32, #tpu.memory_space<hbm>> -> memref<80xi32, #tpu.memory_space<hbm>>
          %dma_start3A_63 = tpu.memref_slice %arg5[%add3A_44] : memref<160000xi32, #tpu.memory_space<hbm>> -> memref<80xi32, #tpu.memory_space<hbm>>
          tpu.enqueue_dma source(%dma_start3A_63 : memref<80xi32, #tpu.memory_space<hbm>>) target(%arg13 : memref<80xi32, #tpu.memory_space<vmem>>) target_semaphore(%run_scoped3A : memref<!tpu.dma_semaphore, #tpu.memory_space<semaphore_mem>>)
          %dma_wait3A_64 = tpu.memref_slice %arg5[%add3A_44] : memref<160000xi32, #tpu.memory_space<hbm>> -> memref<80xi32, #tpu.memory_space<hbm>>
          %dma_wait3A_65 = tpu.memref_slice %arg5[%add3A_44] : memref<160000xi32, #tpu.memory_space<hbm>> -> memref<80xi32, #tpu.memory_space<hbm>>
          tpu.wait_dma2 semaphore(%run_scoped3A : memref<!tpu.dma_semaphore, #tpu.memory_space<semaphore_mem>>) src(%dma_wait3A_65 : memref<80xi32, #tpu.memory_space<hbm>>) dst(%arg13 : memref<80xi32, #tpu.memory_space<vmem>>)
          tpu.yield
        }) : () -> ()
        %dma_start3A_45 = arith.constant 0 : i32
        %dma_start3A_46 = arith.constant 0 : i32
        %dma_start3A_47 = tpu.memref_slice %arg3[%dma_start3A_45, %dma_start3A_46] : memref<10000x128xf32, #tpu.memory_space<hbm>> -> memref<10000x128xf32, #tpu.memory_space<hbm>>
        tpu.enqueue_indirect_dma source(%dma_start3A_47 : memref<10000x128xf32, #tpu.memory_space<hbm>>) target(%arg9 : memref<80x128xf32, #tpu.memory_space<vmem>>) offsets(%arg11 : memref<80xi32, #tpu.memory_space<vmem>>) semaphore(%arg17 : memref<!tpu.dma_semaphore, #tpu.memory_space<semaphore_mem>>)
        %dma_wait3A_48 = arith.constant 0 : i32
        %dma_wait3A_49 = arith.constant 0 : i32
        %dma_wait3A_50 = tpu.memref_slice %arg3[%dma_wait3A_48, %dma_wait3A_49] : memref<10000x128xf32, #tpu.memory_space<hbm>> -> memref<10000x128xf32, #tpu.memory_space<hbm>>
        tpu.wait_indirect_dma semaphore(%arg16 : memref<!tpu.dma_semaphore, #tpu.memory_space<semaphore_mem>>) src(%dma_wait3A_50 : memref<10000x128xf32, #tpu.memory_space<hbm>>) dst(%arg8 : memref<80x128xf32, #tpu.memory_space<vmem>>)
        "tpu.region"() ({
          %run_scoped3A = tpu.sem_alloc : memref<!tpu.dma_semaphore, #tpu.memory_space<semaphore_mem>>
          %dma_start3A_62 = arith.constant 0 : i32
          %dma_start3A_63 = arith.constant 0 : i32
          %dma_start3A_64 = tpu.memref_slice %arg15[%dma_start3A_62, %dma_start3A_63] : memref<10000x128xf32, #tpu.memory_space<vmem_shared>> -> memref<10000x128xf32, #tpu.memory_space<vmem_shared>>
          tpu.enqueue_indirect_dma source(%arg8 : memref<80x128xf32, #tpu.memory_space<vmem>>) target(%dma_start3A_64 : memref<10000x128xf32, #tpu.memory_space<vmem_shared>>) offsets(%arg12 : memref<80xi32, #tpu.memory_space<vmem>>) semaphore(%run_scoped3A : memref<!tpu.dma_semaphore, #tpu.memory_space<semaphore_mem>>) {add = true}
          %dma_wait3A_65 = arith.constant 0 : i32
          %dma_wait3A_66 = arith.constant 0 : i32
          %dma_wait3A_67 = tpu.memref_slice %arg15[%dma_wait3A_65, %dma_wait3A_66] : memref<10000x128xf32, #tpu.memory_space<vmem_shared>> -> memref<10000x128xf32, #tpu.memory_space<vmem_shared>>
          tpu.wait_indirect_dma semaphore(%run_scoped3A : memref<!tpu.dma_semaphore, #tpu.memory_space<semaphore_mem>>) src(%arg8 : memref<80x128xf32, #tpu.memory_space<vmem>>) dst(%dma_wait3A_67 : memref<10000x128xf32, #tpu.memory_space<vmem_shared>>)
          tpu.yield
        }) : () -> ()
        %add3A_51 = arith.constant 2 : i32
        %add3A_52 = arith.addi %mul3A_39, %add3A_51 : i32
        %mul3A_53 = arith.constant 80 : i32
        %mul3A_54 = arith.muli %add3A_52, %mul3A_53 : i32
        %add3A_55 = arith.addi %mul3A_17, %mul3A_54 : i32
        "tpu.region"() ({
          %run_scoped3A = tpu.sem_alloc : memref<!tpu.dma_semaphore, #tpu.memory_space<semaphore_mem>>
          %dma_start3A_62 = tpu.memref_slice %arg4[%add3A_55] : memref<160000xi32, #tpu.memory_space<hbm>> -> memref<80xi32, #tpu.memory_space<hbm>>
          %dma_start3A_63 = tpu.memref_slice %arg4[%add3A_55] : memref<160000xi32, #tpu.memory_space<hbm>> -> memref<80xi32, #tpu.memory_space<hbm>>
          tpu.enqueue_dma source(%dma_start3A_63 : memref<80xi32, #tpu.memory_space<hbm>>) target(%arg10 : memref<80xi32, #tpu.memory_space<vmem>>) target_semaphore(%run_scoped3A : memref<!tpu.dma_semaphore, #tpu.memory_space<semaphore_mem>>)
          %dma_wait3A_64 = tpu.memref_slice %arg4[%add3A_55] : memref<160000xi32, #tpu.memory_space<hbm>> -> memref<80xi32, #tpu.memory_space<hbm>>
          %dma_wait3A_65 = tpu.memref_slice %arg4[%add3A_55] : memref<160000xi32, #tpu.memory_space<hbm>> -> memref<80xi32, #tpu.memory_space<hbm>>
          tpu.wait_dma2 semaphore(%run_scoped3A : memref<!tpu.dma_semaphore, #tpu.memory_space<semaphore_mem>>) src(%dma_wait3A_65 : memref<80xi32, #tpu.memory_space<hbm>>) dst(%arg10 : memref<80xi32, #tpu.memory_space<vmem>>)
          tpu.yield
        }) : () -> ()
        "tpu.region"() ({
          %run_scoped3A = tpu.sem_alloc : memref<!tpu.dma_semaphore, #tpu.memory_space<semaphore_mem>>
          %dma_start3A_62 = tpu.memref_slice %arg5[%add3A_55] : memref<160000xi32, #tpu.memory_space<hbm>> -> memref<80xi32, #tpu.memory_space<hbm>>
          %dma_start3A_63 = tpu.memref_slice %arg5[%add3A_55] : memref<160000xi32, #tpu.memory_space<hbm>> -> memref<80xi32, #tpu.memory_space<hbm>>
          tpu.enqueue_dma source(%dma_start3A_63 : memref<80xi32, #tpu.memory_space<hbm>>) target(%arg12 : memref<80xi32, #tpu.memory_space<vmem>>) target_semaphore(%run_scoped3A : memref<!tpu.dma_semaphore, #tpu.memory_space<semaphore_mem>>)
          %dma_wait3A_64 = tpu.memref_slice %arg5[%add3A_55] : memref<160000xi32, #tpu.memory_space<hbm>> -> memref<80xi32, #tpu.memory_space<hbm>>
          %dma_wait3A_65 = tpu.memref_slice %arg5[%add3A_55] : memref<160000xi32, #tpu.memory_space<hbm>> -> memref<80xi32, #tpu.memory_space<hbm>>
          tpu.wait_dma2 semaphore(%run_scoped3A : memref<!tpu.dma_semaphore, #tpu.memory_space<semaphore_mem>>) src(%dma_wait3A_65 : memref<80xi32, #tpu.memory_space<hbm>>) dst(%arg12 : memref<80xi32, #tpu.memory_space<vmem>>)
          tpu.yield
        }) : () -> ()
        %dma_start3A_56 = arith.constant 0 : i32
        %dma_start3A_57 = arith.constant 0 : i32
        %dma_start3A_58 = tpu.memref_slice %arg3[%dma_start3A_56, %dma_start3A_57] : memref<10000x128xf32, #tpu.memory_space<hbm>> -> memref<10000x128xf32, #tpu.memory_space<hbm>>
        tpu.enqueue_indirect_dma source(%dma_start3A_58 : memref<10000x128xf32, #tpu.memory_space<hbm>>) target(%arg8 : memref<80x128xf32, #tpu.memory_space<vmem>>) offsets(%arg10 : memref<80xi32, #tpu.memory_space<vmem>>) semaphore(%arg16 : memref<!tpu.dma_semaphore, #tpu.memory_space<semaphore_mem>>)
        %dma_wait3A_59 = arith.constant 0 : i32
        %dma_wait3A_60 = arith.constant 0 : i32
        %dma_wait3A_61 = tpu.memref_slice %arg3[%dma_wait3A_59, %dma_wait3A_60] : memref<10000x128xf32, #tpu.memory_space<hbm>> -> memref<10000x128xf32, #tpu.memory_space<hbm>>
        tpu.wait_indirect_dma semaphore(%arg17 : memref<!tpu.dma_semaphore, #tpu.memory_space<semaphore_mem>>) src(%dma_wait3A_61 : memref<10000x128xf32, #tpu.memory_space<hbm>>) dst(%arg9 : memref<80x128xf32, #tpu.memory_space<vmem>>)
        "tpu.region"() ({
          %run_scoped3A = tpu.sem_alloc : memref<!tpu.dma_semaphore, #tpu.memory_space<semaphore_mem>>
          %dma_start3A_62 = arith.constant 0 : i32
          %dma_start3A_63 = arith.constant 0 : i32
          %dma_start3A_64 = tpu.memref_slice %arg15[%dma_start3A_62, %dma_start3A_63] : memref<10000x128xf32, #tpu.memory_space<vmem_shared>> -> memref<10000x128xf32, #tpu.memory_space<vmem_shared>>
          tpu.enqueue_indirect_dma source(%arg9 : memref<80x128xf32, #tpu.memory_space<vmem>>) target(%dma_start3A_64 : memref<10000x128xf32, #tpu.memory_space<vmem_shared>>) offsets(%arg13 : memref<80xi32, #tpu.memory_space<vmem>>) semaphore(%run_scoped3A : memref<!tpu.dma_semaphore, #tpu.memory_space<semaphore_mem>>) {add = true}
          %dma_wait3A_65 = arith.constant 0 : i32
          %dma_wait3A_66 = arith.constant 0 : i32
          %dma_wait3A_67 = tpu.memref_slice %arg15[%dma_wait3A_65, %dma_wait3A_66] : memref<10000x128xf32, #tpu.memory_space<vmem_shared>> -> memref<10000x128xf32, #tpu.memory_space<vmem_shared>>
          tpu.wait_indirect_dma semaphore(%run_scoped3A : memref<!tpu.dma_semaphore, #tpu.memory_space<semaphore_mem>>) src(%arg9 : memref<80x128xf32, #tpu.memory_space<vmem>>) dst(%dma_wait3A_67 : memref<10000x128xf32, #tpu.memory_space<vmem_shared>>)
          tpu.yield
        }) : () -> ()
      }
      %scan3A_25 = arith.constant 62 : i32
      %dma_wait3A = arith.constant 0 : i32
      %dma_wait3A_26 = arith.constant 0 : i32
      %dma_wait3A_27 = tpu.memref_slice %arg3[%dma_wait3A, %dma_wait3A_26] : memref<10000x128xf32, #tpu.memory_space<hbm>> -> memref<10000x128xf32, #tpu.memory_space<hbm>>
      tpu.wait_indirect_dma semaphore(%arg16 : memref<!tpu.dma_semaphore, #tpu.memory_space<semaphore_mem>>) src(%dma_wait3A_27 : memref<10000x128xf32, #tpu.memory_space<hbm>>) dst(%arg8 : memref<80x128xf32, #tpu.memory_space<vmem>>)
      "tpu.region"() ({
        %run_scoped3A = tpu.sem_alloc : memref<!tpu.dma_semaphore, #tpu.memory_space<semaphore_mem>>
        %dma_start3A_33 = arith.constant 0 : i32
        %dma_start3A_34 = arith.constant 0 : i32
        %dma_start3A_35 = tpu.memref_slice %arg15[%dma_start3A_33, %dma_start3A_34] : memref<10000x128xf32, #tpu.memory_space<vmem_shared>> -> memref<10000x128xf32, #tpu.memory_space<vmem_shared>>
        tpu.enqueue_indirect_dma source(%arg8 : memref<80x128xf32, #tpu.memory_space<vmem>>) target(%dma_start3A_35 : memref<10000x128xf32, #tpu.memory_space<vmem_shared>>) offsets(%arg12 : memref<80xi32, #tpu.memory_space<vmem>>) semaphore(%run_scoped3A : memref<!tpu.dma_semaphore, #tpu.memory_space<semaphore_mem>>) {add = true}
        %dma_wait3A_36 = arith.constant 0 : i32
        %dma_wait3A_37 = arith.constant 0 : i32
        %dma_wait3A_38 = tpu.memref_slice %arg15[%dma_wait3A_36, %dma_wait3A_37] : memref<10000x128xf32, #tpu.memory_space<vmem_shared>> -> memref<10000x128xf32, #tpu.memory_space<vmem_shared>>
        tpu.wait_indirect_dma semaphore(%run_scoped3A : memref<!tpu.dma_semaphore, #tpu.memory_space<semaphore_mem>>) src(%arg8 : memref<80x128xf32, #tpu.memory_space<vmem>>) dst(%dma_wait3A_38 : memref<10000x128xf32, #tpu.memory_space<vmem_shared>>)
        tpu.yield
      }) : () -> ()
      %barrier3A_28 = arith.constant 0 : index
      tpu.barrier barrier_id(%barrier3A_28)
      %lt3A = arith.constant 2 : i32
      %lt3A_29 = arith.cmpi slt, %arg1, %lt3A : i32
      %convert_element_type3A_30 = arith.extui %lt3A_29 : i1 to i32
      %cond3A_31 = arith.constant 0 : i32
      %cond3A_32 = arith.cmpi ne, %convert_element_type3A_30, %cond3A_31 : i32
      scf.if %cond3A_32 {
        %mul3A_33 = arith.constant 5000 : i32
        %mul3A_34 = arith.muli %arg1, %mul3A_33 : i32
        "tpu.region"() ({
          %run_scoped3A = tpu.sem_alloc : memref<!tpu.dma_semaphore, #tpu.memory_space<semaphore_mem>>
          %dma_start3A_35 = arith.constant 0 : i32
          %dma_start3A_36 = tpu.memref_slice %arg7[%mul3A_34, %dma_start3A_35] : memref<10000x128xf32, #tpu.memory_space<hbm>> -> memref<5000x128xf32, #tpu.memory_space<hbm>>
          %dma_start3A_37 = arith.constant 0 : i32
          %dma_start3A_38 = tpu.memref_slice %arg15[%mul3A_34, %dma_start3A_37] : memref<10000x128xf32, #tpu.memory_space<vmem_shared>> -> memref<5000x128xf32, #tpu.memory_space<vmem_shared>>
          tpu.enqueue_dma source(%dma_start3A_38 : memref<5000x128xf32, #tpu.memory_space<vmem_shared>>) target(%dma_start3A_36 : memref<5000x128xf32, #tpu.memory_space<hbm>>) target_semaphore(%run_scoped3A : memref<!tpu.dma_semaphore, #tpu.memory_space<semaphore_mem>>)
          %dma_wait3A_39 = arith.constant 0 : i32
          %dma_wait3A_40 = tpu.memref_slice %arg7[%mul3A_34, %dma_wait3A_39] : memref<10000x128xf32, #tpu.memory_space<hbm>> -> memref<5000x128xf32, #tpu.memory_space<hbm>>
          %dma_wait3A_41 = arith.constant 0 : i32
          %dma_wait3A_42 = tpu.memref_slice %arg15[%mul3A_34, %dma_wait3A_41] : memref<10000x128xf32, #tpu.memory_space<vmem_shared>> -> memref<5000x128xf32, #tpu.memory_space<vmem_shared>>
          tpu.wait_dma2 semaphore(%run_scoped3A : memref<!tpu.dma_semaphore, #tpu.memory_space<semaphore_mem>>) src(%dma_wait3A_42 : memref<5000x128xf32, #tpu.memory_space<vmem_shared>>) dst(%dma_wait3A_40 : memref<5000x128xf32, #tpu.memory_space<hbm>>)
          tpu.yield
        }) : () -> ()
      } else {
      }
    } else {
    }
    return
  }
}

module attributes {stable_mosaic.version = 14 : i64} {
  func.func @_tc_sage_body(%arg0: i32, %arg1: memref<1000x1xi32, #tpu.memory_space<vmem>>, %arg2: memref<1000x1xi32, #tpu.memory_space<vmem>>, %arg3: memref<1000x128xf32, #tpu.memory_space<vmem>>, %arg4: memref<1000x128xf32, #tpu.memory_space<vmem>>, %arg5: memref<1000x128xf32, #tpu.memory_space<vmem>>, %arg6: memref<1000x128xf32, #tpu.memory_space<vmem>>, %arg7: memref<256x256xf32, #tpu.memory_space<vmem>>, %arg8: memref<256x256xf32, #tpu.memory_space<vmem>>, %arg9: memref<1x256xf32, #tpu.memory_space<vmem>>, %arg10: memref<1000x256xf32, #tpu.memory_space<vmem>>, %arg11: memref<8x256xf32, #tpu.memory_space<vmem>>) attributes {dimension_semantics = [#tpu.dimension_semantics<arbitrary>], iteration_bounds = array<i64: 10>, scalar_prefetch = 0 : i64, scratch_operands = 0 : i64, tpu.core_type = #tpu.core_type<tc>, window_params = [{transform_indices = @transform_0, window_bounds = array<i64: 1000, 1>}, {transform_indices = @transform_1, window_bounds = array<i64: 1000, 1>}, {transform_indices = @transform_2, window_bounds = array<i64: 1000, 128>}, {transform_indices = @transform_3, window_bounds = array<i64: 1000, 128>}, {transform_indices = @transform_4, window_bounds = array<i64: 1000, 128>}, {transform_indices = @transform_5, window_bounds = array<i64: 1000, 128>}, {pipeline_mode = #tpu.pipeline_mode<synchronous>, transform_indices = @transform_6, window_bounds = array<i64: 256, 256>}, {pipeline_mode = #tpu.pipeline_mode<synchronous>, transform_indices = @transform_7, window_bounds = array<i64: 256, 256>}, {pipeline_mode = #tpu.pipeline_mode<synchronous>, transform_indices = @transform_8, window_bounds = array<i64: 1, 256>}, {transform_indices = @transform_9, window_bounds = array<i64: 1000, 256>}, {pipeline_mode = #tpu.pipeline_mode<synchronous>, transform_indices = @transform_10, window_bounds = array<i64: 8, 256>}]} {
    %get3A = arith.constant 0 : index
    %get3A_0 = arith.constant 0 : index
    %get3A_1 = vector.load %arg1[%get3A, %get3A_0] : memref<1000x1xi32, #tpu.memory_space<vmem>>, vector<1000x1xi32>
    %get3A_2 = arith.constant 0 : index
    %get3A_3 = arith.constant 0 : index
    %get3A_4 = vector.load %arg2[%get3A_2, %get3A_3] : memref<1000x1xi32, #tpu.memory_space<vmem>>, vector<1000x1xi32>
    %add3A = arith.addi %get3A_1, %get3A_4 : vector<1000x1xi32>
    %convert_element_type3A = arith.sitofp %add3A : vector<1000x1xi32> to vector<1000x1xf32>
    %max3A = arith.constant 1.000000e+00 : f32
    %max3A_5 = vector.broadcast %max3A : f32 to vector<1000x1xf32>
    %max3A_6 = arith.maximumf %convert_element_type3A, %max3A_5 : vector<1000x1xf32>
    %div3A = arith.constant 1.000000e+00 : f32
    %div3A_7 = vector.broadcast %div3A : f32 to vector<1000x1xf32>
    %div3A_8 = arith.divf %div3A_7, %max3A_6 : vector<1000x1xf32>
    %get3A_9 = arith.constant 0 : index
    %get3A_10 = arith.constant 0 : index
    %get3A_11 = vector.load %arg3[%get3A_9, %get3A_10] : memref<1000x128xf32, #tpu.memory_space<vmem>>, vector<1000x128xf32>
    %get3A_12 = arith.constant 0 : index
    %get3A_13 = arith.constant 0 : index
    %get3A_14 = vector.load %arg4[%get3A_12, %get3A_13] : memref<1000x128xf32, #tpu.memory_space<vmem>>, vector<1000x128xf32>
    %concatenate3A = tpu.concatenate %get3A_11, %get3A_14 in 1 : vector<1000x128xf32>, vector<1000x128xf32> -> vector<1000x256xf32>
    %mul3A = vector.broadcast %div3A_8 : vector<1000x1xf32> to vector<1000x256xf32>
    %mul3A_15 = arith.mulf %concatenate3A, %mul3A : vector<1000x256xf32>
    %get3A_16 = arith.constant 0 : index
    %get3A_17 = arith.constant 0 : index
    %get3A_18 = vector.load %arg5[%get3A_16, %get3A_17] : memref<1000x128xf32, #tpu.memory_space<vmem>>, vector<1000x128xf32>
    %get3A_19 = arith.constant 0 : index
    %get3A_20 = arith.constant 0 : index
    %get3A_21 = vector.load %arg6[%get3A_19, %get3A_20] : memref<1000x128xf32, #tpu.memory_space<vmem>>, vector<1000x128xf32>
    %concatenate3A_22 = tpu.concatenate %get3A_18, %get3A_21 in 1 : vector<1000x128xf32>, vector<1000x128xf32> -> vector<1000x256xf32>
    %get3A_23 = arith.constant 0 : index
    %get3A_24 = arith.constant 0 : index
    %get3A_25 = vector.load %arg7[%get3A_23, %get3A_24] : memref<256x256xf32, #tpu.memory_space<vmem>>, vector<256x256xf32>
    %dot_general3A = arith.constant dense<0.000000e+00> : vector<1000x256xf32>
    %dot_general3A_26 = tpu.matmul %mul3A_15, %get3A_25, %dot_general3A {dimension_numbers = #tpu.dot_dimension_numbers<[1], [0], [0], [1], [0, 0, 1, 1], [], []>, transpose_lhs_hint = false} : vector<1000x256xf32>, vector<256x256xf32>, vector<1000x256xf32> -> vector<1000x256xf32>
    %get3A_27 = arith.constant 0 : index
    %get3A_28 = arith.constant 0 : index
    %get3A_29 = vector.load %arg8[%get3A_27, %get3A_28] : memref<256x256xf32, #tpu.memory_space<vmem>>, vector<256x256xf32>
    %dot_general3A_30 = arith.constant dense<0.000000e+00> : vector<1000x256xf32>
    %dot_general3A_31 = tpu.matmul %concatenate3A_22, %get3A_29, %dot_general3A_30 {dimension_numbers = #tpu.dot_dimension_numbers<[1], [0], [0], [1], [0, 0, 1, 1], [], []>, transpose_lhs_hint = false} : vector<1000x256xf32>, vector<256x256xf32>, vector<1000x256xf32> -> vector<1000x256xf32>
    %add3A_32 = arith.addf %dot_general3A_26, %dot_general3A_31 : vector<1000x256xf32>
    %get3A_33 = arith.constant 0 : index
    %get3A_34 = arith.constant 0 : index
    %get3A_35 = vector.load %arg9[%get3A_33, %get3A_34] : memref<1x256xf32, #tpu.memory_space<vmem>>, vector<1x256xf32>
    %add3A_36 = vector.broadcast %get3A_35 : vector<1x256xf32> to vector<1000x256xf32>
    %add3A_37 = arith.addf %add3A_32, %add3A_36 : vector<1000x256xf32>
    %mul3A_38 = arith.mulf %add3A_37, %add3A_37 : vector<1000x256xf32>
    %reduce_sum3A = arith.constant dense<0.000000e+00> : vector<1000xf32>
    %reduce_sum3A_39 = vector.multi_reduction <add>, %mul3A_38, %reduce_sum3A [1] : vector<1000x256xf32> to vector<1000xf32>
    %broadcast_in_dim3A = vector.shape_cast %reduce_sum3A_39 : vector<1000xf32> to vector<1000x1xf32>
    %sqrt3A = math.sqrt %broadcast_in_dim3A : vector<1000x1xf32>
    %max3A_40 = arith.constant 9.99999996E-13 : f32
    %max3A_41 = vector.broadcast %max3A_40 : f32 to vector<1000x1xf32>
    %max3A_42 = arith.maximumf %sqrt3A, %max3A_41 : vector<1000x1xf32>
    %div3A_43 = vector.broadcast %max3A_42 : vector<1000x1xf32> to vector<1000x256xf32>
    %div3A_44 = arith.divf %add3A_37, %div3A_43 : vector<1000x256xf32>
    %swap3A = arith.constant 0 : index
    %swap3A_45 = arith.constant 0 : index
    %swap3A_46 = vector.load %arg10[%swap3A, %swap3A_45] : memref<1000x256xf32, #tpu.memory_space<vmem>>, vector<1000x256xf32>
    tpu.vector_store %arg10[%swap3A, %swap3A_45], %div3A_44 {strides = array<i32>} : memref<1000x256xf32, #tpu.memory_space<vmem>>, vector<1000x256xf32>,
    %eq3A = arith.constant 0 : i32
    %eq3A_47 = arith.cmpi eq, %arg0, %eq3A : i32
    %convert_element_type3A_48 = arith.extui %eq3A_47 : i1 to i32
    %cond3A = arith.constant 0 : i32
    %cond3A_49 = arith.cmpi ne, %convert_element_type3A_48, %cond3A : i32
    scf.if %cond3A_49 {
      %broadcast_in_dim3A_67 = arith.constant 0.000000e+00 : f32
      %broadcast_in_dim3A_68 = vector.broadcast %broadcast_in_dim3A_67 : f32 to vector<8x256xf32>
      %swap3A_69 = arith.constant 0 : index
      %swap3A_70 = arith.constant 0 : index
      %swap3A_71 = vector.load %arg11[%swap3A_69, %swap3A_70] : memref<8x256xf32, #tpu.memory_space<vmem>>, vector<8x256xf32>
      tpu.vector_store %arg11[%swap3A_69, %swap3A_70], %broadcast_in_dim3A_68 {strides = array<i32>} : memref<8x256xf32, #tpu.memory_space<vmem>>, vector<8x256xf32>,
    } else {
    }
    %reduce_sum3A_50 = arith.constant dense<0.000000e+00> : vector<256xf32>
    %reduce_sum3A_51 = vector.multi_reduction <add>, %div3A_44, %reduce_sum3A_50 [0] : vector<1000x256xf32> to vector<256xf32>
    %broadcast_in_dim3A_52 = vector.shape_cast %reduce_sum3A_51 : vector<256xf32> to vector<1x256xf32>
    %mul3A_53 = arith.mulf %div3A_44, %div3A_44 : vector<1000x256xf32>
    %reduce_sum3A_54 = arith.constant dense<0.000000e+00> : vector<256xf32>
    %reduce_sum3A_55 = vector.multi_reduction <add>, %mul3A_53, %reduce_sum3A_54 [0] : vector<1000x256xf32> to vector<256xf32>
    %broadcast_in_dim3A_56 = vector.shape_cast %reduce_sum3A_55 : vector<256xf32> to vector<1x256xf32>
    %get3A_57 = arith.constant 0 : index
    %get3A_58 = arith.constant 0 : index
    %get3A_59 = vector.load %arg11[%get3A_57, %get3A_58] : memref<8x256xf32, #tpu.memory_space<vmem>>, vector<8x256xf32>
    %broadcast_in_dim3A_60 = arith.constant 0.000000e+00 : f32
    %broadcast_in_dim3A_61 = vector.broadcast %broadcast_in_dim3A_60 : f32 to vector<6x256xf32>
    %concatenate3A_62 = tpu.concatenate %broadcast_in_dim3A_52, %broadcast_in_dim3A_56, %broadcast_in_dim3A_61 in 0 : vector<1x256xf32>, vector<1x256xf32>, vector<6x256xf32> -> vector<8x256xf32>
    %add3A_63 = arith.addf %get3A_59, %concatenate3A_62 : vector<8x256xf32>
    %swap3A_64 = arith.constant 0 : index
    %swap3A_65 = arith.constant 0 : index
    %swap3A_66 = vector.load %arg11[%swap3A_64, %swap3A_65] : memref<8x256xf32, #tpu.memory_space<vmem>>, vector<8x256xf32>
    tpu.vector_store %arg11[%swap3A_64, %swap3A_65], %add3A_63 {strides = array<i32>} : memref<8x256xf32, #tpu.memory_space<vmem>>, vector<8x256xf32>,
    return
  }
  func.func @transform_0(%arg0: i32) -> (i32, i32) {
    %c0_i32 = arith.constant 0 : i32
    %c0_i32_0 = arith.constant 0 : i32
    return %arg0, %c0_i32 : i32, i32
  }
  func.func @transform_1(%arg0: i32) -> (i32, i32) {
    %c0_i32 = arith.constant 0 : i32
    %c0_i32_0 = arith.constant 0 : i32
    return %arg0, %c0_i32 : i32, i32
  }
  func.func @transform_2(%arg0: i32) -> (i32, i32) {
    %c0_i32 = arith.constant 0 : i32
    %c0_i32_0 = arith.constant 0 : i32
    return %arg0, %c0_i32 : i32, i32
  }
  func.func @transform_3(%arg0: i32) -> (i32, i32) {
    %c0_i32 = arith.constant 0 : i32
    %c0_i32_0 = arith.constant 0 : i32
    return %arg0, %c0_i32 : i32, i32
  }
  func.func @transform_4(%arg0: i32) -> (i32, i32) {
    %c0_i32 = arith.constant 0 : i32
    %c0_i32_0 = arith.constant 0 : i32
    return %arg0, %c0_i32 : i32, i32
  }
  func.func @transform_5(%arg0: i32) -> (i32, i32) {
    %c0_i32 = arith.constant 0 : i32
    %c0_i32_0 = arith.constant 0 : i32
    return %arg0, %c0_i32 : i32, i32
  }
  func.func @transform_6(%arg0: i32) -> (i32, i32) {
    %c0_i32 = arith.constant 0 : i32
    %c0_i32_0 = arith.constant 0 : i32
    %c0_i32_1 = arith.constant 0 : i32
    return %c0_i32, %c0_i32_0 : i32, i32
  }
  func.func @transform_7(%arg0: i32) -> (i32, i32) {
    %c0_i32 = arith.constant 0 : i32
    %c0_i32_0 = arith.constant 0 : i32
    %c0_i32_1 = arith.constant 0 : i32
    return %c0_i32, %c0_i32_0 : i32, i32
  }
  func.func @transform_8(%arg0: i32) -> (i32, i32) {
    %c0_i32 = arith.constant 0 : i32
    %c0_i32_0 = arith.constant 0 : i32
    %c0_i32_1 = arith.constant 0 : i32
    return %c0_i32, %c0_i32_0 : i32, i32
  }
  func.func @transform_9(%arg0: i32) -> (i32, i32) {
    %c0_i32 = arith.constant 0 : i32
    %c0_i32_0 = arith.constant 0 : i32
    return %arg0, %c0_i32 : i32, i32
  }
  func.func @transform_10(%arg0: i32) -> (i32, i32) {
    %c0_i32 = arith.constant 0 : i32
    %c0_i32_0 = arith.constant 0 : i32
    %c0_i32_1 = arith.constant 0 : i32
    return %c0_i32, %c0_i32_0 : i32, i32
  }
}

module attributes {stable_mosaic.version = 14 : i64} {
  func.func @_tc_bn_body(%arg0: i32, %arg1: memref<1000x256xf32, #tpu.memory_space<vmem>>, %arg2: memref<8x256xf32, #tpu.memory_space<vmem>>, %arg3: memref<1x256xf32, #tpu.memory_space<vmem>>, %arg4: memref<1x256xf32, #tpu.memory_space<vmem>>, %arg5: memref<1000x128xf32, #tpu.memory_space<vmem>>, %arg6: memref<1000x128xf32, #tpu.memory_space<vmem>>) attributes {dimension_semantics = [#tpu.dimension_semantics<arbitrary>], iteration_bounds = array<i64: 10>, scalar_prefetch = 0 : i64, scratch_operands = 0 : i64, tpu.core_type = #tpu.core_type<tc>, window_params = [{transform_indices = @transform_0, window_bounds = array<i64: 1000, 256>}, {pipeline_mode = #tpu.pipeline_mode<synchronous>, transform_indices = @transform_1, window_bounds = array<i64: 8, 256>}, {pipeline_mode = #tpu.pipeline_mode<synchronous>, transform_indices = @transform_2, window_bounds = array<i64: 1, 256>}, {pipeline_mode = #tpu.pipeline_mode<synchronous>, transform_indices = @transform_3, window_bounds = array<i64: 1, 256>}, {transform_indices = @transform_4, window_bounds = array<i64: 1000, 128>}, {transform_indices = @transform_5, window_bounds = array<i64: 1000, 128>}]} {
    %get3A = arith.constant 0 : index
    %get3A_0 = arith.constant 0 : index
    %get3A_1 = vector.load %arg2[%get3A, %get3A_0] : memref<8x256xf32, #tpu.memory_space<vmem>>, vector<8x256xf32>
    %slice3A = vector.extract_strided_slice %get3A_1 {offsets = [0, 0], sizes = [1, 256], strides = [1, 1]} : vector<8x256xf32> to vector<1x256xf32>
    %mul3A = arith.constant 9.99999974E-5 : f32
    %mul3A_2 = vector.broadcast %mul3A : f32 to vector<1x256xf32>
    %mul3A_3 = arith.mulf %slice3A, %mul3A_2 : vector<1x256xf32>
    %slice3A_4 = vector.extract_strided_slice %get3A_1 {offsets = [1, 0], sizes = [1, 256], strides = [1, 1]} : vector<8x256xf32> to vector<1x256xf32>
    %mul3A_5 = arith.constant 9.99999974E-5 : f32
    %mul3A_6 = vector.broadcast %mul3A_5 : f32 to vector<1x256xf32>
    %mul3A_7 = arith.mulf %slice3A_4, %mul3A_6 : vector<1x256xf32>
    %mul3A_8 = arith.mulf %mul3A_3, %mul3A_3 : vector<1x256xf32>
    %sub3A = arith.subf %mul3A_7, %mul3A_8 : vector<1x256xf32>
    %get3A_9 = arith.constant 0 : index
    %get3A_10 = arith.constant 0 : index
    %get3A_11 = vector.load %arg3[%get3A_9, %get3A_10] : memref<1x256xf32, #tpu.memory_space<vmem>>, vector<1x256xf32>
    %add3A = arith.constant 9.99999974E-6 : f32
    %add3A_12 = vector.broadcast %add3A : f32 to vector<1x256xf32>
    %add3A_13 = arith.addf %sub3A, %add3A_12 : vector<1x256xf32>
    %rsqrt3A = math.rsqrt %add3A_13 : vector<1x256xf32>
    %mul3A_14 = arith.mulf %get3A_11, %rsqrt3A : vector<1x256xf32>
    %get3A_15 = arith.constant 0 : index
    %get3A_16 = arith.constant 0 : index
    %get3A_17 = vector.load %arg1[%get3A_15, %get3A_16] : memref<1000x256xf32, #tpu.memory_space<vmem>>, vector<1000x256xf32>
    %sub3A_18 = vector.broadcast %mul3A_3 : vector<1x256xf32> to vector<1000x256xf32>
    %sub3A_19 = arith.subf %get3A_17, %sub3A_18 : vector<1000x256xf32>
    %mul3A_20 = vector.broadcast %mul3A_14 : vector<1x256xf32> to vector<1000x256xf32>
    %mul3A_21 = arith.mulf %sub3A_19, %mul3A_20 : vector<1000x256xf32>
    %get3A_22 = arith.constant 0 : index
    %get3A_23 = arith.constant 0 : index
    %get3A_24 = vector.load %arg4[%get3A_22, %get3A_23] : memref<1x256xf32, #tpu.memory_space<vmem>>, vector<1x256xf32>
    %add3A_25 = vector.broadcast %get3A_24 : vector<1x256xf32> to vector<1000x256xf32>
    %add3A_26 = arith.addf %mul3A_21, %add3A_25 : vector<1000x256xf32>
    %max3A = arith.constant 0.000000e+00 : f32
    %max3A_27 = vector.broadcast %max3A : f32 to vector<1000x256xf32>
    %max3A_28 = arith.maximumf %add3A_26, %max3A_27 : vector<1000x256xf32>
    %slice3A_29 = vector.extract_strided_slice %max3A_28 {offsets = [0, 0], sizes = [1000, 128], strides = [1, 1]} : vector<1000x256xf32> to vector<1000x128xf32>
    %swap3A = arith.constant 0 : index
    %swap3A_30 = arith.constant 0 : index
    %swap3A_31 = vector.load %arg5[%swap3A, %swap3A_30] : memref<1000x128xf32, #tpu.memory_space<vmem>>, vector<1000x128xf32>
    tpu.vector_store %arg5[%swap3A, %swap3A_30], %slice3A_29 {strides = array<i32>} : memref<1000x128xf32, #tpu.memory_space<vmem>>, vector<1000x128xf32>,
    %slice3A_32 = vector.extract_strided_slice %max3A_28 {offsets = [0, 128], sizes = [1000, 128], strides = [1, 1]} : vector<1000x256xf32> to vector<1000x128xf32>
    %swap3A_33 = arith.constant 0 : index
    %swap3A_34 = arith.constant 0 : index
    %swap3A_35 = vector.load %arg6[%swap3A_33, %swap3A_34] : memref<1000x128xf32, #tpu.memory_space<vmem>>, vector<1000x128xf32>
    tpu.vector_store %arg6[%swap3A_33, %swap3A_34], %slice3A_32 {strides = array<i32>} : memref<1000x128xf32, #tpu.memory_space<vmem>>, vector<1000x128xf32>,
    return
  }
  func.func @transform_0(%arg0: i32) -> (i32, i32) {
    %c0_i32 = arith.constant 0 : i32
    %c0_i32_0 = arith.constant 0 : i32
    return %arg0, %c0_i32 : i32, i32
  }
  func.func @transform_1(%arg0: i32) -> (i32, i32) {
    %c0_i32 = arith.constant 0 : i32
    %c0_i32_0 = arith.constant 0 : i32
    %c0_i32_1 = arith.constant 0 : i32
    return %c0_i32, %c0_i32_0 : i32, i32
  }
  func.func @transform_2(%arg0: i32) -> (i32, i32) {
    %c0_i32 = arith.constant 0 : i32
    %c0_i32_0 = arith.constant 0 : i32
    %c0_i32_1 = arith.constant 0 : i32
    return %c0_i32, %c0_i32_0 : i32, i32
  }
  func.func @transform_3(%arg0: i32) -> (i32, i32) {
    %c0_i32 = arith.constant 0 : i32
    %c0_i32_0 = arith.constant 0 : i32
    %c0_i32_1 = arith.constant 0 : i32
    return %c0_i32, %c0_i32_0 : i32, i32
  }
  func.func @transform_4(%arg0: i32) -> (i32, i32) {
    %c0_i32 = arith.constant 0 : i32
    %c0_i32_0 = arith.constant 0 : i32
    return %arg0, %c0_i32 : i32, i32
  }
  func.func @transform_5(%arg0: i32) -> (i32, i32) {
    %c0_i32 = arith.constant 0 : i32
    %c0_i32_0 = arith.constant 0 : i32
    return %arg0, %c0_i32 : i32, i32
  }
}

module attributes {stable_mosaic.version = 14 : i64} {
  func.func @_tc_sage_body(%arg0: i32, %arg1: memref<1000x1xi32, #tpu.memory_space<vmem>>, %arg2: memref<1000x1xi32, #tpu.memory_space<vmem>>, %arg3: memref<1000x128xf32, #tpu.memory_space<vmem>>, %arg4: memref<1000x128xf32, #tpu.memory_space<vmem>>, %arg5: memref<1000x128xf32, #tpu.memory_space<vmem>>, %arg6: memref<1000x128xf32, #tpu.memory_space<vmem>>, %arg7: memref<256x256xf32, #tpu.memory_space<vmem>>, %arg8: memref<256x256xf32, #tpu.memory_space<vmem>>, %arg9: memref<1x256xf32, #tpu.memory_space<vmem>>, %arg10: memref<1000x256xf32, #tpu.memory_space<vmem>>, %arg11: memref<8x256xf32, #tpu.memory_space<vmem>>) attributes {dimension_semantics = [#tpu.dimension_semantics<arbitrary>], iteration_bounds = array<i64: 10>, scalar_prefetch = 0 : i64, scratch_operands = 0 : i64, tpu.core_type = #tpu.core_type<tc>, window_params = [{transform_indices = @transform_0, window_bounds = array<i64: 1000, 1>}, {transform_indices = @transform_1, window_bounds = array<i64: 1000, 1>}, {transform_indices = @transform_2, window_bounds = array<i64: 1000, 128>}, {transform_indices = @transform_3, window_bounds = array<i64: 1000, 128>}, {transform_indices = @transform_4, window_bounds = array<i64: 1000, 128>}, {transform_indices = @transform_5, window_bounds = array<i64: 1000, 128>}, {pipeline_mode = #tpu.pipeline_mode<synchronous>, transform_indices = @transform_6, window_bounds = array<i64: 256, 256>}, {pipeline_mode = #tpu.pipeline_mode<synchronous>, transform_indices = @transform_7, window_bounds = array<i64: 256, 256>}, {pipeline_mode = #tpu.pipeline_mode<synchronous>, transform_indices = @transform_8, window_bounds = array<i64: 1, 256>}, {transform_indices = @transform_9, window_bounds = array<i64: 1000, 256>}, {pipeline_mode = #tpu.pipeline_mode<synchronous>, transform_indices = @transform_10, window_bounds = array<i64: 8, 256>}]} {
    %get3A = arith.constant 0 : index
    %get3A_0 = arith.constant 0 : index
    %get3A_1 = vector.load %arg1[%get3A, %get3A_0] : memref<1000x1xi32, #tpu.memory_space<vmem>>, vector<1000x1xi32>
    %get3A_2 = arith.constant 0 : index
    %get3A_3 = arith.constant 0 : index
    %get3A_4 = vector.load %arg2[%get3A_2, %get3A_3] : memref<1000x1xi32, #tpu.memory_space<vmem>>, vector<1000x1xi32>
    %add3A = arith.addi %get3A_1, %get3A_4 : vector<1000x1xi32>
    %convert_element_type3A = arith.sitofp %add3A : vector<1000x1xi32> to vector<1000x1xf32>
    %max3A = arith.constant 1.000000e+00 : f32
    %max3A_5 = vector.broadcast %max3A : f32 to vector<1000x1xf32>
    %max3A_6 = arith.maximumf %convert_element_type3A, %max3A_5 : vector<1000x1xf32>
    %div3A = arith.constant 1.000000e+00 : f32
    %div3A_7 = vector.broadcast %div3A : f32 to vector<1000x1xf32>
    %div3A_8 = arith.divf %div3A_7, %max3A_6 : vector<1000x1xf32>
    %get3A_9 = arith.constant 0 : index
    %get3A_10 = arith.constant 0 : index
    %get3A_11 = vector.load %arg3[%get3A_9, %get3A_10] : memref<1000x128xf32, #tpu.memory_space<vmem>>, vector<1000x128xf32>
    %get3A_12 = arith.constant 0 : index
    %get3A_13 = arith.constant 0 : index
    %get3A_14 = vector.load %arg4[%get3A_12, %get3A_13] : memref<1000x128xf32, #tpu.memory_space<vmem>>, vector<1000x128xf32>
    %concatenate3A = tpu.concatenate %get3A_11, %get3A_14 in 1 : vector<1000x128xf32>, vector<1000x128xf32> -> vector<1000x256xf32>
    %mul3A = vector.broadcast %div3A_8 : vector<1000x1xf32> to vector<1000x256xf32>
    %mul3A_15 = arith.mulf %concatenate3A, %mul3A : vector<1000x256xf32>
    %get3A_16 = arith.constant 0 : index
    %get3A_17 = arith.constant 0 : index
    %get3A_18 = vector.load %arg5[%get3A_16, %get3A_17] : memref<1000x128xf32, #tpu.memory_space<vmem>>, vector<1000x128xf32>
    %get3A_19 = arith.constant 0 : index
    %get3A_20 = arith.constant 0 : index
    %get3A_21 = vector.load %arg6[%get3A_19, %get3A_20] : memref<1000x128xf32, #tpu.memory_space<vmem>>, vector<1000x128xf32>
    %concatenate3A_22 = tpu.concatenate %get3A_18, %get3A_21 in 1 : vector<1000x128xf32>, vector<1000x128xf32> -> vector<1000x256xf32>
    %get3A_23 = arith.constant 0 : index
    %get3A_24 = arith.constant 0 : index
    %get3A_25 = vector.load %arg7[%get3A_23, %get3A_24] : memref<256x256xf32, #tpu.memory_space<vmem>>, vector<256x256xf32>
    %dot_general3A = arith.constant dense<0.000000e+00> : vector<1000x256xf32>
    %dot_general3A_26 = tpu.matmul %mul3A_15, %get3A_25, %dot_general3A {dimension_numbers = #tpu.dot_dimension_numbers<[1], [0], [0], [1], [0, 0, 1, 1], [], []>, transpose_lhs_hint = false} : vector<1000x256xf32>, vector<256x256xf32>, vector<1000x256xf32> -> vector<1000x256xf32>
    %get3A_27 = arith.constant 0 : index
    %get3A_28 = arith.constant 0 : index
    %get3A_29 = vector.load %arg8[%get3A_27, %get3A_28] : memref<256x256xf32, #tpu.memory_space<vmem>>, vector<256x256xf32>
    %dot_general3A_30 = arith.constant dense<0.000000e+00> : vector<1000x256xf32>
    %dot_general3A_31 = tpu.matmul %concatenate3A_22, %get3A_29, %dot_general3A_30 {dimension_numbers = #tpu.dot_dimension_numbers<[1], [0], [0], [1], [0, 0, 1, 1], [], []>, transpose_lhs_hint = false} : vector<1000x256xf32>, vector<256x256xf32>, vector<1000x256xf32> -> vector<1000x256xf32>
    %add3A_32 = arith.addf %dot_general3A_26, %dot_general3A_31 : vector<1000x256xf32>
    %get3A_33 = arith.constant 0 : index
    %get3A_34 = arith.constant 0 : index
    %get3A_35 = vector.load %arg9[%get3A_33, %get3A_34] : memref<1x256xf32, #tpu.memory_space<vmem>>, vector<1x256xf32>
    %add3A_36 = vector.broadcast %get3A_35 : vector<1x256xf32> to vector<1000x256xf32>
    %add3A_37 = arith.addf %add3A_32, %add3A_36 : vector<1000x256xf32>
    %mul3A_38 = arith.mulf %add3A_37, %add3A_37 : vector<1000x256xf32>
    %reduce_sum3A = arith.constant dense<0.000000e+00> : vector<1000xf32>
    %reduce_sum3A_39 = vector.multi_reduction <add>, %mul3A_38, %reduce_sum3A [1] : vector<1000x256xf32> to vector<1000xf32>
    %broadcast_in_dim3A = vector.shape_cast %reduce_sum3A_39 : vector<1000xf32> to vector<1000x1xf32>
    %sqrt3A = math.sqrt %broadcast_in_dim3A : vector<1000x1xf32>
    %max3A_40 = arith.constant 9.99999996E-13 : f32
    %max3A_41 = vector.broadcast %max3A_40 : f32 to vector<1000x1xf32>
    %max3A_42 = arith.maximumf %sqrt3A, %max3A_41 : vector<1000x1xf32>
    %div3A_43 = vector.broadcast %max3A_42 : vector<1000x1xf32> to vector<1000x256xf32>
    %div3A_44 = arith.divf %add3A_37, %div3A_43 : vector<1000x256xf32>
    %swap3A = arith.constant 0 : index
    %swap3A_45 = arith.constant 0 : index
    %swap3A_46 = vector.load %arg10[%swap3A, %swap3A_45] : memref<1000x256xf32, #tpu.memory_space<vmem>>, vector<1000x256xf32>
    tpu.vector_store %arg10[%swap3A, %swap3A_45], %div3A_44 {strides = array<i32>} : memref<1000x256xf32, #tpu.memory_space<vmem>>, vector<1000x256xf32>,
    %eq3A = arith.constant 0 : i32
    %eq3A_47 = arith.cmpi eq, %arg0, %eq3A : i32
    %convert_element_type3A_48 = arith.extui %eq3A_47 : i1 to i32
    %cond3A = arith.constant 0 : i32
    %cond3A_49 = arith.cmpi ne, %convert_element_type3A_48, %cond3A : i32
    scf.if %cond3A_49 {
      %broadcast_in_dim3A_67 = arith.constant 0.000000e+00 : f32
      %broadcast_in_dim3A_68 = vector.broadcast %broadcast_in_dim3A_67 : f32 to vector<8x256xf32>
      %swap3A_69 = arith.constant 0 : index
      %swap3A_70 = arith.constant 0 : index
      %swap3A_71 = vector.load %arg11[%swap3A_69, %swap3A_70] : memref<8x256xf32, #tpu.memory_space<vmem>>, vector<8x256xf32>
      tpu.vector_store %arg11[%swap3A_69, %swap3A_70], %broadcast_in_dim3A_68 {strides = array<i32>} : memref<8x256xf32, #tpu.memory_space<vmem>>, vector<8x256xf32>,
    } else {
    }
    %reduce_sum3A_50 = arith.constant dense<0.000000e+00> : vector<256xf32>
    %reduce_sum3A_51 = vector.multi_reduction <add>, %div3A_44, %reduce_sum3A_50 [0] : vector<1000x256xf32> to vector<256xf32>
    %broadcast_in_dim3A_52 = vector.shape_cast %reduce_sum3A_51 : vector<256xf32> to vector<1x256xf32>
    %mul3A_53 = arith.mulf %div3A_44, %div3A_44 : vector<1000x256xf32>
    %reduce_sum3A_54 = arith.constant dense<0.000000e+00> : vector<256xf32>
    %reduce_sum3A_55 = vector.multi_reduction <add>, %mul3A_53, %reduce_sum3A_54 [0] : vector<1000x256xf32> to vector<256xf32>
    %broadcast_in_dim3A_56 = vector.shape_cast %reduce_sum3A_55 : vector<256xf32> to vector<1x256xf32>
    %get3A_57 = arith.constant 0 : index
    %get3A_58 = arith.constant 0 : index
    %get3A_59 = vector.load %arg11[%get3A_57, %get3A_58] : memref<8x256xf32, #tpu.memory_space<vmem>>, vector<8x256xf32>
    %broadcast_in_dim3A_60 = arith.constant 0.000000e+00 : f32
    %broadcast_in_dim3A_61 = vector.broadcast %broadcast_in_dim3A_60 : f32 to vector<6x256xf32>
    %concatenate3A_62 = tpu.concatenate %broadcast_in_dim3A_52, %broadcast_in_dim3A_56, %broadcast_in_dim3A_61 in 0 : vector<1x256xf32>, vector<1x256xf32>, vector<6x256xf32> -> vector<8x256xf32>
    %add3A_63 = arith.addf %get3A_59, %concatenate3A_62 : vector<8x256xf32>
    %swap3A_64 = arith.constant 0 : index
    %swap3A_65 = arith.constant 0 : index
    %swap3A_66 = vector.load %arg11[%swap3A_64, %swap3A_65] : memref<8x256xf32, #tpu.memory_space<vmem>>, vector<8x256xf32>
    tpu.vector_store %arg11[%swap3A_64, %swap3A_65], %add3A_63 {strides = array<i32>} : memref<8x256xf32, #tpu.memory_space<vmem>>, vector<8x256xf32>,
    return
  }
  func.func @transform_0(%arg0: i32) -> (i32, i32) {
    %c0_i32 = arith.constant 0 : i32
    %c0_i32_0 = arith.constant 0 : i32
    return %arg0, %c0_i32 : i32, i32
  }
  func.func @transform_1(%arg0: i32) -> (i32, i32) {
    %c0_i32 = arith.constant 0 : i32
    %c0_i32_0 = arith.constant 0 : i32
    return %arg0, %c0_i32 : i32, i32
  }
  func.func @transform_2(%arg0: i32) -> (i32, i32) {
    %c0_i32 = arith.constant 0 : i32
    %c0_i32_0 = arith.constant 0 : i32
    return %arg0, %c0_i32 : i32, i32
  }
  func.func @transform_3(%arg0: i32) -> (i32, i32) {
    %c0_i32 = arith.constant 0 : i32
    %c0_i32_0 = arith.constant 0 : i32
    return %arg0, %c0_i32 : i32, i32
  }
  func.func @transform_4(%arg0: i32) -> (i32, i32) {
    %c0_i32 = arith.constant 0 : i32
    %c0_i32_0 = arith.constant 0 : i32
    return %arg0, %c0_i32 : i32, i32
  }
  func.func @transform_5(%arg0: i32) -> (i32, i32) {
    %c0_i32 = arith.constant 0 : i32
    %c0_i32_0 = arith.constant 0 : i32
    return %arg0, %c0_i32 : i32, i32
  }
  func.func @transform_6(%arg0: i32) -> (i32, i32) {
    %c0_i32 = arith.constant 0 : i32
    %c0_i32_0 = arith.constant 0 : i32
    %c0_i32_1 = arith.constant 0 : i32
    return %c0_i32, %c0_i32_0 : i32, i32
  }
  func.func @transform_7(%arg0: i32) -> (i32, i32) {
    %c0_i32 = arith.constant 0 : i32
    %c0_i32_0 = arith.constant 0 : i32
    %c0_i32_1 = arith.constant 0 : i32
    return %c0_i32, %c0_i32_0 : i32, i32
  }
  func.func @transform_8(%arg0: i32) -> (i32, i32) {
    %c0_i32 = arith.constant 0 : i32
    %c0_i32_0 = arith.constant 0 : i32
    %c0_i32_1 = arith.constant 0 : i32
    return %c0_i32, %c0_i32_0 : i32, i32
  }
  func.func @transform_9(%arg0: i32) -> (i32, i32) {
    %c0_i32 = arith.constant 0 : i32
    %c0_i32_0 = arith.constant 0 : i32
    return %arg0, %c0_i32 : i32, i32
  }
  func.func @transform_10(%arg0: i32) -> (i32, i32) {
    %c0_i32 = arith.constant 0 : i32
    %c0_i32_0 = arith.constant 0 : i32
    %c0_i32_1 = arith.constant 0 : i32
    return %c0_i32, %c0_i32_0 : i32, i32
  }
}

</mosaic_0001>

<sc_bundles>
// kernel: kernel.11.cloned.1.call-start
scs
__scs_entry_jumppad:
0x0: {  	(pc) =	sbr.rel $0x88, $3  }
0x1: {  	(tag) =	ssettag $0x0;
	lr =	simm.s32 $0x1  }
0x2: {  	[smem:$0x3F92] =	sst lr;
	_ =	strace $0xD0000000  }
0x3: {  	_ = 	snop  }
0x4: {  	_ = 	snop  }
0x5: {  	_ = 	snop  }
0x6: {  	_ = 	snop  }
0x7: {  	_ = 	snop  }
__scs_overlays_trampoline_lowered:
0x8: {  	[smem:$0x3FA1] =	sst s0  }
0x9: {  	[smem:$0x3FA2] =	sst s1  }
0xa: {  	[smem:$0x3FA3] =	sst s2  }
0xb: {  	[smem:$0x3FA4] =	sst s3  }
0xc: {  	[smem:$0x3FA5] =	sst s4  }
0xd: {  	[smem:$0x3FA6] =	sst s5  }
0xe: {  	[smem:$0x3FA7] =	sst s6  }
0xf: {  	[smem:$0x3FA8] =	sst s7  }
0x10: {  	[smem:$0x3FA9] =	sst s8  }
0x11: {  	[smem:$0x3FAA] =	sst s9;
	s0 =	simm.s32 @!p0 $0x0  }
0x12: {  	s1 =	sld [smem:$0x3F90];
	s0 =	simm.s32 @p0 $0x1  }
0x13: {  	[smem:$0x3FAB] =	sst s0;
	s0 =	simm.s32 @!p1 $0x0  }
0x14: {  	s2 =	sld [smem:$0x3F8F];
	s0 =	simm.s32 @p1 $0x1  }
0x15: {  	[smem:$0x3FAC] =	sst s0;
	s0 =	simm.s32 @!p2 $0x0  }
0x16: {  	s3 =	sld [smem:$0x3FDB];
	s0 =	simm.s32 @p2 $0x1  }
0x17: {  	s4 =	simm.s32 $0x1BF5;
	[smem:$0x3FAE] =	sst s0  }
0x18: {  	s0 =	sld [smem:$0x3F91];
	_ =	swait.ge [sflag:s4], $0x0  }
0x19: {  	s7 =	sld [smem:$0x3F92]  }
0x1a: {  	s8 =	sadd.s32 $0xFFFFE003, lr  }
0x1b: {  	s9 =	sadd.s32 $0xFFFFFEF7, lr;
	s5 =	simm.s32 $0xFFFFFFFF;
	p2 =	slt.u32 s8, $0xFFFFF086  }
0x1c: {  	p1 =	slt.u32 s9, $0xF7A;
	s5 =	simm.s32 @!p2 $0x0  }
0x1d: {  	s5 =	simm.s32 @p1 $0x1;
	p0 =	seq.s32 s7, s2  }
0x1e: {  	s7 =	smul.u32 @!p0 $0xF7A, s2;
	p2 =	seq.s32 @!p0 s5, $0x0  }
0x1f: {  	s9 =	smul.u32 $0xF7A, s1;
	s8 =	simm.s32 @!p0 $0x1BF5;
	p2 =	por !p2, p0  }
0x20: {  	[sflag:s8] =	ssyncset.s32 @!p0 $0xFFFFF086;
	s6 =	sadd.s32 @!p0 s3, s7;
	s7 =	simm.s32 @!p0 $0x108  }
0x21: {  	s3 =	sadd.s32 s3, s9;
	s6 =	sadd.s32 @!p0 $0x88, s6;
	s7 =	simm.s32 @p2 $0x1082  }
0x22: {  	[simem:s7], [sflag:s8] =	dma.local @!p0 [hbm:s6], $0xF7A  }
0x23: {  	s9 =	sor.u32 $0xD0000000, s2;
	s6 =	simm.s32 $0x108;
	_ =	swait.ge @!p0 [sflag:s8], $0x0  }
0x24: {  	s3 =	sadd.s32 $0x88, s3;
	s6 =	simm.s32 @!p1 $0x1082;
	[sflag:s4] =	ssyncset.s32 $0xFFFFF086  }
0x25: {  	[simem:s6], [sflag:s4] =	dma.local [hbm:s3], $0xF7A  }
0x26: {  	[smem:$0x3F92] =	sst s1;
	(tag) =	ssettag s2;
	_ =	strace s9  }
0x27: {  	s1 =	sld [smem:$0x3FA2]  }
0x28: {  	s2 =	sld [smem:$0x3FA3]  }
0x29: {  	s4 =	sld [smem:$0x3FA5]  }
0x2a: {  	p0 =	seq.s32 s5, $0x0;
	s5 =	sld [smem:$0x3FA6]  }
0x2b: {  	s6 =	sld [smem:$0x3FA7]  }
0x2c: {  	s7 =	sld [smem:$0x3FA8]  }
0x2d: {  	s3 =	simm.s32 $0x108;
	s8 =	sld [smem:$0x3FA9]  }
0x2e: {  	s3 =	simm.s32 @!p0 $0x1082;
	s9 =	sld [smem:$0x3FAA]  }
0x2f: {  	lr =	sadd.s32 s0, s3;
	s0 =	sld [smem:$0x3FA1]  }
0x30: {  	s3 =	sld [smem:$0x3FA4]  }
0x31: {  	[smem:$0x3FAD] =	sst s10  }
0x32: {  	s10 =	sld [smem:$0x3FAB];
	_ =	sdelay $0x3  }
0x33: {  	p0 =	seq.s32 s10, $0x1;
	s10 =	sld [smem:$0x3FAD];
	_ =	sdelay $0x3  }
0x34: {  	[smem:$0x3FAD] =	sst s10  }
0x35: {  	s10 =	sld [smem:$0x3FAC];
	_ =	sdelay $0x3  }
0x36: {  	p1 =	seq.s32 s10, $0x1;
	s10 =	sld [smem:$0x3FAD];
	_ =	sdelay $0x3  }
0x37: {  	[smem:$0x3FAD] =	sst s10  }
0x38: {  	s10 =	sld [smem:$0x3FAE]  }
0x39: {  	_ = 	snop;
	(pc) =	sbr.ind lr, $3  }
0x3a: {  	_ = 	snop  }
0x3b: {  	_ = 	snop  }
0x3c: {  	p2 =	seq.s32 s10, $0x1;
	s10 =	sld [smem:$0x3FAD]  }
0x3d: {  	_ =	shalt  }
0x3e: {  	_ =	shalt  }
0x3f: {  	_ =	shalt  }
0x40: {  	_ =	shalt  }
0x41: {  	_ =	shalt  }
0x42: {  	_ =	shalt  }
0x43: {  	_ =	shalt  }
0x44: {  	_ =	shalt  }
0x45: {  	_ =	shalt  }
0x46: {  	_ =	shalt  }
0x47: {  	_ =	shalt  }
0x48: {  	_ =	shalt  }
0x49: {  	_ =	shalt  }
0x4a: {  	_ =	shalt  }
0x4b: {  	_ =	shalt  }
0x4c: {  	_ =	shalt  }
0x4d: {  	_ =	shalt  }
0x4e: {  	_ =	shalt  }
0x4f: {  	_ =	shalt  }
0x50: {  	_ =	shalt  }
0x51: {  	_ =	shalt  }
0x52: {  	_ =	shalt  }
0x53: {  	_ =	shalt  }
0x54: {  	_ =	shalt  }
0x55: {  	_ =	shalt  }
0x56: {  	_ =	shalt  }
0x57: {  	_ =	shalt  }
0x58: {  	_ =	shalt  }
0x59: {  	_ =	shalt  }
0x5a: {  	_ =	shalt  }
0x5b: {  	_ =	shalt  }
0x5c: {  	_ =	shalt  }
0x5d: {  	_ =	shalt  }
0x5e: {  	_ =	shalt  }
0x5f: {  	_ =	shalt  }
0x60: {  	_ =	shalt  }
0x61: {  	_ =	shalt  }
0x62: {  	_ =	shalt  }
0x63: {  	_ =	shalt  }
0x64: {  	_ =	shalt  }
0x65: {  	_ =	shalt  }
0x66: {  	_ =	shalt  }
0x67: {  	_ =	shalt  }
0x68: {  	_ =	shalt  }
0x69: {  	_ =	shalt  }
0x6a: {  	_ =	shalt  }
0x6b: {  	_ =	shalt  }
0x6c: {  	_ =	shalt  }
0x6d: {  	_ =	shalt  }
0x6e: {  	_ =	shalt  }
0x6f: {  	_ =	shalt  }
0x70: {  	_ =	shalt  }
0x71: {  	_ =	shalt  }
0x72: {  	_ =	shalt  }
0x73: {  	_ =	shalt  }
0x74: {  	_ =	shalt  }
0x75: {  	_ =	shalt  }
0x76: {  	_ =	shalt  }
0x77: {  	_ =	shalt  }
0x78: {  	_ =	shalt  }
0x79: {  	_ =	shalt  }
0x7a: {  	_ =	shalt  }
0x7b: {  	_ =	shalt  }
0x7c: {  	_ =	shalt  }
0x7d: {  	_ =	shalt  }
0x7e: {  	_ =	shalt  }
0x7f: {  	_ =	shalt  }
0x80: {  	_ =	shalt  }
0x81: {  	_ =	shalt  }
0x82: {  	_ =	shalt  }
0x83: {  	_ =	shalt  }
0x84: {  	_ =	shalt  }
0x85: {  	_ =	shalt  }
0x86: {  	_ =	shalt  }
0x87: {  	_ =	shalt  }
.Lfunc_end0:
.L_simem_size_0:
called_computation_lowered:
.L_overlay_start_0:
0x88: {  	s2 =	sld [smem:$0x3FD9]  }
0x89: {  	s3 =	sld [smem:$0x3FFE];
	_ =	sdelay $0x1  }
0x8a: {  	s1 =	srdreg.scid  }
0x8b: {  	s0 =	sand.u32 $0x1, s1  }
0x8c: {  	s16 =	sshll.u32 s0, $0xA;
	s2 =	sadd.s32 s3, s2  }
0x8d: {  	s2 =	sadd.s32 s2, s16  }
0x8e: {  	[smem:$0x3FB9] =	sst s2  }
0x8f: {  	_ = 	snop  }
0x90: {  	(tm) =	ssettm $0x1  }
0x91: {  	s17 =	sld [smem:$0x3FFB];
	_ =	sdelay $0x3  }
0x92: {  	_ =	strace s17  }
0x93: {  	s2 =	sld [smem:$0x3FFC];
	_ =	sdelay $0x3  }
0x94: {  	_ =	strace s2  }
0x95: {  	s2 =	sld [smem:$0x3FFD];
	_ =	sdelay $0x3  }
0x96: {  	_ =	strace s2  }
0x97: {  	_ =	strace $0x8FFFFFFF  }
0x98: {  	s18 =	sld [smem:$0x3FDB];
	_ =	sdelay $0x1  }
0x99: {  	s19 =	simm.s32 $_scs_section_size  }
0x9a: {  	s4 =	simm.s32 $_size__tile_overlayer_lowered;
	s5 =	simm.s32 $_tile_overlayer_lowered  }
0x9b: {  	s22 =	simm.s32 $0x1BFF;
	s21 =	sshll.u32 s5, $0x1;
	s2 =	sadd.s32 s19, s18  }
0x9c: {  	s6 =	simm.s32 $0x0;
	s20 =	sshll.u32 s4, $0x1;
	s4 =	sadd.s32 s21, s2  }
0x9d: {  	[timem:s6], [sflag:s22] =	dma.local [hbm:s4], s20  }
0x9e: {  	_ =	swait.ge [sflag:s22], s20  }
0x9f: {  	s3 =	ssub.s32 $0x0, s20;
	[sflag:s22] =	ssyncset.done $0x0  }
0xa0: {  	[sflag:s22] =	ssyncadd.s32 s3;
	_ =	sdelay $0x1  }
0xa1: {  	s23 =	simm.s32 $0x1B8B  }
0xa2: {  	_ =	swait.ge [sflag:s23], $0x1  }
0xa3: {  	[sflag:s23] =	ssyncset.done $0x0  }
0xa4: {  	s25 =	simm.s32 $0x1B8E;
	s24 =	sld [smem:$0x3FFE];
	[sflag:s23] =	ssyncadd.s32 $0xFFFFFFFF  }
0xa5: {  	s26 =	simm.s32 $execute0_lowered;
	[smem:$0x3FD2] =	sst s25  }
0xa6: {  	s4 =	sshll.u32 s26, $0x1;
	_ =	strace $0x80000046;
	[dreg:$0x1] =	wrdreg $0xFFFFFFFF  }
0xa7: {  	s28 =	simm.s32 $_size_execute0_lowered;
	s2 =	sadd.s32 s2, s4;
	[dreg:$0x0] =	wrdreg $0x0  }
0xa8: {  	s4 =	sshll.u32 s28, $0x1;
	[dreg:$0x2] =	wrdreg s2  }
0xa9: {  	[dreg:$0x3] =	wrdreg s4  }
0xaa: {  	[dreg:$0x4] =	wrdreg $0xC0  }
0xab: {  	_ =	task [dreg:s6], $0x5FFFF  }
0xac: {  	[dreg:$0x1] =	wrdreg $0xFFFFFFFF  }
0xad: {  	[dreg:$0x0] =	wrdreg $0x60  }
0xae: {  	[dreg:$0x2] =	wrdreg s24  }
0xaf: {  	[dreg:$0x3] =	wrdreg $0x54000  }
0xb0: {  	[dreg:$0x4] =	wrdreg $0x9  }
0xb1: {  	_ =	task.clear_ibuf [dreg:s6], $0x5FFFF;
	_ =	strace $0x90000046  }
0xb2: {  	s29 =	simm.s32 $0x9;
	_ =	strace $0x80000048  }
0xb3: {  	_ =	swait.ge [sflag:s29], $0x1  }
0xb4: {  	[sflag:s29] =	ssyncadd.s32 $0xFFFFFFFF  }
0xb5: {  	_ =	strace $0x90000048  }
0xb6: {  	_ =	sfence  }
0xb7: {  	s30 =	sld [smem:$0x0];
	_ =	sdelay $0x2  }
0xb8: {  	s31 =	sshll.u32 s1, $0xD;
	s1 =	sshrl.u32 s1, $0x2  }
0xb9: {  	s3 =	sand.u32 $0x4000, s31;
	s1 =	sadd.s32 s1, s30  }
0xba: {  	s0 =	sor.u32 s3, s0;
	s1 =	sshll.u32 s1, $0x11  }
0xbb: {  	s0 =	sor.u32 s1, s0  }
0xbc: {  	s0 =	sadd.s32 $0x8F2B, s0  }
0xbd: {  	[sflag:s0] =	ssyncadd.remote.s32 $0x1  }
0xbe: {  	_ =	sfence.sel $0xFFFF  }
0xbf: {  	[dreg:$0x0] =	wrdreg $0xFFFFFFFF;
	(pc) =	sbr.abs _section_cstart, $3  }
0xc0: {  	[dreg:$0x1] =	wrdreg $0xFFFFFFFF  }
0xc1: {  	_ =	task.clear_ibuf [dreg:s6], $0x2FFFF;
	_ =	strace $0x9FFFFFFF  }
0xc2: {  	(tm) =	ssettm $0x7FFFFFFF  }
0xc3: {  	_ =	shalt  }
tec
execute0_lowered:
.L_overlay_start_1:
0x0: {  	(tag) =	ssettag $0x1  }
0x1: {  	s0 =	rddreg [dreg:$0x0]  }
0x2: {  	s1 =	srdreg.scid;
	v0 =	vimm.s32 $0x0;
	s2 =	rddreg [dreg:$0x1]  }
0x3: {  	vm0 =	vcmask $0x300;
	vm15 =	vcmask $0x704;
	s7 =	stileid.u32;
	vm4 =	vcmask $0xB08;
	s5 =	simm.s32 $0x0;
	s1 =	sand.u32 $0x1, s1  }
0x4: {  	vm1 =	vcmask $0xF0C;
	vm5 =	vcmask $0x1310;
	vm6 =	vcmask $0x1714;
	[smem:$0x7FF] =	sst s5;
	s26 =	sshll.u32 s7, $0xB;
	s6 =	smul.u32 $0xA000, s7  }
0x5: {  	vm7 =	vcmask $0x1B18;
	vm8 =	vcmask $0x1F1C;
	vm9 =	vcmask $0x2320;
	s3 =	sshll.u32 s1, $0x4;
	s4 =	smul.u32 $0x2800, s1;
	_ =	strace $0x80000047  }
0x6: {  	vm10 =	vcmask $0x2724;
	vm11 =	vcmask $0x2B28;
	vm12 =	vcmask $0x2F2C;
	s1 =	ssub.s32 $0x2, s1;
	s30 =	sadd.s32 s26, s2;
	s3 =	sor.u32 s7, s3  }
0x7: {  	vm13 =	vcmask $0x3330;
	vm14 =	vcmask $0x3734;
	v16 =	vimm.s32 $0x1;
	s28 =	sshrl.u32 s1, $0x1;
	s6 =	sshrl.u32 s6, $0x2;
	[dreg:$0x5] =	wrdreg s30  }
0x8: {  	vm2 =	vcmask $0x3B00;
	v1 =	vsel vm0, $0x1, v0;
	v2 =	vsel vm15, $0x1, v0;
	s3 =	smul.u32 $0x271, s3;
	s4 =	sadd.s32 s26, s4;
	s1 =	ssub.s32 s1, s28  }
.Ltmp0:
0x9: {  	v3 =	vsel vm4, $0x1, v0;
	v4 =	vsel vm1, $0x1, v0;
	v5 =	vsel vm5, $0x1, v0;
	s29 =	sadd.s32 s6, s2;
	s4 =	sshrl.u32 s4, $0x3;
	(pc) =	sbr.rel .LBB2_1-.Ltmp0, $4  }
0xa: {  	v6 =	vsel vm6, $0x1, v0;
	v7 =	vsel vm7, $0x1, v0;
	v8 =	vsel vm8, $0x1, v0;
	[dreg:$0x4] =	wrdreg s29;
	s31 =	smax.u32 s1, $0x1;
	s3 =	sadd.s32 s3, s0  }
0xb: {  	v9 =	vsel vm9, $0x1, v0;
	v10 =	vsel vm10, $0x1, v0;
	v11 =	vsel vm11, $0x1, v0;
	s0 =	sadd.s32 s4, s0;
	[dreg:$0x7] =	wrdreg s31;
	s3 =	sadd.s32 $0xA400, s3  }
0xc: {  	s9 =	simm.s32 $0x1;
	v12 =	vsel vm12, $0x1, v0;
	v13 =	vsel vm13, $0x1, v0;
	vm15 =	vcmask $0x3B38;
	s0 =	sadd.s32 $0xF400, s0;
	[dreg:$0x3] =	wrdreg s3  }
0xd: {  	p0 =	sgt.u32 s7, $0x4;
	v14 =	vsel vm14, $0x1, v0;
	v16 =	vsel vm2, $0x0, v16;
	v15 =	vsel vm15, $0x1, v0;
	s1 =	simm.s32 $0x0;
	[dreg:$0x6] =	wrdreg s0  }
.LBB2_13:
0xe: {  	s1 =	sadd.s32 $0x1, s1;
	s0 =	rddreg [dreg:$0x7]  }
0xf: {  	p1 =	sne.s32 s1, s0  }
.Ltmp1:
0x10: {  	_ = 	snop;
	(pc) =	sbr.rel @!p1 .LBB2_14-.Ltmp1, $1  }
0x11: {  	_ =	sdelay $0x3  }
.LBB2_1:
0x12: {  	[dreg:$0x8] =	wrdreg s1;
	s0 =	simm.s32 $0x70;
	s1 =	simm.s32 $0x3C0  }
.LBB2_2:
0x13: {  	p1 =	sne.s32 s1, $0x9FC0;
	[tilespmem:s0+$0x0] =	vst v0  }
0x14: {  	[tilespmem:s0+$0xFFFFFF90] =	vst v0  }
0x15: {  	[tilespmem:s0+$0xFFFFFFA0] =	vst v0  }
.Ltmp2:
0x16: {  	[tilespmem:s0+$0xFFFFFFB0] =	vst v0;
	(pc) =	sbr.rel @p1 .LBB2_2-.Ltmp2, $4  }
0x17: {  	[tilespmem:s0+$0xFFFFFFC0] =	vst v0  }
0x18: {  	[tilespmem:s0+$0xFFFFFFD0] =	vst v0  }
0x19: {  	[tilespmem:s0+$0xFFFFFFE0] =	vst v0  }
0x1a: {  	[tilespmem:s0+$0xFFFFFFF0] =	vst v0;
	s0 =	sshra.s32 s1, $0x2;
	s1 =	sadd.s32 $0x200, s1  }
0x1b: {  	[tilespmem:s0+$0x0] =	vst v0  }
0x1c: {  	[tilespmem:s0+$0xFFFFFF90] =	vst v0  }
0x1d: {  	[tilespmem:s0+$0xFFFFFFA0] =	vst v0  }
0x1e: {  	[tilespmem:s0+$0xFFFFFFB0] =	vst v0  }
0x1f: {  	[tilespmem:s0+$0xFFFFFFC0] =	vst v0  }
0x20: {  	[tilespmem:s0+$0xFFFFFFD0] =	vst v0  }
0x21: {  	[tilespmem:s0+$0xFFFFFFE0] =	vst v0  }
0x22: {  	[tilespmem:s0+$0xFFFFFFF0] =	vst v0  }
0x23: {  	[tilespmem:$0x3C00] =	vst v1  }
0x24: {  	[tilespmem:$0x3C80] =	vst v2  }
0x25: {  	[tilespmem:$0x3D00] =	vst v3  }
0x26: {  	[tilespmem:$0x3D80] =	vst v4  }
0x27: {  	[tilespmem:$0x3E00] =	vst v5  }
0x28: {  	[tilespmem:$0x3E80] =	vst v6  }
0x29: {  	[tilespmem:$0x3F00] =	vst v7  }
0x2a: {  	[tilespmem:$0x3F80] =	vst v8  }
0x2b: {  	[tilespmem:$0x4000] =	vst v9  }
0x2c: {  	[tilespmem:$0x4080] =	vst v10  }
0x2d: {  	[tilespmem:$0x4100] =	vst v11  }
0x2e: {  	[tilespmem:$0x4180] =	vst v12  }
0x2f: {  	[tilespmem:$0x4200] =	vst v13  }
0x30: {  	[tilespmem:$0x4280] =	vst v14  }
0x31: {  	[tilespmem:$0x4300] =	vst v15  }
0x32: {  	s17 =	simm.s32 $0x0;
	s1 =	rddreg [dreg:$0x3];
	s2 =	simm.s32 $0x2800;
	[tilespmem:$0x4380] =	vst v16  }
0x33: {  	[tilespmem:s2], [sflag:$0x1] =	stream.linear.gather [hbm4b:s1+s17], $0x1388, $0x38;
	[tilespmem:$0x7C00] =	vst v63  }
0x34: {  	_ =	swait.ge [sflag:s9], $0x1388  }
0x35: {  	[sflag:s9] =	ssyncset.done $0x0  }
0x36: {  	s18 =	simm.s32 $0x0;
	[sflag:s9] =	ssyncadd.s32 $0xFFFFEC78  }
0x37: {  	v17 =	vld [tilespmem:s18+$0x2800];
	_ =	sdelay $0x4  }
0x38: {  	(v2sf) =	vpush v17, $0x0;
	_ =	sdelay $0x1  }
0x39: {  	(v2sf) =	vpush v17, $0x2  }
0x3a: {  	(v2sf) =	vpush v17, $0x3  }
0x3b: {  	(v2sf) =	vpush v17, $0x4  }
0x3c: {  	(v2sf) =	vpush v17, $0x5  }
0x3d: {  	(v2sf) =	vpush v17, $0x6  }
0x3e: {  	(v2sf) =	vpush v17, $0x1;
	_ =	sdelay $0x7  }
0x3f: {  	s19 =	spop (v2sf)  }
0x40: {  	s20 =	sand.u32 $0xFFFFFFF0, s19;
	s0 =	sshll.u32 s19, $0x7  }
0x41: {  	s21 =	spop (v2sf);
	v18 =	vld [tilespmem:s20+$0x0];
	s0 =	sand.u32 $0x780, s0  }
0x42: {  	s3 =	spop (v2sf);
	v19 =	vld [tilespmem:s0+$0x3C00]  }
0x43: {  	s22 =	spop (v2sf)  }
0x44: {  	s4 =	spop (v2sf)  }
0x45: {  	s6 =	spop (v2sf)  }
0x46: {  	s7 =	spop (v2sf)  }
0x47: {  	s8 =	sshll.u32 s7, $0x7;
	v18 =	vadd.s32 v18, v19  }
0x48: {  	s23 =	sand.u32 $0x780, s8;
	[tilespmem:s20+$0x0] =	vst v18  }
0x49: {  	s24 =	sand.u32 $0xFFFFFFF0, s7;
	v18 =	vld [tilespmem:s23+$0x3C00]  }
0x4a: {  	v19 =	vld [tilespmem:s24+$0x0];
	_ =	sdelay $0x4  }
0x4b: {  	v18 =	vadd.s32 v19, v18  }
0x4c: {  	s25 =	sshll.u32 s21, $0x7;
	s2 =	sand.u32 $0xFFFFFFF0, s21;
	[tilespmem:s24+$0x0] =	vst v18  }
0x4d: {  	s1 =	sand.u32 $0x780, s25;
	v18 =	vld [tilespmem:s2+$0x0]  }
0x4e: {  	v19 =	vld [tilespmem:s1+$0x3C00];
	_ =	sdelay $0x4  }
0x4f: {  	v18 =	vadd.s32 v18, v19  }
0x50: {  	s26 =	sshll.u32 s3, $0x7;
	s28 =	sand.u32 $0xFFFFFFF0, s3;
	[tilespmem:s2+$0x0] =	vst v18  }
0x51: {  	s1 =	sand.u32 $0x780, s26;
	v18 =	vld [tilespmem:s28+$0x0]  }
0x52: {  	v19 =	vld [tilespmem:s1+$0x3C00];
	_ =	sdelay $0x4  }
0x53: {  	v18 =	vadd.s32 v18, v19  }
0x54: {  	s29 =	sshll.u32 s22, $0x7;
	s0 =	sand.u32 $0xFFFFFFF0, s22;
	[tilespmem:s28+$0x0] =	vst v18  }
0x55: {  	s1 =	sand.u32 $0x780, s29;
	v18 =	vld [tilespmem:s0+$0x0]  }
0x56: {  	v19 =	vld [tilespmem:s1+$0x3C00];
	_ =	sdelay $0x4  }
0x57: {  	v18 =	vadd.s32 v18, v19  }
0x58: {  	(v2sf) =	vpush v17, $0x7;
	s30 =	sshll.u32 s4, $0x7;
	s31 =	sand.u32 $0xFFFFFFF0, s4;
	[tilespmem:s0+$0x0] =	vst v18  }
0x59: {  	s1 =	sand.u32 $0x780, s30;
	v18 =	vld [tilespmem:s31+$0x0]  }
0x5a: {  	v19 =	vld [tilespmem:s1+$0x3C00];
	_ =	sdelay $0x4  }
0x5b: {  	v18 =	vadd.s32 v18, v19  }
0x5c: {  	(v2sf) =	vpush v17, $0x8;
	s3 =	sand.u32 $0xFFFFFFF0, s6;
	s2 =	sshll.u32 s6, $0x7;
	[tilespmem:s31+$0x0] =	vst v18  }
0x5d: {  	s1 =	sand.u32 $0x780, s2;
	v18 =	vld [tilespmem:s3+$0x0]  }
0x5e: {  	v19 =	vld [tilespmem:s1+$0x3C00];
	_ =	sdelay $0x4  }
0x5f: {  	s4 =	spop (v2sf);
	v18 =	vadd.s32 v18, v19  }
0x60: {  	(v2sf) =	vpush v17, $0x9;
	s5 =	sshll.u32 s4, $0x7;
	s6 =	sand.u32 $0xFFFFFFF0, s4;
	[tilespmem:s3+$0x0] =	vst v18  }
0x61: {  	s7 =	sand.u32 $0x780, s5;
	v18 =	vld [tilespmem:s6+$0x0]  }
0x62: {  	v19 =	vld [tilespmem:s7+$0x3C00];
	_ =	sdelay $0x4  }
0x63: {  	s8 =	spop (v2sf);
	v18 =	vadd.s32 v18, v19  }
0x64: {  	(v2sf) =	vpush v17, $0xA;
	s10 =	sshll.u32 s8, $0x7;
	s11 =	sand.u32 $0xFFFFFFF0, s8;
	[tilespmem:s6+$0x0] =	vst v18  }
0x65: {  	s12 =	sand.u32 $0x780, s10;
	v18 =	vld [tilespmem:s11+$0x0]  }
0x66: {  	v19 =	vld [tilespmem:s12+$0x3C00];
	_ =	sdelay $0x4  }
0x67: {  	s13 =	spop (v2sf);
	v18 =	vadd.s32 v18, v19  }
0x68: {  	(v2sf) =	vpush v17, $0xB;
	s14 =	sshll.u32 s13, $0x7;
	s15 =	sand.u32 $0xFFFFFFF0, s13;
	[tilespmem:s11+$0x0] =	vst v18  }
0x69: {  	s16 =	sand.u32 $0x780, s14;
	v18 =	vld [tilespmem:s15+$0x0]  }
0x6a: {  	v19 =	vld [tilespmem:s16+$0x3C00];
	_ =	sdelay $0x4  }
0x6b: {  	s17 =	spop (v2sf);
	v18 =	vadd.s32 v18, v19  }
0x6c: {  	(v2sf) =	vpush v17, $0xC;
	s18 =	sshll.u32 s17, $0x7;
	s19 =	sand.u32 $0xFFFFFFF0, s17;
	[tilespmem:s15+$0x0] =	vst v18  }
0x6d: {  	s20 =	sand.u32 $0x780, s18;
	v18 =	vld [tilespmem:s19+$0x0]  }
0x6e: {  	v19 =	vld [tilespmem:s20+$0x3C00];
	_ =	sdelay $0x4  }
0x6f: {  	(v2sf) =	vpush v17, $0xD;
	s21 =	spop (v2sf);
	v18 =	vadd.s32 v18, v19  }
0x70: {  	s22 =	sshll.u32 s21, $0x7;
	s23 =	sand.u32 $0xFFFFFFF0, s21;
	[tilespmem:s19+$0x0] =	vst v18  }
0x71: {  	(v2sf) =	vpush v17, $0xE;
	s24 =	sand.u32 $0x780, s22;
	v18 =	vld [tilespmem:s23+$0x0]  }
0x72: {  	(v2sf) =	vpush v17, $0xF;
	v17 =	vld [tilespmem:s24+$0x3C00];
	_ =	sdelay $0x4  }
0x73: {  	s25 =	spop (v2sf);
	v17 =	vadd.s32 v18, v17  }
0x74: {  	s26 =	sshll.u32 s25, $0x7;
	s28 =	sand.u32 $0xFFFFFFF0, s25;
	[tilespmem:s23+$0x0] =	vst v17  }
0x75: {  	s29 =	sand.u32 $0x780, s26;
	v17 =	vld [tilespmem:s28+$0x0]  }
0x76: {  	v18 =	vld [tilespmem:s29+$0x3C00];
	_ =	sdelay $0x3  }
0x77: {  	s30 =	spop (v2sf)  }
0x78: {  	s31 =	sshll.u32 s30, $0x7;
	v17 =	vadd.s32 v17, v18  }
0x79: {  	s2 =	sand.u32 $0x780, s31;
	s16 =	spop (v2sf);
	[tilespmem:s28+$0x0] =	vst v17  }
0x7a: {  	s0 =	sand.u32 $0xFFFFFFF0, s30;
	s14 =	spop (v2sf);
	v17 =	vld [tilespmem:s2+$0x3C00]  }
0x7b: {  	s13 =	simm.s32 $0x40;
	s17 =	sshll.u32 s16, $0x7;
	s15 =	sshll.u32 s14, $0x7;
	v18 =	vld [tilespmem:s0+$0x0]  }
.LBB2_4:
0x7c: {  	_ =	sdelay $0x2  }
0x7d: {  	p1 =	sne.s32 s13, $0x4DC0;
	s1 =	smov.u32 s13;
	s13 =	sadd.s32 $0x40, s13  }
0x7e: {  	v17 =	vadd.s32 v18, v17  }
0x7f: {  	[tilespmem:s0+$0x0] =	vst v17;
	s0 =	sand.u32 $0xFFFFFFF0, s16  }
0x80: {  	s2 =	sand.u32 $0x780, s17;
	v17 =	vld [tilespmem:s0+$0x0]  }
0x81: {  	v18 =	vld [tilespmem:s2+$0x3C00];
	_ =	sdelay $0x4  }
0x82: {  	v17 =	vadd.s32 v17, v18  }
0x83: {  	s2 =	sand.u32 $0x780, s15;
	[tilespmem:s0+$0x0] =	vst v17;
	s0 =	sand.u32 $0xFFFFFFF0, s14  }
0x84: {  	v17 =	vld [tilespmem:s0+$0x0]  }
0x85: {  	v18 =	vld [tilespmem:s2+$0x3C00];
	_ =	sdelay $0x2  }
0x86: {  	s1 =	sshra.s32 s1, $0x2;
	_ =	sdelay $0x1  }
0x87: {  	v17 =	vadd.s32 v17, v18  }
0x88: {  	[tilespmem:s0+$0x0] =	vst v17  }
0x89: {  	v17 =	vld [tilespmem:s1+$0x2800];
	_ =	sdelay $0x4  }
0x8a: {  	(v2sf) =	vpush v17, $0x0  }
0x8b: {  	(v2sf) =	vpush v17, $0x2  }
0x8c: {  	(v2sf) =	vpush v17, $0x3  }
0x8d: {  	(v2sf) =	vpush v17, $0x4  }
0x8e: {  	(v2sf) =	vpush v17, $0x5  }
0x8f: {  	(v2sf) =	vpush v17, $0x6  }
0x90: {  	(v2sf) =	vpush v17, $0x1  }
0x91: {  	(v2sf) =	vpush v17, $0x7  }
0x92: {  	(v2sf) =	vpush v17, $0x8  }
0x93: {  	(v2sf) =	vpush v17, $0x9  }
0x94: {  	(v2sf) =	vpush v17, $0xA  }
0x95: {  	(v2sf) =	vpush v17, $0xB  }
0x96: {  	(v2sf) =	vpush v17, $0xC  }
0x97: {  	(v2sf) =	vpush v17, $0xD  }
0x98: {  	(v2sf) =	vpush v17, $0xE  }
0x99: {  	s0 =	spop (v2sf);
	(v2sf) =	vpush v17, $0xF  }
0x9a: {  	s14 =	sand.u32 $0xFFFFFFF0, s0;
	s0 =	sshll.u32 s0, $0x7;
	s12 =	spop (v2sf)  }
0x9b: {  	v17 =	vld [tilespmem:s14+$0x0];
	s0 =	sand.u32 $0x780, s0;
	s10 =	sshll.u32 s12, $0x7;
	s4 =	spop (v2sf)  }
0x9c: {  	v18 =	vld [tilespmem:s0+$0x3C00];
	s7 =	sshll.u32 s4, $0x7;
	s3 =	spop (v2sf)  }
0x9d: {  	s6 =	sshll.u32 s3, $0x7;
	s8 =	spop (v2sf)  }
0x9e: {  	s11 =	sshll.u32 s8, $0x7;
	s2 =	spop (v2sf)  }
0x9f: {  	s1 =	sshll.u32 s2, $0x7;
	s0 =	spop (v2sf)  }
0xa0: {  	s5 =	sand.u32 $0xFFFFFFF0, s0;
	s0 =	sshll.u32 s0, $0x7;
	s31 =	spop (v2sf)  }
0xa1: {  	v17 =	vadd.s32 v17, v18;
	s15 =	sand.u32 $0x780, s0;
	s0 =	sshll.u32 s31, $0x7;
	s29 =	spop (v2sf)  }
0xa2: {  	[tilespmem:s14+$0x0] =	vst v17;
	s30 =	sshll.u32 s29, $0x7;
	s26 =	spop (v2sf)  }
0xa3: {  	v17 =	vld [tilespmem:s5+$0x0];
	s28 =	sshll.u32 s26, $0x7;
	s24 =	spop (v2sf)  }
0xa4: {  	v18 =	vld [tilespmem:s15+$0x3C00];
	s25 =	sshll.u32 s24, $0x7;
	s23 =	spop (v2sf)  }
0xa5: {  	s22 =	sshll.u32 s23, $0x7;
	s21 =	spop (v2sf)  }
0xa6: {  	s20 =	sshll.u32 s21, $0x7;
	s19 =	spop (v2sf)  }
0xa7: {  	s18 =	sshll.u32 s19, $0x7;
	s16 =	spop (v2sf)  }
0xa8: {  	s17 =	sshll.u32 s16, $0x7;
	s14 =	spop (v2sf)  }
0xa9: {  	v17 =	vadd.s32 v17, v18;
	s15 =	sshll.u32 s14, $0x7  }
0xaa: {  	[tilespmem:s5+$0x0] =	vst v17;
	s5 =	sand.u32 $0xFFFFFFF0, s12  }
0xab: {  	s10 =	sand.u32 $0x780, s10;
	v17 =	vld [tilespmem:s5+$0x0]  }
0xac: {  	v18 =	vld [tilespmem:s10+$0x3C00];
	_ =	sdelay $0x4  }
0xad: {  	v17 =	vadd.s32 v17, v18  }
0xae: {  	s4 =	sand.u32 $0xFFFFFFF0, s4;
	[tilespmem:s5+$0x0] =	vst v17  }
0xaf: {  	s5 =	sand.u32 $0x780, s7;
	v17 =	vld [tilespmem:s4+$0x0]  }
0xb0: {  	v18 =	vld [tilespmem:s5+$0x3C00];
	_ =	sdelay $0x4  }
0xb1: {  	v17 =	vadd.s32 v17, v18  }
0xb2: {  	s3 =	sand.u32 $0xFFFFFFF0, s3;
	[tilespmem:s4+$0x0] =	vst v17  }
0xb3: {  	s4 =	sand.u32 $0x780, s6;
	v17 =	vld [tilespmem:s3+$0x0]  }
0xb4: {  	v18 =	vld [tilespmem:s4+$0x3C00];
	_ =	sdelay $0x4  }
0xb5: {  	v17 =	vadd.s32 v17, v18  }
0xb6: {  	[tilespmem:s3+$0x0] =	vst v17;
	s3 =	sand.u32 $0xFFFFFFF0, s8  }
0xb7: {  	s4 =	sand.u32 $0x780, s11;
	v17 =	vld [tilespmem:s3+$0x0]  }
0xb8: {  	v18 =	vld [tilespmem:s4+$0x3C00];
	_ =	sdelay $0x4  }
0xb9: {  	v17 =	vadd.s32 v17, v18  }
0xba: {  	s2 =	sand.u32 $0xFFFFFFF0, s2;
	[tilespmem:s3+$0x0] =	vst v17  }
0xbb: {  	s1 =	sand.u32 $0x780, s1;
	v17 =	vld [tilespmem:s2+$0x0]  }
0xbc: {  	v18 =	vld [tilespmem:s1+$0x3C00];
	_ =	sdelay $0x4  }
0xbd: {  	v17 =	vadd.s32 v17, v18  }
0xbe: {  	s1 =	sand.u32 $0xFFFFFFF0, s31;
	[tilespmem:s2+$0x0] =	vst v17  }
0xbf: {  	s0 =	sand.u32 $0x780, s0;
	v17 =	vld [tilespmem:s1+$0x0]  }
0xc0: {  	v18 =	vld [tilespmem:s0+$0x3C00];
	_ =	sdelay $0x4  }
0xc1: {  	v17 =	vadd.s32 v17, v18  }
0xc2: {  	s0 =	sand.u32 $0xFFFFFFF0, s29;
	[tilespmem:s1+$0x0] =	vst v17  }
0xc3: {  	s1 =	sand.u32 $0x780, s30;
	v17 =	vld [tilespmem:s0+$0x0]  }
0xc4: {  	v18 =	vld [tilespmem:s1+$0x3C00];
	_ =	sdelay $0x4  }
0xc5: {  	v17 =	vadd.s32 v17, v18  }
0xc6: {  	[tilespmem:s0+$0x0] =	vst v17;
	s0 =	sand.u32 $0xFFFFFFF0, s26  }
0xc7: {  	s1 =	sand.u32 $0x780, s28;
	v17 =	vld [tilespmem:s0+$0x0]  }
0xc8: {  	v18 =	vld [tilespmem:s1+$0x3C00];
	_ =	sdelay $0x4  }
0xc9: {  	v17 =	vadd.s32 v17, v18  }
0xca: {  	[tilespmem:s0+$0x0] =	vst v17;
	s0 =	sand.u32 $0xFFFFFFF0, s24  }
0xcb: {  	s1 =	sand.u32 $0x780, s25;
	v17 =	vld [tilespmem:s0+$0x0]  }
0xcc: {  	v18 =	vld [tilespmem:s1+$0x3C00];
	_ =	sdelay $0x4  }
0xcd: {  	v17 =	vadd.s32 v17, v18  }
0xce: {  	[tilespmem:s0+$0x0] =	vst v17;
	s0 =	sand.u32 $0xFFFFFFF0, s23  }
0xcf: {  	s1 =	sand.u32 $0x780, s22;
	v17 =	vld [tilespmem:s0+$0x0]  }
0xd0: {  	v18 =	vld [tilespmem:s1+$0x3C00];
	_ =	sdelay $0x4  }
0xd1: {  	v17 =	vadd.s32 v17, v18  }
0xd2: {  	[tilespmem:s0+$0x0] =	vst v17;
	s0 =	sand.u32 $0xFFFFFFF0, s21  }
0xd3: {  	s1 =	sand.u32 $0x780, s20;
	v17 =	vld [tilespmem:s0+$0x0]  }
0xd4: {  	v18 =	vld [tilespmem:s1+$0x3C00];
	_ =	sdelay $0x3  }
.Ltmp3:
0xd5: {  	(pc) =	sbr.rel @p1 .LBB2_4-.Ltmp3, $4  }
0xd6: {  	v17 =	vadd.s32 v17, v18  }
0xd7: {  	[tilespmem:s0+$0x0] =	vst v17;
	s0 =	sand.u32 $0xFFFFFFF0, s19  }
0xd8: {  	s1 =	sand.u32 $0x780, s18;
	v18 =	vld [tilespmem:s0+$0x0]  }
0xd9: {  	v17 =	vld [tilespmem:s1+$0x3C00]  }
0xda: {  	_ =	sdelay $0x3  }
0xdb: {  	v17 =	vadd.s32 v18, v17  }
0xdc: {  	s11 =	sand.u32 $0xFFFFFFF0, s16;
	[tilespmem:s0+$0x0] =	vst v17  }
0xdd: {  	s1 =	sand.u32 $0x780, s17;
	v17 =	vld [tilespmem:s11+$0x0]  }
0xde: {  	v18 =	vld [tilespmem:s1+$0x3C00];
	_ =	sdelay $0x4  }
0xdf: {  	v17 =	vadd.s32 v17, v18  }
0xe0: {  	s12 =	sand.u32 $0xFFFFFFF0, s14;
	[tilespmem:s11+$0x0] =	vst v17  }
0xe1: {  	s13 =	sand.u32 $0x780, s15;
	v17 =	vld [tilespmem:s12+$0x0]  }
0xe2: {  	v18 =	vld [tilespmem:s13+$0x3C00];
	_ =	sdelay $0x4  }
0xe3: {  	v17 =	vadd.s32 v17, v18  }
0xe4: {  	[tilespmem:s12+$0x0] =	vst v17  }
0xe5: {  	v17 =	vld [tilespmem:$0x3B80];
	_ =	sdelay $0x4  }
0xe6: {  	(v2sf) =	vpush v17, $0x0;
	_ =	sdelay $0x7  }
0xe7: {  	(v2sf) =	vpush v17, $0x1;
	_ =	sdelay $0x6  }
0xe8: {  	s14 =	spop (v2sf)  }
0xe9: {  	(v2sf) =	vpush v17, $0x2;
	s15 =	sand.u32 $0xFFFFFFF0, s14;
	s0 =	sshll.u32 s14, $0x7  }
0xea: {  	v18 =	vld [tilespmem:s15+$0x0];
	s0 =	sand.u32 $0x780, s0  }
0xeb: {  	v19 =	vld [tilespmem:s0+$0x3C00];
	_ =	sdelay $0x4  }
0xec: {  	s16 =	spop (v2sf);
	v18 =	vadd.s32 v18, v19  }
0xed: {  	(v2sf) =	vpush v17, $0x3;
	s17 =	sand.u32 $0xFFFFFFF0, s16;
	s0 =	sshll.u32 s16, $0x7;
	[tilespmem:s15+$0x0] =	vst v18  }
0xee: {  	s0 =	sand.u32 $0x780, s0;
	v18 =	vld [tilespmem:s17+$0x0]  }
0xef: {  	v19 =	vld [tilespmem:s0+$0x3C00];
	_ =	sdelay $0x4  }
0xf0: {  	v18 =	vadd.s32 v18, v19;
	s18 =	spop (v2sf)  }
0xf1: {  	(v2sf) =	vpush v17, $0x4;
	[tilespmem:s17+$0x0] =	vst v18;
	s19 =	sand.u32 $0xFFFFFFF0, s18;
	s0 =	sshll.u32 s18, $0x7  }
0xf2: {  	v18 =	vld [tilespmem:s19+$0x0];
	s0 =	sand.u32 $0x780, s0  }
0xf3: {  	v19 =	vld [tilespmem:s0+$0x3C00];
	_ =	sdelay $0x4  }
0xf4: {  	s20 =	spop (v2sf);
	v18 =	vadd.s32 v18, v19  }
0xf5: {  	(v2sf) =	vpush v17, $0x5;
	s21 =	sand.u32 $0xFFFFFFF0, s20;
	s0 =	sshll.u32 s20, $0x7;
	[tilespmem:s19+$0x0] =	vst v18  }
0xf6: {  	s0 =	sand.u32 $0x780, s0;
	v18 =	vld [tilespmem:s21+$0x0]  }
0xf7: {  	v19 =	vld [tilespmem:s0+$0x3C00];
	_ =	sdelay $0x4  }
0xf8: {  	v18 =	vadd.s32 v18, v19;
	s22 =	spop (v2sf)  }
0xf9: {  	(v2sf) =	vpush v17, $0x6;
	[tilespmem:s21+$0x0] =	vst v18;
	s23 =	sand.u32 $0xFFFFFFF0, s22;
	s0 =	sshll.u32 s22, $0x7  }
0xfa: {  	v18 =	vld [tilespmem:s23+$0x0];
	s0 =	sand.u32 $0x780, s0  }
0xfb: {  	v19 =	vld [tilespmem:s0+$0x3C00];
	_ =	sdelay $0x4  }
0xfc: {  	s24 =	spop (v2sf);
	v18 =	vadd.s32 v18, v19  }
0xfd: {  	(v2sf) =	vpush v17, $0x7;
	s25 =	sand.u32 $0xFFFFFFF0, s24;
	s0 =	sshll.u32 s24, $0x7;
	[tilespmem:s23+$0x0] =	vst v18  }
0xfe: {  	s0 =	sand.u32 $0x780, s0;
	v17 =	vld [tilespmem:s25+$0x0]  }
0xff: {  	v18 =	vld [tilespmem:s0+$0x3C00];
	_ =	sdelay $0x4  }
0x100: {  	s26 =	spop (v2sf);
	v17 =	vadd.s32 v17, v18  }
0x101: {  	[tilespmem:s25+$0x0] =	vst v17;
	s28 =	sand.u32 $0xFFFFFFF0, s26;
	s0 =	sshll.u32 s26, $0x7  }
0x102: {  	v17 =	vld [tilespmem:s28+$0x0];
	s0 =	sand.u32 $0x780, s0  }
0x103: {  	v18 =	vld [tilespmem:s0+$0x3C00];
	_ =	sdelay $0x4  }
0x104: {  	s29 =	spop (v2sf);
	v17 =	vadd.s32 v17, v18  }
0x105: {  	s30 =	sand.u32 $0xFFFFFFF0, s29;
	s0 =	sshll.u32 s29, $0x7;
	[tilespmem:s28+$0x0] =	vst v17  }
0x106: {  	s0 =	sand.u32 $0x780, s0;
	v17 =	vld [tilespmem:s30+$0x0]  }
0x107: {  	v18 =	vld [tilespmem:s0+$0x3C00];
	_ =	sdelay $0x4  }
0x108: {  	v17 =	vadd.s32 v17, v18  }
0x109: {  	s31 =	rddreg [dreg:$0x4];
	s13 =	simm.s32 $0x0;
	[tilespmem:s30+$0x0] =	vst v17  }
0x10a: {  	[spmem:s31] =	stream.linear.scatter [tilespmem:s13], [sflag:$0x1], $0x2800, $0x38;
	[tilespmem:$0x7C00] =	vst v63  }
0x10b: {  	_ =	swait.ge [sflag:s9], $0x2800  }
.Ltmp4:
0x10c: {  	[sflag:s9] =	ssyncset.done $0x0;
	(pc) =	sbr.rel @p0 .LBB2_13-.Ltmp4, $4  }
0x10d: {  	[sflag:s9] =	ssyncadd.s32 $0xFFFFD800  }
0x10e: {  	[bflag:$0x0] =	sbarrier.arrive $0xFFFF  }
0x10f: {  	s3 =	rddreg [dreg:$0x5]  }
0x110: {  	s4 =	simm.s32 $0x4C00;
	s1 =	rddreg [dreg:$0x8]  }
0x111: {  	s0 =	sshra.s32 s13, $0x2;
	s1 =	sadd.s32 $0x200, s13  }
.LBB2_7:
0x112: {  	p1 =	sne.s32 s1, $0x1E00;
	[tilespmem:s0+$0x4470] =	vst v0  }
0x113: {  	[tilespmem:s0+$0x4400] =	vst v0  }
0x114: {  	[tilespmem:s0+$0x4410] =	vst v0  }
.Ltmp5:
0x115: {  	[tilespmem:s0+$0x4420] =	vst v0;
	(pc) =	sbr.rel @p1 .LBB2_7-.Ltmp5, $4  }
0x116: {  	[tilespmem:s0+$0x4430] =	vst v0  }
0x117: {  	[tilespmem:s0+$0x4440] =	vst v0  }
0x118: {  	[tilespmem:s0+$0x4450] =	vst v0  }
0x119: {  	[tilespmem:s0+$0x4460] =	vst v0;
	s0 =	sshra.s32 s1, $0x2;
	s1 =	sadd.s32 $0x200, s1  }
0x11a: {  	[tilespmem:s0+$0x4470] =	vst v0  }
0x11b: {  	[tilespmem:s0+$0x4400] =	vst v0  }
0x11c: {  	[tilespmem:s0+$0x4410] =	vst v0  }
0x11d: {  	[tilespmem:s0+$0x4420] =	vst v0  }
0x11e: {  	[tilespmem:s0+$0x4430] =	vst v0  }
0x11f: {  	[tilespmem:s0+$0x4440] =	vst v0  }
0x120: {  	[tilespmem:s0+$0x4450] =	vst v0  }
0x121: {  	[tilespmem:s0+$0x4460] =	vst v0  }
.LBB2_9:
0x122: {  	s0 =	smul.u32 $0xA000, s13;
	_ =	sdelay $0x1  }
0x123: {  	s0 =	sshra.s32 s0, $0x2  }
0x124: {  	s0 =	sadd.s32 s0, s3  }
0x125: {  	[tilespmem:s4], [sflag:$0x1] =	stream.linear.gather [spmem:s0], $0x800, $0x38;
	[tilespmem:$0x7C00] =	vst v63  }
0x126: {  	_ =	swait.ge [sflag:s9], $0x800  }
0x127: {  	[sflag:s9] =	ssyncset.done $0x0  }
0x128: {  	s0 =	simm.s32 $0x0;
	[sflag:s9] =	ssyncadd.s32 $0xFFFFF800  }
0x129: {  	v23 =	vld [tilespmem:s0+$0x4C00]  }
0x12a: {  	v25 =	vld [tilespmem:s0+$0x4C10]  }
0x12b: {  	v22 =	vld [tilespmem:s0+$0x4C20]  }
0x12c: {  	v21 =	vld [tilespmem:s0+$0x4C30]  }
0x12d: {  	v20 =	vld [tilespmem:s0+$0x4C40]  }
0x12e: {  	v19 =	vld [tilespmem:s0+$0x4C50]  }
0x12f: {  	v18 =	vld [tilespmem:s0+$0x4C60]  }
0x130: {  	v17 =	vld [tilespmem:s0+$0x4C70]  }
0x131: {  	v28 =	vld [tilespmem:s0+$0x4400]  }
0x132: {  	v29 =	vld [tilespmem:s0+$0x4410]  }
0x133: {  	v27 =	vld [tilespmem:s0+$0x4420]  }
0x134: {  	v26 =	vld [tilespmem:s0+$0x4430]  }
0x135: {  	v24 =	vld [tilespmem:s0+$0x4440]  }
0x136: {  	v28 =	vadd.s32 v28, v23;
	v23 =	vld [tilespmem:s0+$0x4450]  }
0x137: {  	s1 =	simm.s32 $0x200;
	[tilespmem:s0+$0x4400] =	vst v28;
	v28 =	vadd.s32 v29, v25;
	v25 =	vld [tilespmem:s0+$0x4460]  }
.LBB2_10:
0x138: {  	s2 =	sshra.s32 s1, $0x2;
	p1 =	sne.s32 s1, $0x1E00;
	[tilespmem:s0+$0x4410] =	vst v28;
	v22 =	vadd.s32 v27, v22;
	v27 =	vld [tilespmem:s0+$0x4470]  }
0x139: {  	v28 =	vld [tilespmem:s2+$0x4C00];
	[tilespmem:s0+$0x4420] =	vst v22;
	v21 =	vadd.s32 v26, v21  }
0x13a: {  	v29 =	vld [tilespmem:s2+$0x4C10];
	[tilespmem:s0+$0x4430] =	vst v21;
	v20 =	vadd.s32 v24, v20  }
0x13b: {  	v22 =	vld [tilespmem:s2+$0x4C20];
	[tilespmem:s0+$0x4440] =	vst v20;
	v19 =	vadd.s32 v23, v19  }
0x13c: {  	v21 =	vld [tilespmem:s2+$0x4C30];
	[tilespmem:s0+$0x4450] =	vst v19;
	v18 =	vadd.s32 v25, v18  }
0x13d: {  	v20 =	vld [tilespmem:s2+$0x4C40];
	[tilespmem:s0+$0x4460] =	vst v18;
	v17 =	vadd.s32 v27, v17  }
0x13e: {  	v19 =	vld [tilespmem:s2+$0x4C50];
	[tilespmem:s0+$0x4470] =	vst v17;
	s0 =	smov.u32 s2  }
0x13f: {  	v18 =	vld [tilespmem:s0+$0x4C60]  }
0x140: {  	v17 =	vld [tilespmem:s0+$0x4C70]  }
0x141: {  	v23 =	vld [tilespmem:s0+$0x4400]  }
0x142: {  	v25 =	vld [tilespmem:s0+$0x4410]  }
.Ltmp6:
0x143: {  	v27 =	vld [tilespmem:s0+$0x4420];
	(pc) =	sbr.rel @p1 .LBB2_10-.Ltmp6, $4  }
0x144: {  	v26 =	vld [tilespmem:s0+$0x4430]  }
0x145: {  	v24 =	vld [tilespmem:s0+$0x4440]  }
0x146: {  	v28 =	vadd.s32 v23, v28;
	v23 =	vld [tilespmem:s0+$0x4450]  }
0x147: {  	s1 =	sadd.s32 $0x200, s1;
	[tilespmem:s0+$0x4400] =	vst v28;
	v28 =	vadd.s32 v25, v29;
	v25 =	vld [tilespmem:s0+$0x4460]  }
0x148: {  	[tilespmem:s0+$0x4410] =	vst v28;
	v22 =	vadd.s32 v27, v22;
	v63 =	vld [tilespmem:s0+$0x4470];
	s13 =	sadd.s32 $0x1, s13  }
0x149: {  	[tilespmem:s0+$0x4420] =	vst v22;
	v21 =	vadd.s32 v26, v21;
	p1 =	sne.s32 s13, $0x10  }
.Ltmp7:
0x14a: {  	[tilespmem:s0+$0x4430] =	vst v21;
	v20 =	vadd.s32 v24, v20;
	(pc) =	sbr.rel @p1 .LBB2_9-.Ltmp7, $4  }
0x14b: {  	[tilespmem:s0+$0x4440] =	vst v20;
	v19 =	vadd.s32 v23, v19  }
0x14c: {  	[tilespmem:s0+$0x4450] =	vst v19;
	v18 =	vadd.s32 v25, v18  }
0x14d: {  	[tilespmem:s0+$0x4460] =	vst v18;
	v17 =	vadd.s32 v63, v17  }
0x14e: {  	[tilespmem:s0+$0x4470] =	vst v17  }
0x14f: {  	s0 =	simm.s32 $0x0  }
.Ltmp8:
0x150: {  	s1 =	rddreg [dreg:$0x6];
	s2 =	simm.s32 $0x4400;
	(pc) =	sbr.rel .LBB2_13-.Ltmp8, $4  }
0x151: {  	[hbm4b:s1+s0] =	stream.linear.scatter [tilespmem:s2], [sflag:$0x1], $0x800, $0x38;
	[tilespmem:$0x7C00] =	vst v63  }
0x152: {  	_ =	swait.ge [sflag:s9], $0x800  }
0x153: {  	[sflag:s9] =	ssyncset.done $0x0  }
0x154: {  	s1 =	rddreg [dreg:$0x8];
	[sflag:s9] =	ssyncadd.s32 $0xFFFFF800  }
.LBB2_14:
0x155: {  	_ =	sfence.sel $0x180000  }
0x156: {  	[bflag:$0x0] =	sbarrier.arrive $0xFFFF  }
0x157: {  	_ =	strace $0x90000047  }
0x158: {  	s0 =	stileid.u32;
	[bflag:$0x2] =	sbarrier.arrive $0xFFFF  }
0x159: {  	p0 =	sne.s32 s0, $0x0;
	s0 =	rddreg [dreg:$0x2]  }
0x15a: {  	s0 =	sadd.s32 @!p0 $0x100000, s0  }
0x15b: {  	[sflag:s0] =	ssyncadd.tile.s32 @!p0 $0x1;
	_ =	shalt  }
.Lfunc_end2:
_tile_overlayer_lowered:
.L_overlay_start_2:
0x15c: {  	(tag) =	ssettag $0x2  }
0x15d: {  	s0 =	rddreg [dreg:$0x0];
	s2 =	stileid.u32  }
0x15e: {  	s1 =	rddreg [dreg:$0x1];
	p0 =	sne.s32 s2, $0x0  }
0x15f: {  	s3 =	rddreg [dreg:$0x2];
	[bflag:$0x3] =	sbarrier.arrive $0xFFFF;
	s2 =	simm.s32 @!p0 $0x1C01  }
0x160: {  	[timem:s3], [sflag:s2] =	dma.local @!p0 [hbm:s0], s1  }
0x161: {  	s0 =	simm.s32 @!p0 $0x1  }
0x162: {  	_ =	swait.ge @!p0 [sflag:s0], s1  }
0x163: {  	s1 =	ssub.s32 @!p0 $0x0, s1;
	[sflag:s0] =	ssyncset.done @!p0 $0x0  }
0x164: {  	[sflag:s0] =	ssyncadd.s32 @!p0 s1  }
0x165: {  	[bflag:$0x3] =	sbarrier.arrive $0xFFFF  }
0x166: {  	_ =	shalt  }

// kernel: kernel.14.cloned.1.call-start
scs
__scs_entry_jumppad:
0x0: {  	(pc) =	sbr.rel $0x88, $3  }
0x1: {  	(tag) =	ssettag $0x0;
	lr =	simm.s32 $0x1  }
0x2: {  	[smem:$0x3F92] =	sst lr;
	_ =	strace $0xD0000000  }
0x3: {  	_ = 	snop  }
0x4: {  	_ = 	snop  }
0x5: {  	_ = 	snop  }
0x6: {  	_ = 	snop  }
0x7: {  	_ = 	snop  }
__scs_overlays_trampoline_lowered:
0x8: {  	[smem:$0x3FA1] =	sst s0  }
0x9: {  	[smem:$0x3FA2] =	sst s1  }
0xa: {  	[smem:$0x3FA3] =	sst s2  }
0xb: {  	[smem:$0x3FA4] =	sst s3  }
0xc: {  	[smem:$0x3FA5] =	sst s4  }
0xd: {  	[smem:$0x3FA6] =	sst s5  }
0xe: {  	[smem:$0x3FA7] =	sst s6  }
0xf: {  	[smem:$0x3FA8] =	sst s7  }
0x10: {  	[smem:$0x3FA9] =	sst s8  }
0x11: {  	[smem:$0x3FAA] =	sst s9;
	s0 =	simm.s32 @!p0 $0x0  }
0x12: {  	s1 =	sld [smem:$0x3F90];
	s0 =	simm.s32 @p0 $0x1  }
0x13: {  	[smem:$0x3FAB] =	sst s0;
	s0 =	simm.s32 @!p1 $0x0  }
0x14: {  	s2 =	sld [smem:$0x3F8F];
	s0 =	simm.s32 @p1 $0x1  }
0x15: {  	[smem:$0x3FAC] =	sst s0;
	s0 =	simm.s32 @!p2 $0x0  }
0x16: {  	s3 =	sld [smem:$0x3FDB];
	s0 =	simm.s32 @p2 $0x1  }
0x17: {  	s4 =	simm.s32 $0x1BF5;
	[smem:$0x3FAE] =	sst s0  }
0x18: {  	s0 =	sld [smem:$0x3F91];
	_ =	swait.ge [sflag:s4], $0x0  }
0x19: {  	s7 =	sld [smem:$0x3F92]  }
0x1a: {  	s8 =	sadd.s32 $0xFFFFE003, lr  }
0x1b: {  	s9 =	sadd.s32 $0xFFFFFEF7, lr;
	s5 =	simm.s32 $0xFFFFFFFF;
	p2 =	slt.u32 s8, $0xFFFFF086  }
0x1c: {  	p1 =	slt.u32 s9, $0xF7A;
	s5 =	simm.s32 @!p2 $0x0  }
0x1d: {  	s5 =	simm.s32 @p1 $0x1;
	p0 =	seq.s32 s7, s2  }
0x1e: {  	s7 =	smul.u32 @!p0 $0xF7A, s2;
	p2 =	seq.s32 @!p0 s5, $0x0  }
0x1f: {  	s9 =	smul.u32 $0xF7A, s1;
	s8 =	simm.s32 @!p0 $0x1BF5;
	p2 =	por !p2, p0  }
0x20: {  	[sflag:s8] =	ssyncset.s32 @!p0 $0xFFFFF086;
	s6 =	sadd.s32 @!p0 s3, s7;
	s7 =	simm.s32 @!p0 $0x108  }
0x21: {  	s3 =	sadd.s32 s3, s9;
	s6 =	sadd.s32 @!p0 $0x88, s6;
	s7 =	simm.s32 @p2 $0x1082  }
0x22: {  	[simem:s7], [sflag:s8] =	dma.local @!p0 [hbm:s6], $0xF7A  }
0x23: {  	s9 =	sor.u32 $0xD0000000, s2;
	s6 =	simm.s32 $0x108;
	_ =	swait.ge @!p0 [sflag:s8], $0x0  }
0x24: {  	s3 =	sadd.s32 $0x88, s3;
	s6 =	simm.s32 @!p1 $0x1082;
	[sflag:s4] =	ssyncset.s32 $0xFFFFF086  }
0x25: {  	[simem:s6], [sflag:s4] =	dma.local [hbm:s3], $0xF7A  }
0x26: {  	[smem:$0x3F92] =	sst s1;
	(tag) =	ssettag s2;
	_ =	strace s9  }
0x27: {  	s1 =	sld [smem:$0x3FA2]  }
0x28: {  	s2 =	sld [smem:$0x3FA3]  }
0x29: {  	s4 =	sld [smem:$0x3FA5]  }
0x2a: {  	p0 =	seq.s32 s5, $0x0;
	s5 =	sld [smem:$0x3FA6]  }
0x2b: {  	s6 =	sld [smem:$0x3FA7]  }
0x2c: {  	s7 =	sld [smem:$0x3FA8]  }
0x2d: {  	s3 =	simm.s32 $0x108;
	s8 =	sld [smem:$0x3FA9]  }
0x2e: {  	s3 =	simm.s32 @!p0 $0x1082;
	s9 =	sld [smem:$0x3FAA]  }
0x2f: {  	lr =	sadd.s32 s0, s3;
	s0 =	sld [smem:$0x3FA1]  }
0x30: {  	s3 =	sld [smem:$0x3FA4]  }
0x31: {  	[smem:$0x3FAD] =	sst s10  }
0x32: {  	s10 =	sld [smem:$0x3FAB];
	_ =	sdelay $0x3  }
0x33: {  	p0 =	seq.s32 s10, $0x1;
	s10 =	sld [smem:$0x3FAD];
	_ =	sdelay $0x3  }
0x34: {  	[smem:$0x3FAD] =	sst s10  }
0x35: {  	s10 =	sld [smem:$0x3FAC];
	_ =	sdelay $0x3  }
0x36: {  	p1 =	seq.s32 s10, $0x1;
	s10 =	sld [smem:$0x3FAD];
	_ =	sdelay $0x3  }
0x37: {  	[smem:$0x3FAD] =	sst s10  }
0x38: {  	s10 =	sld [smem:$0x3FAE]  }
0x39: {  	_ = 	snop;
	(pc) =	sbr.ind lr, $3  }
0x3a: {  	_ = 	snop  }
0x3b: {  	_ = 	snop  }
0x3c: {  	p2 =	seq.s32 s10, $0x1;
	s10 =	sld [smem:$0x3FAD]  }
0x3d: {  	_ =	shalt  }
0x3e: {  	_ =	shalt  }
0x3f: {  	_ =	shalt  }
0x40: {  	_ =	shalt  }
0x41: {  	_ =	shalt  }
0x42: {  	_ =	shalt  }
0x43: {  	_ =	shalt  }
0x44: {  	_ =	shalt  }
0x45: {  	_ =	shalt  }
0x46: {  	_ =	shalt  }
0x47: {  	_ =	shalt  }
0x48: {  	_ =	shalt  }
0x49: {  	_ =	shalt  }
0x4a: {  	_ =	shalt  }
0x4b: {  	_ =	shalt  }
0x4c: {  	_ =	shalt  }
0x4d: {  	_ =	shalt  }
0x4e: {  	_ =	shalt  }
0x4f: {  	_ =	shalt  }
0x50: {  	_ =	shalt  }
0x51: {  	_ =	shalt  }
0x52: {  	_ =	shalt  }
0x53: {  	_ =	shalt  }
0x54: {  	_ =	shalt  }
0x55: {  	_ =	shalt  }
0x56: {  	_ =	shalt  }
0x57: {  	_ =	shalt  }
0x58: {  	_ =	shalt  }
0x59: {  	_ =	shalt  }
0x5a: {  	_ =	shalt  }
0x5b: {  	_ =	shalt  }
0x5c: {  	_ =	shalt  }
0x5d: {  	_ =	shalt  }
0x5e: {  	_ =	shalt  }
0x5f: {  	_ =	shalt  }
0x60: {  	_ =	shalt  }
0x61: {  	_ =	shalt  }
0x62: {  	_ =	shalt  }
0x63: {  	_ =	shalt  }
0x64: {  	_ =	shalt  }
0x65: {  	_ =	shalt  }
0x66: {  	_ =	shalt  }
0x67: {  	_ =	shalt  }
0x68: {  	_ =	shalt  }
0x69: {  	_ =	shalt  }
0x6a: {  	_ =	shalt  }
0x6b: {  	_ =	shalt  }
0x6c: {  	_ =	shalt  }
0x6d: {  	_ =	shalt  }
0x6e: {  	_ =	shalt  }
0x6f: {  	_ =	shalt  }
0x70: {  	_ =	shalt  }
0x71: {  	_ =	shalt  }
0x72: {  	_ =	shalt  }
0x73: {  	_ =	shalt  }
0x74: {  	_ =	shalt  }
0x75: {  	_ =	shalt  }
0x76: {  	_ =	shalt  }
0x77: {  	_ =	shalt  }
0x78: {  	_ =	shalt  }
0x79: {  	_ =	shalt  }
0x7a: {  	_ =	shalt  }
0x7b: {  	_ =	shalt  }
0x7c: {  	_ =	shalt  }
0x7d: {  	_ =	shalt  }
0x7e: {  	_ =	shalt  }
0x7f: {  	_ =	shalt  }
0x80: {  	_ =	shalt  }
0x81: {  	_ =	shalt  }
0x82: {  	_ =	shalt  }
0x83: {  	_ =	shalt  }
0x84: {  	_ =	shalt  }
0x85: {  	_ =	shalt  }
0x86: {  	_ =	shalt  }
0x87: {  	_ =	shalt  }
.Lfunc_end0:
.L_simem_size_0:
called_computation.1_lowered:
.L_overlay_start_0:
0x88: {  	s2 =	sld [smem:$0x3FD9]  }
0x89: {  	s3 =	sld [smem:$0x3FFE];
	_ =	sdelay $0x1  }
0x8a: {  	s1 =	srdreg.scid  }
0x8b: {  	s0 =	sand.u32 $0x1, s1  }
0x8c: {  	s17 =	sshll.u32 s0, $0xA;
	s2 =	sadd.s32 s3, s2  }
0x8d: {  	s2 =	sadd.s32 s2, s17  }
0x8e: {  	[smem:$0x3FB9] =	sst s2  }
0x8f: {  	_ = 	snop  }
0x90: {  	s18 =	sld [smem:$0x3FD0];
	(tm) =	ssettm $0x1  }
0x91: {  	s19 =	sld [smem:$0x3FFB];
	_ =	sdelay $0x3  }
0x92: {  	_ =	strace s19  }
0x93: {  	s2 =	sld [smem:$0x3FFC];
	_ =	sdelay $0x3  }
0x94: {  	_ =	strace s2  }
0x95: {  	s2 =	sld [smem:$0x3FFD];
	_ =	sdelay $0x3  }
0x96: {  	_ =	strace s2  }
0x97: {  	_ =	strace $0x8FFFFFFF  }
0x98: {  	s20 =	sld [smem:$0x3FDB];
	_ =	sdelay $0x1  }
0x99: {  	s4 =	simm.s32 $_scs_section_size  }
0x9a: {  	s5 =	simm.s32 $_size__tile_overlayer_lowered;
	s6 =	simm.s32 $_tile_overlayer_lowered  }
0x9b: {  	s7 =	simm.s32 $0x1BFF;
	s21 =	sshll.u32 s6, $0x1;
	s4 =	sadd.s32 s4, s20  }
0x9c: {  	s22 =	simm.s32 $0x0;
	s5 =	sshll.u32 s5, $0x1;
	s6 =	sadd.s32 s21, s4  }
0x9d: {  	[timem:s22], [sflag:s7] =	dma.local [hbm:s6], s5  }
0x9e: {  	_ =	swait.ge [sflag:s7], s5  }
0x9f: {  	s5 =	ssub.s32 $0x0, s5;
	[sflag:s7] =	ssyncset.done $0x0  }
0xa0: {  	[sflag:s7] =	ssyncadd.s32 s5;
	_ =	sdelay $0x1  }
0xa1: {  	s23 =	simm.s32 $0x1B8B  }
0xa2: {  	_ =	swait.ge [sflag:s23], $0x1  }
0xa3: {  	[sflag:s23] =	ssyncset.done $0x0  }
0xa4: {  	[sflag:s23] =	ssyncadd.s32 $0xFFFFFFFF  }
0xa5: {  	s5 =	sld [smem:$0x0]  }
0xa6: {  	s6 =	sand.u32 $0xFFFFFFFE, s1  }
0xa7: {  	p0 =	sne.s32 s1, s6  }
0xa8: {  	s6 =	sshll.u32 @p0 s6, $0xE  }
0xa9: {  	s6 =	sadd.s32 @p0 $0x11B8D, s6;
	s7 =	sshll.u32 @p0 s5, $0x11  }
0xaa: {  	s6 =	sor.u32 @p0 s7, s6  }
0xab: {  	[sflag:s6] =	ssyncadd.remote.s32 @p0 $0x1;
	_ =	sdelay $0x1  }
0xac: {  	s6 =	simm.s32 @p0 $0x1B8D  }
0xad: {  	_ =	swait.eq @p0 [sflag:s6], $0x1  }
0xae: {  	[sflag:s6] =	ssyncadd.s32 @p0 $0xFFFFFFFF  }
0xaf: {  	s7 =	sshll.u32 @!p0 s1, $0xE  }
0xb0: {  	s7 =	sor.u32 @!p0 $0x4000, s7;
	s6 =	simm.s32 @!p0 $0x1B8D  }
0xb1: {  	s5 =	sshll.u32 @!p0 s5, $0x11;
	s7 =	sadd.s32 @!p0 $0x11B8D, s7;
	_ =	swait.eq @!p0 [sflag:s6], $0x1  }
0xb2: {  	s5 =	sor.u32 @!p0 s5, s7;
	[sflag:s6] =	ssyncadd.s32 @!p0 $0xFFFFFFFF  }
0xb3: {  	s25 =	simm.s32 $0x1B8E;
	s24 =	sld [smem:$0x3FFE];
	[sflag:s5] =	ssyncadd.remote.s32 @!p0 $0x1  }
0xb4: {  	s26 =	simm.s32 $execute0_lowered;
	[smem:$0x3FD2] =	sst s25  }
0xb5: {  	s6 =	sshll.u32 s26, $0x1;
	_ =	strace $0x80000049;
	[dreg:$0x1] =	wrdreg $0xFFFFFFFF  }
0xb6: {  	s28 =	simm.s32 $_size_execute0_lowered;
	s4 =	sadd.s32 s4, s6;
	[dreg:$0x0] =	wrdreg $0x0  }
0xb7: {  	s6 =	sshll.u32 s28, $0x1;
	[dreg:$0x2] =	wrdreg s4  }
0xb8: {  	[dreg:$0x3] =	wrdreg s6  }
0xb9: {  	[dreg:$0x4] =	wrdreg $0xC0  }
0xba: {  	_ =	task [dreg:s22], $0x5FFFF  }
0xbb: {  	[dreg:$0x1] =	wrdreg $0xFFFFFFFF  }
0xbc: {  	[dreg:$0x0] =	wrdreg $0x60  }
0xbd: {  	[dreg:$0x2] =	wrdreg s24  }
0xbe: {  	[dreg:$0x3] =	wrdreg s18  }
0xbf: {  	[dreg:$0x4] =	wrdreg $0x7A000  }
0xc0: {  	[dreg:$0x5] =	wrdreg $0xA  }
0xc1: {  	_ =	task.clear_ibuf [dreg:s22], $0x6FFFF;
	_ =	strace $0x90000049  }
0xc2: {  	s29 =	simm.s32 $0xA;
	_ =	strace $0x8000004B  }
0xc3: {  	_ =	swait.ge [sflag:s29], $0x1  }
0xc4: {  	[sflag:s29] =	ssyncadd.s32 $0xFFFFFFFF  }
0xc5: {  	_ =	strace $0x9000004B  }
0xc6: {  	_ =	sfence  }
0xc7: {  	s30 =	sld [smem:$0x0];
	_ =	sdelay $0x2  }
0xc8: {  	s31 =	sshll.u32 s1, $0xD;
	s1 =	sshrl.u32 s1, $0x2  }
0xc9: {  	s4 =	sand.u32 $0x4000, s31;
	s1 =	sadd.s32 s1, s30  }
0xca: {  	s0 =	sor.u32 s4, s0;
	s1 =	sshll.u32 s1, $0x11  }
0xcb: {  	s0 =	sor.u32 s1, s0  }
0xcc: {  	s0 =	sadd.s32 $0x8F2B, s0  }
0xcd: {  	[sflag:s0] =	ssyncadd.remote.s32 $0x1  }
0xce: {  	_ =	sfence.sel $0xFFFF  }
0xcf: {  	[dreg:$0x0] =	wrdreg $0xFFFFFFFF;
	(pc) =	sbr.abs _section_cstart, $3  }
0xd0: {  	[dreg:$0x1] =	wrdreg $0xFFFFFFFF  }
0xd1: {  	_ =	task.clear_ibuf [dreg:s22], $0x2FFFF;
	_ =	strace $0x9FFFFFFF  }
0xd2: {  	(tm) =	ssettm $0x7FFFFFFF  }
0xd3: {  	_ =	shalt  }
tec
execute0_lowered:
.L_overlay_start_1:
0x0: {  	(tag) =	ssettag $0x1  }
0x1: {  	s0 =	rddreg [dreg:$0x0]  }
0x2: {  	s2 =	rddreg [dreg:$0x2];
	s3 =	simm.s32 $0x0;
	s1 =	srdreg.scid  }
0x3: {  	s12 =	stileid.u32;
	s22 =	simm.s32 $0x5200;
	s23 =	simm.s32 $0x3  }
0x4: {  	s28 =	simm.s32 $0x50;
	s29 =	simm.s32 $0x5080;
	s30 =	simm.s32 $0x5180  }
0x5: {  	s31 =	simm.s32 $0x2800;
	[smem:$0x7FF] =	sst s3;
	s5 =	sadd.s32 $0x37000, s0  }
0x6: {  	s6 =	sadd.s32 $0xFE00, s0;
	s4 =	sadd.s32 $0x5400, s0;
	s7 =	smul.u32 $0x2710, s12  }
0x7: {  	s1 =	sand.u32 $0x1, s1;
	s8 =	sadd.s32 $0xA400, s0;
	s10 =	smul.u32 $0x271000, s12  }
0x8: {  	s0 =	sadd.s32 $0x5E200, s0;
	s11 =	smul.u32 $0x50000, s12;
	p1 =	seq.s32 s12, $0xF  }
0x9: {  	p2 =	sgt.u32 s12, $0x1;
	p3 =	slt.u32 s12, $0x2;
	_ =	strace $0x8000004A  }
0xa: {  	s9 =	ssub.s32 $0x2, s1;
	[dreg:$0x4] =	wrdreg s0;
	p0 =	seq.s32 s1, $0x1  }
0xb: {  	s24 =	sshrl.u32 s9, $0x1;
	s25 =	sshrl.u32 s7, $0x3;
	s26 =	sshrl.u32 s10, $0x2  }
0xc: {  	s0 =	ssub.s32 s9, s24;
	s7 =	sadd.s32 s4, s25;
	s9 =	sshrl.u32 s11, $0x2  }
0xd: {  	s1 =	sadd.s32 s8, s25;
	s24 =	smul.u32 $0x13880, s12;
	[dreg:$0x5] =	wrdreg s7  }
0xe: {  	s11 =	sadd.s32 s26, s2;
	s25 =	smul.u32 $0x4E2, s12;
	[dreg:$0x6] =	wrdreg s1  }
0xf: {  	s10 =	sadd.s32 s9, s2;
	s0 =	smax.u32 s0, $0x1;
	[dreg:$0x7] =	wrdreg s24  }
0x10: {  	s26 =	sshrl.u32 s11, $0x3;
	s1 =	simm.s32 $0x2;
	[dreg:$0x8] =	wrdreg s0  }
.Ltmp0:
0x11: {  	s13 =	sadd.s32 $0x2800, s10;
	s14 =	sadd.s32 $0x5000, s10;
	(pc) =	sbr.rel .LBB2_1-.Ltmp0, $4  }
0x12: {  	s15 =	sadd.s32 $0x7800, s10;
	s16 =	sadd.s32 $0xA000, s10;
	s17 =	sadd.s32 $0xC800, s10  }
0x13: {  	s18 =	sadd.s32 $0xF000, s10;
	s19 =	sadd.s32 $0x11800, s10;
	s20 =	sadd.s32 s25, s8  }
0x14: {  	s21 =	sadd.s32 s25, s4;
	s24 =	simm.s32 $0x5000;
	[dreg:$0x9] =	wrdreg s26  }
0x15: {  	v0 =	vimm.f32 $0.0e+00;
	s26 =	simm.s32 $0x5100;
	s0 =	simm.s32 $0x1;
	s4 =	simm.s32 $0x0  }
.LBB2_10:
0x16: {  	s8 =	stileid.u32  }
0x17: {  	s9 =	rddreg [dreg:$0x7];
	s8 =	sshll.u32 s8, $0x6  }
0x18: {  	s25 =	rddreg [dreg:$0x9];
	s7 =	sadd.s32 s7, s9;
	s8 =	sor.u32 $0x1C03, s8  }
0x19: {  	[hbm:s7], [sflag:s8] =	dma.local [spmem:s25], $0x13880  }
0x1a: {  	_ =	swait.ge [sflag:s23], $0x13880  }
0x1b: {  	[sflag:s23] =	ssyncset.done $0x0  }
0x1c: {  	[sflag:s23] =	ssyncadd.s32 $0xFFFEC780  }
.LBB2_11:
0x1d: {  	s4 =	sadd.s32 $0x1, s4;
	s7 =	rddreg [dreg:$0x8]  }
0x1e: {  	p4 =	sne.s32 s4, s7  }
.Ltmp1:
0x1f: {  	_ = 	snop;
	(pc) =	sbr.rel @!p4 .LBB2_12-.Ltmp1, $1  }
0x20: {  	_ =	sdelay $0x3  }
.LBB2_1:
0x21: {  	s7 =	simm.s32 $0x70;
	s11 =	simm.s32 $0x3C0  }
.LBB2_2:
0x22: {  	p4 =	sne.s32 s11, $0x9FC0;
	[tilespmem:s7+$0x5200] =	vst v0  }
0x23: {  	[tilespmem:s7+$0x5190] =	vst v0  }
0x24: {  	[tilespmem:s7+$0x51A0] =	vst v0  }
.Ltmp2:
0x25: {  	[tilespmem:s7+$0x51B0] =	vst v0;
	(pc) =	sbr.rel @p4 .LBB2_2-.Ltmp2, $4  }
0x26: {  	[tilespmem:s7+$0x51C0] =	vst v0  }
0x27: {  	[tilespmem:s7+$0x51D0] =	vst v0  }
0x28: {  	[tilespmem:s7+$0x51E0] =	vst v0  }
0x29: {  	[tilespmem:s7+$0x51F0] =	vst v0;
	s7 =	sshra.s32 s11, $0x2;
	s11 =	sadd.s32 $0x200, s11  }
0x2a: {  	[tilespmem:s7+$0x5200] =	vst v0  }
0x2b: {  	[tilespmem:s7+$0x5190] =	vst v0  }
0x2c: {  	[tilespmem:s7+$0x51A0] =	vst v0  }
0x2d: {  	[tilespmem:s7+$0x51B0] =	vst v0  }
0x2e: {  	[tilespmem:s7+$0x51C0] =	vst v0  }
0x2f: {  	[tilespmem:s7+$0x51D0] =	vst v0  }
0x30: {  	[tilespmem:s7+$0x51E0] =	vst v0  }
0x31: {  	[tilespmem:s7+$0x51F0] =	vst v0  }
0x32: {  	[spmem:s10] =	stream.linear.scatter [tilespmem:s22], [sflag:$0x3], $0x2800, $0x38;
	[tilespmem:$0x1B280] =	vst v63  }
0x33: {  	_ =	swait.ge [sflag:s23], $0x2800  }
0x34: {  	[sflag:s23] =	ssyncset.done $0x0  }
0x35: {  	[sflag:s23] =	ssyncadd.s32 $0xFFFFD800  }
0x36: {  	[spmem:s13] =	stream.linear.scatter [tilespmem:s22], [sflag:$0x3], $0x2800, $0x38;
	[tilespmem:$0x1B280] =	vst v63  }
0x37: {  	_ =	swait.ge [sflag:s23], $0x2800  }
0x38: {  	[sflag:s23] =	ssyncset.done $0x0  }
0x39: {  	[sflag:s23] =	ssyncadd.s32 $0xFFFFD800  }
0x3a: {  	[spmem:s14] =	stream.linear.scatter [tilespmem:s22], [sflag:$0x3], $0x2800, $0x38;
	[tilespmem:$0x1B280] =	vst v63  }
0x3b: {  	_ =	swait.ge [sflag:s23], $0x2800  }
0x3c: {  	[sflag:s23] =	ssyncset.done $0x0  }
0x3d: {  	[sflag:s23] =	ssyncadd.s32 $0xFFFFD800  }
0x3e: {  	[spmem:s15] =	stream.linear.scatter [tilespmem:s22], [sflag:$0x3], $0x2800, $0x38;
	[tilespmem:$0x1B280] =	vst v63  }
0x3f: {  	_ =	swait.ge [sflag:s23], $0x2800  }
0x40: {  	[sflag:s23] =	ssyncset.done $0x0  }
0x41: {  	[sflag:s23] =	ssyncadd.s32 $0xFFFFD800  }
0x42: {  	[spmem:s16] =	stream.linear.scatter [tilespmem:s22], [sflag:$0x3], $0x2800, $0x38;
	[tilespmem:$0x1B280] =	vst v63  }
0x43: {  	_ =	swait.ge [sflag:s23], $0x2800  }
0x44: {  	[sflag:s23] =	ssyncset.done $0x0  }
0x45: {  	s7 =	simm.s32 @!p1 $0x5200;
	s8 =	simm.s32 @!p1 $0x3;
	[sflag:s23] =	ssyncadd.s32 $0xFFFFD800  }
0x46: {  	[spmem:s17] =	stream.linear.scatter @!p1 [tilespmem:s7], [sflag:$0x3], $0x2800, $0x38;
	[tilespmem:$0x1B280] =	vst v63  }
0x47: {  	_ =	swait.ge @!p1 [sflag:s8], $0x2800  }
0x48: {  	[sflag:s8] =	ssyncset.done @!p1 $0x0  }
0x49: {  	[sflag:s8] =	ssyncadd.s32 @!p1 $0xFFFFD800  }
0x4a: {  	[spmem:s18] =	stream.linear.scatter @!p1 [tilespmem:s7], [sflag:$0x3], $0x2800, $0x38;
	[tilespmem:$0x1B280] =	vst v63  }
0x4b: {  	_ =	swait.ge @!p1 [sflag:s8], $0x2800  }
0x4c: {  	[sflag:s8] =	ssyncset.done @!p1 $0x0  }
0x4d: {  	[sflag:s8] =	ssyncadd.s32 @!p1 $0xFFFFD800  }
0x4e: {  	[spmem:s19] =	stream.linear.scatter @!p1 [tilespmem:s7], [sflag:$0x3], $0x2800, $0x38;
	[tilespmem:$0x1B280] =	vst v63  }
0x4f: {  	_ =	swait.ge @!p1 [sflag:s8], $0x2800  }
0x50: {  	[sflag:s8] =	ssyncset.done @!p1 $0x0  }
0x51: {  	[sflag:s8] =	ssyncadd.s32 @!p1 $0xFFFFD800  }
0x52: {  	[bflag:$0x0] =	sbarrier.arrive $0xFFFF  }
0x53: {  	s12 =	rddreg [dreg:$0x5]  }
0x54: {  	[tilespmem:s24], [sflag:$0x3] =	stream.linear.gather [hbm4b:s12+s3], $0x50, $0x38;
	[tilespmem:$0x1B280] =	vst v63  }
0x55: {  	_ =	swait.ge [sflag:s23], $0x50  }
0x56: {  	[sflag:s23] =	ssyncset.done $0x0  }
.Ltmp3:
0x57: {  	s25 =	rddreg [dreg:$0x6];
	[sflag:s23] =	ssyncadd.s32 $0xFFFFFFB0;
	(pc) =	sbr.rel @!p0 .LBB2_4-.Ltmp3, $4  }
0x58: {  	[tilespmem:s26], [sflag:$0x3] =	stream.linear.gather [hbm4b:s25+s3], $0x50, $0x38;
	[tilespmem:$0x1B280] =	vst v63  }
0x59: {  	_ =	swait.ge [sflag:s23], $0x50  }
0x5a: {  	[sflag:s23] =	ssyncset.done $0x0  }
0x5b: {  	[sflag:s23] =	ssyncadd.s32 $0xFFFFFFB0  }
0x5c: {  	[tilespmem:s3], [sflag:$0x1] =	stream.indirect.gather [hbm4b:s6+s28], $0x80, s24, s28, $0xb8;
	[tilespmem:$0x1B280] =	vst v63  }
0x5d: {  	s7 =	sadd.s32 $0xFFFFFB28, s21  }
0x5e: {  	s8 =	sadd.s32 $0x4E2, s7  }
0x5f: {  	[tilespmem:s29], [sflag:$0x3] =	stream.linear.gather [hbm4b:s8+s3], $0x50, $0x38;
	[tilespmem:$0x1B280] =	vst v63  }
0x60: {  	_ =	swait.ge [sflag:s23], $0x50  }
0x61: {  	s12 =	sadd.s32 $0xFFFFFB28, s20;
	[sflag:s23] =	ssyncset.done $0x0  }
0x62: {  	s9 =	sadd.s32 $0x4E2, s12;
	[sflag:s23] =	ssyncadd.s32 $0xFFFFFFB0  }
0x63: {  	[tilespmem:s30], [sflag:$0x3] =	stream.linear.gather [hbm4b:s9+s3], $0x50, $0x38;
	[tilespmem:$0x1B280] =	vst v63  }
0x64: {  	_ =	swait.ge [sflag:s23], $0x50  }
0x65: {  	[sflag:s23] =	ssyncset.done $0x0  }
0x66: {  	[sflag:s23] =	ssyncadd.s32 $0xFFFFFFB0  }
0x67: {  	[tilespmem:s31], [sflag:$0x2] =	stream.indirect.gather [hbm4b:s6+s28], $0x80, s29, s28, $0xb8;
	[tilespmem:$0x1B280] =	vst v63  }
0x68: {  	_ =	swait.ge [sflag:s0], $0x2800  }
0x69: {  	[sflag:s0] =	ssyncset.done $0x0  }
0x6a: {  	[sflag:s0] =	ssyncadd.s32 $0xFFFFD800  }
0x6b: {  	[spmem:s2] =	stream.indirect.scatter.add.f32 [tilespmem:s3], [sflag:$0x3], $0x80, s26, s28, $0xb8;
	[tilespmem:$0x1B280] =	vst v63  }
0x6c: {  	_ =	swait.ge [sflag:s23], $0x2800  }
0x6d: {  	[sflag:s23] =	ssyncset.done $0x0  }
0x6e: {  	s7 =	sadd.s32 $0x4EC, s7;
	[sflag:s23] =	ssyncadd.s32 $0xFFFFD800  }
0x6f: {  	[tilespmem:s24], [sflag:$0x3] =	stream.linear.gather [hbm4b:s7+s3], $0x50, $0x38;
	[tilespmem:$0x1B280] =	vst v63  }
0x70: {  	_ =	swait.ge [sflag:s23], $0x50  }
0x71: {  	[sflag:s23] =	ssyncset.done $0x0  }
0x72: {  	s25 =	sadd.s32 $0x4EC, s12;
	[sflag:s23] =	ssyncadd.s32 $0xFFFFFFB0  }
0x73: {  	[tilespmem:s26], [sflag:$0x3] =	stream.linear.gather [hbm4b:s25+s3], $0x50, $0x38;
	[tilespmem:$0x1B280] =	vst v63  }
0x74: {  	_ =	swait.ge [sflag:s23], $0x50  }
0x75: {  	[sflag:s23] =	ssyncset.done $0x0  }
0x76: {  	[sflag:s23] =	ssyncadd.s32 $0xFFFFFFB0  }
0x77: {  	[tilespmem:s3], [sflag:$0x1] =	stream.indirect.gather [hbm4b:s6+s28], $0x80, s24, s28, $0xb8;
	[tilespmem:$0x1B280] =	vst v63  }
0x78: {  	_ =	swait.ge [sflag:s1], $0x2800  }
0x79: {  	[sflag:s1] =	ssyncset.done $0x0  }
0x7a: {  	[sflag:s1] =	ssyncadd.s32 $0xFFFFD800  }
0x7b: {  	[spmem:s2] =	stream.indirect.scatter.add.f32 [tilespmem:s31], [sflag:$0x3], $0x80, s30, s28, $0xb8;
	[tilespmem:$0x1B280] =	vst v63  }
0x7c: {  	s8 =	simm.s32 $0xFFFFFB50;
	_ =	swait.ge [sflag:s23], $0x2800  }
0x7d: {  	s7 =	simm.s32 $0xFFFFFB3C;
	s25 =	sadd.s32 $0xFFFFFB3C, s21;
	[sflag:s23] =	ssyncset.done $0x0  }
.LBB2_8:
0x7e: {  	s9 =	sadd.s32 $0x4E2, s25  }
0x7f: {  	[sflag:s23] =	ssyncadd.s32 $0xFFFFD800;
	s12 =	smov.u32 s8;
	s11 =	sadd.s32 $0x14, s8  }
0x80: {  	[tilespmem:s29], [sflag:$0x3] =	stream.linear.gather [hbm4b:s9+s3], $0x50, $0x38;
	[tilespmem:$0x1B280] =	vst v63  }
0x81: {  	p4 =	sne.s32 s8, $0xFFFFFFEC;
	_ =	swait.ge [sflag:s23], $0x50  }
0x82: {  	s8 =	sadd.s32 s7, s20;
	s7 =	smov.u32 s12;
	[sflag:s23] =	ssyncset.done $0x0  }
0x83: {  	s9 =	sadd.s32 $0x4E2, s8;
	[sflag:s23] =	ssyncadd.s32 $0xFFFFFFB0  }
0x84: {  	[tilespmem:s30], [sflag:$0x3] =	stream.linear.gather [hbm4b:s9+s3], $0x50, $0x38;
	[tilespmem:$0x1B280] =	vst v63  }
0x85: {  	_ =	swait.ge [sflag:s23], $0x50  }
0x86: {  	[sflag:s23] =	ssyncset.done $0x0  }
0x87: {  	[sflag:s23] =	ssyncadd.s32 $0xFFFFFFB0  }
0x88: {  	[tilespmem:s31], [sflag:$0x2] =	stream.indirect.gather [hbm4b:s6+s28], $0x80, s29, s28, $0xb8;
	[tilespmem:$0x1B280] =	vst v63  }
0x89: {  	_ =	swait.ge [sflag:s0], $0x2800  }
0x8a: {  	[sflag:s0] =	ssyncset.done $0x0  }
0x8b: {  	[sflag:s0] =	ssyncadd.s32 $0xFFFFD800  }
0x8c: {  	[spmem:s2] =	stream.indirect.scatter.add.f32 [tilespmem:s3], [sflag:$0x3], $0x80, s26, s28, $0xb8;
	[tilespmem:$0x1B280] =	vst v63  }
0x8d: {  	_ =	swait.ge [sflag:s23], $0x2800  }
0x8e: {  	[sflag:s23] =	ssyncset.done $0x0  }
0x8f: {  	s9 =	sadd.s32 $0x4EC, s25;
	[sflag:s23] =	ssyncadd.s32 $0xFFFFD800  }
0x90: {  	[tilespmem:s24], [sflag:$0x3] =	stream.linear.gather [hbm4b:s9+s3], $0x50, $0x38;
	[tilespmem:$0x1B280] =	vst v63  }
0x91: {  	_ =	swait.ge [sflag:s23], $0x50  }
0x92: {  	[sflag:s23] =	ssyncset.done $0x0  }
0x93: {  	s8 =	sadd.s32 $0x4EC, s8;
	[sflag:s23] =	ssyncadd.s32 $0xFFFFFFB0  }
0x94: {  	[tilespmem:s26], [sflag:$0x3] =	stream.linear.gather [hbm4b:s8+s3], $0x50, $0x38;
	[tilespmem:$0x1B280] =	vst v63  }
0x95: {  	_ =	swait.ge [sflag:s23], $0x50  }
0x96: {  	[sflag:s23] =	ssyncset.done $0x0  }
0x97: {  	[sflag:s23] =	ssyncadd.s32 $0xFFFFFFB0  }
0x98: {  	[tilespmem:s3], [sflag:$0x1] =	stream.indirect.gather [hbm4b:s6+s28], $0x80, s24, s28, $0xb8;
	[tilespmem:$0x1B280] =	vst v63  }
0x99: {  	_ =	swait.ge [sflag:s1], $0x2800  }
.Ltmp4:
0x9a: {  	[sflag:s1] =	ssyncset.done $0x0;
	(pc) =	sbr.rel @p4 .LBB2_8-.Ltmp4, $4  }
0x9b: {  	[sflag:s1] =	ssyncadd.s32 $0xFFFFD800  }
0x9c: {  	[spmem:s2] =	stream.indirect.scatter.add.f32 [tilespmem:s31], [sflag:$0x3], $0x80, s30, s28, $0xb8;
	[tilespmem:$0x1B280] =	vst v63  }
0x9d: {  	_ =	swait.ge [sflag:s23], $0x2800  }
0x9e: {  	s25 =	sadd.s32 s7, s21;
	s8 =	smov.u32 s11;
	[sflag:s23] =	ssyncset.done $0x0  }
0x9f: {  	s8 =	sadd.s32 $0x4E2, s25;
	[sflag:s23] =	ssyncadd.s32 $0xFFFFD800  }
0xa0: {  	[tilespmem:s29], [sflag:$0x3] =	stream.linear.gather [hbm4b:s8+s3], $0x50, $0x38;
	[tilespmem:$0x1B280] =	vst v63  }
0xa1: {  	_ =	swait.ge [sflag:s23], $0x50  }
0xa2: {  	s7 =	sadd.s32 s7, s20;
	[sflag:s23] =	ssyncset.done $0x0  }
0xa3: {  	s12 =	sadd.s32 $0x4E2, s7;
	[sflag:s23] =	ssyncadd.s32 $0xFFFFFFB0  }
0xa4: {  	[tilespmem:s30], [sflag:$0x3] =	stream.linear.gather [hbm4b:s12+s3], $0x50, $0x38;
	[tilespmem:$0x1B280] =	vst v63  }
0xa5: {  	_ =	swait.ge [sflag:s23], $0x50  }
0xa6: {  	[sflag:s23] =	ssyncset.done $0x0  }
0xa7: {  	[sflag:s23] =	ssyncadd.s32 $0xFFFFFFB0  }
0xa8: {  	[tilespmem:s31], [sflag:$0x2] =	stream.indirect.gather [hbm4b:s6+s28], $0x80, s29, s28, $0xb8;
	[tilespmem:$0x1B280] =	vst v63  }
0xa9: {  	_ =	swait.ge [sflag:s0], $0x2800  }
0xaa: {  	[sflag:s0] =	ssyncset.done $0x0  }
0xab: {  	[sflag:s0] =	ssyncadd.s32 $0xFFFFD800  }
0xac: {  	[spmem:s2] =	stream.indirect.scatter.add.f32 [tilespmem:s3], [sflag:$0x3], $0x80, s26, s28, $0xb8;
	[tilespmem:$0x1B280] =	vst v63  }
0xad: {  	_ =	swait.ge [sflag:s23], $0x2800  }
0xae: {  	[sflag:s23] =	ssyncset.done $0x0  }
0xaf: {  	s25 =	sadd.s32 $0x4EC, s25;
	[sflag:s23] =	ssyncadd.s32 $0xFFFFD800  }
0xb0: {  	[tilespmem:s24], [sflag:$0x3] =	stream.linear.gather [hbm4b:s25+s3], $0x50, $0x38;
	[tilespmem:$0x1B280] =	vst v63  }
0xb1: {  	_ =	swait.ge [sflag:s23], $0x50  }
0xb2: {  	[sflag:s23] =	ssyncset.done $0x0  }
0xb3: {  	s7 =	sadd.s32 $0x4EC, s7;
	[sflag:s23] =	ssyncadd.s32 $0xFFFFFFB0  }
0xb4: {  	[tilespmem:s26], [sflag:$0x3] =	stream.linear.gather [hbm4b:s7+s3], $0x50, $0x38;
	[tilespmem:$0x1B280] =	vst v63  }
0xb5: {  	_ =	swait.ge [sflag:s23], $0x50  }
0xb6: {  	[sflag:s23] =	ssyncset.done $0x0  }
0xb7: {  	[sflag:s23] =	ssyncadd.s32 $0xFFFFFFB0  }
0xb8: {  	[tilespmem:s3], [sflag:$0x1] =	stream.indirect.gather [hbm4b:s6+s28], $0x80, s24, s28, $0xb8;
	[tilespmem:$0x1B280] =	vst v63  }
0xb9: {  	_ =	swait.ge [sflag:s1], $0x2800  }
0xba: {  	[sflag:s1] =	ssyncset.done $0x0  }
0xbb: {  	[sflag:s1] =	ssyncadd.s32 $0xFFFFD800  }
0xbc: {  	[spmem:s2] =	stream.indirect.scatter.add.f32 [tilespmem:s31], [sflag:$0x3], $0x80, s30, s28, $0xb8;
	[tilespmem:$0x1B280] =	vst v63  }
0xbd: {  	_ =	swait.ge [sflag:s23], $0x2800  }
0xbe: {  	[sflag:s23] =	ssyncset.done $0x0  }
0xbf: {  	[sflag:s23] =	ssyncadd.s32 $0xFFFFD800  }
0xc0: {  	_ =	swait.ge [sflag:s0], $0x2800  }
0xc1: {  	[sflag:s0] =	ssyncset.done $0x0  }
0xc2: {  	[sflag:s0] =	ssyncadd.s32 $0xFFFFD800  }
0xc3: {  	[spmem:s2] =	stream.indirect.scatter.add.f32 [tilespmem:s3], [sflag:$0x3], $0x80, s26, s28, $0xb8;
	[tilespmem:$0x1B280] =	vst v63  }
.Ltmp5:
0xc4: {  	_ =	swait.ge [sflag:s23], $0x2800;
	(pc) =	sbr.rel @p2 .LBB2_11-.Ltmp5, $4  }
.Ltmp6:
0xc5: {  	[sflag:s23] =	ssyncset.done $0x0;
	(pc) =	sbr.rel @!p2 .LBB2_10-.Ltmp6, $4  }
0xc6: {  	[sflag:s23] =	ssyncadd.s32 $0xFFFFD800  }
0xc7: {  	[bflag:$0x0] =	sbarrier.arrive $0xFFFF  }
0xc8: {  	s7 =	rddreg [dreg:$0x4]  }
0xc9: {  	_ = 	snop  }
.LBB2_4:
0xca: {  	[tilespmem:s3], [sflag:$0x1] =	stream.indirect.gather [hbm4b:s5+s28], $0x80, s24, s28, $0xb8;
	[tilespmem:$0x1B280] =	vst v63  }
0xcb: {  	s7 =	sadd.s32 $0xFFFFFB28, s21  }
0xcc: {  	s8 =	sadd.s32 $0x4E2, s7  }
0xcd: {  	[tilespmem:s29], [sflag:$0x3] =	stream.linear.gather [hbm4b:s8+s3], $0x50, $0x38;
	[tilespmem:$0x1B280] =	vst v63  }
0xce: {  	_ =	swait.ge [sflag:s23], $0x50  }
0xcf: {  	s12 =	sadd.s32 $0xFFFFFB28, s20;
	[sflag:s23] =	ssyncset.done $0x0  }
0xd0: {  	s11 =	sadd.s32 $0x4E2, s12;
	[sflag:s23] =	ssyncadd.s32 $0xFFFFFFB0  }
0xd1: {  	[tilespmem:s30], [sflag:$0x3] =	stream.linear.gather [hbm4b:s11+s3], $0x50, $0x38;
	[tilespmem:$0x1B280] =	vst v63  }
0xd2: {  	_ =	swait.ge [sflag:s23], $0x50  }
0xd3: {  	[sflag:s23] =	ssyncset.done $0x0  }
0xd4: {  	[sflag:s23] =	ssyncadd.s32 $0xFFFFFFB0  }
0xd5: {  	[tilespmem:s31], [sflag:$0x2] =	stream.indirect.gather [hbm4b:s5+s28], $0x80, s29, s28, $0xb8;
	[tilespmem:$0x1B280] =	vst v63  }
0xd6: {  	_ =	swait.ge [sflag:s0], $0x2800  }
0xd7: {  	[sflag:s0] =	ssyncset.done $0x0  }
0xd8: {  	[sflag:s0] =	ssyncadd.s32 $0xFFFFD800  }
0xd9: {  	[spmem:s2] =	stream.indirect.scatter.add.f32 [tilespmem:s3], [sflag:$0x3], $0x80, s26, s28, $0xb8;
	[tilespmem:$0x1B280] =	vst v63  }
0xda: {  	_ =	swait.ge [sflag:s23], $0x2800  }
0xdb: {  	[sflag:s23] =	ssyncset.done $0x0  }
0xdc: {  	s7 =	sadd.s32 $0x4EC, s7;
	[sflag:s23] =	ssyncadd.s32 $0xFFFFD800  }
0xdd: {  	[tilespmem:s24], [sflag:$0x3] =	stream.linear.gather [hbm4b:s7+s3], $0x50, $0x38;
	[tilespmem:$0x1B280] =	vst v63  }
0xde: {  	_ =	swait.ge [sflag:s23], $0x50  }
0xdf: {  	[sflag:s23] =	ssyncset.done $0x0  }
0xe0: {  	s25 =	sadd.s32 $0x4EC, s12;
	[sflag:s23] =	ssyncadd.s32 $0xFFFFFFB0  }
0xe1: {  	[tilespmem:s26], [sflag:$0x3] =	stream.linear.gather [hbm4b:s25+s3], $0x50, $0x38;
	[tilespmem:$0x1B280] =	vst v63  }
0xe2: {  	_ =	swait.ge [sflag:s23], $0x50  }
0xe3: {  	[sflag:s23] =	ssyncset.done $0x0  }
0xe4: {  	[sflag:s23] =	ssyncadd.s32 $0xFFFFFFB0  }
0xe5: {  	[tilespmem:s3], [sflag:$0x1] =	stream.indirect.gather [hbm4b:s5+s28], $0x80, s24, s28, $0xb8;
	[tilespmem:$0x1B280] =	vst v63  }
0xe6: {  	_ =	swait.ge [sflag:s1], $0x2800  }
0xe7: {  	[sflag:s1] =	ssyncset.done $0x0  }
0xe8: {  	[sflag:s1] =	ssyncadd.s32 $0xFFFFD800  }
0xe9: {  	[spmem:s2] =	stream.indirect.scatter.add.f32 [tilespmem:s31], [sflag:$0x3], $0x80, s30, s28, $0xb8;
	[tilespmem:$0x1B280] =	vst v63  }
0xea: {  	s11 =	simm.s32 $0xFFFFFB50;
	_ =	swait.ge [sflag:s23], $0x2800  }
0xeb: {  	s7 =	simm.s32 $0xFFFFFB3C;
	s25 =	sadd.s32 $0xFFFFFB3C, s21;
	[sflag:s23] =	ssyncset.done $0x0  }
.LBB2_5:
0xec: {  	s9 =	sadd.s32 $0x4E2, s25  }
0xed: {  	[sflag:s23] =	ssyncadd.s32 $0xFFFFD800;
	s12 =	smov.u32 s11;
	s8 =	sadd.s32 $0x14, s11  }
0xee: {  	[tilespmem:s29], [sflag:$0x3] =	stream.linear.gather [hbm4b:s9+s3], $0x50, $0x38;
	[tilespmem:$0x1B280] =	vst v63  }
0xef: {  	p4 =	sne.s32 s11, $0xFFFFFFEC;
	_ =	swait.ge [sflag:s23], $0x50  }
0xf0: {  	s9 =	sadd.s32 s7, s20;
	s7 =	smov.u32 s12;
	[sflag:s23] =	ssyncset.done $0x0  }
0xf1: {  	s11 =	sadd.s32 $0x4E2, s9;
	[sflag:s23] =	ssyncadd.s32 $0xFFFFFFB0  }
0xf2: {  	[tilespmem:s30], [sflag:$0x3] =	stream.linear.gather [hbm4b:s11+s3], $0x50, $0x38;
	[tilespmem:$0x1B280] =	vst v63  }
0xf3: {  	_ =	swait.ge [sflag:s23], $0x50  }
0xf4: {  	[sflag:s23] =	ssyncset.done $0x0  }
0xf5: {  	[sflag:s23] =	ssyncadd.s32 $0xFFFFFFB0  }
0xf6: {  	[tilespmem:s31], [sflag:$0x2] =	stream.indirect.gather [hbm4b:s5+s28], $0x80, s29, s28, $0xb8;
	[tilespmem:$0x1B280] =	vst v63  }
0xf7: {  	_ =	swait.ge [sflag:s0], $0x2800  }
0xf8: {  	[sflag:s0] =	ssyncset.done $0x0  }
0xf9: {  	[sflag:s0] =	ssyncadd.s32 $0xFFFFD800  }
0xfa: {  	[spmem:s2] =	stream.indirect.scatter.add.f32 [tilespmem:s3], [sflag:$0x3], $0x80, s26, s28, $0xb8;
	[tilespmem:$0x1B280] =	vst v63  }
0xfb: {  	_ =	swait.ge [sflag:s23], $0x2800  }
0xfc: {  	[sflag:s23] =	ssyncset.done $0x0  }
0xfd: {  	s11 =	sadd.s32 $0x4EC, s25;
	[sflag:s23] =	ssyncadd.s32 $0xFFFFD800  }
0xfe: {  	[tilespmem:s24], [sflag:$0x3] =	stream.linear.gather [hbm4b:s11+s3], $0x50, $0x38;
	[tilespmem:$0x1B280] =	vst v63  }
0xff: {  	_ =	swait.ge [sflag:s23], $0x50  }
0x100: {  	[sflag:s23] =	ssyncset.done $0x0  }
0x101: {  	s9 =	sadd.s32 $0x4EC, s9;
	[sflag:s23] =	ssyncadd.s32 $0xFFFFFFB0  }
0x102: {  	[tilespmem:s26], [sflag:$0x3] =	stream.linear.gather [hbm4b:s9+s3], $0x50, $0x38;
	[tilespmem:$0x1B280] =	vst v63  }
0x103: {  	_ =	swait.ge [sflag:s23], $0x50  }
0x104: {  	[sflag:s23] =	ssyncset.done $0x0  }
0x105: {  	[sflag:s23] =	ssyncadd.s32 $0xFFFFFFB0  }
0x106: {  	[tilespmem:s3], [sflag:$0x1] =	stream.indirect.gather [hbm4b:s5+s28], $0x80, s24, s28, $0xb8;
	[tilespmem:$0x1B280] =	vst v63  }
0x107: {  	_ =	swait.ge [sflag:s1], $0x2800  }
.Ltmp7:
0x108: {  	[sflag:s1] =	ssyncset.done $0x0;
	(pc) =	sbr.rel @p4 .LBB2_5-.Ltmp7, $4  }
0x109: {  	[sflag:s1] =	ssyncadd.s32 $0xFFFFD800  }
0x10a: {  	[spmem:s2] =	stream.indirect.scatter.add.f32 [tilespmem:s31], [sflag:$0x3], $0x80, s30, s28, $0xb8;
	[tilespmem:$0x1B280] =	vst v63  }
0x10b: {  	_ =	swait.ge [sflag:s23], $0x2800  }
0x10c: {  	s25 =	sadd.s32 s7, s21;
	s11 =	smov.u32 s8;
	[sflag:s23] =	ssyncset.done $0x0  }
0x10d: {  	s8 =	sadd.s32 $0x4E2, s25;
	[sflag:s23] =	ssyncadd.s32 $0xFFFFD800  }
0x10e: {  	[tilespmem:s29], [sflag:$0x3] =	stream.linear.gather [hbm4b:s8+s3], $0x50, $0x38;
	[tilespmem:$0x1B280] =	vst v63  }
0x10f: {  	_ =	swait.ge [sflag:s23], $0x50  }
0x110: {  	s7 =	sadd.s32 s7, s20;
	[sflag:s23] =	ssyncset.done $0x0  }
0x111: {  	s12 =	sadd.s32 $0x4E2, s7;
	[sflag:s23] =	ssyncadd.s32 $0xFFFFFFB0  }
0x112: {  	[tilespmem:s30], [sflag:$0x3] =	stream.linear.gather [hbm4b:s12+s3], $0x50, $0x38;
	[tilespmem:$0x1B280] =	vst v63  }
0x113: {  	_ =	swait.ge [sflag:s23], $0x50  }
0x114: {  	[sflag:s23] =	ssyncset.done $0x0  }
0x115: {  	[sflag:s23] =	ssyncadd.s32 $0xFFFFFFB0  }
0x116: {  	[tilespmem:s31], [sflag:$0x2] =	stream.indirect.gather [hbm4b:s5+s28], $0x80, s29, s28, $0xb8;
	[tilespmem:$0x1B280] =	vst v63  }
0x117: {  	_ =	swait.ge [sflag:s0], $0x2800  }
0x118: {  	[sflag:s0] =	ssyncset.done $0x0  }
0x119: {  	[sflag:s0] =	ssyncadd.s32 $0xFFFFD800  }
0x11a: {  	[spmem:s2] =	stream.indirect.scatter.add.f32 [tilespmem:s3], [sflag:$0x3], $0x80, s26, s28, $0xb8;
	[tilespmem:$0x1B280] =	vst v63  }
0x11b: {  	_ =	swait.ge [sflag:s23], $0x2800  }
0x11c: {  	[sflag:s23] =	ssyncset.done $0x0  }
0x11d: {  	s25 =	sadd.s32 $0x4EC, s25;
	[sflag:s23] =	ssyncadd.s32 $0xFFFFD800  }
0x11e: {  	[tilespmem:s24], [sflag:$0x3] =	stream.linear.gather [hbm4b:s25+s3], $0x50, $0x38;
	[tilespmem:$0x1B280] =	vst v63  }
0x11f: {  	_ =	swait.ge [sflag:s23], $0x50  }
0x120: {  	[sflag:s23] =	ssyncset.done $0x0  }
0x121: {  	s7 =	sadd.s32 $0x4EC, s7;
	[sflag:s23] =	ssyncadd.s32 $0xFFFFFFB0  }
0x122: {  	[tilespmem:s26], [sflag:$0x3] =	stream.linear.gather [hbm4b:s7+s3], $0x50, $0x38;
	[tilespmem:$0x1B280] =	vst v63  }
0x123: {  	_ =	swait.ge [sflag:s23], $0x50  }
0x124: {  	[sflag:s23] =	ssyncset.done $0x0  }
0x125: {  	[sflag:s23] =	ssyncadd.s32 $0xFFFFFFB0  }
0x126: {  	[tilespmem:s3], [sflag:$0x1] =	stream.indirect.gather [hbm4b:s5+s28], $0x80, s24, s28, $0xb8;
	[tilespmem:$0x1B280] =	vst v63  }
0x127: {  	_ =	swait.ge [sflag:s1], $0x2800  }
0x128: {  	[sflag:s1] =	ssyncset.done $0x0  }
0x129: {  	[sflag:s1] =	ssyncadd.s32 $0xFFFFD800  }
0x12a: {  	[spmem:s2] =	stream.indirect.scatter.add.f32 [tilespmem:s31], [sflag:$0x3], $0x80, s30, s28, $0xb8;
	[tilespmem:$0x1B280] =	vst v63  }
0x12b: {  	_ =	swait.ge [sflag:s23], $0x2800  }
0x12c: {  	[sflag:s23] =	ssyncset.done $0x0  }
0x12d: {  	[sflag:s23] =	ssyncadd.s32 $0xFFFFD800  }
0x12e: {  	_ =	swait.ge [sflag:s0], $0x2800  }
0x12f: {  	[sflag:s0] =	ssyncset.done $0x0  }
0x130: {  	[sflag:s0] =	ssyncadd.s32 $0xFFFFD800  }
0x131: {  	[spmem:s2] =	stream.indirect.scatter.add.f32 [tilespmem:s3], [sflag:$0x3], $0x80, s26, s28, $0xb8;
	[tilespmem:$0x1B280] =	vst v63  }
.Ltmp8:
0x132: {  	_ =	swait.ge [sflag:s23], $0x2800;
	(pc) =	sbr.rel @p3 .LBB2_10-.Ltmp8, $4  }
.Ltmp9:
0x133: {  	[sflag:s23] =	ssyncset.done $0x0;
	(pc) =	sbr.rel @!p3 .LBB2_11-.Ltmp9, $4  }
0x134: {  	[sflag:s23] =	ssyncadd.s32 $0xFFFFD800  }
0x135: {  	[bflag:$0x0] =	sbarrier.arrive $0xFFFF  }
0x136: {  	s7 =	rddreg [dreg:$0x1]  }
0x137: {  	_ = 	snop  }
.LBB2_12:
0x138: {  	_ =	sfence.sel $0x180000  }
0x139: {  	[bflag:$0x0] =	sbarrier.arrive $0xFFFF  }
0x13a: {  	_ =	strace $0x9000004A  }
0x13b: {  	s0 =	stileid.u32;
	[bflag:$0x2] =	sbarrier.arrive $0xFFFF  }
0x13c: {  	p0 =	sne.s32 s0, $0x0;
	s0 =	rddreg [dreg:$0x3]  }
0x13d: {  	s0 =	sadd.s32 @!p0 $0x100000, s0  }
0x13e: {  	[sflag:s0] =	ssyncadd.tile.s32 @!p0 $0x1;
	_ =	shalt  }
.Lfunc_end2:
_tile_overlayer_lowered:
.L_overlay_start_2:
0x13f: {  	(tag) =	ssettag $0x2  }
0x140: {  	s0 =	rddreg [dreg:$0x0];
	s2 =	stileid.u32  }
0x141: {  	s1 =	rddreg [dreg:$0x1];
	p0 =	sne.s32 s2, $0x0  }
0x142: {  	s3 =	rddreg [dreg:$0x2];
	[bflag:$0x3] =	sbarrier.arrive $0xFFFF;
	s2 =	simm.s32 @!p0 $0x1C03  }
0x143: {  	[timem:s3], [sflag:s2] =	dma.local @!p0 [hbm:s0], s1  }
0x144: {  	s0 =	simm.s32 @!p0 $0x3  }
0x145: {  	_ =	swait.ge @!p0 [sflag:s0], s1  }
0x146: {  	s1 =	ssub.s32 @!p0 $0x0, s1;
	[sflag:s0] =	ssyncset.done @!p0 $0x0  }
0x147: {  	[sflag:s0] =	ssyncadd.s32 @!p0 s1  }
0x148: {  	[bflag:$0x3] =	sbarrier.arrive $0xFFFF  }
0x149: {  	_ =	shalt  }

// kernel: kernel.17.cloned.1.call-start
scs
__scs_entry_jumppad:
0x0: {  	(pc) =	sbr.rel $0x88, $3  }
0x1: {  	(tag) =	ssettag $0x0;
	lr =	simm.s32 $0x1  }
0x2: {  	[smem:$0x3F92] =	sst lr;
	_ =	strace $0xD0000000  }
0x3: {  	_ = 	snop  }
0x4: {  	_ = 	snop  }
0x5: {  	_ = 	snop  }
0x6: {  	_ = 	snop  }
0x7: {  	_ = 	snop  }
__scs_overlays_trampoline_lowered:
0x8: {  	[smem:$0x3FA1] =	sst s0  }
0x9: {  	[smem:$0x3FA2] =	sst s1  }
0xa: {  	[smem:$0x3FA3] =	sst s2  }
0xb: {  	[smem:$0x3FA4] =	sst s3  }
0xc: {  	[smem:$0x3FA5] =	sst s4  }
0xd: {  	[smem:$0x3FA6] =	sst s5  }
0xe: {  	[smem:$0x3FA7] =	sst s6  }
0xf: {  	[smem:$0x3FA8] =	sst s7  }
0x10: {  	[smem:$0x3FA9] =	sst s8  }
0x11: {  	[smem:$0x3FAA] =	sst s9;
	s0 =	simm.s32 @!p0 $0x0  }
0x12: {  	s1 =	sld [smem:$0x3F90];
	s0 =	simm.s32 @p0 $0x1  }
0x13: {  	[smem:$0x3FAB] =	sst s0;
	s0 =	simm.s32 @!p1 $0x0  }
0x14: {  	s2 =	sld [smem:$0x3F8F];
	s0 =	simm.s32 @p1 $0x1  }
0x15: {  	[smem:$0x3FAC] =	sst s0;
	s0 =	simm.s32 @!p2 $0x0  }
0x16: {  	s3 =	sld [smem:$0x3FDB];
	s0 =	simm.s32 @p2 $0x1  }
0x17: {  	s4 =	simm.s32 $0x1BF5;
	[smem:$0x3FAE] =	sst s0  }
0x18: {  	s0 =	sld [smem:$0x3F91];
	_ =	swait.ge [sflag:s4], $0x0  }
0x19: {  	s7 =	sld [smem:$0x3F92]  }
0x1a: {  	s8 =	sadd.s32 $0xFFFFE003, lr  }
0x1b: {  	s9 =	sadd.s32 $0xFFFFFEF7, lr;
	s5 =	simm.s32 $0xFFFFFFFF;
	p2 =	slt.u32 s8, $0xFFFFF086  }
0x1c: {  	p1 =	slt.u32 s9, $0xF7A;
	s5 =	simm.s32 @!p2 $0x0  }
0x1d: {  	s5 =	simm.s32 @p1 $0x1;
	p0 =	seq.s32 s7, s2  }
0x1e: {  	s7 =	smul.u32 @!p0 $0xF7A, s2;
	p2 =	seq.s32 @!p0 s5, $0x0  }
0x1f: {  	s9 =	smul.u32 $0xF7A, s1;
	s8 =	simm.s32 @!p0 $0x1BF5;
	p2 =	por !p2, p0  }
0x20: {  	[sflag:s8] =	ssyncset.s32 @!p0 $0xFFFFF086;
	s6 =	sadd.s32 @!p0 s3, s7;
	s7 =	simm.s32 @!p0 $0x108  }
0x21: {  	s3 =	sadd.s32 s3, s9;
	s6 =	sadd.s32 @!p0 $0x88, s6;
	s7 =	simm.s32 @p2 $0x1082  }
0x22: {  	[simem:s7], [sflag:s8] =	dma.local @!p0 [hbm:s6], $0xF7A  }
0x23: {  	s9 =	sor.u32 $0xD0000000, s2;
	s6 =	simm.s32 $0x108;
	_ =	swait.ge @!p0 [sflag:s8], $0x0  }
0x24: {  	s3 =	sadd.s32 $0x88, s3;
	s6 =	simm.s32 @!p1 $0x1082;
	[sflag:s4] =	ssyncset.s32 $0xFFFFF086  }
0x25: {  	[simem:s6], [sflag:s4] =	dma.local [hbm:s3], $0xF7A  }
0x26: {  	[smem:$0x3F92] =	sst s1;
	(tag) =	ssettag s2;
	_ =	strace s9  }
0x27: {  	s1 =	sld [smem:$0x3FA2]  }
0x28: {  	s2 =	sld [smem:$0x3FA3]  }
0x29: {  	s4 =	sld [smem:$0x3FA5]  }
0x2a: {  	p0 =	seq.s32 s5, $0x0;
	s5 =	sld [smem:$0x3FA6]  }
0x2b: {  	s6 =	sld [smem:$0x3FA7]  }
0x2c: {  	s7 =	sld [smem:$0x3FA8]  }
0x2d: {  	s3 =	simm.s32 $0x108;
	s8 =	sld [smem:$0x3FA9]  }
0x2e: {  	s3 =	simm.s32 @!p0 $0x1082;
	s9 =	sld [smem:$0x3FAA]  }
0x2f: {  	lr =	sadd.s32 s0, s3;
	s0 =	sld [smem:$0x3FA1]  }
0x30: {  	s3 =	sld [smem:$0x3FA4]  }
0x31: {  	[smem:$0x3FAD] =	sst s10  }
0x32: {  	s10 =	sld [smem:$0x3FAB];
	_ =	sdelay $0x3  }
0x33: {  	p0 =	seq.s32 s10, $0x1;
	s10 =	sld [smem:$0x3FAD];
	_ =	sdelay $0x3  }
0x34: {  	[smem:$0x3FAD] =	sst s10  }
0x35: {  	s10 =	sld [smem:$0x3FAC];
	_ =	sdelay $0x3  }
0x36: {  	p1 =	seq.s32 s10, $0x1;
	s10 =	sld [smem:$0x3FAD];
	_ =	sdelay $0x3  }
0x37: {  	[smem:$0x3FAD] =	sst s10  }
0x38: {  	s10 =	sld [smem:$0x3FAE]  }
0x39: {  	_ = 	snop;
	(pc) =	sbr.ind lr, $3  }
0x3a: {  	_ = 	snop  }
0x3b: {  	_ = 	snop  }
0x3c: {  	p2 =	seq.s32 s10, $0x1;
	s10 =	sld [smem:$0x3FAD]  }
0x3d: {  	_ =	shalt  }
0x3e: {  	_ =	shalt  }
0x3f: {  	_ =	shalt  }
0x40: {  	_ =	shalt  }
0x41: {  	_ =	shalt  }
0x42: {  	_ =	shalt  }
0x43: {  	_ =	shalt  }
0x44: {  	_ =	shalt  }
0x45: {  	_ =	shalt  }
0x46: {  	_ =	shalt  }
0x47: {  	_ =	shalt  }
0x48: {  	_ =	shalt  }
0x49: {  	_ =	shalt  }
0x4a: {  	_ =	shalt  }
0x4b: {  	_ =	shalt  }
0x4c: {  	_ =	shalt  }
0x4d: {  	_ =	shalt  }
0x4e: {  	_ =	shalt  }
0x4f: {  	_ =	shalt  }
0x50: {  	_ =	shalt  }
0x51: {  	_ =	shalt  }
0x52: {  	_ =	shalt  }
0x53: {  	_ =	shalt  }
0x54: {  	_ =	shalt  }
0x55: {  	_ =	shalt  }
0x56: {  	_ =	shalt  }
0x57: {  	_ =	shalt  }
0x58: {  	_ =	shalt  }
0x59: {  	_ =	shalt  }
0x5a: {  	_ =	shalt  }
0x5b: {  	_ =	shalt  }
0x5c: {  	_ =	shalt  }
0x5d: {  	_ =	shalt  }
0x5e: {  	_ =	shalt  }
0x5f: {  	_ =	shalt  }
0x60: {  	_ =	shalt  }
0x61: {  	_ =	shalt  }
0x62: {  	_ =	shalt  }
0x63: {  	_ =	shalt  }
0x64: {  	_ =	shalt  }
0x65: {  	_ =	shalt  }
0x66: {  	_ =	shalt  }
0x67: {  	_ =	shalt  }
0x68: {  	_ =	shalt  }
0x69: {  	_ =	shalt  }
0x6a: {  	_ =	shalt  }
0x6b: {  	_ =	shalt  }
0x6c: {  	_ =	shalt  }
0x6d: {  	_ =	shalt  }
0x6e: {  	_ =	shalt  }
0x6f: {  	_ =	shalt  }
0x70: {  	_ =	shalt  }
0x71: {  	_ =	shalt  }
0x72: {  	_ =	shalt  }
0x73: {  	_ =	shalt  }
0x74: {  	_ =	shalt  }
0x75: {  	_ =	shalt  }
0x76: {  	_ =	shalt  }
0x77: {  	_ =	shalt  }
0x78: {  	_ =	shalt  }
0x79: {  	_ =	shalt  }
0x7a: {  	_ =	shalt  }
0x7b: {  	_ =	shalt  }
0x7c: {  	_ =	shalt  }
0x7d: {  	_ =	shalt  }
0x7e: {  	_ =	shalt  }
0x7f: {  	_ =	shalt  }
0x80: {  	_ =	shalt  }
0x81: {  	_ =	shalt  }
0x82: {  	_ =	shalt  }
0x83: {  	_ =	shalt  }
0x84: {  	_ =	shalt  }
0x85: {  	_ =	shalt  }
0x86: {  	_ =	shalt  }
0x87: {  	_ =	shalt  }
.Lfunc_end0:
.L_simem_size_0:
called_computation.2_lowered:
.L_overlay_start_0:
0x88: {  	s2 =	sld [smem:$0x3FD9]  }
0x89: {  	s3 =	sld [smem:$0x3FFE];
	_ =	sdelay $0x1  }
0x8a: {  	s1 =	srdreg.scid  }
0x8b: {  	s0 =	sand.u32 $0x1, s1  }
0x8c: {  	s17 =	sshll.u32 s0, $0xA;
	s2 =	sadd.s32 s3, s2  }
0x8d: {  	s2 =	sadd.s32 s2, s17  }
0x8e: {  	[smem:$0x3FB9] =	sst s2  }
0x8f: {  	_ = 	snop  }
0x90: {  	s2 =	sld [smem:$0x3FD0];
	(tm) =	ssettm $0x1  }
0x91: {  	s18 =	sld [smem:$0x3FFB];
	_ =	sdelay $0x3  }
0x92: {  	_ =	strace s18  }
0x93: {  	s3 =	sld [smem:$0x3FFC];
	_ =	sdelay $0x3  }
0x94: {  	_ =	strace s3  }
0x95: {  	s3 =	sld [smem:$0x3FFD];
	_ =	sdelay $0x3  }
0x96: {  	_ =	strace s3  }
0x97: {  	_ =	strace $0x8FFFFFFF  }
0x98: {  	s19 =	sld [smem:$0x3FDB];
	_ =	sdelay $0x1  }
0x99: {  	s4 =	simm.s32 $_scs_section_size  }
0x9a: {  	s5 =	simm.s32 $_size__tile_overlayer_lowered;
	s6 =	simm.s32 $_tile_overlayer_lowered  }
0x9b: {  	s22 =	simm.s32 $0x1BFF;
	s21 =	sshll.u32 s6, $0x1;
	s3 =	sadd.s32 s4, s19  }
0x9c: {  	s7 =	simm.s32 $0x0;
	s20 =	sshll.u32 s5, $0x1;
	s5 =	sadd.s32 s21, s3  }
0x9d: {  	[timem:s7], [sflag:s22] =	dma.local [hbm:s5], s20  }
0x9e: {  	_ =	swait.ge [sflag:s22], s20  }
0x9f: {  	s4 =	ssub.s32 $0x0, s20;
	[sflag:s22] =	ssyncset.done $0x0  }
0xa0: {  	[sflag:s22] =	ssyncadd.s32 s4;
	_ =	sdelay $0x1  }
0xa1: {  	s23 =	simm.s32 $0x1B8B  }
0xa2: {  	_ =	swait.ge [sflag:s23], $0x1  }
0xa3: {  	[sflag:s23] =	ssyncset.done $0x0  }
0xa4: {  	s25 =	simm.s32 $0x1B8E;
	s24 =	sld [smem:$0x3FFE];
	[sflag:s23] =	ssyncadd.s32 $0xFFFFFFFF  }
0xa5: {  	s26 =	simm.s32 $execute0_lowered;
	[smem:$0x3FD2] =	sst s25  }
0xa6: {  	s5 =	sshll.u32 s26, $0x1;
	_ =	strace $0x8000004C;
	[dreg:$0x1] =	wrdreg $0xFFFFFFFF  }
0xa7: {  	s28 =	simm.s32 $_size_execute0_lowered;
	s3 =	sadd.s32 s3, s5;
	[dreg:$0x0] =	wrdreg $0x0  }
0xa8: {  	s5 =	sshll.u32 s28, $0x1;
	[dreg:$0x2] =	wrdreg s3  }
0xa9: {  	[dreg:$0x3] =	wrdreg s5  }
0xaa: {  	[dreg:$0x4] =	wrdreg $0xC0  }
0xab: {  	_ =	task [dreg:s7], $0x5FFFF  }
0xac: {  	[dreg:$0x1] =	wrdreg $0xFFFFFFFF  }
0xad: {  	[dreg:$0x0] =	wrdreg $0x60  }
0xae: {  	[dreg:$0x2] =	wrdreg s24  }
0xaf: {  	[dreg:$0x3] =	wrdreg s2  }
0xb0: {  	[dreg:$0x4] =	wrdreg $0x7A000  }
0xb1: {  	[dreg:$0x5] =	wrdreg $0x9  }
0xb2: {  	_ =	task.clear_ibuf [dreg:s7], $0x6FFFF;
	_ =	strace $0x9000004C  }
0xb3: {  	s29 =	simm.s32 $0x9;
	_ =	strace $0x8000004E  }
0xb4: {  	_ =	swait.ge [sflag:s29], $0x1  }
0xb5: {  	[sflag:s29] =	ssyncadd.s32 $0xFFFFFFFF  }
0xb6: {  	_ =	strace $0x9000004E  }
0xb7: {  	_ =	sfence  }
0xb8: {  	s30 =	sld [smem:$0x0];
	_ =	sdelay $0x2  }
0xb9: {  	s31 =	sshll.u32 s1, $0xD;
	s1 =	sshrl.u32 s1, $0x2  }
0xba: {  	s3 =	sand.u32 $0x4000, s31;
	s1 =	sadd.s32 s1, s30  }
0xbb: {  	s0 =	sor.u32 s3, s0;
	s1 =	sshll.u32 s1, $0x11  }
0xbc: {  	s0 =	sor.u32 s1, s0  }
0xbd: {  	s0 =	sadd.s32 $0x8F2B, s0  }
0xbe: {  	[sflag:s0] =	ssyncadd.remote.s32 $0x1  }
0xbf: {  	_ =	sfence.sel $0xFFFF  }
0xc0: {  	[dreg:$0x0] =	wrdreg $0xFFFFFFFF;
	(pc) =	sbr.abs _section_cstart, $3  }
0xc1: {  	[dreg:$0x1] =	wrdreg $0xFFFFFFFF  }
0xc2: {  	_ =	task.clear_ibuf [dreg:s7], $0x2FFFF;
	_ =	strace $0x9FFFFFFF  }
0xc3: {  	(tm) =	ssettm $0x7FFFFFFF  }
tec
execute0_lowered:
.L_overlay_start_1:
0x0: {  	(tag) =	ssettag $0x1  }
0x1: {  	s0 =	rddreg [dreg:$0x0]  }
0x2: {  	s2 =	rddreg [dreg:$0x2];
	s3 =	simm.s32 $0x0;
	s1 =	srdreg.scid  }
0x3: {  	s12 =	stileid.u32;
	s22 =	simm.s32 $0x5200;
	s23 =	simm.s32 $0x3  }
0x4: {  	s28 =	simm.s32 $0x50;
	s29 =	simm.s32 $0x5080;
	s30 =	simm.s32 $0x5180  }
0x5: {  	s31 =	simm.s32 $0x2800;
	[smem:$0x7FF] =	sst s3;
	s5 =	sadd.s32 $0xF400, s0  }
0x6: {  	s6 =	sadd.s32 $0x36600, s0;
	s4 =	sadd.s32 $0x5400, s0;
	s7 =	smul.u32 $0x2710, s12  }
0x7: {  	s1 =	sand.u32 $0x1, s1;
	s8 =	sadd.s32 $0xA400, s0;
	s10 =	smul.u32 $0x271000, s12  }
0x8: {  	s0 =	sadd.s32 $0x5D800, s0;
	s11 =	smul.u32 $0x50000, s12;
	p1 =	seq.s32 s12, $0xF  }
0x9: {  	p2 =	sgt.u32 s12, $0x1;
	p3 =	slt.u32 s12, $0x2;
	_ =	strace $0x8000004D  }
0xa: {  	s9 =	ssub.s32 $0x2, s1;
	[dreg:$0x4] =	wrdreg s0;
	p0 =	seq.s32 s1, $0x1  }
0xb: {  	s24 =	sshrl.u32 s9, $0x1;
	s25 =	sshrl.u32 s7, $0x3;
	s26 =	sshrl.u32 s10, $0x2  }
0xc: {  	s0 =	ssub.s32 s9, s24;
	s7 =	sadd.s32 s4, s25;
	s9 =	sshrl.u32 s11, $0x2  }
0xd: {  	s1 =	sadd.s32 s8, s25;
	s24 =	smul.u32 $0x13880, s12;
	[dreg:$0x5] =	wrdreg s7  }
0xe: {  	s11 =	sadd.s32 s26, s2;
	s25 =	smul.u32 $0x4E2, s12;
	[dreg:$0x6] =	wrdreg s1  }
0xf: {  	s10 =	sadd.s32 s9, s2;
	s0 =	smax.u32 s0, $0x1;
	[dreg:$0x7] =	wrdreg s24  }
0x10: {  	s26 =	sshrl.u32 s11, $0x3;
	s1 =	simm.s32 $0x2;
	[dreg:$0x8] =	wrdreg s0  }
.Ltmp0:
0x11: {  	s13 =	sadd.s32 $0x2800, s10;
	s14 =	sadd.s32 $0x5000, s10;
	(pc) =	sbr.rel .LBB2_1-.Ltmp0, $4  }
0x12: {  	s15 =	sadd.s32 $0x7800, s10;
	s16 =	sadd.s32 $0xA000, s10;
	s17 =	sadd.s32 $0xC800, s10  }
0x13: {  	s18 =	sadd.s32 $0xF000, s10;
	s19 =	sadd.s32 $0x11800, s10;
	s20 =	sadd.s32 s25, s8  }
0x14: {  	s21 =	sadd.s32 s25, s4;
	s24 =	simm.s32 $0x5000;
	[dreg:$0x9] =	wrdreg s26  }
0x15: {  	v0 =	vimm.f32 $0.0e+00;
	s26 =	simm.s32 $0x5100;
	s0 =	simm.s32 $0x1;
	s4 =	simm.s32 $0x0  }
.LBB2_10:
0x16: {  	s8 =	stileid.u32  }
0x17: {  	s9 =	rddreg [dreg:$0x7];
	s8 =	sshll.u32 s8, $0x6  }
0x18: {  	s25 =	rddreg [dreg:$0x9];
	s7 =	sadd.s32 s7, s9;
	s8 =	sor.u32 $0x1C03, s8  }
0x19: {  	[hbm:s7], [sflag:s8] =	dma.local [spmem:s25], $0x13880  }
0x1a: {  	_ =	swait.ge [sflag:s23], $0x13880  }
0x1b: {  	[sflag:s23] =	ssyncset.done $0x0  }
0x1c: {  	[sflag:s23] =	ssyncadd.s32 $0xFFFEC780  }
.LBB2_11:
0x1d: {  	s4 =	sadd.s32 $0x1, s4;
	s7 =	rddreg [dreg:$0x8]  }
0x1e: {  	p4 =	sne.s32 s4, s7  }
.Ltmp1:
0x1f: {  	_ = 	snop;
	(pc) =	sbr.rel @!p4 .LBB2_12-.Ltmp1, $1  }
0x20: {  	_ =	sdelay $0x3  }
.LBB2_1:
0x21: {  	s7 =	simm.s32 $0x70;
	s11 =	simm.s32 $0x3C0  }
.LBB2_2:
0x22: {  	p4 =	sne.s32 s11, $0x9FC0;
	[tilespmem:s7+$0x5200] =	vst v0  }
0x23: {  	[tilespmem:s7+$0x5190] =	vst v0  }
0x24: {  	[tilespmem:s7+$0x51A0] =	vst v0  }
.Ltmp2:
0x25: {  	[tilespmem:s7+$0x51B0] =	vst v0;
	(pc) =	sbr.rel @p4 .LBB2_2-.Ltmp2, $4  }
0x26: {  	[tilespmem:s7+$0x51C0] =	vst v0  }
0x27: {  	[tilespmem:s7+$0x51D0] =	vst v0  }
0x28: {  	[tilespmem:s7+$0x51E0] =	vst v0  }
0x29: {  	[tilespmem:s7+$0x51F0] =	vst v0;
	s7 =	sshra.s32 s11, $0x2;
	s11 =	sadd.s32 $0x200, s11  }
0x2a: {  	[tilespmem:s7+$0x5200] =	vst v0  }
0x2b: {  	[tilespmem:s7+$0x5190] =	vst v0  }
0x2c: {  	[tilespmem:s7+$0x51A0] =	vst v0  }
0x2d: {  	[tilespmem:s7+$0x51B0] =	vst v0  }
0x2e: {  	[tilespmem:s7+$0x51C0] =	vst v0  }
0x2f: {  	[tilespmem:s7+$0x51D0] =	vst v0  }
0x30: {  	[tilespmem:s7+$0x51E0] =	vst v0  }
0x31: {  	[tilespmem:s7+$0x51F0] =	vst v0  }
0x32: {  	[spmem:s10] =	stream.linear.scatter [tilespmem:s22], [sflag:$0x3], $0x2800, $0x38;
	[tilespmem:$0x1B280] =	vst v63  }
0x33: {  	_ =	swait.ge [sflag:s23], $0x2800  }
0x34: {  	[sflag:s23] =	ssyncset.done $0x0  }
0x35: {  	[sflag:s23] =	ssyncadd.s32 $0xFFFFD800  }
0x36: {  	[spmem:s13] =	stream.linear.scatter [tilespmem:s22], [sflag:$0x3], $0x2800, $0x38;
	[tilespmem:$0x1B280] =	vst v63  }
0x37: {  	_ =	swait.ge [sflag:s23], $0x2800  }
0x38: {  	[sflag:s23] =	ssyncset.done $0x0  }
0x39: {  	[sflag:s23] =	ssyncadd.s32 $0xFFFFD800  }
0x3a: {  	[spmem:s14] =	stream.linear.scatter [tilespmem:s22], [sflag:$0x3], $0x2800, $0x38;
	[tilespmem:$0x1B280] =	vst v63  }
0x3b: {  	_ =	swait.ge [sflag:s23], $0x2800  }
0x3c: {  	[sflag:s23] =	ssyncset.done $0x0  }
0x3d: {  	[sflag:s23] =	ssyncadd.s32 $0xFFFFD800  }
0x3e: {  	[spmem:s15] =	stream.linear.scatter [tilespmem:s22], [sflag:$0x3], $0x2800, $0x38;
	[tilespmem:$0x1B280] =	vst v63  }
0x3f: {  	_ =	swait.ge [sflag:s23], $0x2800  }
0x40: {  	[sflag:s23] =	ssyncset.done $0x0  }
0x41: {  	[sflag:s23] =	ssyncadd.s32 $0xFFFFD800  }
0x42: {  	[spmem:s16] =	stream.linear.scatter [tilespmem:s22], [sflag:$0x3], $0x2800, $0x38;
	[tilespmem:$0x1B280] =	vst v63  }
0x43: {  	_ =	swait.ge [sflag:s23], $0x2800  }
0x44: {  	[sflag:s23] =	ssyncset.done $0x0  }
0x45: {  	s7 =	simm.s32 @!p1 $0x5200;
	s8 =	simm.s32 @!p1 $0x3;
	[sflag:s23] =	ssyncadd.s32 $0xFFFFD800  }
0x46: {  	[spmem:s17] =	stream.linear.scatter @!p1 [tilespmem:s7], [sflag:$0x3], $0x2800, $0x38;
	[tilespmem:$0x1B280] =	vst v63  }
0x47: {  	_ =	swait.ge @!p1 [sflag:s8], $0x2800  }
0x48: {  	[sflag:s8] =	ssyncset.done @!p1 $0x0  }
0x49: {  	[sflag:s8] =	ssyncadd.s32 @!p1 $0xFFFFD800  }
0x4a: {  	[spmem:s18] =	stream.linear.scatter @!p1 [tilespmem:s7], [sflag:$0x3], $0x2800, $0x38;
	[tilespmem:$0x1B280] =	vst v63  }
0x4b: {  	_ =	swait.ge @!p1 [sflag:s8], $0x2800  }
0x4c: {  	[sflag:s8] =	ssyncset.done @!p1 $0x0  }
0x4d: {  	[sflag:s8] =	ssyncadd.s32 @!p1 $0xFFFFD800  }
0x4e: {  	[spmem:s19] =	stream.linear.scatter @!p1 [tilespmem:s7], [sflag:$0x3], $0x2800, $0x38;
	[tilespmem:$0x1B280] =	vst v63  }
0x4f: {  	_ =	swait.ge @!p1 [sflag:s8], $0x2800  }
0x50: {  	[sflag:s8] =	ssyncset.done @!p1 $0x0  }
0x51: {  	[sflag:s8] =	ssyncadd.s32 @!p1 $0xFFFFD800  }
0x52: {  	[bflag:$0x0] =	sbarrier.arrive $0xFFFF  }
0x53: {  	s12 =	rddreg [dreg:$0x5]  }
0x54: {  	[tilespmem:s24], [sflag:$0x3] =	stream.linear.gather [hbm4b:s12+s3], $0x50, $0x38;
	[tilespmem:$0x1B280] =	vst v63  }
0x55: {  	_ =	swait.ge [sflag:s23], $0x50  }
0x56: {  	[sflag:s23] =	ssyncset.done $0x0  }
.Ltmp3:
0x57: {  	s25 =	rddreg [dreg:$0x6];
	[sflag:s23] =	ssyncadd.s32 $0xFFFFFFB0;
	(pc) =	sbr.rel @!p0 .LBB2_4-.Ltmp3, $4  }
0x58: {  	[tilespmem:s26], [sflag:$0x3] =	stream.linear.gather [hbm4b:s25+s3], $0x50, $0x38;
	[tilespmem:$0x1B280] =	vst v63  }
0x59: {  	_ =	swait.ge [sflag:s23], $0x50  }
0x5a: {  	[sflag:s23] =	ssyncset.done $0x0  }
0x5b: {  	[sflag:s23] =	ssyncadd.s32 $0xFFFFFFB0  }
0x5c: {  	[tilespmem:s3], [sflag:$0x1] =	stream.indirect.gather [hbm4b:s6+s28], $0x80, s24, s28, $0xb8;
	[tilespmem:$0x1B280] =	vst v63  }
0x5d: {  	s7 =	sadd.s32 $0xFFFFFB28, s21  }
0x5e: {  	s8 =	sadd.s32 $0x4E2, s7  }
0x5f: {  	[tilespmem:s29], [sflag:$0x3] =	stream.linear.gather [hbm4b:s8+s3], $0x50, $0x38;
	[tilespmem:$0x1B280] =	vst v63  }
0x60: {  	_ =	swait.ge [sflag:s23], $0x50  }
0x61: {  	s12 =	sadd.s32 $0xFFFFFB28, s20;
	[sflag:s23] =	ssyncset.done $0x0  }
0x62: {  	s9 =	sadd.s32 $0x4E2, s12;
	[sflag:s23] =	ssyncadd.s32 $0xFFFFFFB0  }
0x63: {  	[tilespmem:s30], [sflag:$0x3] =	stream.linear.gather [hbm4b:s9+s3], $0x50, $0x38;
	[tilespmem:$0x1B280] =	vst v63  }
0x64: {  	_ =	swait.ge [sflag:s23], $0x50  }
0x65: {  	[sflag:s23] =	ssyncset.done $0x0  }
0x66: {  	[sflag:s23] =	ssyncadd.s32 $0xFFFFFFB0  }
0x67: {  	[tilespmem:s31], [sflag:$0x2] =	stream.indirect.gather [hbm4b:s6+s28], $0x80, s29, s28, $0xb8;
	[tilespmem:$0x1B280] =	vst v63  }
0x68: {  	_ =	swait.ge [sflag:s0], $0x2800  }
0x69: {  	[sflag:s0] =	ssyncset.done $0x0  }
0x6a: {  	[sflag:s0] =	ssyncadd.s32 $0xFFFFD800  }
0x6b: {  	[spmem:s2] =	stream.indirect.scatter.add.f32 [tilespmem:s3], [sflag:$0x3], $0x80, s26, s28, $0xb8;
	[tilespmem:$0x1B280] =	vst v63  }
0x6c: {  	_ =	swait.ge [sflag:s23], $0x2800  }
0x6d: {  	[sflag:s23] =	ssyncset.done $0x0  }
0x6e: {  	s7 =	sadd.s32 $0x4EC, s7;
	[sflag:s23] =	ssyncadd.s32 $0xFFFFD800  }
0x6f: {  	[tilespmem:s24], [sflag:$0x3] =	stream.linear.gather [hbm4b:s7+s3], $0x50, $0x38;
	[tilespmem:$0x1B280] =	vst v63  }
0x70: {  	_ =	swait.ge [sflag:s23], $0x50  }
0x71: {  	[sflag:s23] =	ssyncset.done $0x0  }
0x72: {  	s25 =	sadd.s32 $0x4EC, s12;
	[sflag:s23] =	ssyncadd.s32 $0xFFFFFFB0  }
0x73: {  	[tilespmem:s26], [sflag:$0x3] =	stream.linear.gather [hbm4b:s25+s3], $0x50, $0x38;
	[tilespmem:$0x1B280] =	vst v63  }
0x74: {  	_ =	swait.ge [sflag:s23], $0x50  }
0x75: {  	[sflag:s23] =	ssyncset.done $0x0  }
0x76: {  	[sflag:s23] =	ssyncadd.s32 $0xFFFFFFB0  }
0x77: {  	[tilespmem:s3], [sflag:$0x1] =	stream.indirect.gather [hbm4b:s6+s28], $0x80, s24, s28, $0xb8;
	[tilespmem:$0x1B280] =	vst v63  }
0x78: {  	_ =	swait.ge [sflag:s1], $0x2800  }
0x79: {  	[sflag:s1] =	ssyncset.done $0x0  }
0x7a: {  	[sflag:s1] =	ssyncadd.s32 $0xFFFFD800  }
0x7b: {  	[spmem:s2] =	stream.indirect.scatter.add.f32 [tilespmem:s31], [sflag:$0x3], $0x80, s30, s28, $0xb8;
	[tilespmem:$0x1B280] =	vst v63  }
0x7c: {  	s8 =	simm.s32 $0xFFFFFB50;
	_ =	swait.ge [sflag:s23], $0x2800  }
0x7d: {  	s7 =	simm.s32 $0xFFFFFB3C;
	s25 =	sadd.s32 $0xFFFFFB3C, s21;
	[sflag:s23] =	ssyncset.done $0x0  }
.LBB2_8:
0x7e: {  	s9 =	sadd.s32 $0x4E2, s25  }
0x7f: {  	[sflag:s23] =	ssyncadd.s32 $0xFFFFD800;
	s12 =	smov.u32 s8;
	s11 =	sadd.s32 $0x14, s8  }
0x80: {  	[tilespmem:s29], [sflag:$0x3] =	stream.linear.gather [hbm4b:s9+s3], $0x50, $0x38;
	[tilespmem:$0x1B280] =	vst v63  }
0x81: {  	p4 =	sne.s32 s8, $0xFFFFFFEC;
	_ =	swait.ge [sflag:s23], $0x50  }
0x82: {  	s8 =	sadd.s32 s7, s20;
	s7 =	smov.u32 s12;
	[sflag:s23] =	ssyncset.done $0x0  }
0x83: {  	s9 =	sadd.s32 $0x4E2, s8;
	[sflag:s23] =	ssyncadd.s32 $0xFFFFFFB0  }
0x84: {  	[tilespmem:s30], [sflag:$0x3] =	stream.linear.gather [hbm4b:s9+s3], $0x50, $0x38;
	[tilespmem:$0x1B280] =	vst v63  }
0x85: {  	_ =	swait.ge [sflag:s23], $0x50  }
0x86: {  	[sflag:s23] =	ssyncset.done $0x0  }
0x87: {  	[sflag:s23] =	ssyncadd.s32 $0xFFFFFFB0  }
0x88: {  	[tilespmem:s31], [sflag:$0x2] =	stream.indirect.gather [hbm4b:s6+s28], $0x80, s29, s28, $0xb8;
	[tilespmem:$0x1B280] =	vst v63  }
0x89: {  	_ =	swait.ge [sflag:s0], $0x2800  }
0x8a: {  	[sflag:s0] =	ssyncset.done $0x0  }
0x8b: {  	[sflag:s0] =	ssyncadd.s32 $0xFFFFD800  }
0x8c: {  	[spmem:s2] =	stream.indirect.scatter.add.f32 [tilespmem:s3], [sflag:$0x3], $0x80, s26, s28, $0xb8;
	[tilespmem:$0x1B280] =	vst v63  }
0x8d: {  	_ =	swait.ge [sflag:s23], $0x2800  }
0x8e: {  	[sflag:s23] =	ssyncset.done $0x0  }
0x8f: {  	s9 =	sadd.s32 $0x4EC, s25;
	[sflag:s23] =	ssyncadd.s32 $0xFFFFD800  }
0x90: {  	[tilespmem:s24], [sflag:$0x3] =	stream.linear.gather [hbm4b:s9+s3], $0x50, $0x38;
	[tilespmem:$0x1B280] =	vst v63  }
0x91: {  	_ =	swait.ge [sflag:s23], $0x50  }
0x92: {  	[sflag:s23] =	ssyncset.done $0x0  }
0x93: {  	s8 =	sadd.s32 $0x4EC, s8;
	[sflag:s23] =	ssyncadd.s32 $0xFFFFFFB0  }
0x94: {  	[tilespmem:s26], [sflag:$0x3] =	stream.linear.gather [hbm4b:s8+s3], $0x50, $0x38;
	[tilespmem:$0x1B280] =	vst v63  }
0x95: {  	_ =	swait.ge [sflag:s23], $0x50  }
0x96: {  	[sflag:s23] =	ssyncset.done $0x0  }
0x97: {  	[sflag:s23] =	ssyncadd.s32 $0xFFFFFFB0  }
0x98: {  	[tilespmem:s3], [sflag:$0x1] =	stream.indirect.gather [hbm4b:s6+s28], $0x80, s24, s28, $0xb8;
	[tilespmem:$0x1B280] =	vst v63  }
0x99: {  	_ =	swait.ge [sflag:s1], $0x2800  }
.Ltmp4:
0x9a: {  	[sflag:s1] =	ssyncset.done $0x0;
	(pc) =	sbr.rel @p4 .LBB2_8-.Ltmp4, $4  }
0x9b: {  	[sflag:s1] =	ssyncadd.s32 $0xFFFFD800  }
0x9c: {  	[spmem:s2] =	stream.indirect.scatter.add.f32 [tilespmem:s31], [sflag:$0x3], $0x80, s30, s28, $0xb8;
	[tilespmem:$0x1B280] =	vst v63  }
0x9d: {  	_ =	swait.ge [sflag:s23], $0x2800  }
0x9e: {  	s25 =	sadd.s32 s7, s21;
	s8 =	smov.u32 s11;
	[sflag:s23] =	ssyncset.done $0x0  }
0x9f: {  	s8 =	sadd.s32 $0x4E2, s25;
	[sflag:s23] =	ssyncadd.s32 $0xFFFFD800  }
0xa0: {  	[tilespmem:s29], [sflag:$0x3] =	stream.linear.gather [hbm4b:s8+s3], $0x50, $0x38;
	[tilespmem:$0x1B280] =	vst v63  }
0xa1: {  	_ =	swait.ge [sflag:s23], $0x50  }
0xa2: {  	s7 =	sadd.s32 s7, s20;
	[sflag:s23] =	ssyncset.done $0x0  }
0xa3: {  	s12 =	sadd.s32 $0x4E2, s7;
	[sflag:s23] =	ssyncadd.s32 $0xFFFFFFB0  }
0xa4: {  	[tilespmem:s30], [sflag:$0x3] =	stream.linear.gather [hbm4b:s12+s3], $0x50, $0x38;
	[tilespmem:$0x1B280] =	vst v63  }
0xa5: {  	_ =	swait.ge [sflag:s23], $0x50  }
0xa6: {  	[sflag:s23] =	ssyncset.done $0x0  }
0xa7: {  	[sflag:s23] =	ssyncadd.s32 $0xFFFFFFB0  }
0xa8: {  	[tilespmem:s31], [sflag:$0x2] =	stream.indirect.gather [hbm4b:s6+s28], $0x80, s29, s28, $0xb8;
	[tilespmem:$0x1B280] =	vst v63  }
0xa9: {  	_ =	swait.ge [sflag:s0], $0x2800  }
0xaa: {  	[sflag:s0] =	ssyncset.done $0x0  }
0xab: {  	[sflag:s0] =	ssyncadd.s32 $0xFFFFD800  }
0xac: {  	[spmem:s2] =	stream.indirect.scatter.add.f32 [tilespmem:s3], [sflag:$0x3], $0x80, s26, s28, $0xb8;
	[tilespmem:$0x1B280] =	vst v63  }
0xad: {  	_ =	swait.ge [sflag:s23], $0x2800  }
0xae: {  	[sflag:s23] =	ssyncset.done $0x0  }
0xaf: {  	s25 =	sadd.s32 $0x4EC, s25;
	[sflag:s23] =	ssyncadd.s32 $0xFFFFD800  }
0xb0: {  	[tilespmem:s24], [sflag:$0x3] =	stream.linear.gather [hbm4b:s25+s3], $0x50, $0x38;
	[tilespmem:$0x1B280] =	vst v63  }
0xb1: {  	_ =	swait.ge [sflag:s23], $0x50  }
0xb2: {  	[sflag:s23] =	ssyncset.done $0x0  }
0xb3: {  	s7 =	sadd.s32 $0x4EC, s7;
	[sflag:s23] =	ssyncadd.s32 $0xFFFFFFB0  }
0xb4: {  	[tilespmem:s26], [sflag:$0x3] =	stream.linear.gather [hbm4b:s7+s3], $0x50, $0x38;
	[tilespmem:$0x1B280] =	vst v63  }
0xb5: {  	_ =	swait.ge [sflag:s23], $0x50  }
0xb6: {  	[sflag:s23] =	ssyncset.done $0x0  }
0xb7: {  	[sflag:s23] =	ssyncadd.s32 $0xFFFFFFB0  }
0xb8: {  	[tilespmem:s3], [sflag:$0x1] =	stream.indirect.gather [hbm4b:s6+s28], $0x80, s24, s28, $0xb8;
	[tilespmem:$0x1B280] =	vst v63  }
0xb9: {  	_ =	swait.ge [sflag:s1], $0x2800  }
0xba: {  	[sflag:s1] =	ssyncset.done $0x0  }
0xbb: {  	[sflag:s1] =	ssyncadd.s32 $0xFFFFD800  }
0xbc: {  	[spmem:s2] =	stream.indirect.scatter.add.f32 [tilespmem:s31], [sflag:$0x3], $0x80, s30, s28, $0xb8;
	[tilespmem:$0x1B280] =	vst v63  }
0xbd: {  	_ =	swait.ge [sflag:s23], $0x2800  }
0xbe: {  	[sflag:s23] =	ssyncset.done $0x0  }
0xbf: {  	[sflag:s23] =	ssyncadd.s32 $0xFFFFD800  }
0xc0: {  	_ =	swait.ge [sflag:s0], $0x2800  }
0xc1: {  	[sflag:s0] =	ssyncset.done $0x0  }
0xc2: {  	[sflag:s0] =	ssyncadd.s32 $0xFFFFD800  }
0xc3: {  	[spmem:s2] =	stream.indirect.scatter.add.f32 [tilespmem:s3], [sflag:$0x3], $0x80, s26, s28, $0xb8;
	[tilespmem:$0x1B280] =	vst v63  }
.Ltmp5:
0xc4: {  	_ =	swait.ge [sflag:s23], $0x2800;
	(pc) =	sbr.rel @p2 .LBB2_11-.Ltmp5, $4  }
.Ltmp6:
0xc5: {  	[sflag:s23] =	ssyncset.done $0x0;
	(pc) =	sbr.rel @!p2 .LBB2_10-.Ltmp6, $4  }
0xc6: {  	[sflag:s23] =	ssyncadd.s32 $0xFFFFD800  }
0xc7: {  	[bflag:$0x0] =	sbarrier.arrive $0xFFFF  }
0xc8: {  	s7 =	rddreg [dreg:$0x4]  }
0xc9: {  	_ = 	snop  }
.LBB2_4:
0xca: {  	[tilespmem:s3], [sflag:$0x1] =	stream.indirect.gather [hbm4b:s5+s28], $0x80, s24, s28, $0xb8;
	[tilespmem:$0x1B280] =	vst v63  }
0xcb: {  	s7 =	sadd.s32 $0xFFFFFB28, s21  }
0xcc: {  	s8 =	sadd.s32 $0x4E2, s7  }
0xcd: {  	[tilespmem:s29], [sflag:$0x3] =	stream.linear.gather [hbm4b:s8+s3], $0x50, $0x38;
	[tilespmem:$0x1B280] =	vst v63  }
0xce: {  	_ =	swait.ge [sflag:s23], $0x50  }
0xcf: {  	s12 =	sadd.s32 $0xFFFFFB28, s20;
	[sflag:s23] =	ssyncset.done $0x0  }
0xd0: {  	s11 =	sadd.s32 $0x4E2, s12;
	[sflag:s23] =	ssyncadd.s32 $0xFFFFFFB0  }
0xd1: {  	[tilespmem:s30], [sflag:$0x3] =	stream.linear.gather [hbm4b:s11+s3], $0x50, $0x38;
	[tilespmem:$0x1B280] =	vst v63  }
0xd2: {  	_ =	swait.ge [sflag:s23], $0x50  }
0xd3: {  	[sflag:s23] =	ssyncset.done $0x0  }
0xd4: {  	[sflag:s23] =	ssyncadd.s32 $0xFFFFFFB0  }
0xd5: {  	[tilespmem:s31], [sflag:$0x2] =	stream.indirect.gather [hbm4b:s5+s28], $0x80, s29, s28, $0xb8;
	[tilespmem:$0x1B280] =	vst v63  }
0xd6: {  	_ =	swait.ge [sflag:s0], $0x2800  }
0xd7: {  	[sflag:s0] =	ssyncset.done $0x0  }
0xd8: {  	[sflag:s0] =	ssyncadd.s32 $0xFFFFD800  }
0xd9: {  	[spmem:s2] =	stream.indirect.scatter.add.f32 [tilespmem:s3], [sflag:$0x3], $0x80, s26, s28, $0xb8;
	[tilespmem:$0x1B280] =	vst v63  }
0xda: {  	_ =	swait.ge [sflag:s23], $0x2800  }
0xdb: {  	[sflag:s23] =	ssyncset.done $0x0  }
0xdc: {  	s7 =	sadd.s32 $0x4EC, s7;
	[sflag:s23] =	ssyncadd.s32 $0xFFFFD800  }
0xdd: {  	[tilespmem:s24], [sflag:$0x3] =	stream.linear.gather [hbm4b:s7+s3], $0x50, $0x38;
	[tilespmem:$0x1B280] =	vst v63  }
0xde: {  	_ =	swait.ge [sflag:s23], $0x50  }
0xdf: {  	[sflag:s23] =	ssyncset.done $0x0  }
0xe0: {  	s25 =	sadd.s32 $0x4EC, s12;
	[sflag:s23] =	ssyncadd.s32 $0xFFFFFFB0  }
0xe1: {  	[tilespmem:s26], [sflag:$0x3] =	stream.linear.gather [hbm4b:s25+s3], $0x50, $0x38;
	[tilespmem:$0x1B280] =	vst v63  }
0xe2: {  	_ =	swait.ge [sflag:s23], $0x50  }
0xe3: {  	[sflag:s23] =	ssyncset.done $0x0  }
0xe4: {  	[sflag:s23] =	ssyncadd.s32 $0xFFFFFFB0  }
0xe5: {  	[tilespmem:s3], [sflag:$0x1] =	stream.indirect.gather [hbm4b:s5+s28], $0x80, s24, s28, $0xb8;
	[tilespmem:$0x1B280] =	vst v63  }
0xe6: {  	_ =	swait.ge [sflag:s1], $0x2800  }
0xe7: {  	[sflag:s1] =	ssyncset.done $0x0  }
0xe8: {  	[sflag:s1] =	ssyncadd.s32 $0xFFFFD800  }
0xe9: {  	[spmem:s2] =	stream.indirect.scatter.add.f32 [tilespmem:s31], [sflag:$0x3], $0x80, s30, s28, $0xb8;
	[tilespmem:$0x1B280] =	vst v63  }
0xea: {  	s11 =	simm.s32 $0xFFFFFB50;
	_ =	swait.ge [sflag:s23], $0x2800  }
0xeb: {  	s7 =	simm.s32 $0xFFFFFB3C;
	s25 =	sadd.s32 $0xFFFFFB3C, s21;
	[sflag:s23] =	ssyncset.done $0x0  }
.LBB2_5:
0xec: {  	s9 =	sadd.s32 $0x4E2, s25  }
0xed: {  	[sflag:s23] =	ssyncadd.s32 $0xFFFFD800;
	s12 =	smov.u32 s11;
	s8 =	sadd.s32 $0x14, s11  }
0xee: {  	[tilespmem:s29], [sflag:$0x3] =	stream.linear.gather [hbm4b:s9+s3], $0x50, $0x38;
	[tilespmem:$0x1B280] =	vst v63  }
0xef: {  	p4 =	sne.s32 s11, $0xFFFFFFEC;
	_ =	swait.ge [sflag:s23], $0x50  }
0xf0: {  	s9 =	sadd.s32 s7, s20;
	s7 =	smov.u32 s12;
	[sflag:s23] =	ssyncset.done $0x0  }
0xf1: {  	s11 =	sadd.s32 $0x4E2, s9;
	[sflag:s23] =	ssyncadd.s32 $0xFFFFFFB0  }
0xf2: {  	[tilespmem:s30], [sflag:$0x3] =	stream.linear.gather [hbm4b:s11+s3], $0x50, $0x38;
	[tilespmem:$0x1B280] =	vst v63  }
0xf3: {  	_ =	swait.ge [sflag:s23], $0x50  }
0xf4: {  	[sflag:s23] =	ssyncset.done $0x0  }
0xf5: {  	[sflag:s23] =	ssyncadd.s32 $0xFFFFFFB0  }
0xf6: {  	[tilespmem:s31], [sflag:$0x2] =	stream.indirect.gather [hbm4b:s5+s28], $0x80, s29, s28, $0xb8;
	[tilespmem:$0x1B280] =	vst v63  }
0xf7: {  	_ =	swait.ge [sflag:s0], $0x2800  }
0xf8: {  	[sflag:s0] =	ssyncset.done $0x0  }
0xf9: {  	[sflag:s0] =	ssyncadd.s32 $0xFFFFD800  }
0xfa: {  	[spmem:s2] =	stream.indirect.scatter.add.f32 [tilespmem:s3], [sflag:$0x3], $0x80, s26, s28, $0xb8;
	[tilespmem:$0x1B280] =	vst v63  }
0xfb: {  	_ =	swait.ge [sflag:s23], $0x2800  }
0xfc: {  	[sflag:s23] =	ssyncset.done $0x0  }
0xfd: {  	s11 =	sadd.s32 $0x4EC, s25;
	[sflag:s23] =	ssyncadd.s32 $0xFFFFD800  }
0xfe: {  	[tilespmem:s24], [sflag:$0x3] =	stream.linear.gather [hbm4b:s11+s3], $0x50, $0x38;
	[tilespmem:$0x1B280] =	vst v63  }
0xff: {  	_ =	swait.ge [sflag:s23], $0x50  }
0x100: {  	[sflag:s23] =	ssyncset.done $0x0  }
0x101: {  	s9 =	sadd.s32 $0x4EC, s9;
	[sflag:s23] =	ssyncadd.s32 $0xFFFFFFB0  }
0x102: {  	[tilespmem:s26], [sflag:$0x3] =	stream.linear.gather [hbm4b:s9+s3], $0x50, $0x38;
	[tilespmem:$0x1B280] =	vst v63  }
0x103: {  	_ =	swait.ge [sflag:s23], $0x50  }
0x104: {  	[sflag:s23] =	ssyncset.done $0x0  }
0x105: {  	[sflag:s23] =	ssyncadd.s32 $0xFFFFFFB0  }
0x106: {  	[tilespmem:s3], [sflag:$0x1] =	stream.indirect.gather [hbm4b:s5+s28], $0x80, s24, s28, $0xb8;
	[tilespmem:$0x1B280] =	vst v63  }
0x107: {  	_ =	swait.ge [sflag:s1], $0x2800  }
.Ltmp7:
0x108: {  	[sflag:s1] =	ssyncset.done $0x0;
	(pc) =	sbr.rel @p4 .LBB2_5-.Ltmp7, $4  }
0x109: {  	[sflag:s1] =	ssyncadd.s32 $0xFFFFD800  }
0x10a: {  	[spmem:s2] =	stream.indirect.scatter.add.f32 [tilespmem:s31], [sflag:$0x3], $0x80, s30, s28, $0xb8;
	[tilespmem:$0x1B280] =	vst v63  }
0x10b: {  	_ =	swait.ge [sflag:s23], $0x2800  }
0x10c: {  	s25 =	sadd.s32 s7, s21;
	s11 =	smov.u32 s8;
	[sflag:s23] =	ssyncset.done $0x0  }
0x10d: {  	s8 =	sadd.s32 $0x4E2, s25;
	[sflag:s23] =	ssyncadd.s32 $0xFFFFD800  }
0x10e: {  	[tilespmem:s29], [sflag:$0x3] =	stream.linear.gather [hbm4b:s8+s3], $0x50, $0x38;
	[tilespmem:$0x1B280] =	vst v63  }
0x10f: {  	_ =	swait.ge [sflag:s23], $0x50  }
0x110: {  	s7 =	sadd.s32 s7, s20;
	[sflag:s23] =	ssyncset.done $0x0  }
0x111: {  	s12 =	sadd.s32 $0x4E2, s7;
	[sflag:s23] =	ssyncadd.s32 $0xFFFFFFB0  }
0x112: {  	[tilespmem:s30], [sflag:$0x3] =	stream.linear.gather [hbm4b:s12+s3], $0x50, $0x38;
	[tilespmem:$0x1B280] =	vst v63  }
0x113: {  	_ =	swait.ge [sflag:s23], $0x50  }
0x114: {  	[sflag:s23] =	ssyncset.done $0x0  }
0x115: {  	[sflag:s23] =	ssyncadd.s32 $0xFFFFFFB0  }
0x116: {  	[tilespmem:s31], [sflag:$0x2] =	stream.indirect.gather [hbm4b:s5+s28], $0x80, s29, s28, $0xb8;
	[tilespmem:$0x1B280] =	vst v63  }
0x117: {  	_ =	swait.ge [sflag:s0], $0x2800  }
0x118: {  	[sflag:s0] =	ssyncset.done $0x0  }
0x119: {  	[sflag:s0] =	ssyncadd.s32 $0xFFFFD800  }
0x11a: {  	[spmem:s2] =	stream.indirect.scatter.add.f32 [tilespmem:s3], [sflag:$0x3], $0x80, s26, s28, $0xb8;
	[tilespmem:$0x1B280] =	vst v63  }
0x11b: {  	_ =	swait.ge [sflag:s23], $0x2800  }
0x11c: {  	[sflag:s23] =	ssyncset.done $0x0  }
0x11d: {  	s25 =	sadd.s32 $0x4EC, s25;
	[sflag:s23] =	ssyncadd.s32 $0xFFFFD800  }
0x11e: {  	[tilespmem:s24], [sflag:$0x3] =	stream.linear.gather [hbm4b:s25+s3], $0x50, $0x38;
	[tilespmem:$0x1B280] =	vst v63  }
0x11f: {  	_ =	swait.ge [sflag:s23], $0x50  }
0x120: {  	[sflag:s23] =	ssyncset.done $0x0  }
0x121: {  	s7 =	sadd.s32 $0x4EC, s7;
	[sflag:s23] =	ssyncadd.s32 $0xFFFFFFB0  }
0x122: {  	[tilespmem:s26], [sflag:$0x3] =	stream.linear.gather [hbm4b:s7+s3], $0x50, $0x38;
	[tilespmem:$0x1B280] =	vst v63  }
0x123: {  	_ =	swait.ge [sflag:s23], $0x50  }
0x124: {  	[sflag:s23] =	ssyncset.done $0x0  }
0x125: {  	[sflag:s23] =	ssyncadd.s32 $0xFFFFFFB0  }
0x126: {  	[tilespmem:s3], [sflag:$0x1] =	stream.indirect.gather [hbm4b:s5+s28], $0x80, s24, s28, $0xb8;
	[tilespmem:$0x1B280] =	vst v63  }
0x127: {  	_ =	swait.ge [sflag:s1], $0x2800  }
0x128: {  	[sflag:s1] =	ssyncset.done $0x0  }
0x129: {  	[sflag:s1] =	ssyncadd.s32 $0xFFFFD800  }
0x12a: {  	[spmem:s2] =	stream.indirect.scatter.add.f32 [tilespmem:s31], [sflag:$0x3], $0x80, s30, s28, $0xb8;
	[tilespmem:$0x1B280] =	vst v63  }
0x12b: {  	_ =	swait.ge [sflag:s23], $0x2800  }
0x12c: {  	[sflag:s23] =	ssyncset.done $0x0  }
0x12d: {  	[sflag:s23] =	ssyncadd.s32 $0xFFFFD800  }
0x12e: {  	_ =	swait.ge [sflag:s0], $0x2800  }
0x12f: {  	[sflag:s0] =	ssyncset.done $0x0  }
0x130: {  	[sflag:s0] =	ssyncadd.s32 $0xFFFFD800  }
0x131: {  	[spmem:s2] =	stream.indirect.scatter.add.f32 [tilespmem:s3], [sflag:$0x3], $0x80, s26, s28, $0xb8;
	[tilespmem:$0x1B280] =	vst v63  }
.Ltmp8:
0x132: {  	_ =	swait.ge [sflag:s23], $0x2800;
	(pc) =	sbr.rel @p3 .LBB2_10-.Ltmp8, $4  }
.Ltmp9:
0x133: {  	[sflag:s23] =	ssyncset.done $0x0;
	(pc) =	sbr.rel @!p3 .LBB2_11-.Ltmp9, $4  }
0x134: {  	[sflag:s23] =	ssyncadd.s32 $0xFFFFD800  }
0x135: {  	[bflag:$0x0] =	sbarrier.arrive $0xFFFF  }
0x136: {  	s7 =	rddreg [dreg:$0x1]  }
0x137: {  	_ = 	snop  }
.LBB2_12:
0x138: {  	_ =	sfence.sel $0x180000  }
0x139: {  	[bflag:$0x0] =	sbarrier.arrive $0xFFFF  }
0x13a: {  	_ =	strace $0x9000004D  }
0x13b: {  	s0 =	stileid.u32;
	[bflag:$0x2] =	sbarrier.arrive $0xFFFF  }
0x13c: {  	p0 =	sne.s32 s0, $0x0;
	s0 =	rddreg [dreg:$0x3]  }
0x13d: {  	s0 =	sadd.s32 @!p0 $0x100000, s0  }
0x13e: {  	[sflag:s0] =	ssyncadd.tile.s32 @!p0 $0x1;
	_ =	shalt  }
.Lfunc_end2:
_tile_overlayer_lowered:
.L_overlay_start_2:
0x13f: {  	(tag) =	ssettag $0x2  }
0x140: {  	s0 =	rddreg [dreg:$0x0];
	s2 =	stileid.u32  }
0x141: {  	s1 =	rddreg [dreg:$0x1];
	p0 =	sne.s32 s2, $0x0  }
0x142: {  	s3 =	rddreg [dreg:$0x2];
	[bflag:$0x3] =	sbarrier.arrive $0xFFFF;
	s2 =	simm.s32 @!p0 $0x1C03  }
0x143: {  	[timem:s3], [sflag:s2] =	dma.local @!p0 [hbm:s0], s1  }
0x144: {  	s0 =	simm.s32 @!p0 $0x3  }
0x145: {  	_ =	swait.ge @!p0 [sflag:s0], s1  }
0x146: {  	s1 =	ssub.s32 @!p0 $0x0, s1;
	[sflag:s0] =	ssyncset.done @!p0 $0x0  }
0x147: {  	[sflag:s0] =	ssyncadd.s32 @!p0 s1  }
0x148: {  	[bflag:$0x3] =	sbarrier.arrive $0xFFFF  }
0x149: {  	_ =	shalt  }

// kernel: kernel.20.cloned.1.call-start
scs
__scs_entry_jumppad:
0x0: {  	(pc) =	sbr.rel $0x88, $3  }
0x1: {  	(tag) =	ssettag $0x0;
	lr =	simm.s32 $0x1  }
0x2: {  	[smem:$0x3F92] =	sst lr;
	_ =	strace $0xD0000000  }
0x3: {  	_ = 	snop  }
0x4: {  	_ = 	snop  }
0x5: {  	_ = 	snop  }
0x6: {  	_ = 	snop  }
0x7: {  	_ = 	snop  }
__scs_overlays_trampoline_lowered:
0x8: {  	[smem:$0x3FA1] =	sst s0  }
0x9: {  	[smem:$0x3FA2] =	sst s1  }
0xa: {  	[smem:$0x3FA3] =	sst s2  }
0xb: {  	[smem:$0x3FA4] =	sst s3  }
0xc: {  	[smem:$0x3FA5] =	sst s4  }
0xd: {  	[smem:$0x3FA6] =	sst s5  }
0xe: {  	[smem:$0x3FA7] =	sst s6  }
0xf: {  	[smem:$0x3FA8] =	sst s7  }
0x10: {  	[smem:$0x3FA9] =	sst s8  }
0x11: {  	[smem:$0x3FAA] =	sst s9;
	s0 =	simm.s32 @!p0 $0x0  }
0x12: {  	s1 =	sld [smem:$0x3F90];
	s0 =	simm.s32 @p0 $0x1  }
0x13: {  	[smem:$0x3FAB] =	sst s0;
	s0 =	simm.s32 @!p1 $0x0  }
0x14: {  	s2 =	sld [smem:$0x3F8F];
	s0 =	simm.s32 @p1 $0x1  }
0x15: {  	[smem:$0x3FAC] =	sst s0;
	s0 =	simm.s32 @!p2 $0x0  }
0x16: {  	s3 =	sld [smem:$0x3FDB];
	s0 =	simm.s32 @p2 $0x1  }
0x17: {  	s4 =	simm.s32 $0x1BF5;
	[smem:$0x3FAE] =	sst s0  }
0x18: {  	s0 =	sld [smem:$0x3F91];
	_ =	swait.ge [sflag:s4], $0x0  }
0x19: {  	s7 =	sld [smem:$0x3F92]  }
0x1a: {  	s8 =	sadd.s32 $0xFFFFE003, lr  }
0x1b: {  	s9 =	sadd.s32 $0xFFFFFEF7, lr;
	s5 =	simm.s32 $0xFFFFFFFF;
	p2 =	slt.u32 s8, $0xFFFFF086  }
0x1c: {  	p1 =	slt.u32 s9, $0xF7A;
	s5 =	simm.s32 @!p2 $0x0  }
0x1d: {  	s5 =	simm.s32 @p1 $0x1;
	p0 =	seq.s32 s7, s2  }
0x1e: {  	s7 =	smul.u32 @!p0 $0xF7A, s2;
	p2 =	seq.s32 @!p0 s5, $0x0  }
0x1f: {  	s9 =	smul.u32 $0xF7A, s1;
	s8 =	simm.s32 @!p0 $0x1BF5;
	p2 =	por !p2, p0  }
0x20: {  	[sflag:s8] =	ssyncset.s32 @!p0 $0xFFFFF086;
	s6 =	sadd.s32 @!p0 s3, s7;
	s7 =	simm.s32 @!p0 $0x108  }
0x21: {  	s3 =	sadd.s32 s3, s9;
	s6 =	sadd.s32 @!p0 $0x88, s6;
	s7 =	simm.s32 @p2 $0x1082  }
0x22: {  	[simem:s7], [sflag:s8] =	dma.local @!p0 [hbm:s6], $0xF7A  }
0x23: {  	s9 =	sor.u32 $0xD0000000, s2;
	s6 =	simm.s32 $0x108;
	_ =	swait.ge @!p0 [sflag:s8], $0x0  }
0x24: {  	s3 =	sadd.s32 $0x88, s3;
	s6 =	simm.s32 @!p1 $0x1082;
	[sflag:s4] =	ssyncset.s32 $0xFFFFF086  }
0x25: {  	[simem:s6], [sflag:s4] =	dma.local [hbm:s3], $0xF7A  }
0x26: {  	[smem:$0x3F92] =	sst s1;
	(tag) =	ssettag s2;
	_ =	strace s9  }
0x27: {  	s1 =	sld [smem:$0x3FA2]  }
0x28: {  	s2 =	sld [smem:$0x3FA3]  }
0x29: {  	s4 =	sld [smem:$0x3FA5]  }
0x2a: {  	p0 =	seq.s32 s5, $0x0;
	s5 =	sld [smem:$0x3FA6]  }
0x2b: {  	s6 =	sld [smem:$0x3FA7]  }
0x2c: {  	s7 =	sld [smem:$0x3FA8]  }
0x2d: {  	s3 =	simm.s32 $0x108;
	s8 =	sld [smem:$0x3FA9]  }
0x2e: {  	s3 =	simm.s32 @!p0 $0x1082;
	s9 =	sld [smem:$0x3FAA]  }
0x2f: {  	lr =	sadd.s32 s0, s3;
	s0 =	sld [smem:$0x3FA1]  }
0x30: {  	s3 =	sld [smem:$0x3FA4]  }
0x31: {  	[smem:$0x3FAD] =	sst s10  }
0x32: {  	s10 =	sld [smem:$0x3FAB];
	_ =	sdelay $0x3  }
0x33: {  	p0 =	seq.s32 s10, $0x1;
	s10 =	sld [smem:$0x3FAD];
	_ =	sdelay $0x3  }
0x34: {  	[smem:$0x3FAD] =	sst s10  }
0x35: {  	s10 =	sld [smem:$0x3FAC];
	_ =	sdelay $0x3  }
0x36: {  	p1 =	seq.s32 s10, $0x1;
	s10 =	sld [smem:$0x3FAD];
	_ =	sdelay $0x3  }
0x37: {  	[smem:$0x3FAD] =	sst s10  }
0x38: {  	s10 =	sld [smem:$0x3FAE]  }
0x39: {  	_ = 	snop;
	(pc) =	sbr.ind lr, $3  }
0x3a: {  	_ = 	snop  }
0x3b: {  	_ = 	snop  }
0x3c: {  	p2 =	seq.s32 s10, $0x1;
	s10 =	sld [smem:$0x3FAD]  }
0x3d: {  	_ =	shalt  }
0x3e: {  	_ =	shalt  }
0x3f: {  	_ =	shalt  }
0x40: {  	_ =	shalt  }
0x41: {  	_ =	shalt  }
0x42: {  	_ =	shalt  }
0x43: {  	_ =	shalt  }
0x44: {  	_ =	shalt  }
0x45: {  	_ =	shalt  }
0x46: {  	_ =	shalt  }
0x47: {  	_ =	shalt  }
0x48: {  	_ =	shalt  }
0x49: {  	_ =	shalt  }
0x4a: {  	_ =	shalt  }
0x4b: {  	_ =	shalt  }
0x4c: {  	_ =	shalt  }
0x4d: {  	_ =	shalt  }
0x4e: {  	_ =	shalt  }
0x4f: {  	_ =	shalt  }
0x50: {  	_ =	shalt  }
0x51: {  	_ =	shalt  }
0x52: {  	_ =	shalt  }
0x53: {  	_ =	shalt  }
0x54: {  	_ =	shalt  }
0x55: {  	_ =	shalt  }
0x56: {  	_ =	shalt  }
0x57: {  	_ =	shalt  }
0x58: {  	_ =	shalt  }
0x59: {  	_ =	shalt  }
0x5a: {  	_ =	shalt  }
0x5b: {  	_ =	shalt  }
0x5c: {  	_ =	shalt  }
0x5d: {  	_ =	shalt  }
0x5e: {  	_ =	shalt  }
0x5f: {  	_ =	shalt  }
0x60: {  	_ =	shalt  }
0x61: {  	_ =	shalt  }
0x62: {  	_ =	shalt  }
0x63: {  	_ =	shalt  }
0x64: {  	_ =	shalt  }
0x65: {  	_ =	shalt  }
0x66: {  	_ =	shalt  }
0x67: {  	_ =	shalt  }
0x68: {  	_ =	shalt  }
0x69: {  	_ =	shalt  }
0x6a: {  	_ =	shalt  }
0x6b: {  	_ =	shalt  }
0x6c: {  	_ =	shalt  }
0x6d: {  	_ =	shalt  }
0x6e: {  	_ =	shalt  }
0x6f: {  	_ =	shalt  }
0x70: {  	_ =	shalt  }
0x71: {  	_ =	shalt  }
0x72: {  	_ =	shalt  }
0x73: {  	_ =	shalt  }
0x74: {  	_ =	shalt  }
0x75: {  	_ =	shalt  }
0x76: {  	_ =	shalt  }
0x77: {  	_ =	shalt  }
0x78: {  	_ =	shalt  }
0x79: {  	_ =	shalt  }
0x7a: {  	_ =	shalt  }
0x7b: {  	_ =	shalt  }
0x7c: {  	_ =	shalt  }
0x7d: {  	_ =	shalt  }
0x7e: {  	_ =	shalt  }
0x7f: {  	_ =	shalt  }
0x80: {  	_ =	shalt  }
0x81: {  	_ =	shalt  }
0x82: {  	_ =	shalt  }
0x83: {  	_ =	shalt  }
0x84: {  	_ =	shalt  }
0x85: {  	_ =	shalt  }
0x86: {  	_ =	shalt  }
0x87: {  	_ =	shalt  }
.Lfunc_end0:
.L_simem_size_0:
called_computation.3_lowered:
.L_overlay_start_0:
0x88: {  	s2 =	sld [smem:$0x3FD9]  }
0x89: {  	s3 =	sld [smem:$0x3FFE];
	_ =	sdelay $0x1  }
0x8a: {  	s1 =	srdreg.scid  }
0x8b: {  	s0 =	sand.u32 $0x1, s1  }
0x8c: {  	s17 =	sshll.u32 s0, $0xA;
	s2 =	sadd.s32 s3, s2  }
0x8d: {  	s2 =	sadd.s32 s2, s17  }
0x8e: {  	[smem:$0x3FB9] =	sst s2  }
0x8f: {  	_ = 	snop  }
0x90: {  	s2 =	sld [smem:$0x3FD0];
	(tm) =	ssettm $0x1  }
0x91: {  	s18 =	sld [smem:$0x3FFB];
	_ =	sdelay $0x3  }
0x92: {  	_ =	strace s18  }
0x93: {  	s3 =	sld [smem:$0x3FFC];
	_ =	sdelay $0x3  }
0x94: {  	_ =	strace s3  }
0x95: {  	s3 =	sld [smem:$0x3FFD];
	_ =	sdelay $0x3  }
0x96: {  	_ =	strace s3  }
0x97: {  	_ =	strace $0x8FFFFFFF  }
0x98: {  	s19 =	sld [smem:$0x3FDB];
	_ =	sdelay $0x1  }
0x99: {  	s4 =	simm.s32 $_scs_section_size  }
0x9a: {  	s5 =	simm.s32 $_size__tile_overlayer_lowered;
	s6 =	simm.s32 $_tile_overlayer_lowered  }
0x9b: {  	s22 =	simm.s32 $0x1BFF;
	s21 =	sshll.u32 s6, $0x1;
	s3 =	sadd.s32 s4, s19  }
0x9c: {  	s7 =	simm.s32 $0x0;
	s20 =	sshll.u32 s5, $0x1;
	s5 =	sadd.s32 s21, s3  }
0x9d: {  	[timem:s7], [sflag:s22] =	dma.local [hbm:s5], s20  }
0x9e: {  	_ =	swait.ge [sflag:s22], s20  }
0x9f: {  	s4 =	ssub.s32 $0x0, s20;
	[sflag:s22] =	ssyncset.done $0x0  }
0xa0: {  	[sflag:s22] =	ssyncadd.s32 s4;
	_ =	sdelay $0x1  }
0xa1: {  	s23 =	simm.s32 $0x1B8B  }
0xa2: {  	_ =	swait.ge [sflag:s23], $0x1  }
0xa3: {  	[sflag:s23] =	ssyncset.done $0x0  }
0xa4: {  	s25 =	simm.s32 $0x1B8E;
	s24 =	sld [smem:$0x3FFE];
	[sflag:s23] =	ssyncadd.s32 $0xFFFFFFFF  }
0xa5: {  	s26 =	simm.s32 $execute0_lowered;
	[smem:$0x3FD2] =	sst s25  }
0xa6: {  	s5 =	sshll.u32 s26, $0x1;
	_ =	strace $0x8000004F;
	[dreg:$0x1] =	wrdreg $0xFFFFFFFF  }
0xa7: {  	s28 =	simm.s32 $_size_execute0_lowered;
	s3 =	sadd.s32 s3, s5;
	[dreg:$0x0] =	wrdreg $0x0  }
0xa8: {  	s5 =	sshll.u32 s28, $0x1;
	[dreg:$0x2] =	wrdreg s3  }
0xa9: {  	[dreg:$0x3] =	wrdreg s5  }
0xaa: {  	[dreg:$0x4] =	wrdreg $0xC0  }
0xab: {  	_ =	task [dreg:s7], $0x5FFFF  }
0xac: {  	[dreg:$0x1] =	wrdreg $0xFFFFFFFF  }
0xad: {  	[dreg:$0x0] =	wrdreg $0x60  }
0xae: {  	[dreg:$0x2] =	wrdreg s24  }
0xaf: {  	[dreg:$0x3] =	wrdreg s2  }
0xb0: {  	[dreg:$0x4] =	wrdreg $0x7A000  }
0xb1: {  	[dreg:$0x5] =	wrdreg $0x9  }
0xb2: {  	_ =	task.clear_ibuf [dreg:s7], $0x6FFFF;
	_ =	strace $0x9000004F  }
0xb3: {  	s29 =	simm.s32 $0x9;
	_ =	strace $0x80000051  }
0xb4: {  	_ =	swait.ge [sflag:s29], $0x1  }
0xb5: {  	[sflag:s29] =	ssyncadd.s32 $0xFFFFFFFF  }
0xb6: {  	_ =	strace $0x90000051  }
0xb7: {  	_ =	sfence  }
0xb8: {  	s30 =	sld [smem:$0x0];
	_ =	sdelay $0x2  }
0xb9: {  	s31 =	sshll.u32 s1, $0xD;
	s1 =	sshrl.u32 s1, $0x2  }
0xba: {  	s3 =	sand.u32 $0x4000, s31;
	s1 =	sadd.s32 s1, s30  }
0xbb: {  	s0 =	sor.u32 s3, s0;
	s1 =	sshll.u32 s1, $0x11  }
0xbc: {  	s0 =	sor.u32 s1, s0  }
0xbd: {  	s0 =	sadd.s32 $0x8F2B, s0  }
0xbe: {  	[sflag:s0] =	ssyncadd.remote.s32 $0x1  }
0xbf: {  	_ =	sfence.sel $0xFFFF  }
0xc0: {  	[dreg:$0x0] =	wrdreg $0xFFFFFFFF;
	(pc) =	sbr.abs _section_cstart, $3  }
0xc1: {  	[dreg:$0x1] =	wrdreg $0xFFFFFFFF  }
0xc2: {  	_ =	task.clear_ibuf [dreg:s7], $0x2FFFF;
	_ =	strace $0x9FFFFFFF  }
0xc3: {  	(tm) =	ssettm $0x7FFFFFFF  }
tec
execute0_lowered:
.L_overlay_start_1:
0x0: {  	(tag) =	ssettag $0x1  }
0x1: {  	s0 =	rddreg [dreg:$0x0]  }
0x2: {  	s2 =	rddreg [dreg:$0x2];
	s3 =	simm.s32 $0x0;
	s1 =	srdreg.scid  }
0x3: {  	s12 =	stileid.u32;
	s22 =	simm.s32 $0x5200;
	s23 =	simm.s32 $0x3  }
0x4: {  	s28 =	simm.s32 $0x50;
	s29 =	simm.s32 $0x5080;
	s30 =	simm.s32 $0x5180  }
0x5: {  	s31 =	simm.s32 $0x2800;
	[smem:$0x7FF] =	sst s3;
	s5 =	sadd.s32 $0xF400, s0  }
0x6: {  	s6 =	sadd.s32 $0x36600, s0;
	s4 =	sadd.s32 $0x5400, s0;
	s7 =	smul.u32 $0x2710, s12  }
0x7: {  	s1 =	sand.u32 $0x1, s1;
	s8 =	sadd.s32 $0xA400, s0;
	s10 =	smul.u32 $0x271000, s12  }
0x8: {  	s0 =	sadd.s32 $0x5D800, s0;
	s11 =	smul.u32 $0x50000, s12;
	p1 =	seq.s32 s12, $0xF  }
0x9: {  	p2 =	sgt.u32 s12, $0x1;
	p3 =	slt.u32 s12, $0x2;
	_ =	strace $0x80000050  }
0xa: {  	s9 =	ssub.s32 $0x2, s1;
	[dreg:$0x4] =	wrdreg s0;
	p0 =	seq.s32 s1, $0x1  }
0xb: {  	s24 =	sshrl.u32 s9, $0x1;
	s25 =	sshrl.u32 s7, $0x3;
	s26 =	sshrl.u32 s10, $0x2  }
0xc: {  	s0 =	ssub.s32 s9, s24;
	s7 =	sadd.s32 s4, s25;
	s9 =	sshrl.u32 s11, $0x2  }
0xd: {  	s1 =	sadd.s32 s8, s25;
	s24 =	smul.u32 $0x13880, s12;
	[dreg:$0x5] =	wrdreg s7  }
0xe: {  	s11 =	sadd.s32 s26, s2;
	s25 =	smul.u32 $0x4E2, s12;
	[dreg:$0x6] =	wrdreg s1  }
0xf: {  	s10 =	sadd.s32 s9, s2;
	s0 =	smax.u32 s0, $0x1;
	[dreg:$0x7] =	wrdreg s24  }
0x10: {  	s26 =	sshrl.u32 s11, $0x3;
	s1 =	simm.s32 $0x2;
	[dreg:$0x8] =	wrdreg s0  }
.Ltmp0:
0x11: {  	s13 =	sadd.s32 $0x2800, s10;
	s14 =	sadd.s32 $0x5000, s10;
	(pc) =	sbr.rel .LBB2_1-.Ltmp0, $4  }
0x12: {  	s15 =	sadd.s32 $0x7800, s10;
	s16 =	sadd.s32 $0xA000, s10;
	s17 =	sadd.s32 $0xC800, s10  }
0x13: {  	s18 =	sadd.s32 $0xF000, s10;
	s19 =	sadd.s32 $0x11800, s10;
	s20 =	sadd.s32 s25, s8  }
0x14: {  	s21 =	sadd.s32 s25, s4;
	s24 =	simm.s32 $0x5000;
	[dreg:$0x9] =	wrdreg s26  }
0x15: {  	v0 =	vimm.f32 $0.0e+00;
	s26 =	simm.s32 $0x5100;
	s0 =	simm.s32 $0x1;
	s4 =	simm.s32 $0x0  }
.LBB2_10:
0x16: {  	s8 =	stileid.u32  }
0x17: {  	s9 =	rddreg [dreg:$0x7];
	s8 =	sshll.u32 s8, $0x6  }
0x18: {  	s25 =	rddreg [dreg:$0x9];
	s7 =	sadd.s32 s7, s9;
	s8 =	sor.u32 $0x1C03, s8  }
0x19: {  	[hbm:s7], [sflag:s8] =	dma.local [spmem:s25], $0x13880  }
0x1a: {  	_ =	swait.ge [sflag:s23], $0x13880  }
0x1b: {  	[sflag:s23] =	ssyncset.done $0x0  }
0x1c: {  	[sflag:s23] =	ssyncadd.s32 $0xFFFEC780  }
.LBB2_11:
0x1d: {  	s4 =	sadd.s32 $0x1, s4;
	s7 =	rddreg [dreg:$0x8]  }
0x1e: {  	p4 =	sne.s32 s4, s7  }
.Ltmp1:
0x1f: {  	_ = 	snop;
	(pc) =	sbr.rel @!p4 .LBB2_12-.Ltmp1, $1  }
0x20: {  	_ =	sdelay $0x3  }
.LBB2_1:
0x21: {  	s7 =	simm.s32 $0x70;
	s11 =	simm.s32 $0x3C0  }
.LBB2_2:
0x22: {  	p4 =	sne.s32 s11, $0x9FC0;
	[tilespmem:s7+$0x5200] =	vst v0  }
0x23: {  	[tilespmem:s7+$0x5190] =	vst v0  }
0x24: {  	[tilespmem:s7+$0x51A0] =	vst v0  }
.Ltmp2:
0x25: {  	[tilespmem:s7+$0x51B0] =	vst v0;
	(pc) =	sbr.rel @p4 .LBB2_2-.Ltmp2, $4  }
0x26: {  	[tilespmem:s7+$0x51C0] =	vst v0  }
0x27: {  	[tilespmem:s7+$0x51D0] =	vst v0  }
0x28: {  	[tilespmem:s7+$0x51E0] =	vst v0  }
0x29: {  	[tilespmem:s7+$0x51F0] =	vst v0;
	s7 =	sshra.s32 s11, $0x2;
	s11 =	sadd.s32 $0x200, s11  }
0x2a: {  	[tilespmem:s7+$0x5200] =	vst v0  }
0x2b: {  	[tilespmem:s7+$0x5190] =	vst v0  }
0x2c: {  	[tilespmem:s7+$0x51A0] =	vst v0  }
0x2d: {  	[tilespmem:s7+$0x51B0] =	vst v0  }
0x2e: {  	[tilespmem:s7+$0x51C0] =	vst v0  }
0x2f: {  	[tilespmem:s7+$0x51D0] =	vst v0  }
0x30: {  	[tilespmem:s7+$0x51E0] =	vst v0  }
0x31: {  	[tilespmem:s7+$0x51F0] =	vst v0  }
0x32: {  	[spmem:s10] =	stream.linear.scatter [tilespmem:s22], [sflag:$0x3], $0x2800, $0x38;
	[tilespmem:$0x1B280] =	vst v63  }
0x33: {  	_ =	swait.ge [sflag:s23], $0x2800  }
0x34: {  	[sflag:s23] =	ssyncset.done $0x0  }
0x35: {  	[sflag:s23] =	ssyncadd.s32 $0xFFFFD800  }
0x36: {  	[spmem:s13] =	stream.linear.scatter [tilespmem:s22], [sflag:$0x3], $0x2800, $0x38;
	[tilespmem:$0x1B280] =	vst v63  }
0x37: {  	_ =	swait.ge [sflag:s23], $0x2800  }
0x38: {  	[sflag:s23] =	ssyncset.done $0x0  }
0x39: {  	[sflag:s23] =	ssyncadd.s32 $0xFFFFD800  }
0x3a: {  	[spmem:s14] =	stream.linear.scatter [tilespmem:s22], [sflag:$0x3], $0x2800, $0x38;
	[tilespmem:$0x1B280] =	vst v63  }
0x3b: {  	_ =	swait.ge [sflag:s23], $0x2800  }
0x3c: {  	[sflag:s23] =	ssyncset.done $0x0  }
0x3d: {  	[sflag:s23] =	ssyncadd.s32 $0xFFFFD800  }
0x3e: {  	[spmem:s15] =	stream.linear.scatter [tilespmem:s22], [sflag:$0x3], $0x2800, $0x38;
	[tilespmem:$0x1B280] =	vst v63  }
0x3f: {  	_ =	swait.ge [sflag:s23], $0x2800  }
0x40: {  	[sflag:s23] =	ssyncset.done $0x0  }
0x41: {  	[sflag:s23] =	ssyncadd.s32 $0xFFFFD800  }
0x42: {  	[spmem:s16] =	stream.linear.scatter [tilespmem:s22], [sflag:$0x3], $0x2800, $0x38;
	[tilespmem:$0x1B280] =	vst v63  }
0x43: {  	_ =	swait.ge [sflag:s23], $0x2800  }
0x44: {  	[sflag:s23] =	ssyncset.done $0x0  }
0x45: {  	s7 =	simm.s32 @!p1 $0x5200;
	s8 =	simm.s32 @!p1 $0x3;
	[sflag:s23] =	ssyncadd.s32 $0xFFFFD800  }
0x46: {  	[spmem:s17] =	stream.linear.scatter @!p1 [tilespmem:s7], [sflag:$0x3], $0x2800, $0x38;
	[tilespmem:$0x1B280] =	vst v63  }
0x47: {  	_ =	swait.ge @!p1 [sflag:s8], $0x2800  }
0x48: {  	[sflag:s8] =	ssyncset.done @!p1 $0x0  }
0x49: {  	[sflag:s8] =	ssyncadd.s32 @!p1 $0xFFFFD800  }
0x4a: {  	[spmem:s18] =	stream.linear.scatter @!p1 [tilespmem:s7], [sflag:$0x3], $0x2800, $0x38;
	[tilespmem:$0x1B280] =	vst v63  }
0x4b: {  	_ =	swait.ge @!p1 [sflag:s8], $0x2800  }
0x4c: {  	[sflag:s8] =	ssyncset.done @!p1 $0x0  }
0x4d: {  	[sflag:s8] =	ssyncadd.s32 @!p1 $0xFFFFD800  }
0x4e: {  	[spmem:s19] =	stream.linear.scatter @!p1 [tilespmem:s7], [sflag:$0x3], $0x2800, $0x38;
	[tilespmem:$0x1B280] =	vst v63  }
0x4f: {  	_ =	swait.ge @!p1 [sflag:s8], $0x2800  }
0x50: {  	[sflag:s8] =	ssyncset.done @!p1 $0x0  }
0x51: {  	[sflag:s8] =	ssyncadd.s32 @!p1 $0xFFFFD800  }
0x52: {  	[bflag:$0x0] =	sbarrier.arrive $0xFFFF  }
0x53: {  	s12 =	rddreg [dreg:$0x5]  }
0x54: {  	[tilespmem:s24], [sflag:$0x3] =	stream.linear.gather [hbm4b:s12+s3], $0x50, $0x38;
	[tilespmem:$0x1B280] =	vst v63  }
0x55: {  	_ =	swait.ge [sflag:s23], $0x50  }
0x56: {  	[sflag:s23] =	ssyncset.done $0x0  }
.Ltmp3:
0x57: {  	s25 =	rddreg [dreg:$0x6];
	[sflag:s23] =	ssyncadd.s32 $0xFFFFFFB0;
	(pc) =	sbr.rel @!p0 .LBB2_4-.Ltmp3, $4  }
0x58: {  	[tilespmem:s26], [sflag:$0x3] =	stream.linear.gather [hbm4b:s25+s3], $0x50, $0x38;
	[tilespmem:$0x1B280] =	vst v63  }
0x59: {  	_ =	swait.ge [sflag:s23], $0x50  }
0x5a: {  	[sflag:s23] =	ssyncset.done $0x0  }
0x5b: {  	[sflag:s23] =	ssyncadd.s32 $0xFFFFFFB0  }
0x5c: {  	[tilespmem:s3], [sflag:$0x1] =	stream.indirect.gather [hbm4b:s6+s28], $0x80, s24, s28, $0xb8;
	[tilespmem:$0x1B280] =	vst v63  }
0x5d: {  	s7 =	sadd.s32 $0xFFFFFB28, s21  }
0x5e: {  	s8 =	sadd.s32 $0x4E2, s7  }
0x5f: {  	[tilespmem:s29], [sflag:$0x3] =	stream.linear.gather [hbm4b:s8+s3], $0x50, $0x38;
	[tilespmem:$0x1B280] =	vst v63  }
0x60: {  	_ =	swait.ge [sflag:s23], $0x50  }
0x61: {  	s12 =	sadd.s32 $0xFFFFFB28, s20;
	[sflag:s23] =	ssyncset.done $0x0  }
0x62: {  	s9 =	sadd.s32 $0x4E2, s12;
	[sflag:s23] =	ssyncadd.s32 $0xFFFFFFB0  }
0x63: {  	[tilespmem:s30], [sflag:$0x3] =	stream.linear.gather [hbm4b:s9+s3], $0x50, $0x38;
	[tilespmem:$0x1B280] =	vst v63  }
0x64: {  	_ =	swait.ge [sflag:s23], $0x50  }
0x65: {  	[sflag:s23] =	ssyncset.done $0x0  }
0x66: {  	[sflag:s23] =	ssyncadd.s32 $0xFFFFFFB0  }
0x67: {  	[tilespmem:s31], [sflag:$0x2] =	stream.indirect.gather [hbm4b:s6+s28], $0x80, s29, s28, $0xb8;
	[tilespmem:$0x1B280] =	vst v63  }
0x68: {  	_ =	swait.ge [sflag:s0], $0x2800  }
0x69: {  	[sflag:s0] =	ssyncset.done $0x0  }
0x6a: {  	[sflag:s0] =	ssyncadd.s32 $0xFFFFD800  }
0x6b: {  	[spmem:s2] =	stream.indirect.scatter.add.f32 [tilespmem:s3], [sflag:$0x3], $0x80, s26, s28, $0xb8;
	[tilespmem:$0x1B280] =	vst v63  }
0x6c: {  	_ =	swait.ge [sflag:s23], $0x2800  }
0x6d: {  	[sflag:s23] =	ssyncset.done $0x0  }
0x6e: {  	s7 =	sadd.s32 $0x4EC, s7;
	[sflag:s23] =	ssyncadd.s32 $0xFFFFD800  }
0x6f: {  	[tilespmem:s24], [sflag:$0x3] =	stream.linear.gather [hbm4b:s7+s3], $0x50, $0x38;
	[tilespmem:$0x1B280] =	vst v63  }
0x70: {  	_ =	swait.ge [sflag:s23], $0x50  }
0x71: {  	[sflag:s23] =	ssyncset.done $0x0  }
0x72: {  	s25 =	sadd.s32 $0x4EC, s12;
	[sflag:s23] =	ssyncadd.s32 $0xFFFFFFB0  }
0x73: {  	[tilespmem:s26], [sflag:$0x3] =	stream.linear.gather [hbm4b:s25+s3], $0x50, $0x38;
	[tilespmem:$0x1B280] =	vst v63  }
0x74: {  	_ =	swait.ge [sflag:s23], $0x50  }
0x75: {  	[sflag:s23] =	ssyncset.done $0x0  }
0x76: {  	[sflag:s23] =	ssyncadd.s32 $0xFFFFFFB0  }
0x77: {  	[tilespmem:s3], [sflag:$0x1] =	stream.indirect.gather [hbm4b:s6+s28], $0x80, s24, s28, $0xb8;
	[tilespmem:$0x1B280] =	vst v63  }
0x78: {  	_ =	swait.ge [sflag:s1], $0x2800  }
0x79: {  	[sflag:s1] =	ssyncset.done $0x0  }
0x7a: {  	[sflag:s1] =	ssyncadd.s32 $0xFFFFD800  }
0x7b: {  	[spmem:s2] =	stream.indirect.scatter.add.f32 [tilespmem:s31], [sflag:$0x3], $0x80, s30, s28, $0xb8;
	[tilespmem:$0x1B280] =	vst v63  }
0x7c: {  	s8 =	simm.s32 $0xFFFFFB50;
	_ =	swait.ge [sflag:s23], $0x2800  }
0x7d: {  	s7 =	simm.s32 $0xFFFFFB3C;
	s25 =	sadd.s32 $0xFFFFFB3C, s21;
	[sflag:s23] =	ssyncset.done $0x0  }
.LBB2_8:
0x7e: {  	s9 =	sadd.s32 $0x4E2, s25  }
0x7f: {  	[sflag:s23] =	ssyncadd.s32 $0xFFFFD800;
	s12 =	smov.u32 s8;
	s11 =	sadd.s32 $0x14, s8  }
0x80: {  	[tilespmem:s29], [sflag:$0x3] =	stream.linear.gather [hbm4b:s9+s3], $0x50, $0x38;
	[tilespmem:$0x1B280] =	vst v63  }
0x81: {  	p4 =	sne.s32 s8, $0xFFFFFFEC;
	_ =	swait.ge [sflag:s23], $0x50  }
0x82: {  	s8 =	sadd.s32 s7, s20;
	s7 =	smov.u32 s12;
	[sflag:s23] =	ssyncset.done $0x0  }
0x83: {  	s9 =	sadd.s32 $0x4E2, s8;
	[sflag:s23] =	ssyncadd.s32 $0xFFFFFFB0  }
0x84: {  	[tilespmem:s30], [sflag:$0x3] =	stream.linear.gather [hbm4b:s9+s3], $0x50, $0x38;
	[tilespmem:$0x1B280] =	vst v63  }
0x85: {  	_ =	swait.ge [sflag:s23], $0x50  }
0x86: {  	[sflag:s23] =	ssyncset.done $0x0  }
0x87: {  	[sflag:s23] =	ssyncadd.s32 $0xFFFFFFB0  }
0x88: {  	[tilespmem:s31], [sflag:$0x2] =	stream.indirect.gather [hbm4b:s6+s28], $0x80, s29, s28, $0xb8;
	[tilespmem:$0x1B280] =	vst v63  }
0x89: {  	_ =	swait.ge [sflag:s0], $0x2800  }
0x8a: {  	[sflag:s0] =	ssyncset.done $0x0  }
0x8b: {  	[sflag:s0] =	ssyncadd.s32 $0xFFFFD800  }
0x8c: {  	[spmem:s2] =	stream.indirect.scatter.add.f32 [tilespmem:s3], [sflag:$0x3], $0x80, s26, s28, $0xb8;
	[tilespmem:$0x1B280] =	vst v63  }
0x8d: {  	_ =	swait.ge [sflag:s23], $0x2800  }
0x8e: {  	[sflag:s23] =	ssyncset.done $0x0  }
0x8f: {  	s9 =	sadd.s32 $0x4EC, s25;
	[sflag:s23] =	ssyncadd.s32 $0xFFFFD800  }
0x90: {  	[tilespmem:s24], [sflag:$0x3] =	stream.linear.gather [hbm4b:s9+s3], $0x50, $0x38;
	[tilespmem:$0x1B280] =	vst v63  }
0x91: {  	_ =	swait.ge [sflag:s23], $0x50  }
0x92: {  	[sflag:s23] =	ssyncset.done $0x0  }
0x93: {  	s8 =	sadd.s32 $0x4EC, s8;
	[sflag:s23] =	ssyncadd.s32 $0xFFFFFFB0  }
0x94: {  	[tilespmem:s26], [sflag:$0x3] =	stream.linear.gather [hbm4b:s8+s3], $0x50, $0x38;
	[tilespmem:$0x1B280] =	vst v63  }
0x95: {  	_ =	swait.ge [sflag:s23], $0x50  }
0x96: {  	[sflag:s23] =	ssyncset.done $0x0  }
0x97: {  	[sflag:s23] =	ssyncadd.s32 $0xFFFFFFB0  }
0x98: {  	[tilespmem:s3], [sflag:$0x1] =	stream.indirect.gather [hbm4b:s6+s28], $0x80, s24, s28, $0xb8;
	[tilespmem:$0x1B280] =	vst v63  }
0x99: {  	_ =	swait.ge [sflag:s1], $0x2800  }
.Ltmp4:
0x9a: {  	[sflag:s1] =	ssyncset.done $0x0;
	(pc) =	sbr.rel @p4 .LBB2_8-.Ltmp4, $4  }
0x9b: {  	[sflag:s1] =	ssyncadd.s32 $0xFFFFD800  }
0x9c: {  	[spmem:s2] =	stream.indirect.scatter.add.f32 [tilespmem:s31], [sflag:$0x3], $0x80, s30, s28, $0xb8;
	[tilespmem:$0x1B280] =	vst v63  }
0x9d: {  	_ =	swait.ge [sflag:s23], $0x2800  }
0x9e: {  	s25 =	sadd.s32 s7, s21;
	s8 =	smov.u32 s11;
	[sflag:s23] =	ssyncset.done $0x0  }
0x9f: {  	s8 =	sadd.s32 $0x4E2, s25;
	[sflag:s23] =	ssyncadd.s32 $0xFFFFD800  }
0xa0: {  	[tilespmem:s29], [sflag:$0x3] =	stream.linear.gather [hbm4b:s8+s3], $0x50, $0x38;
	[tilespmem:$0x1B280] =	vst v63  }
0xa1: {  	_ =	swait.ge [sflag:s23], $0x50  }
0xa2: {  	s7 =	sadd.s32 s7, s20;
	[sflag:s23] =	ssyncset.done $0x0  }
0xa3: {  	s12 =	sadd.s32 $0x4E2, s7;
	[sflag:s23] =	ssyncadd.s32 $0xFFFFFFB0  }
0xa4: {  	[tilespmem:s30], [sflag:$0x3] =	stream.linear.gather [hbm4b:s12+s3], $0x50, $0x38;
	[tilespmem:$0x1B280] =	vst v63  }
0xa5: {  	_ =	swait.ge [sflag:s23], $0x50  }
0xa6: {  	[sflag:s23] =	ssyncset.done $0x0  }
0xa7: {  	[sflag:s23] =	ssyncadd.s32 $0xFFFFFFB0  }
0xa8: {  	[tilespmem:s31], [sflag:$0x2] =	stream.indirect.gather [hbm4b:s6+s28], $0x80, s29, s28, $0xb8;
	[tilespmem:$0x1B280] =	vst v63  }
0xa9: {  	_ =	swait.ge [sflag:s0], $0x2800  }
0xaa: {  	[sflag:s0] =	ssyncset.done $0x0  }
0xab: {  	[sflag:s0] =	ssyncadd.s32 $0xFFFFD800  }
0xac: {  	[spmem:s2] =	stream.indirect.scatter.add.f32 [tilespmem:s3], [sflag:$0x3], $0x80, s26, s28, $0xb8;
	[tilespmem:$0x1B280] =	vst v63  }
0xad: {  	_ =	swait.ge [sflag:s23], $0x2800  }
0xae: {  	[sflag:s23] =	ssyncset.done $0x0  }
0xaf: {  	s25 =	sadd.s32 $0x4EC, s25;
	[sflag:s23] =	ssyncadd.s32 $0xFFFFD800  }
0xb0: {  	[tilespmem:s24], [sflag:$0x3] =	stream.linear.gather [hbm4b:s25+s3], $0x50, $0x38;
	[tilespmem:$0x1B280] =	vst v63  }
0xb1: {  	_ =	swait.ge [sflag:s23], $0x50  }
0xb2: {  	[sflag:s23] =	ssyncset.done $0x0  }
0xb3: {  	s7 =	sadd.s32 $0x4EC, s7;
	[sflag:s23] =	ssyncadd.s32 $0xFFFFFFB0  }
0xb4: {  	[tilespmem:s26], [sflag:$0x3] =	stream.linear.gather [hbm4b:s7+s3], $0x50, $0x38;
	[tilespmem:$0x1B280] =	vst v63  }
0xb5: {  	_ =	swait.ge [sflag:s23], $0x50  }
0xb6: {  	[sflag:s23] =	ssyncset.done $0x0  }
0xb7: {  	[sflag:s23] =	ssyncadd.s32 $0xFFFFFFB0  }
0xb8: {  	[tilespmem:s3], [sflag:$0x1] =	stream.indirect.gather [hbm4b:s6+s28], $0x80, s24, s28, $0xb8;
	[tilespmem:$0x1B280] =	vst v63  }
0xb9: {  	_ =	swait.ge [sflag:s1], $0x2800  }
0xba: {  	[sflag:s1] =	ssyncset.done $0x0  }
0xbb: {  	[sflag:s1] =	ssyncadd.s32 $0xFFFFD800  }
0xbc: {  	[spmem:s2] =	stream.indirect.scatter.add.f32 [tilespmem:s31], [sflag:$0x3], $0x80, s30, s28, $0xb8;
	[tilespmem:$0x1B280] =	vst v63  }
0xbd: {  	_ =	swait.ge [sflag:s23], $0x2800  }
0xbe: {  	[sflag:s23] =	ssyncset.done $0x0  }
0xbf: {  	[sflag:s23] =	ssyncadd.s32 $0xFFFFD800  }
0xc0: {  	_ =	swait.ge [sflag:s0], $0x2800  }
0xc1: {  	[sflag:s0] =	ssyncset.done $0x0  }
0xc2: {  	[sflag:s0] =	ssyncadd.s32 $0xFFFFD800  }
0xc3: {  	[spmem:s2] =	stream.indirect.scatter.add.f32 [tilespmem:s3], [sflag:$0x3], $0x80, s26, s28, $0xb8;
	[tilespmem:$0x1B280] =	vst v63  }
.Ltmp5:
0xc4: {  	_ =	swait.ge [sflag:s23], $0x2800;
	(pc) =	sbr.rel @p2 .LBB2_11-.Ltmp5, $4  }
.Ltmp6:
0xc5: {  	[sflag:s23] =	ssyncset.done $0x0;
	(pc) =	sbr.rel @!p2 .LBB2_10-.Ltmp6, $4  }
0xc6: {  	[sflag:s23] =	ssyncadd.s32 $0xFFFFD800  }
0xc7: {  	[bflag:$0x0] =	sbarrier.arrive $0xFFFF  }
0xc8: {  	s7 =	rddreg [dreg:$0x4]  }
0xc9: {  	_ = 	snop  }
.LBB2_4:
0xca: {  	[tilespmem:s3], [sflag:$0x1] =	stream.indirect.gather [hbm4b:s5+s28], $0x80, s24, s28, $0xb8;
	[tilespmem:$0x1B280] =	vst v63  }
0xcb: {  	s7 =	sadd.s32 $0xFFFFFB28, s21  }
0xcc: {  	s8 =	sadd.s32 $0x4E2, s7  }
0xcd: {  	[tilespmem:s29], [sflag:$0x3] =	stream.linear.gather [hbm4b:s8+s3], $0x50, $0x38;
	[tilespmem:$0x1B280] =	vst v63  }
0xce: {  	_ =	swait.ge [sflag:s23], $0x50  }
0xcf: {  	s12 =	sadd.s32 $0xFFFFFB28, s20;
	[sflag:s23] =	ssyncset.done $0x0  }
0xd0: {  	s11 =	sadd.s32 $0x4E2, s12;
	[sflag:s23] =	ssyncadd.s32 $0xFFFFFFB0  }
0xd1: {  	[tilespmem:s30], [sflag:$0x3] =	stream.linear.gather [hbm4b:s11+s3], $0x50, $0x38;
	[tilespmem:$0x1B280] =	vst v63  }
0xd2: {  	_ =	swait.ge [sflag:s23], $0x50  }
0xd3: {  	[sflag:s23] =	ssyncset.done $0x0  }
0xd4: {  	[sflag:s23] =	ssyncadd.s32 $0xFFFFFFB0  }
0xd5: {  	[tilespmem:s31], [sflag:$0x2] =	stream.indirect.gather [hbm4b:s5+s28], $0x80, s29, s28, $0xb8;
	[tilespmem:$0x1B280] =	vst v63  }
0xd6: {  	_ =	swait.ge [sflag:s0], $0x2800  }
0xd7: {  	[sflag:s0] =	ssyncset.done $0x0  }
0xd8: {  	[sflag:s0] =	ssyncadd.s32 $0xFFFFD800  }
0xd9: {  	[spmem:s2] =	stream.indirect.scatter.add.f32 [tilespmem:s3], [sflag:$0x3], $0x80, s26, s28, $0xb8;
	[tilespmem:$0x1B280] =	vst v63  }
0xda: {  	_ =	swait.ge [sflag:s23], $0x2800  }
0xdb: {  	[sflag:s23] =	ssyncset.done $0x0  }
0xdc: {  	s7 =	sadd.s32 $0x4EC, s7;
	[sflag:s23] =	ssyncadd.s32 $0xFFFFD800  }
0xdd: {  	[tilespmem:s24], [sflag:$0x3] =	stream.linear.gather [hbm4b:s7+s3], $0x50, $0x38;
	[tilespmem:$0x1B280] =	vst v63  }
0xde: {  	_ =	swait.ge [sflag:s23], $0x50  }
0xdf: {  	[sflag:s23] =	ssyncset.done $0x0  }
0xe0: {  	s25 =	sadd.s32 $0x4EC, s12;
	[sflag:s23] =	ssyncadd.s32 $0xFFFFFFB0  }
0xe1: {  	[tilespmem:s26], [sflag:$0x3] =	stream.linear.gather [hbm4b:s25+s3], $0x50, $0x38;
	[tilespmem:$0x1B280] =	vst v63  }
0xe2: {  	_ =	swait.ge [sflag:s23], $0x50  }
0xe3: {  	[sflag:s23] =	ssyncset.done $0x0  }
0xe4: {  	[sflag:s23] =	ssyncadd.s32 $0xFFFFFFB0  }
0xe5: {  	[tilespmem:s3], [sflag:$0x1] =	stream.indirect.gather [hbm4b:s5+s28], $0x80, s24, s28, $0xb8;
	[tilespmem:$0x1B280] =	vst v63  }
0xe6: {  	_ =	swait.ge [sflag:s1], $0x2800  }
0xe7: {  	[sflag:s1] =	ssyncset.done $0x0  }
0xe8: {  	[sflag:s1] =	ssyncadd.s32 $0xFFFFD800  }
0xe9: {  	[spmem:s2] =	stream.indirect.scatter.add.f32 [tilespmem:s31], [sflag:$0x3], $0x80, s30, s28, $0xb8;
	[tilespmem:$0x1B280] =	vst v63  }
0xea: {  	s11 =	simm.s32 $0xFFFFFB50;
	_ =	swait.ge [sflag:s23], $0x2800  }
0xeb: {  	s7 =	simm.s32 $0xFFFFFB3C;
	s25 =	sadd.s32 $0xFFFFFB3C, s21;
	[sflag:s23] =	ssyncset.done $0x0  }
.LBB2_5:
0xec: {  	s9 =	sadd.s32 $0x4E2, s25  }
0xed: {  	[sflag:s23] =	ssyncadd.s32 $0xFFFFD800;
	s12 =	smov.u32 s11;
	s8 =	sadd.s32 $0x14, s11  }
0xee: {  	[tilespmem:s29], [sflag:$0x3] =	stream.linear.gather [hbm4b:s9+s3], $0x50, $0x38;
	[tilespmem:$0x1B280] =	vst v63  }
0xef: {  	p4 =	sne.s32 s11, $0xFFFFFFEC;
	_ =	swait.ge [sflag:s23], $0x50  }
0xf0: {  	s9 =	sadd.s32 s7, s20;
	s7 =	smov.u32 s12;
	[sflag:s23] =	ssyncset.done $0x0  }
0xf1: {  	s11 =	sadd.s32 $0x4E2, s9;
	[sflag:s23] =	ssyncadd.s32 $0xFFFFFFB0  }
0xf2: {  	[tilespmem:s30], [sflag:$0x3] =	stream.linear.gather [hbm4b:s11+s3], $0x50, $0x38;
	[tilespmem:$0x1B280] =	vst v63  }
0xf3: {  	_ =	swait.ge [sflag:s23], $0x50  }
0xf4: {  	[sflag:s23] =	ssyncset.done $0x0  }
0xf5: {  	[sflag:s23] =	ssyncadd.s32 $0xFFFFFFB0  }
0xf6: {  	[tilespmem:s31], [sflag:$0x2] =	stream.indirect.gather [hbm4b:s5+s28], $0x80, s29, s28, $0xb8;
	[tilespmem:$0x1B280] =	vst v63  }
0xf7: {  	_ =	swait.ge [sflag:s0], $0x2800  }
0xf8: {  	[sflag:s0] =	ssyncset.done $0x0  }
0xf9: {  	[sflag:s0] =	ssyncadd.s32 $0xFFFFD800  }
0xfa: {  	[spmem:s2] =	stream.indirect.scatter.add.f32 [tilespmem:s3], [sflag:$0x3], $0x80, s26, s28, $0xb8;
	[tilespmem:$0x1B280] =	vst v63  }
0xfb: {  	_ =	swait.ge [sflag:s23], $0x2800  }
0xfc: {  	[sflag:s23] =	ssyncset.done $0x0  }
0xfd: {  	s11 =	sadd.s32 $0x4EC, s25;
	[sflag:s23] =	ssyncadd.s32 $0xFFFFD800  }
0xfe: {  	[tilespmem:s24], [sflag:$0x3] =	stream.linear.gather [hbm4b:s11+s3], $0x50, $0x38;
	[tilespmem:$0x1B280] =	vst v63  }
0xff: {  	_ =	swait.ge [sflag:s23], $0x50  }
0x100: {  	[sflag:s23] =	ssyncset.done $0x0  }
0x101: {  	s9 =	sadd.s32 $0x4EC, s9;
	[sflag:s23] =	ssyncadd.s32 $0xFFFFFFB0  }
0x102: {  	[tilespmem:s26], [sflag:$0x3] =	stream.linear.gather [hbm4b:s9+s3], $0x50, $0x38;
	[tilespmem:$0x1B280] =	vst v63  }
0x103: {  	_ =	swait.ge [sflag:s23], $0x50  }
0x104: {  	[sflag:s23] =	ssyncset.done $0x0  }
0x105: {  	[sflag:s23] =	ssyncadd.s32 $0xFFFFFFB0  }
0x106: {  	[tilespmem:s3], [sflag:$0x1] =	stream.indirect.gather [hbm4b:s5+s28], $0x80, s24, s28, $0xb8;
	[tilespmem:$0x1B280] =	vst v63  }
0x107: {  	_ =	swait.ge [sflag:s1], $0x2800  }
.Ltmp7:
0x108: {  	[sflag:s1] =	ssyncset.done $0x0;
	(pc) =	sbr.rel @p4 .LBB2_5-.Ltmp7, $4  }
0x109: {  	[sflag:s1] =	ssyncadd.s32 $0xFFFFD800  }
0x10a: {  	[spmem:s2] =	stream.indirect.scatter.add.f32 [tilespmem:s31], [sflag:$0x3], $0x80, s30, s28, $0xb8;
	[tilespmem:$0x1B280] =	vst v63  }
0x10b: {  	_ =	swait.ge [sflag:s23], $0x2800  }
0x10c: {  	s25 =	sadd.s32 s7, s21;
	s11 =	smov.u32 s8;
	[sflag:s23] =	ssyncset.done $0x0  }
0x10d: {  	s8 =	sadd.s32 $0x4E2, s25;
	[sflag:s23] =	ssyncadd.s32 $0xFFFFD800  }
0x10e: {  	[tilespmem:s29], [sflag:$0x3] =	stream.linear.gather [hbm4b:s8+s3], $0x50, $0x38;
	[tilespmem:$0x1B280] =	vst v63  }
0x10f: {  	_ =	swait.ge [sflag:s23], $0x50  }
0x110: {  	s7 =	sadd.s32 s7, s20;
	[sflag:s23] =	ssyncset.done $0x0  }
0x111: {  	s12 =	sadd.s32 $0x4E2, s7;
	[sflag:s23] =	ssyncadd.s32 $0xFFFFFFB0  }
0x112: {  	[tilespmem:s30], [sflag:$0x3] =	stream.linear.gather [hbm4b:s12+s3], $0x50, $0x38;
	[tilespmem:$0x1B280] =	vst v63  }
0x113: {  	_ =	swait.ge [sflag:s23], $0x50  }
0x114: {  	[sflag:s23] =	ssyncset.done $0x0  }
0x115: {  	[sflag:s23] =	ssyncadd.s32 $0xFFFFFFB0  }
0x116: {  	[tilespmem:s31], [sflag:$0x2] =	stream.indirect.gather [hbm4b:s5+s28], $0x80, s29, s28, $0xb8;
	[tilespmem:$0x1B280] =	vst v63  }
0x117: {  	_ =	swait.ge [sflag:s0], $0x2800  }
0x118: {  	[sflag:s0] =	ssyncset.done $0x0  }
0x119: {  	[sflag:s0] =	ssyncadd.s32 $0xFFFFD800  }
0x11a: {  	[spmem:s2] =	stream.indirect.scatter.add.f32 [tilespmem:s3], [sflag:$0x3], $0x80, s26, s28, $0xb8;
	[tilespmem:$0x1B280] =	vst v63  }
0x11b: {  	_ =	swait.ge [sflag:s23], $0x2800  }
0x11c: {  	[sflag:s23] =	ssyncset.done $0x0  }
0x11d: {  	s25 =	sadd.s32 $0x4EC, s25;
	[sflag:s23] =	ssyncadd.s32 $0xFFFFD800  }
0x11e: {  	[tilespmem:s24], [sflag:$0x3] =	stream.linear.gather [hbm4b:s25+s3], $0x50, $0x38;
	[tilespmem:$0x1B280] =	vst v63  }
0x11f: {  	_ =	swait.ge [sflag:s23], $0x50  }
0x120: {  	[sflag:s23] =	ssyncset.done $0x0  }
0x121: {  	s7 =	sadd.s32 $0x4EC, s7;
	[sflag:s23] =	ssyncadd.s32 $0xFFFFFFB0  }
0x122: {  	[tilespmem:s26], [sflag:$0x3] =	stream.linear.gather [hbm4b:s7+s3], $0x50, $0x38;
	[tilespmem:$0x1B280] =	vst v63  }
0x123: {  	_ =	swait.ge [sflag:s23], $0x50  }
0x124: {  	[sflag:s23] =	ssyncset.done $0x0  }
0x125: {  	[sflag:s23] =	ssyncadd.s32 $0xFFFFFFB0  }
0x126: {  	[tilespmem:s3], [sflag:$0x1] =	stream.indirect.gather [hbm4b:s5+s28], $0x80, s24, s28, $0xb8;
	[tilespmem:$0x1B280] =	vst v63  }
0x127: {  	_ =	swait.ge [sflag:s1], $0x2800  }
0x128: {  	[sflag:s1] =	ssyncset.done $0x0  }
0x129: {  	[sflag:s1] =	ssyncadd.s32 $0xFFFFD800  }
0x12a: {  	[spmem:s2] =	stream.indirect.scatter.add.f32 [tilespmem:s31], [sflag:$0x3], $0x80, s30, s28, $0xb8;
	[tilespmem:$0x1B280] =	vst v63  }
0x12b: {  	_ =	swait.ge [sflag:s23], $0x2800  }
0x12c: {  	[sflag:s23] =	ssyncset.done $0x0  }
0x12d: {  	[sflag:s23] =	ssyncadd.s32 $0xFFFFD800  }
0x12e: {  	_ =	swait.ge [sflag:s0], $0x2800  }
0x12f: {  	[sflag:s0] =	ssyncset.done $0x0  }
0x130: {  	[sflag:s0] =	ssyncadd.s32 $0xFFFFD800  }
0x131: {  	[spmem:s2] =	stream.indirect.scatter.add.f32 [tilespmem:s3], [sflag:$0x3], $0x80, s26, s28, $0xb8;
	[tilespmem:$0x1B280] =	vst v63  }
.Ltmp8:
0x132: {  	_ =	swait.ge [sflag:s23], $0x2800;
	(pc) =	sbr.rel @p3 .LBB2_10-.Ltmp8, $4  }
.Ltmp9:
0x133: {  	[sflag:s23] =	ssyncset.done $0x0;
	(pc) =	sbr.rel @!p3 .LBB2_11-.Ltmp9, $4  }
0x134: {  	[sflag:s23] =	ssyncadd.s32 $0xFFFFD800  }
0x135: {  	[bflag:$0x0] =	sbarrier.arrive $0xFFFF  }
0x136: {  	s7 =	rddreg [dreg:$0x1]  }
0x137: {  	_ = 	snop  }
.LBB2_12:
0x138: {  	_ =	sfence.sel $0x180000  }
0x139: {  	[bflag:$0x0] =	sbarrier.arrive $0xFFFF  }
0x13a: {  	_ =	strace $0x90000050  }
0x13b: {  	s0 =	stileid.u32;
	[bflag:$0x2] =	sbarrier.arrive $0xFFFF  }
0x13c: {  	p0 =	sne.s32 s0, $0x0;
	s0 =	rddreg [dreg:$0x3]  }
0x13d: {  	s0 =	sadd.s32 @!p0 $0x100000, s0  }
0x13e: {  	[sflag:s0] =	ssyncadd.tile.s32 @!p0 $0x1;
	_ =	shalt  }
.Lfunc_end2:
_tile_overlayer_lowered:
.L_overlay_start_2:
0x13f: {  	(tag) =	ssettag $0x2  }
0x140: {  	s0 =	rddreg [dreg:$0x0];
	s2 =	stileid.u32  }
0x141: {  	s1 =	rddreg [dreg:$0x1];
	p0 =	sne.s32 s2, $0x0  }
0x142: {  	s3 =	rddreg [dreg:$0x2];
	[bflag:$0x3] =	sbarrier.arrive $0xFFFF;
	s2 =	simm.s32 @!p0 $0x1C03  }
0x143: {  	[timem:s3], [sflag:s2] =	dma.local @!p0 [hbm:s0], s1  }
0x144: {  	s0 =	simm.s32 @!p0 $0x3  }
0x145: {  	_ =	swait.ge @!p0 [sflag:s0], s1  }
0x146: {  	s1 =	ssub.s32 @!p0 $0x0, s1;
	[sflag:s0] =	ssyncset.done @!p0 $0x0  }
0x147: {  	[sflag:s0] =	ssyncadd.s32 @!p0 s1  }
0x148: {  	[bflag:$0x3] =	sbarrier.arrive $0xFFFF  }
0x149: {  	_ =	shalt  }

</sc_bundles>
